<compile_context>
chip_gen: v7x
topology: tpu7x:2x2x1
jax: 0.10.2.dev20260603
libtpu: 0.0.44.dev20260713+nightly
codegen_flags: <defaults>
</compile_context>

<pallas_src>
import functools

import numpy as np
import jax
import jax.numpy as jnp
from jax import lax
from jax.experimental import pallas as pl
from jax.experimental.pallas import tpu as pltpu
from jax.experimental.pallas import tpu_sc as plsc

GRID = 64
NCELL = GRID * GRID * GRID
T_OUT = 512
NPTS = 10000

NCORES = 2
NTILES = 16
PTS_PER_TILE = 640
PTS_PAD = NTILES * PTS_PER_TILE
CHUNK = 128
NCHUNK = PTS_PER_TILE // CHUNK
GROUPS = PTS_PER_TILE // 16
CELLS_PER_TILE = NCELL // (NCORES * NTILES)
UNROLL = 8


def _interp_weights(L, size):
    pos = np.arange(size, dtype=np.float32) * np.float32((L - 1) / (size - 1))
    lo = np.clip(np.floor(pos).astype(np.int32), 0, L - 1)
    hi = np.minimum(lo + 1, L - 1)
    w = (pos - lo.astype(np.float32)).astype(np.float32)
    W = np.zeros((size, L), np.float32)
    W[np.arange(size), lo] += (1.0 - w)
    W[np.arange(size), hi] += w
    return W


_WV = _interp_weights(50, T_OUT)
_WP = _interp_weights(200, T_OUT)


def _sc_count(xs, ys, zs, zeros_hbm):
    mesh = plsc.VectorSubcoreMesh(core_axis_name="c", subcore_axis_name="s")

    @functools.partial(
        pl.kernel,
        mesh=mesh,
        out_type=jax.ShapeDtypeStruct((NCORES * NTILES, 16), jnp.float32),
        scratch_types=[
            pltpu.VMEM((PTS_PER_TILE,), jnp.float32),
            pltpu.VMEM((PTS_PER_TILE,), jnp.float32),
            pltpu.VMEM((PTS_PER_TILE,), jnp.float32),
            pltpu.VMEM((NCHUNK, CHUNK), jnp.int32),
            pltpu.VMEM((NCHUNK, CHUNK), jnp.float32),
            pltpu.VMEM((CELLS_PER_TILE,), jnp.float32),
            pltpu.VMEM((16,), jnp.float32),
            pltpu.VMEM_SHARED((NCELL,), jnp.float32),
        ],
    )
    def k(xs_hbm, ys_hbm, zs_hbm, zhbm, out_hbm, x_v, y_v, z_v,
          idx_v, val_v, red_v, acc_v, grid_sh):
        cid = lax.axis_index("c")
        sid = lax.axis_index("s")
        zero16 = jnp.zeros((16,), jnp.float32)
        cell0 = (cid * NTILES + sid) * CELLS_PER_TILE

        pltpu.sync_copy(zhbm, grid_sh.at[pl.ds(cell0, CELLS_PER_TILE)])
        plsc.subcore_barrier()

        sl = pl.ds(sid * PTS_PER_TILE, PTS_PER_TILE)
        pltpu.sync_copy(xs_hbm.at[sl], x_v)
        pltpu.sync_copy(ys_hbm.at[sl], y_v)
        pltpu.sync_copy(zs_hbm.at[sl], z_v)
        lanes = lax.iota(jnp.int32, 16)
        for g in range(GROUPS):
            x = x_v[pl.ds(g * 16, 16)]
            y = y_v[pl.ds(g * 16, 16)]
            z = z_v[pl.ds(g * 16, 16)]
            qx = jnp.clip(((x + 2.0) * 16.0).astype(jnp.int32), 0, GRID - 1)
            qy = jnp.clip(((y + 2.0) * 16.0).astype(jnp.int32), 0, GRID - 1)
            qz = jnp.clip(((z + 2.0) * 16.0).astype(jnp.int32), 0, GRID - 1)
            flat = qx * (GRID * GRID) + qy * GRID + qz
            gid = lanes + (g * 16) + sid * PTS_PER_TILE
            val = jnp.where(gid < NPTS, jnp.float32(1.0), jnp.float32(0.0))
            ch = g // (CHUNK // 16)
            off = (g % (CHUNK // 16)) * 16
            idx_v[ch, pl.ds(off, 16)] = flat
            val_v[ch, pl.ds(off, 16)] = val
        for chn in range(NCHUNK):
            pltpu.sync_copy(val_v.at[chn], grid_sh.at[idx_v.at[chn]],
                            add=True)

        plsc.subcore_barrier()

        pltpu.sync_copy(grid_sh.at[pl.ds(cell0, CELLS_PER_TILE)], red_v)

        def rbody(i, accs):
            base = i * (16 * UNROLL)
            out = []
            for j in range(UNROLL):
                v = red_v[pl.ds(base + j * 16, 16)]
                out.append(accs[j] + jnp.where(v > 0.0, jnp.float32(1.0),
                                               jnp.float32(0.0)))
            return tuple(out)

        accs = lax.fori_loop(0, CELLS_PER_TILE // (16 * UNROLL), rbody,
                             (zero16,) * UNROLL)
        acc = accs[0]
        for j in range(1, UNROLL):
            acc = acc + accs[j]
        acc_v[...] = acc
        pltpu.sync_copy(acc_v, out_hbm.at[cid * NTILES + sid])

    return k(xs, ys, zs, zeros_hbm)


def _tc_fuse(Wv, Wp, partial, vision, proprio, imu):
    B = vision.shape[0]
    Lv = vision.shape[1]
    Lp = proprio.shape[1]
    Cv = vision.shape[2]
    Cp = proprio.shape[2]
    Ci = imu.shape[2]
    C_OUT = 512

    BB = 8

    def body(wv_ref, wp_ref, part_ref, v_ref, p_ref, i_ref, o_ref):
        s = jnp.sum(part_ref[...]) * np.float32(1.0 / NCELL)
        col = jnp.full((T_OUT, C_OUT - Cv - Cp - Ci), s, jnp.float32)
        for j in range(BB):
            va = jnp.dot(wv_ref[...], v_ref[j],
                         preferred_element_type=jnp.float32)
            pa = jnp.dot(wp_ref[...], p_ref[j],
                         preferred_element_type=jnp.float32)
            ia = jnp.dot(wp_ref[...], i_ref[j],
                         preferred_element_type=jnp.float32)
            o_ref[j] = jnp.concatenate([va, pa, ia, col], axis=-1)

    return pl.pallas_call(
        body,
        grid=(B // BB,),
        in_specs=[
            pl.BlockSpec((T_OUT, Lv), lambda b: (0, 0)),
            pl.BlockSpec((T_OUT, Lp), lambda b: (0, 0)),
            pl.BlockSpec((NCORES * NTILES, 16), lambda b: (0, 0)),
            pl.BlockSpec((BB, Lv, Cv), lambda b: (b, 0, 0)),
            pl.BlockSpec((BB, Lp, Cp), lambda b: (b, 0, 0)),
            pl.BlockSpec((BB, Lp, Ci), lambda b: (b, 0, 0)),
        ],
        out_specs=pl.BlockSpec((BB, T_OUT, C_OUT), lambda b: (b, 0, 0)),
        out_shape=jax.ShapeDtypeStruct((B, T_OUT, C_OUT), jnp.float32),
        compiler_params=pltpu.CompilerParams(
            dimension_semantics=("arbitrary",)),
    )(Wv, Wp, partial, vision, proprio, imu)


def kernel(vision, proprio, imu, target_times, points):
    pts = jnp.pad(points, ((0, PTS_PAD - points.shape[0]), (0, 0)))
    zeros_hbm = jnp.zeros((CELLS_PER_TILE,), jnp.float32)
    partial = _sc_count(pts[:, 0], pts[:, 1], pts[:, 2], zeros_hbm)
    out = _tc_fuse(jnp.asarray(_WV), jnp.asarray(_WP), partial,
                   vision, proprio, imu)
    C = vision.shape[2] + proprio.shape[2] + imu.shape[2] + 1
    return out[:, :, :C]

# --- scband reference (transcript-rebuilt; emitter-appended) ---
"""Pipeline reference for scband-baseline-preprocessor-28741921145370 (READ-ONLY COPY).

The authoritative reference and input builder live on the scoring server;
editing this copy changes nothing except your own understanding.
"""

import jax, jax.numpy as jnp
import numpy as np

GRID_SIZE = 64


def _interp_linear(x, size):
    # torch.nn.functional.interpolate(mode='linear', align_corners=True) over time axis
    # x: [B, L, C] -> [B, size, C]
    L = x.shape[1]
    pos = jnp.arange(size, dtype=jnp.float32) * ((L - 1) / (size - 1))
    lo = jnp.clip(jnp.floor(pos).astype(jnp.int32), 0, L - 1)
    hi = jnp.clip(lo + 1, 0, L - 1)
    w = (pos - lo.astype(jnp.float32))[None, :, None]
    return jnp.take(x, lo, axis=1) * (1.0 - w) + jnp.take(x, hi, axis=1) * w


def _voxelize(points, batch_size):
    G = GRID_SIZE
    pq = ((points + 2.0) / 4.0 * G).astype(jnp.int32)  # trunc like torch .long()
    pq = jnp.clip(pq, 0, G - 1)
    n = min(10000, points.shape[0])
    pq = pq[:n]
    flat = pq[:, 0] * (G * G) + pq[:, 1] * G + pq[:, 2]
    grid = jnp.zeros((G * G * G,), dtype=jnp.float32).at[flat].set(1.0)
    grid = grid.reshape(G, G, G)
    return jnp.broadcast_to(grid[None, :, :, :], (batch_size, G, G, G))


def setup_inputs(seed: int = 0) -> dict:
    key = jax.random.key(seed)
    k1, k2, k3, k4, k5 = jax.random.split(key, 5)
    return {
        "vision": jax.random.normal(k1, (16, 50, 384), dtype=jnp.float32),
        "proprio": jax.random.normal(k2, (16, 200, 64), dtype=jnp.float32),
        "imu": jax.random.normal(k3, (16, 200, 32), dtype=jnp.float32),
        "target_times": jax.random.uniform(k4, (16, 512), dtype=jnp.float32),
        "points": jax.random.normal(k5, (10000, 3), dtype=jnp.float32),
    }


def reference(vision, proprio, imu, target_times, points):
    T = target_times.shape[1]
    vision_aligned = _interp_linear(vision, T)
    proprio_aligned = _interp_linear(proprio, T)
    imu_aligned = _interp_linear(imu, T)
    fused = jnp.concatenate([vision_aligned, proprio_aligned, imu_aligned], axis=-1)
    batch_size = fused.shape[0]
    voxel_grid = _voxelize(points, batch_size)
    voxel_summary = voxel_grid.mean(axis=(1, 2, 3))[:, None, None]  # [B,1,1]
    voxel_summary = jnp.broadcast_to(voxel_summary, (batch_size, fused.shape[1], 1))
    return jnp.concatenate([fused, voxel_summary], axis=-1)

if __name__ == "__main__":
    import jax
    _d = setup_inputs()
    print(jax.jit(kernel)(*tuple(_d.values())))

</pallas_src>

<mosaic_0001>
#map = affine_map<(d0, d1) -> (0)>
#map1 = affine_map<(d0, d1) -> (0, 0)>
module attributes {stable_mosaic.version = 14 : i64} {
  func.func @k(%arg0: i32, %arg1: i32, %arg2: memref<10240xf32, #tpu.memory_space<hbm>>, %arg3: memref<10240xf32, #tpu.memory_space<hbm>>, %arg4: memref<10240xf32, #tpu.memory_space<hbm>>, %arg5: memref<8192xf32, #tpu.memory_space<hbm>>, %arg6: memref<32x16xf32, #tpu.memory_space<hbm>>, %arg7: memref<640xf32, #tpu.memory_space<vmem>>, %arg8: memref<640xf32, #tpu.memory_space<vmem>>, %arg9: memref<640xf32, #tpu.memory_space<vmem>>, %arg10: memref<5x128xi32, #tpu.memory_space<vmem>>, %arg11: memref<5x128xf32, #tpu.memory_space<vmem>>, %arg12: memref<8192xf32, #tpu.memory_space<vmem>>, %arg13: memref<16xf32, #tpu.memory_space<vmem>>, %arg14: memref<262144xf32, #tpu.memory_space<vmem_shared>>) attributes {dimension_semantics = [#tpu.dimension_semantics<core_parallel>, #tpu.dimension_semantics<subcore_parallel>], iteration_bounds = array<i64: 2, 16>, scalar_prefetch = 0 : i64, scratch_operands = 8 : i64, tpu.core_type = #tpu.core_type<sc_vector_subcore>, window_params = [{transform_indices = #map}, {transform_indices = #map}, {transform_indices = #map}, {transform_indices = #map}, {transform_indices = #map1}]} {
    %broadcast_in_dim3A = arith.constant 0.000000e+00 : f32
    %broadcast_in_dim3A_0 = vector.broadcast %broadcast_in_dim3A : f32 to vector<16xf32>
    %mul3A = arith.constant 16 : i32
    %mul3A_1 = arith.muli %arg0, %mul3A : i32
    %add3A = arith.addi %mul3A_1, %arg1 : i32
    %mul3A_2 = arith.constant 8192 : i32
    %mul3A_3 = arith.muli %add3A, %mul3A_2 : i32
    "tpu.region"() ({
      %run_scoped3A_3347 = tpu.sem_alloc : memref<!tpu.dma_semaphore, #tpu.memory_space<semaphore_mem>>
      %dma_start3A = tpu.memref_slice %arg14[%mul3A_3] : memref<262144xf32, #tpu.memory_space<vmem_shared>> -> memref<8192xf32, #tpu.memory_space<vmem_shared>>
      tpu.enqueue_dma source(%arg5 : memref<8192xf32, #tpu.memory_space<hbm>>) target(%dma_start3A : memref<8192xf32, #tpu.memory_space<vmem_shared>>) target_semaphore(%run_scoped3A_3347 : memref<!tpu.dma_semaphore, #tpu.memory_space<semaphore_mem>>)
      %dma_wait3A = tpu.memref_slice %arg14[%mul3A_3] : memref<262144xf32, #tpu.memory_space<vmem_shared>> -> memref<8192xf32, #tpu.memory_space<vmem_shared>>
      tpu.wait_dma2 semaphore(%run_scoped3A_3347 : memref<!tpu.dma_semaphore, #tpu.memory_space<semaphore_mem>>) src(%arg5 : memref<8192xf32, #tpu.memory_space<hbm>>) dst(%dma_wait3A : memref<8192xf32, #tpu.memory_space<vmem_shared>>)
      tpu.yield
    }) : () -> ()
    %barrier3A = arith.constant 0 : index
    tpu.barrier barrier_id(%barrier3A)
    %mul3A_4 = arith.constant 640 : i32
    %mul3A_5 = arith.muli %arg1, %mul3A_4 : i32
    "tpu.region"() ({
      %run_scoped3A_3347 = tpu.sem_alloc : memref<!tpu.dma_semaphore, #tpu.memory_space<semaphore_mem>>
      %dma_start3A = tpu.memref_slice %arg2[%mul3A_5] : memref<10240xf32, #tpu.memory_space<hbm>> -> memref<640xf32, #tpu.memory_space<hbm>>
      %dma_start3A_3348 = tpu.memref_slice %arg2[%mul3A_5] : memref<10240xf32, #tpu.memory_space<hbm>> -> memref<640xf32, #tpu.memory_space<hbm>>
      tpu.enqueue_dma source(%dma_start3A_3348 : memref<640xf32, #tpu.memory_space<hbm>>) target(%arg7 : memref<640xf32, #tpu.memory_space<vmem>>) target_semaphore(%run_scoped3A_3347 : memref<!tpu.dma_semaphore, #tpu.memory_space<semaphore_mem>>)
      %dma_wait3A = tpu.memref_slice %arg2[%mul3A_5] : memref<10240xf32, #tpu.memory_space<hbm>> -> memref<640xf32, #tpu.memory_space<hbm>>
      %dma_wait3A_3349 = tpu.memref_slice %arg2[%mul3A_5] : memref<10240xf32, #tpu.memory_space<hbm>> -> memref<640xf32, #tpu.memory_space<hbm>>
      tpu.wait_dma2 semaphore(%run_scoped3A_3347 : memref<!tpu.dma_semaphore, #tpu.memory_space<semaphore_mem>>) src(%dma_wait3A_3349 : memref<640xf32, #tpu.memory_space<hbm>>) dst(%arg7 : memref<640xf32, #tpu.memory_space<vmem>>)
      tpu.yield
    }) : () -> ()
    "tpu.region"() ({
      %run_scoped3A_3347 = tpu.sem_alloc : memref<!tpu.dma_semaphore, #tpu.memory_space<semaphore_mem>>
      %dma_start3A = tpu.memref_slice %arg3[%mul3A_5] : memref<10240xf32, #tpu.memory_space<hbm>> -> memref<640xf32, #tpu.memory_space<hbm>>
      %dma_start3A_3348 = tpu.memref_slice %arg3[%mul3A_5] : memref<10240xf32, #tpu.memory_space<hbm>> -> memref<640xf32, #tpu.memory_space<hbm>>
      tpu.enqueue_dma source(%dma_start3A_3348 : memref<640xf32, #tpu.memory_space<hbm>>) target(%arg8 : memref<640xf32, #tpu.memory_space<vmem>>) target_semaphore(%run_scoped3A_3347 : memref<!tpu.dma_semaphore, #tpu.memory_space<semaphore_mem>>)
      %dma_wait3A = tpu.memref_slice %arg3[%mul3A_5] : memref<10240xf32, #tpu.memory_space<hbm>> -> memref<640xf32, #tpu.memory_space<hbm>>
      %dma_wait3A_3349 = tpu.memref_slice %arg3[%mul3A_5] : memref<10240xf32, #tpu.memory_space<hbm>> -> memref<640xf32, #tpu.memory_space<hbm>>
      tpu.wait_dma2 semaphore(%run_scoped3A_3347 : memref<!tpu.dma_semaphore, #tpu.memory_space<semaphore_mem>>) src(%dma_wait3A_3349 : memref<640xf32, #tpu.memory_space<hbm>>) dst(%arg8 : memref<640xf32, #tpu.memory_space<vmem>>)
      tpu.yield
    }) : () -> ()
    "tpu.region"() ({
      %run_scoped3A_3347 = tpu.sem_alloc : memref<!tpu.dma_semaphore, #tpu.memory_space<semaphore_mem>>
      %dma_start3A = tpu.memref_slice %arg4[%mul3A_5] : memref<10240xf32, #tpu.memory_space<hbm>> -> memref<640xf32, #tpu.memory_space<hbm>>
      %dma_start3A_3348 = tpu.memref_slice %arg4[%mul3A_5] : memref<10240xf32, #tpu.memory_space<hbm>> -> memref<640xf32, #tpu.memory_space<hbm>>
      tpu.enqueue_dma source(%dma_start3A_3348 : memref<640xf32, #tpu.memory_space<hbm>>) target(%arg9 : memref<640xf32, #tpu.memory_space<vmem>>) target_semaphore(%run_scoped3A_3347 : memref<!tpu.dma_semaphore, #tpu.memory_space<semaphore_mem>>)
      %dma_wait3A = tpu.memref_slice %arg4[%mul3A_5] : memref<10240xf32, #tpu.memory_space<hbm>> -> memref<640xf32, #tpu.memory_space<hbm>>
      %dma_wait3A_3349 = tpu.memref_slice %arg4[%mul3A_5] : memref<10240xf32, #tpu.memory_space<hbm>> -> memref<640xf32, #tpu.memory_space<hbm>>
      tpu.wait_dma2 semaphore(%run_scoped3A_3347 : memref<!tpu.dma_semaphore, #tpu.memory_space<semaphore_mem>>) src(%dma_wait3A_3349 : memref<640xf32, #tpu.memory_space<hbm>>) dst(%arg9 : memref<640xf32, #tpu.memory_space<vmem>>)
      tpu.yield
    }) : () -> ()
    %iota3A = tpu.iota {dimensions = array<i32: 0>} : vector<16xi32>
    %get3A = arith.constant 0 : index
    %get3A_6 = tpu.vector_load %arg7[%get3A] {strides = array<i32>} : memref<640xf32, #tpu.memory_space<vmem>>, vector<16xf32>,
    %get3A_7 = vector.shape_cast %get3A_6 : vector<16xf32> to vector<16xf32>
    %get3A_8 = arith.constant 0 : index
    %get3A_9 = tpu.vector_load %arg8[%get3A_8] {strides = array<i32>} : memref<640xf32, #tpu.memory_space<vmem>>, vector<16xf32>,
    %get3A_10 = vector.shape_cast %get3A_9 : vector<16xf32> to vector<16xf32>
    %get3A_11 = arith.constant 0 : index
    %get3A_12 = tpu.vector_load %arg9[%get3A_11] {strides = array<i32>} : memref<640xf32, #tpu.memory_space<vmem>>, vector<16xf32>,
    %get3A_13 = vector.shape_cast %get3A_12 : vector<16xf32> to vector<16xf32>
    %add3A_14 = arith.constant 2.000000e+00 : f32
    %add3A_15 = vector.broadcast %add3A_14 : f32 to vector<16xf32>
    %add3A_16 = arith.addf %get3A_7, %add3A_15 : vector<16xf32>
    %mul3A_17 = arith.constant 1.600000e+01 : f32
    %mul3A_18 = vector.broadcast %mul3A_17 : f32 to vector<16xf32>
    %mul3A_19 = arith.mulf %add3A_16, %mul3A_18 : vector<16xf32>
    %convert_element_type3A = arith.fptosi %mul3A_19 : vector<16xf32> to vector<16xi32>
    %jit3A = arith.constant 0 : i32
    %jit3A_20 = arith.constant 63 : i32
    %max3A = vector.broadcast %jit3A : i32 to vector<16xi32>
    %max3A_21 = arith.maxsi %max3A, %convert_element_type3A : vector<16xi32>
    %min3A = vector.broadcast %jit3A_20 : i32 to vector<16xi32>
    %min3A_22 = arith.minsi %min3A, %max3A_21 : vector<16xi32>
    %add3A_23 = arith.constant 2.000000e+00 : f32
    %add3A_24 = vector.broadcast %add3A_23 : f32 to vector<16xf32>
    %add3A_25 = arith.addf %get3A_10, %add3A_24 : vector<16xf32>
    %mul3A_26 = arith.constant 1.600000e+01 : f32
    %mul3A_27 = vector.broadcast %mul3A_26 : f32 to vector<16xf32>
    %mul3A_28 = arith.mulf %add3A_25, %mul3A_27 : vector<16xf32>
    %convert_element_type3A_29 = arith.fptosi %mul3A_28 : vector<16xf32> to vector<16xi32>
    %jit3A_30 = arith.constant 0 : i32
    %jit3A_31 = arith.constant 63 : i32
    %max3A_32 = vector.broadcast %jit3A_30 : i32 to vector<16xi32>
    %max3A_33 = arith.maxsi %max3A_32, %convert_element_type3A_29 : vector<16xi32>
    %min3A_34 = vector.broadcast %jit3A_31 : i32 to vector<16xi32>
    %min3A_35 = arith.minsi %min3A_34, %max3A_33 : vector<16xi32>
    %add3A_36 = arith.constant 2.000000e+00 : f32
    %add3A_37 = vector.broadcast %add3A_36 : f32 to vector<16xf32>
    %add3A_38 = arith.addf %get3A_13, %add3A_37 : vector<16xf32>
    %mul3A_39 = arith.constant 1.600000e+01 : f32
    %mul3A_40 = vector.broadcast %mul3A_39 : f32 to vector<16xf32>
    %mul3A_41 = arith.mulf %add3A_38, %mul3A_40 : vector<16xf32>
    %convert_element_type3A_42 = arith.fptosi %mul3A_41 : vector<16xf32> to vector<16xi32>
    %jit3A_43 = arith.constant 0 : i32
    %jit3A_44 = arith.constant 63 : i32
    %max3A_45 = vector.broadcast %jit3A_43 : i32 to vector<16xi32>
    %max3A_46 = arith.maxsi %max3A_45, %convert_element_type3A_42 : vector<16xi32>
    %min3A_47 = vector.broadcast %jit3A_44 : i32 to vector<16xi32>
    %min3A_48 = arith.minsi %min3A_47, %max3A_46 : vector<16xi32>
    %mul3A_49 = arith.constant 4096 : i32
    %mul3A_50 = vector.broadcast %mul3A_49 : i32 to vector<16xi32>
    %mul3A_51 = arith.muli %min3A_22, %mul3A_50 : vector<16xi32>
    %mul3A_52 = arith.constant 64 : i32
    %mul3A_53 = vector.broadcast %mul3A_52 : i32 to vector<16xi32>
    %mul3A_54 = arith.muli %min3A_35, %mul3A_53 : vector<16xi32>
    %add3A_55 = arith.addi %mul3A_51, %mul3A_54 : vector<16xi32>
    %add3A_56 = arith.addi %add3A_55, %min3A_48 : vector<16xi32>
    %add3A_57 = arith.constant 0 : i32
    %add3A_58 = vector.broadcast %add3A_57 : i32 to vector<16xi32>
    %add3A_59 = arith.addi %iota3A, %add3A_58 : vector<16xi32>
    %mul3A_60 = arith.constant 640 : i32
    %mul3A_61 = arith.muli %arg1, %mul3A_60 : i32
    %add3A_62 = vector.broadcast %mul3A_61 : i32 to vector<16xi32>
    %add3A_63 = arith.addi %add3A_59, %add3A_62 : vector<16xi32>
    %lt3A = arith.constant 10000 : i32
    %lt3A_64 = vector.broadcast %lt3A : i32 to vector<16xi32>
    %lt3A_65 = arith.cmpi slt, %add3A_63, %lt3A_64 : vector<16xi32>
    %jit3A_66 = arith.constant 1.000000e+00 : f32
    %jit3A_67 = arith.constant 0.000000e+00 : f32
    %broadcast_in_dim3A_68 = vector.broadcast %jit3A_66 : f32 to vector<16xf32>
    %broadcast_in_dim3A_69 = vector.broadcast %jit3A_67 : f32 to vector<16xf32>
    %select_n3A = arith.select %lt3A_65, %broadcast_in_dim3A_68, %broadcast_in_dim3A_69 : vector<16xi1>, vector<16xf32>
    %swap3A = arith.constant 0 : i32
    %swap3A_70 = arith.index_cast %swap3A : i32 to index
    %swap3A_71 = arith.constant 0 : index
    %swap3A_72 = tpu.vector_load %arg10[%swap3A_70, %swap3A_71] {strides = array<i32>} : memref<5x128xi32, #tpu.memory_space<vmem>>, vector<1x16xi32>,
    %swap3A_73 = vector.shape_cast %swap3A_72 : vector<1x16xi32> to vector<16xi32>
    %swap3A_74 = vector.shape_cast %add3A_56 : vector<16xi32> to vector<1x16xi32>
    tpu.vector_store %arg10[%swap3A_70, %swap3A_71], %swap3A_74 {strides = array<i32>} : memref<5x128xi32, #tpu.memory_space<vmem>>, vector<1x16xi32>,
    %swap3A_75 = arith.constant 0 : i32
    %swap3A_76 = arith.index_cast %swap3A_75 : i32 to index
    %swap3A_77 = arith.constant 0 : index
    %swap3A_78 = tpu.vector_load %arg11[%swap3A_76, %swap3A_77] {strides = array<i32>} : memref<5x128xf32, #tpu.memory_space<vmem>>, vector<1x16xf32>,
    %swap3A_79 = vector.shape_cast %swap3A_78 : vector<1x16xf32> to vector<16xf32>
    %swap3A_80 = vector.shape_cast %select_n3A : vector<16xf32> to vector<1x16xf32>
    tpu.vector_store %arg11[%swap3A_76, %swap3A_77], %swap3A_80 {strides = array<i32>} : memref<5x128xf32, #tpu.memory_space<vmem>>, vector<1x16xf32>,
    %get3A_81 = arith.constant 16 : index
    %get3A_82 = tpu.vector_load %arg7[%get3A_81] {strides = array<i32>} : memref<640xf32, #tpu.memory_space<vmem>>, vector<16xf32>,
    %get3A_83 = vector.shape_cast %get3A_82 : vector<16xf32> to vector<16xf32>
    %get3A_84 = arith.constant 16 : index
    %get3A_85 = tpu.vector_load %arg8[%get3A_84] {strides = array<i32>} : memref<640xf32, #tpu.memory_space<vmem>>, vector<16xf32>,
    %get3A_86 = vector.shape_cast %get3A_85 : vector<16xf32> to vector<16xf32>
    %get3A_87 = arith.constant 16 : index
    %get3A_88 = tpu.vector_load %arg9[%get3A_87] {strides = array<i32>} : memref<640xf32, #tpu.memory_space<vmem>>, vector<16xf32>,
    %get3A_89 = vector.shape_cast %get3A_88 : vector<16xf32> to vector<16xf32>
    %add3A_90 = arith.constant 2.000000e+00 : f32
    %add3A_91 = vector.broadcast %add3A_90 : f32 to vector<16xf32>
    %add3A_92 = arith.addf %get3A_83, %add3A_91 : vector<16xf32>
    %mul3A_93 = arith.constant 1.600000e+01 : f32
    %mul3A_94 = vector.broadcast %mul3A_93 : f32 to vector<16xf32>
    %mul3A_95 = arith.mulf %add3A_92, %mul3A_94 : vector<16xf32>
    %convert_element_type3A_96 = arith.fptosi %mul3A_95 : vector<16xf32> to vector<16xi32>
    %jit3A_97 = arith.constant 0 : i32
    %jit3A_98 = arith.constant 63 : i32
    %max3A_99 = vector.broadcast %jit3A_97 : i32 to vector<16xi32>
    %max3A_100 = arith.maxsi %max3A_99, %convert_element_type3A_96 : vector<16xi32>
    %min3A_101 = vector.broadcast %jit3A_98 : i32 to vector<16xi32>
    %min3A_102 = arith.minsi %min3A_101, %max3A_100 : vector<16xi32>
    %add3A_103 = arith.constant 2.000000e+00 : f32
    %add3A_104 = vector.broadcast %add3A_103 : f32 to vector<16xf32>
    %add3A_105 = arith.addf %get3A_86, %add3A_104 : vector<16xf32>
    %mul3A_106 = arith.constant 1.600000e+01 : f32
    %mul3A_107 = vector.broadcast %mul3A_106 : f32 to vector<16xf32>
    %mul3A_108 = arith.mulf %add3A_105, %mul3A_107 : vector<16xf32>
    %convert_element_type3A_109 = arith.fptosi %mul3A_108 : vector<16xf32> to vector<16xi32>
    %jit3A_110 = arith.constant 0 : i32
    %jit3A_111 = arith.constant 63 : i32
    %max3A_112 = vector.broadcast %jit3A_110 : i32 to vector<16xi32>
    %max3A_113 = arith.maxsi %max3A_112, %convert_element_type3A_109 : vector<16xi32>
    %min3A_114 = vector.broadcast %jit3A_111 : i32 to vector<16xi32>
    %min3A_115 = arith.minsi %min3A_114, %max3A_113 : vector<16xi32>
    %add3A_116 = arith.constant 2.000000e+00 : f32
    %add3A_117 = vector.broadcast %add3A_116 : f32 to vector<16xf32>
    %add3A_118 = arith.addf %get3A_89, %add3A_117 : vector<16xf32>
    %mul3A_119 = arith.constant 1.600000e+01 : f32
    %mul3A_120 = vector.broadcast %mul3A_119 : f32 to vector<16xf32>
    %mul3A_121 = arith.mulf %add3A_118, %mul3A_120 : vector<16xf32>
    %convert_element_type3A_122 = arith.fptosi %mul3A_121 : vector<16xf32> to vector<16xi32>
    %jit3A_123 = arith.constant 0 : i32
    %jit3A_124 = arith.constant 63 : i32
    %max3A_125 = vector.broadcast %jit3A_123 : i32 to vector<16xi32>
    %max3A_126 = arith.maxsi %max3A_125, %convert_element_type3A_122 : vector<16xi32>
    %min3A_127 = vector.broadcast %jit3A_124 : i32 to vector<16xi32>
    %min3A_128 = arith.minsi %min3A_127, %max3A_126 : vector<16xi32>
    %mul3A_129 = arith.constant 4096 : i32
    %mul3A_130 = vector.broadcast %mul3A_129 : i32 to vector<16xi32>
    %mul3A_131 = arith.muli %min3A_102, %mul3A_130 : vector<16xi32>
    %mul3A_132 = arith.constant 64 : i32
    %mul3A_133 = vector.broadcast %mul3A_132 : i32 to vector<16xi32>
    %mul3A_134 = arith.muli %min3A_115, %mul3A_133 : vector<16xi32>
    %add3A_135 = arith.addi %mul3A_131, %mul3A_134 : vector<16xi32>
    %add3A_136 = arith.addi %add3A_135, %min3A_128 : vector<16xi32>
    %add3A_137 = arith.constant 16 : i32
    %add3A_138 = vector.broadcast %add3A_137 : i32 to vector<16xi32>
    %add3A_139 = arith.addi %iota3A, %add3A_138 : vector<16xi32>
    %mul3A_140 = arith.constant 640 : i32
    %mul3A_141 = arith.muli %arg1, %mul3A_140 : i32
    %add3A_142 = vector.broadcast %mul3A_141 : i32 to vector<16xi32>
    %add3A_143 = arith.addi %add3A_139, %add3A_142 : vector<16xi32>
    %lt3A_144 = arith.constant 10000 : i32
    %lt3A_145 = vector.broadcast %lt3A_144 : i32 to vector<16xi32>
    %lt3A_146 = arith.cmpi slt, %add3A_143, %lt3A_145 : vector<16xi32>
    %jit3A_147 = arith.constant 1.000000e+00 : f32
    %jit3A_148 = arith.constant 0.000000e+00 : f32
    %broadcast_in_dim3A_149 = vector.broadcast %jit3A_147 : f32 to vector<16xf32>
    %broadcast_in_dim3A_150 = vector.broadcast %jit3A_148 : f32 to vector<16xf32>
    %select_n3A_151 = arith.select %lt3A_146, %broadcast_in_dim3A_149, %broadcast_in_dim3A_150 : vector<16xi1>, vector<16xf32>
    %swap3A_152 = arith.constant 0 : i32
    %swap3A_153 = arith.index_cast %swap3A_152 : i32 to index
    %swap3A_154 = arith.constant 16 : index
    %swap3A_155 = tpu.vector_load %arg10[%swap3A_153, %swap3A_154] {strides = array<i32>} : memref<5x128xi32, #tpu.memory_space<vmem>>, vector<1x16xi32>,
    %swap3A_156 = vector.shape_cast %swap3A_155 : vector<1x16xi32> to vector<16xi32>
    %swap3A_157 = vector.shape_cast %add3A_136 : vector<16xi32> to vector<1x16xi32>
    tpu.vector_store %arg10[%swap3A_153, %swap3A_154], %swap3A_157 {strides = array<i32>} : memref<5x128xi32, #tpu.memory_space<vmem>>, vector<1x16xi32>,
    %swap3A_158 = arith.constant 0 : i32
    %swap3A_159 = arith.index_cast %swap3A_158 : i32 to index
    %swap3A_160 = arith.constant 16 : index
    %swap3A_161 = tpu.vector_load %arg11[%swap3A_159, %swap3A_160] {strides = array<i32>} : memref<5x128xf32, #tpu.memory_space<vmem>>, vector<1x16xf32>,
    %swap3A_162 = vector.shape_cast %swap3A_161 : vector<1x16xf32> to vector<16xf32>
    %swap3A_163 = vector.shape_cast %select_n3A_151 : vector<16xf32> to vector<1x16xf32>
    tpu.vector_store %arg11[%swap3A_159, %swap3A_160], %swap3A_163 {strides = array<i32>} : memref<5x128xf32, #tpu.memory_space<vmem>>, vector<1x16xf32>,
    %get3A_164 = arith.constant 32 : index
    %get3A_165 = tpu.vector_load %arg7[%get3A_164] {strides = array<i32>} : memref<640xf32, #tpu.memory_space<vmem>>, vector<16xf32>,
    %get3A_166 = vector.shape_cast %get3A_165 : vector<16xf32> to vector<16xf32>
    %get3A_167 = arith.constant 32 : index
    %get3A_168 = tpu.vector_load %arg8[%get3A_167] {strides = array<i32>} : memref<640xf32, #tpu.memory_space<vmem>>, vector<16xf32>,
    %get3A_169 = vector.shape_cast %get3A_168 : vector<16xf32> to vector<16xf32>
    %get3A_170 = arith.constant 32 : index
    %get3A_171 = tpu.vector_load %arg9[%get3A_170] {strides = array<i32>} : memref<640xf32, #tpu.memory_space<vmem>>, vector<16xf32>,
    %get3A_172 = vector.shape_cast %get3A_171 : vector<16xf32> to vector<16xf32>
    %add3A_173 = arith.constant 2.000000e+00 : f32
    %add3A_174 = vector.broadcast %add3A_173 : f32 to vector<16xf32>
    %add3A_175 = arith.addf %get3A_166, %add3A_174 : vector<16xf32>
    %mul3A_176 = arith.constant 1.600000e+01 : f32
    %mul3A_177 = vector.broadcast %mul3A_176 : f32 to vector<16xf32>
    %mul3A_178 = arith.mulf %add3A_175, %mul3A_177 : vector<16xf32>
    %convert_element_type3A_179 = arith.fptosi %mul3A_178 : vector<16xf32> to vector<16xi32>
    %jit3A_180 = arith.constant 0 : i32
    %jit3A_181 = arith.constant 63 : i32
    %max3A_182 = vector.broadcast %jit3A_180 : i32 to vector<16xi32>
    %max3A_183 = arith.maxsi %max3A_182, %convert_element_type3A_179 : vector<16xi32>
    %min3A_184 = vector.broadcast %jit3A_181 : i32 to vector<16xi32>
    %min3A_185 = arith.minsi %min3A_184, %max3A_183 : vector<16xi32>
    %add3A_186 = arith.constant 2.000000e+00 : f32
    %add3A_187 = vector.broadcast %add3A_186 : f32 to vector<16xf32>
    %add3A_188 = arith.addf %get3A_169, %add3A_187 : vector<16xf32>
    %mul3A_189 = arith.constant 1.600000e+01 : f32
    %mul3A_190 = vector.broadcast %mul3A_189 : f32 to vector<16xf32>
    %mul3A_191 = arith.mulf %add3A_188, %mul3A_190 : vector<16xf32>
    %convert_element_type3A_192 = arith.fptosi %mul3A_191 : vector<16xf32> to vector<16xi32>
    %jit3A_193 = arith.constant 0 : i32
    %jit3A_194 = arith.constant 63 : i32
    %max3A_195 = vector.broadcast %jit3A_193 : i32 to vector<16xi32>
    %max3A_196 = arith.maxsi %max3A_195, %convert_element_type3A_192 : vector<16xi32>
    %min3A_197 = vector.broadcast %jit3A_194 : i32 to vector<16xi32>
    %min3A_198 = arith.minsi %min3A_197, %max3A_196 : vector<16xi32>
    %add3A_199 = arith.constant 2.000000e+00 : f32
    %add3A_200 = vector.broadcast %add3A_199 : f32 to vector<16xf32>
    %add3A_201 = arith.addf %get3A_172, %add3A_200 : vector<16xf32>
    %mul3A_202 = arith.constant 1.600000e+01 : f32
    %mul3A_203 = vector.broadcast %mul3A_202 : f32 to vector<16xf32>
    %mul3A_204 = arith.mulf %add3A_201, %mul3A_203 : vector<16xf32>
    %convert_element_type3A_205 = arith.fptosi %mul3A_204 : vector<16xf32> to vector<16xi32>
    %jit3A_206 = arith.constant 0 : i32
    %jit3A_207 = arith.constant 63 : i32
    %max3A_208 = vector.broadcast %jit3A_206 : i32 to vector<16xi32>
    %max3A_209 = arith.maxsi %max3A_208, %convert_element_type3A_205 : vector<16xi32>
    %min3A_210 = vector.broadcast %jit3A_207 : i32 to vector<16xi32>
    %min3A_211 = arith.minsi %min3A_210, %max3A_209 : vector<16xi32>
    %mul3A_212 = arith.constant 4096 : i32
    %mul3A_213 = vector.broadcast %mul3A_212 : i32 to vector<16xi32>
    %mul3A_214 = arith.muli %min3A_185, %mul3A_213 : vector<16xi32>
    %mul3A_215 = arith.constant 64 : i32
    %mul3A_216 = vector.broadcast %mul3A_215 : i32 to vector<16xi32>
    %mul3A_217 = arith.muli %min3A_198, %mul3A_216 : vector<16xi32>
    %add3A_218 = arith.addi %mul3A_214, %mul3A_217 : vector<16xi32>
    %add3A_219 = arith.addi %add3A_218, %min3A_211 : vector<16xi32>
    %add3A_220 = arith.constant 32 : i32
    %add3A_221 = vector.broadcast %add3A_220 : i32 to vector<16xi32>
    %add3A_222 = arith.addi %iota3A, %add3A_221 : vector<16xi32>
    %mul3A_223 = arith.constant 640 : i32
    %mul3A_224 = arith.muli %arg1, %mul3A_223 : i32
    %add3A_225 = vector.broadcast %mul3A_224 : i32 to vector<16xi32>
    %add3A_226 = arith.addi %add3A_222, %add3A_225 : vector<16xi32>
    %lt3A_227 = arith.constant 10000 : i32
    %lt3A_228 = vector.broadcast %lt3A_227 : i32 to vector<16xi32>
    %lt3A_229 = arith.cmpi slt, %add3A_226, %lt3A_228 : vector<16xi32>
    %jit3A_230 = arith.constant 1.000000e+00 : f32
    %jit3A_231 = arith.constant 0.000000e+00 : f32
    %broadcast_in_dim3A_232 = vector.broadcast %jit3A_230 : f32 to vector<16xf32>
    %broadcast_in_dim3A_233 = vector.broadcast %jit3A_231 : f32 to vector<16xf32>
    %select_n3A_234 = arith.select %lt3A_229, %broadcast_in_dim3A_232, %broadcast_in_dim3A_233 : vector<16xi1>, vector<16xf32>
    %swap3A_235 = arith.constant 0 : i32
    %swap3A_236 = arith.index_cast %swap3A_235 : i32 to index
    %swap3A_237 = arith.constant 32 : index
    %swap3A_238 = tpu.vector_load %arg10[%swap3A_236, %swap3A_237] {strides = array<i32>} : memref<5x128xi32, #tpu.memory_space<vmem>>, vector<1x16xi32>,
    %swap3A_239 = vector.shape_cast %swap3A_238 : vector<1x16xi32> to vector<16xi32>
    %swap3A_240 = vector.shape_cast %add3A_219 : vector<16xi32> to vector<1x16xi32>
    tpu.vector_store %arg10[%swap3A_236, %swap3A_237], %swap3A_240 {strides = array<i32>} : memref<5x128xi32, #tpu.memory_space<vmem>>, vector<1x16xi32>,
    %swap3A_241 = arith.constant 0 : i32
    %swap3A_242 = arith.index_cast %swap3A_241 : i32 to index
    %swap3A_243 = arith.constant 32 : index
    %swap3A_244 = tpu.vector_load %arg11[%swap3A_242, %swap3A_243] {strides = array<i32>} : memref<5x128xf32, #tpu.memory_space<vmem>>, vector<1x16xf32>,
    %swap3A_245 = vector.shape_cast %swap3A_244 : vector<1x16xf32> to vector<16xf32>
    %swap3A_246 = vector.shape_cast %select_n3A_234 : vector<16xf32> to vector<1x16xf32>
    tpu.vector_store %arg11[%swap3A_242, %swap3A_243], %swap3A_246 {strides = array<i32>} : memref<5x128xf32, #tpu.memory_space<vmem>>, vector<1x16xf32>,
    %get3A_247 = arith.constant 48 : index
    %get3A_248 = tpu.vector_load %arg7[%get3A_247] {strides = array<i32>} : memref<640xf32, #tpu.memory_space<vmem>>, vector<16xf32>,
    %get3A_249 = vector.shape_cast %get3A_248 : vector<16xf32> to vector<16xf32>
    %get3A_250 = arith.constant 48 : index
    %get3A_251 = tpu.vector_load %arg8[%get3A_250] {strides = array<i32>} : memref<640xf32, #tpu.memory_space<vmem>>, vector<16xf32>,
    %get3A_252 = vector.shape_cast %get3A_251 : vector<16xf32> to vector<16xf32>
    %get3A_253 = arith.constant 48 : index
    %get3A_254 = tpu.vector_load %arg9[%get3A_253] {strides = array<i32>} : memref<640xf32, #tpu.memory_space<vmem>>, vector<16xf32>,
    %get3A_255 = vector.shape_cast %get3A_254 : vector<16xf32> to vector<16xf32>
    %add3A_256 = arith.constant 2.000000e+00 : f32
    %add3A_257 = vector.broadcast %add3A_256 : f32 to vector<16xf32>
    %add3A_258 = arith.addf %get3A_249, %add3A_257 : vector<16xf32>
    %mul3A_259 = arith.constant 1.600000e+01 : f32
    %mul3A_260 = vector.broadcast %mul3A_259 : f32 to vector<16xf32>
    %mul3A_261 = arith.mulf %add3A_258, %mul3A_260 : vector<16xf32>
    %convert_element_type3A_262 = arith.fptosi %mul3A_261 : vector<16xf32> to vector<16xi32>
    %jit3A_263 = arith.constant 0 : i32
    %jit3A_264 = arith.constant 63 : i32
    %max3A_265 = vector.broadcast %jit3A_263 : i32 to vector<16xi32>
    %max3A_266 = arith.maxsi %max3A_265, %convert_element_type3A_262 : vector<16xi32>
    %min3A_267 = vector.broadcast %jit3A_264 : i32 to vector<16xi32>
    %min3A_268 = arith.minsi %min3A_267, %max3A_266 : vector<16xi32>
    %add3A_269 = arith.constant 2.000000e+00 : f32
    %add3A_270 = vector.broadcast %add3A_269 : f32 to vector<16xf32>
    %add3A_271 = arith.addf %get3A_252, %add3A_270 : vector<16xf32>
    %mul3A_272 = arith.constant 1.600000e+01 : f32
    %mul3A_273 = vector.broadcast %mul3A_272 : f32 to vector<16xf32>
    %mul3A_274 = arith.mulf %add3A_271, %mul3A_273 : vector<16xf32>
    %convert_element_type3A_275 = arith.fptosi %mul3A_274 : vector<16xf32> to vector<16xi32>
    %jit3A_276 = arith.constant 0 : i32
    %jit3A_277 = arith.constant 63 : i32
    %max3A_278 = vector.broadcast %jit3A_276 : i32 to vector<16xi32>
    %max3A_279 = arith.maxsi %max3A_278, %convert_element_type3A_275 : vector<16xi32>
    %min3A_280 = vector.broadcast %jit3A_277 : i32 to vector<16xi32>
    %min3A_281 = arith.minsi %min3A_280, %max3A_279 : vector<16xi32>
    %add3A_282 = arith.constant 2.000000e+00 : f32
    %add3A_283 = vector.broadcast %add3A_282 : f32 to vector<16xf32>
    %add3A_284 = arith.addf %get3A_255, %add3A_283 : vector<16xf32>
    %mul3A_285 = arith.constant 1.600000e+01 : f32
    %mul3A_286 = vector.broadcast %mul3A_285 : f32 to vector<16xf32>
    %mul3A_287 = arith.mulf %add3A_284, %mul3A_286 : vector<16xf32>
    %convert_element_type3A_288 = arith.fptosi %mul3A_287 : vector<16xf32> to vector<16xi32>
    %jit3A_289 = arith.constant 0 : i32
    %jit3A_290 = arith.constant 63 : i32
    %max3A_291 = vector.broadcast %jit3A_289 : i32 to vector<16xi32>
    %max3A_292 = arith.maxsi %max3A_291, %convert_element_type3A_288 : vector<16xi32>
    %min3A_293 = vector.broadcast %jit3A_290 : i32 to vector<16xi32>
    %min3A_294 = arith.minsi %min3A_293, %max3A_292 : vector<16xi32>
    %mul3A_295 = arith.constant 4096 : i32
    %mul3A_296 = vector.broadcast %mul3A_295 : i32 to vector<16xi32>
    %mul3A_297 = arith.muli %min3A_268, %mul3A_296 : vector<16xi32>
    %mul3A_298 = arith.constant 64 : i32
    %mul3A_299 = vector.broadcast %mul3A_298 : i32 to vector<16xi32>
    %mul3A_300 = arith.muli %min3A_281, %mul3A_299 : vector<16xi32>
    %add3A_301 = arith.addi %mul3A_297, %mul3A_300 : vector<16xi32>
    %add3A_302 = arith.addi %add3A_301, %min3A_294 : vector<16xi32>
    %add3A_303 = arith.constant 48 : i32
    %add3A_304 = vector.broadcast %add3A_303 : i32 to vector<16xi32>
    %add3A_305 = arith.addi %iota3A, %add3A_304 : vector<16xi32>
    %mul3A_306 = arith.constant 640 : i32
    %mul3A_307 = arith.muli %arg1, %mul3A_306 : i32
    %add3A_308 = vector.broadcast %mul3A_307 : i32 to vector<16xi32>
    %add3A_309 = arith.addi %add3A_305, %add3A_308 : vector<16xi32>
    %lt3A_310 = arith.constant 10000 : i32
    %lt3A_311 = vector.broadcast %lt3A_310 : i32 to vector<16xi32>
    %lt3A_312 = arith.cmpi slt, %add3A_309, %lt3A_311 : vector<16xi32>
    %jit3A_313 = arith.constant 1.000000e+00 : f32
    %jit3A_314 = arith.constant 0.000000e+00 : f32
    %broadcast_in_dim3A_315 = vector.broadcast %jit3A_313 : f32 to vector<16xf32>
    %broadcast_in_dim3A_316 = vector.broadcast %jit3A_314 : f32 to vector<16xf32>
    %select_n3A_317 = arith.select %lt3A_312, %broadcast_in_dim3A_315, %broadcast_in_dim3A_316 : vector<16xi1>, vector<16xf32>
    %swap3A_318 = arith.constant 0 : i32
    %swap3A_319 = arith.index_cast %swap3A_318 : i32 to index
    %swap3A_320 = arith.constant 48 : index
    %swap3A_321 = tpu.vector_load %arg10[%swap3A_319, %swap3A_320] {strides = array<i32>} : memref<5x128xi32, #tpu.memory_space<vmem>>, vector<1x16xi32>,
    %swap3A_322 = vector.shape_cast %swap3A_321 : vector<1x16xi32> to vector<16xi32>
    %swap3A_323 = vector.shape_cast %add3A_302 : vector<16xi32> to vector<1x16xi32>
    tpu.vector_store %arg10[%swap3A_319, %swap3A_320], %swap3A_323 {strides = array<i32>} : memref<5x128xi32, #tpu.memory_space<vmem>>, vector<1x16xi32>,
    %swap3A_324 = arith.constant 0 : i32
    %swap3A_325 = arith.index_cast %swap3A_324 : i32 to index
    %swap3A_326 = arith.constant 48 : index
    %swap3A_327 = tpu.vector_load %arg11[%swap3A_325, %swap3A_326] {strides = array<i32>} : memref<5x128xf32, #tpu.memory_space<vmem>>, vector<1x16xf32>,
    %swap3A_328 = vector.shape_cast %swap3A_327 : vector<1x16xf32> to vector<16xf32>
    %swap3A_329 = vector.shape_cast %select_n3A_317 : vector<16xf32> to vector<1x16xf32>
    tpu.vector_store %arg11[%swap3A_325, %swap3A_326], %swap3A_329 {strides = array<i32>} : memref<5x128xf32, #tpu.memory_space<vmem>>, vector<1x16xf32>,
    %get3A_330 = arith.constant 64 : index
    %get3A_331 = tpu.vector_load %arg7[%get3A_330] {strides = array<i32>} : memref<640xf32, #tpu.memory_space<vmem>>, vector<16xf32>,
    %get3A_332 = vector.shape_cast %get3A_331 : vector<16xf32> to vector<16xf32>
    %get3A_333 = arith.constant 64 : index
    %get3A_334 = tpu.vector_load %arg8[%get3A_333] {strides = array<i32>} : memref<640xf32, #tpu.memory_space<vmem>>, vector<16xf32>,
    %get3A_335 = vector.shape_cast %get3A_334 : vector<16xf32> to vector<16xf32>
    %get3A_336 = arith.constant 64 : index
    %get3A_337 = tpu.vector_load %arg9[%get3A_336] {strides = array<i32>} : memref<640xf32, #tpu.memory_space<vmem>>, vector<16xf32>,
    %get3A_338 = vector.shape_cast %get3A_337 : vector<16xf32> to vector<16xf32>
    %add3A_339 = arith.constant 2.000000e+00 : f32
    %add3A_340 = vector.broadcast %add3A_339 : f32 to vector<16xf32>
    %add3A_341 = arith.addf %get3A_332, %add3A_340 : vector<16xf32>
    %mul3A_342 = arith.constant 1.600000e+01 : f32
    %mul3A_343 = vector.broadcast %mul3A_342 : f32 to vector<16xf32>
    %mul3A_344 = arith.mulf %add3A_341, %mul3A_343 : vector<16xf32>
    %convert_element_type3A_345 = arith.fptosi %mul3A_344 : vector<16xf32> to vector<16xi32>
    %jit3A_346 = arith.constant 0 : i32
    %jit3A_347 = arith.constant 63 : i32
    %max3A_348 = vector.broadcast %jit3A_346 : i32 to vector<16xi32>
    %max3A_349 = arith.maxsi %max3A_348, %convert_element_type3A_345 : vector<16xi32>
    %min3A_350 = vector.broadcast %jit3A_347 : i32 to vector<16xi32>
    %min3A_351 = arith.minsi %min3A_350, %max3A_349 : vector<16xi32>
    %add3A_352 = arith.constant 2.000000e+00 : f32
    %add3A_353 = vector.broadcast %add3A_352 : f32 to vector<16xf32>
    %add3A_354 = arith.addf %get3A_335, %add3A_353 : vector<16xf32>
    %mul3A_355 = arith.constant 1.600000e+01 : f32
    %mul3A_356 = vector.broadcast %mul3A_355 : f32 to vector<16xf32>
    %mul3A_357 = arith.mulf %add3A_354, %mul3A_356 : vector<16xf32>
    %convert_element_type3A_358 = arith.fptosi %mul3A_357 : vector<16xf32> to vector<16xi32>
    %jit3A_359 = arith.constant 0 : i32
    %jit3A_360 = arith.constant 63 : i32
    %max3A_361 = vector.broadcast %jit3A_359 : i32 to vector<16xi32>
    %max3A_362 = arith.maxsi %max3A_361, %convert_element_type3A_358 : vector<16xi32>
    %min3A_363 = vector.broadcast %jit3A_360 : i32 to vector<16xi32>
    %min3A_364 = arith.minsi %min3A_363, %max3A_362 : vector<16xi32>
    %add3A_365 = arith.constant 2.000000e+00 : f32
    %add3A_366 = vector.broadcast %add3A_365 : f32 to vector<16xf32>
    %add3A_367 = arith.addf %get3A_338, %add3A_366 : vector<16xf32>
    %mul3A_368 = arith.constant 1.600000e+01 : f32
    %mul3A_369 = vector.broadcast %mul3A_368 : f32 to vector<16xf32>
    %mul3A_370 = arith.mulf %add3A_367, %mul3A_369 : vector<16xf32>
    %convert_element_type3A_371 = arith.fptosi %mul3A_370 : vector<16xf32> to vector<16xi32>
    %jit3A_372 = arith.constant 0 : i32
    %jit3A_373 = arith.constant 63 : i32
    %max3A_374 = vector.broadcast %jit3A_372 : i32 to vector<16xi32>
    %max3A_375 = arith.maxsi %max3A_374, %convert_element_type3A_371 : vector<16xi32>
    %min3A_376 = vector.broadcast %jit3A_373 : i32 to vector<16xi32>
    %min3A_377 = arith.minsi %min3A_376, %max3A_375 : vector<16xi32>
    %mul3A_378 = arith.constant 4096 : i32
    %mul3A_379 = vector.broadcast %mul3A_378 : i32 to vector<16xi32>
    %mul3A_380 = arith.muli %min3A_351, %mul3A_379 : vector<16xi32>
    %mul3A_381 = arith.constant 64 : i32
    %mul3A_382 = vector.broadcast %mul3A_381 : i32 to vector<16xi32>
    %mul3A_383 = arith.muli %min3A_364, %mul3A_382 : vector<16xi32>
    %add3A_384 = arith.addi %mul3A_380, %mul3A_383 : vector<16xi32>
    %add3A_385 = arith.addi %add3A_384, %min3A_377 : vector<16xi32>
    %add3A_386 = arith.constant 64 : i32
    %add3A_387 = vector.broadcast %add3A_386 : i32 to vector<16xi32>
    %add3A_388 = arith.addi %iota3A, %add3A_387 : vector<16xi32>
    %mul3A_389 = arith.constant 640 : i32
    %mul3A_390 = arith.muli %arg1, %mul3A_389 : i32
    %add3A_391 = vector.broadcast %mul3A_390 : i32 to vector<16xi32>
    %add3A_392 = arith.addi %add3A_388, %add3A_391 : vector<16xi32>
    %lt3A_393 = arith.constant 10000 : i32
    %lt3A_394 = vector.broadcast %lt3A_393 : i32 to vector<16xi32>
    %lt3A_395 = arith.cmpi slt, %add3A_392, %lt3A_394 : vector<16xi32>
    %jit3A_396 = arith.constant 1.000000e+00 : f32
    %jit3A_397 = arith.constant 0.000000e+00 : f32
    %broadcast_in_dim3A_398 = vector.broadcast %jit3A_396 : f32 to vector<16xf32>
    %broadcast_in_dim3A_399 = vector.broadcast %jit3A_397 : f32 to vector<16xf32>
    %select_n3A_400 = arith.select %lt3A_395, %broadcast_in_dim3A_398, %broadcast_in_dim3A_399 : vector<16xi1>, vector<16xf32>
    %swap3A_401 = arith.constant 0 : i32
    %swap3A_402 = arith.index_cast %swap3A_401 : i32 to index
    %swap3A_403 = arith.constant 64 : index
    %swap3A_404 = tpu.vector_load %arg10[%swap3A_402, %swap3A_403] {strides = array<i32>} : memref<5x128xi32, #tpu.memory_space<vmem>>, vector<1x16xi32>,
    %swap3A_405 = vector.shape_cast %swap3A_404 : vector<1x16xi32> to vector<16xi32>
    %swap3A_406 = vector.shape_cast %add3A_385 : vector<16xi32> to vector<1x16xi32>
    tpu.vector_store %arg10[%swap3A_402, %swap3A_403], %swap3A_406 {strides = array<i32>} : memref<5x128xi32, #tpu.memory_space<vmem>>, vector<1x16xi32>,
    %swap3A_407 = arith.constant 0 : i32
    %swap3A_408 = arith.index_cast %swap3A_407 : i32 to index
    %swap3A_409 = arith.constant 64 : index
    %swap3A_410 = tpu.vector_load %arg11[%swap3A_408, %swap3A_409] {strides = array<i32>} : memref<5x128xf32, #tpu.memory_space<vmem>>, vector<1x16xf32>,
    %swap3A_411 = vector.shape_cast %swap3A_410 : vector<1x16xf32> to vector<16xf32>
    %swap3A_412 = vector.shape_cast %select_n3A_400 : vector<16xf32> to vector<1x16xf32>
    tpu.vector_store %arg11[%swap3A_408, %swap3A_409], %swap3A_412 {strides = array<i32>} : memref<5x128xf32, #tpu.memory_space<vmem>>, vector<1x16xf32>,
    %get3A_413 = arith.constant 80 : index
    %get3A_414 = tpu.vector_load %arg7[%get3A_413] {strides = array<i32>} : memref<640xf32, #tpu.memory_space<vmem>>, vector<16xf32>,
    %get3A_415 = vector.shape_cast %get3A_414 : vector<16xf32> to vector<16xf32>
    %get3A_416 = arith.constant 80 : index
    %get3A_417 = tpu.vector_load %arg8[%get3A_416] {strides = array<i32>} : memref<640xf32, #tpu.memory_space<vmem>>, vector<16xf32>,
    %get3A_418 = vector.shape_cast %get3A_417 : vector<16xf32> to vector<16xf32>
    %get3A_419 = arith.constant 80 : index
    %get3A_420 = tpu.vector_load %arg9[%get3A_419] {strides = array<i32>} : memref<640xf32, #tpu.memory_space<vmem>>, vector<16xf32>,
    %get3A_421 = vector.shape_cast %get3A_420 : vector<16xf32> to vector<16xf32>
    %add3A_422 = arith.constant 2.000000e+00 : f32
    %add3A_423 = vector.broadcast %add3A_422 : f32 to vector<16xf32>
    %add3A_424 = arith.addf %get3A_415, %add3A_423 : vector<16xf32>
    %mul3A_425 = arith.constant 1.600000e+01 : f32
    %mul3A_426 = vector.broadcast %mul3A_425 : f32 to vector<16xf32>
    %mul3A_427 = arith.mulf %add3A_424, %mul3A_426 : vector<16xf32>
    %convert_element_type3A_428 = arith.fptosi %mul3A_427 : vector<16xf32> to vector<16xi32>
    %jit3A_429 = arith.constant 0 : i32
    %jit3A_430 = arith.constant 63 : i32
    %max3A_431 = vector.broadcast %jit3A_429 : i32 to vector<16xi32>
    %max3A_432 = arith.maxsi %max3A_431, %convert_element_type3A_428 : vector<16xi32>
    %min3A_433 = vector.broadcast %jit3A_430 : i32 to vector<16xi32>
    %min3A_434 = arith.minsi %min3A_433, %max3A_432 : vector<16xi32>
    %add3A_435 = arith.constant 2.000000e+00 : f32
    %add3A_436 = vector.broadcast %add3A_435 : f32 to vector<16xf32>
    %add3A_437 = arith.addf %get3A_418, %add3A_436 : vector<16xf32>
    %mul3A_438 = arith.constant 1.600000e+01 : f32
    %mul3A_439 = vector.broadcast %mul3A_438 : f32 to vector<16xf32>
    %mul3A_440 = arith.mulf %add3A_437, %mul3A_439 : vector<16xf32>
    %convert_element_type3A_441 = arith.fptosi %mul3A_440 : vector<16xf32> to vector<16xi32>
    %jit3A_442 = arith.constant 0 : i32
    %jit3A_443 = arith.constant 63 : i32
    %max3A_444 = vector.broadcast %jit3A_442 : i32 to vector<16xi32>
    %max3A_445 = arith.maxsi %max3A_444, %convert_element_type3A_441 : vector<16xi32>
    %min3A_446 = vector.broadcast %jit3A_443 : i32 to vector<16xi32>
    %min3A_447 = arith.minsi %min3A_446, %max3A_445 : vector<16xi32>
    %add3A_448 = arith.constant 2.000000e+00 : f32
    %add3A_449 = vector.broadcast %add3A_448 : f32 to vector<16xf32>
    %add3A_450 = arith.addf %get3A_421, %add3A_449 : vector<16xf32>
    %mul3A_451 = arith.constant 1.600000e+01 : f32
    %mul3A_452 = vector.broadcast %mul3A_451 : f32 to vector<16xf32>
    %mul3A_453 = arith.mulf %add3A_450, %mul3A_452 : vector<16xf32>
    %convert_element_type3A_454 = arith.fptosi %mul3A_453 : vector<16xf32> to vector<16xi32>
    %jit3A_455 = arith.constant 0 : i32
    %jit3A_456 = arith.constant 63 : i32
    %max3A_457 = vector.broadcast %jit3A_455 : i32 to vector<16xi32>
    %max3A_458 = arith.maxsi %max3A_457, %convert_element_type3A_454 : vector<16xi32>
    %min3A_459 = vector.broadcast %jit3A_456 : i32 to vector<16xi32>
    %min3A_460 = arith.minsi %min3A_459, %max3A_458 : vector<16xi32>
    %mul3A_461 = arith.constant 4096 : i32
    %mul3A_462 = vector.broadcast %mul3A_461 : i32 to vector<16xi32>
    %mul3A_463 = arith.muli %min3A_434, %mul3A_462 : vector<16xi32>
    %mul3A_464 = arith.constant 64 : i32
    %mul3A_465 = vector.broadcast %mul3A_464 : i32 to vector<16xi32>
    %mul3A_466 = arith.muli %min3A_447, %mul3A_465 : vector<16xi32>
    %add3A_467 = arith.addi %mul3A_463, %mul3A_466 : vector<16xi32>
    %add3A_468 = arith.addi %add3A_467, %min3A_460 : vector<16xi32>
    %add3A_469 = arith.constant 80 : i32
    %add3A_470 = vector.broadcast %add3A_469 : i32 to vector<16xi32>
    %add3A_471 = arith.addi %iota3A, %add3A_470 : vector<16xi32>
    %mul3A_472 = arith.constant 640 : i32
    %mul3A_473 = arith.muli %arg1, %mul3A_472 : i32
    %add3A_474 = vector.broadcast %mul3A_473 : i32 to vector<16xi32>
    %add3A_475 = arith.addi %add3A_471, %add3A_474 : vector<16xi32>
    %lt3A_476 = arith.constant 10000 : i32
    %lt3A_477 = vector.broadcast %lt3A_476 : i32 to vector<16xi32>
    %lt3A_478 = arith.cmpi slt, %add3A_475, %lt3A_477 : vector<16xi32>
    %jit3A_479 = arith.constant 1.000000e+00 : f32
    %jit3A_480 = arith.constant 0.000000e+00 : f32
    %broadcast_in_dim3A_481 = vector.broadcast %jit3A_479 : f32 to vector<16xf32>
    %broadcast_in_dim3A_482 = vector.broadcast %jit3A_480 : f32 to vector<16xf32>
    %select_n3A_483 = arith.select %lt3A_478, %broadcast_in_dim3A_481, %broadcast_in_dim3A_482 : vector<16xi1>, vector<16xf32>
    %swap3A_484 = arith.constant 0 : i32
    %swap3A_485 = arith.index_cast %swap3A_484 : i32 to index
    %swap3A_486 = arith.constant 80 : index
    %swap3A_487 = tpu.vector_load %arg10[%swap3A_485, %swap3A_486] {strides = array<i32>} : memref<5x128xi32, #tpu.memory_space<vmem>>, vector<1x16xi32>,
    %swap3A_488 = vector.shape_cast %swap3A_487 : vector<1x16xi32> to vector<16xi32>
    %swap3A_489 = vector.shape_cast %add3A_468 : vector<16xi32> to vector<1x16xi32>
    tpu.vector_store %arg10[%swap3A_485, %swap3A_486], %swap3A_489 {strides = array<i32>} : memref<5x128xi32, #tpu.memory_space<vmem>>, vector<1x16xi32>,
    %swap3A_490 = arith.constant 0 : i32
    %swap3A_491 = arith.index_cast %swap3A_490 : i32 to index
    %swap3A_492 = arith.constant 80 : index
    %swap3A_493 = tpu.vector_load %arg11[%swap3A_491, %swap3A_492] {strides = array<i32>} : memref<5x128xf32, #tpu.memory_space<vmem>>, vector<1x16xf32>,
    %swap3A_494 = vector.shape_cast %swap3A_493 : vector<1x16xf32> to vector<16xf32>
    %swap3A_495 = vector.shape_cast %select_n3A_483 : vector<16xf32> to vector<1x16xf32>
    tpu.vector_store %arg11[%swap3A_491, %swap3A_492], %swap3A_495 {strides = array<i32>} : memref<5x128xf32, #tpu.memory_space<vmem>>, vector<1x16xf32>,
    %get3A_496 = arith.constant 96 : index
    %get3A_497 = tpu.vector_load %arg7[%get3A_496] {strides = array<i32>} : memref<640xf32, #tpu.memory_space<vmem>>, vector<16xf32>,
    %get3A_498 = vector.shape_cast %get3A_497 : vector<16xf32> to vector<16xf32>
    %get3A_499 = arith.constant 96 : index
    %get3A_500 = tpu.vector_load %arg8[%get3A_499] {strides = array<i32>} : memref<640xf32, #tpu.memory_space<vmem>>, vector<16xf32>,
    %get3A_501 = vector.shape_cast %get3A_500 : vector<16xf32> to vector<16xf32>
    %get3A_502 = arith.constant 96 : index
    %get3A_503 = tpu.vector_load %arg9[%get3A_502] {strides = array<i32>} : memref<640xf32, #tpu.memory_space<vmem>>, vector<16xf32>,
    %get3A_504 = vector.shape_cast %get3A_503 : vector<16xf32> to vector<16xf32>
    %add3A_505 = arith.constant 2.000000e+00 : f32
    %add3A_506 = vector.broadcast %add3A_505 : f32 to vector<16xf32>
    %add3A_507 = arith.addf %get3A_498, %add3A_506 : vector<16xf32>
    %mul3A_508 = arith.constant 1.600000e+01 : f32
    %mul3A_509 = vector.broadcast %mul3A_508 : f32 to vector<16xf32>
    %mul3A_510 = arith.mulf %add3A_507, %mul3A_509 : vector<16xf32>
    %convert_element_type3A_511 = arith.fptosi %mul3A_510 : vector<16xf32> to vector<16xi32>
    %jit3A_512 = arith.constant 0 : i32
    %jit3A_513 = arith.constant 63 : i32
    %max3A_514 = vector.broadcast %jit3A_512 : i32 to vector<16xi32>
    %max3A_515 = arith.maxsi %max3A_514, %convert_element_type3A_511 : vector<16xi32>
    %min3A_516 = vector.broadcast %jit3A_513 : i32 to vector<16xi32>
    %min3A_517 = arith.minsi %min3A_516, %max3A_515 : vector<16xi32>
    %add3A_518 = arith.constant 2.000000e+00 : f32
    %add3A_519 = vector.broadcast %add3A_518 : f32 to vector<16xf32>
    %add3A_520 = arith.addf %get3A_501, %add3A_519 : vector<16xf32>
    %mul3A_521 = arith.constant 1.600000e+01 : f32
    %mul3A_522 = vector.broadcast %mul3A_521 : f32 to vector<16xf32>
    %mul3A_523 = arith.mulf %add3A_520, %mul3A_522 : vector<16xf32>
    %convert_element_type3A_524 = arith.fptosi %mul3A_523 : vector<16xf32> to vector<16xi32>
    %jit3A_525 = arith.constant 0 : i32
    %jit3A_526 = arith.constant 63 : i32
    %max3A_527 = vector.broadcast %jit3A_525 : i32 to vector<16xi32>
    %max3A_528 = arith.maxsi %max3A_527, %convert_element_type3A_524 : vector<16xi32>
    %min3A_529 = vector.broadcast %jit3A_526 : i32 to vector<16xi32>
    %min3A_530 = arith.minsi %min3A_529, %max3A_528 : vector<16xi32>
    %add3A_531 = arith.constant 2.000000e+00 : f32
    %add3A_532 = vector.broadcast %add3A_531 : f32 to vector<16xf32>
    %add3A_533 = arith.addf %get3A_504, %add3A_532 : vector<16xf32>
    %mul3A_534 = arith.constant 1.600000e+01 : f32
    %mul3A_535 = vector.broadcast %mul3A_534 : f32 to vector<16xf32>
    %mul3A_536 = arith.mulf %add3A_533, %mul3A_535 : vector<16xf32>
    %convert_element_type3A_537 = arith.fptosi %mul3A_536 : vector<16xf32> to vector<16xi32>
    %jit3A_538 = arith.constant 0 : i32
    %jit3A_539 = arith.constant 63 : i32
    %max3A_540 = vector.broadcast %jit3A_538 : i32 to vector<16xi32>
    %max3A_541 = arith.maxsi %max3A_540, %convert_element_type3A_537 : vector<16xi32>
    %min3A_542 = vector.broadcast %jit3A_539 : i32 to vector<16xi32>
    %min3A_543 = arith.minsi %min3A_542, %max3A_541 : vector<16xi32>
    %mul3A_544 = arith.constant 4096 : i32
    %mul3A_545 = vector.broadcast %mul3A_544 : i32 to vector<16xi32>
    %mul3A_546 = arith.muli %min3A_517, %mul3A_545 : vector<16xi32>
    %mul3A_547 = arith.constant 64 : i32
    %mul3A_548 = vector.broadcast %mul3A_547 : i32 to vector<16xi32>
    %mul3A_549 = arith.muli %min3A_530, %mul3A_548 : vector<16xi32>
    %add3A_550 = arith.addi %mul3A_546, %mul3A_549 : vector<16xi32>
    %add3A_551 = arith.addi %add3A_550, %min3A_543 : vector<16xi32>
    %add3A_552 = arith.constant 96 : i32
    %add3A_553 = vector.broadcast %add3A_552 : i32 to vector<16xi32>
    %add3A_554 = arith.addi %iota3A, %add3A_553 : vector<16xi32>
    %mul3A_555 = arith.constant 640 : i32
    %mul3A_556 = arith.muli %arg1, %mul3A_555 : i32
    %add3A_557 = vector.broadcast %mul3A_556 : i32 to vector<16xi32>
    %add3A_558 = arith.addi %add3A_554, %add3A_557 : vector<16xi32>
    %lt3A_559 = arith.constant 10000 : i32
    %lt3A_560 = vector.broadcast %lt3A_559 : i32 to vector<16xi32>
    %lt3A_561 = arith.cmpi slt, %add3A_558, %lt3A_560 : vector<16xi32>
    %jit3A_562 = arith.constant 1.000000e+00 : f32
    %jit3A_563 = arith.constant 0.000000e+00 : f32
    %broadcast_in_dim3A_564 = vector.broadcast %jit3A_562 : f32 to vector<16xf32>
    %broadcast_in_dim3A_565 = vector.broadcast %jit3A_563 : f32 to vector<16xf32>
    %select_n3A_566 = arith.select %lt3A_561, %broadcast_in_dim3A_564, %broadcast_in_dim3A_565 : vector<16xi1>, vector<16xf32>
    %swap3A_567 = arith.constant 0 : i32
    %swap3A_568 = arith.index_cast %swap3A_567 : i32 to index
    %swap3A_569 = arith.constant 96 : index
    %swap3A_570 = tpu.vector_load %arg10[%swap3A_568, %swap3A_569] {strides = array<i32>} : memref<5x128xi32, #tpu.memory_space<vmem>>, vector<1x16xi32>,
    %swap3A_571 = vector.shape_cast %swap3A_570 : vector<1x16xi32> to vector<16xi32>
    %swap3A_572 = vector.shape_cast %add3A_551 : vector<16xi32> to vector<1x16xi32>
    tpu.vector_store %arg10[%swap3A_568, %swap3A_569], %swap3A_572 {strides = array<i32>} : memref<5x128xi32, #tpu.memory_space<vmem>>, vector<1x16xi32>,
    %swap3A_573 = arith.constant 0 : i32
    %swap3A_574 = arith.index_cast %swap3A_573 : i32 to index
    %swap3A_575 = arith.constant 96 : index
    %swap3A_576 = tpu.vector_load %arg11[%swap3A_574, %swap3A_575] {strides = array<i32>} : memref<5x128xf32, #tpu.memory_space<vmem>>, vector<1x16xf32>,
    %swap3A_577 = vector.shape_cast %swap3A_576 : vector<1x16xf32> to vector<16xf32>
    %swap3A_578 = vector.shape_cast %select_n3A_566 : vector<16xf32> to vector<1x16xf32>
    tpu.vector_store %arg11[%swap3A_574, %swap3A_575], %swap3A_578 {strides = array<i32>} : memref<5x128xf32, #tpu.memory_space<vmem>>, vector<1x16xf32>,
    %get3A_579 = arith.constant 112 : index
    %get3A_580 = tpu.vector_load %arg7[%get3A_579] {strides = array<i32>} : memref<640xf32, #tpu.memory_space<vmem>>, vector<16xf32>,
    %get3A_581 = vector.shape_cast %get3A_580 : vector<16xf32> to vector<16xf32>
    %get3A_582 = arith.constant 112 : index
    %get3A_583 = tpu.vector_load %arg8[%get3A_582] {strides = array<i32>} : memref<640xf32, #tpu.memory_space<vmem>>, vector<16xf32>,
    %get3A_584 = vector.shape_cast %get3A_583 : vector<16xf32> to vector<16xf32>
    %get3A_585 = arith.constant 112 : index
    %get3A_586 = tpu.vector_load %arg9[%get3A_585] {strides = array<i32>} : memref<640xf32, #tpu.memory_space<vmem>>, vector<16xf32>,
    %get3A_587 = vector.shape_cast %get3A_586 : vector<16xf32> to vector<16xf32>
    %add3A_588 = arith.constant 2.000000e+00 : f32
    %add3A_589 = vector.broadcast %add3A_588 : f32 to vector<16xf32>
    %add3A_590 = arith.addf %get3A_581, %add3A_589 : vector<16xf32>
    %mul3A_591 = arith.constant 1.600000e+01 : f32
    %mul3A_592 = vector.broadcast %mul3A_591 : f32 to vector<16xf32>
    %mul3A_593 = arith.mulf %add3A_590, %mul3A_592 : vector<16xf32>
    %convert_element_type3A_594 = arith.fptosi %mul3A_593 : vector<16xf32> to vector<16xi32>
    %jit3A_595 = arith.constant 0 : i32
    %jit3A_596 = arith.constant 63 : i32
    %max3A_597 = vector.broadcast %jit3A_595 : i32 to vector<16xi32>
    %max3A_598 = arith.maxsi %max3A_597, %convert_element_type3A_594 : vector<16xi32>
    %min3A_599 = vector.broadcast %jit3A_596 : i32 to vector<16xi32>
    %min3A_600 = arith.minsi %min3A_599, %max3A_598 : vector<16xi32>
    %add3A_601 = arith.constant 2.000000e+00 : f32
    %add3A_602 = vector.broadcast %add3A_601 : f32 to vector<16xf32>
    %add3A_603 = arith.addf %get3A_584, %add3A_602 : vector<16xf32>
    %mul3A_604 = arith.constant 1.600000e+01 : f32
    %mul3A_605 = vector.broadcast %mul3A_604 : f32 to vector<16xf32>
    %mul3A_606 = arith.mulf %add3A_603, %mul3A_605 : vector<16xf32>
    %convert_element_type3A_607 = arith.fptosi %mul3A_606 : vector<16xf32> to vector<16xi32>
    %jit3A_608 = arith.constant 0 : i32
    %jit3A_609 = arith.constant 63 : i32
    %max3A_610 = vector.broadcast %jit3A_608 : i32 to vector<16xi32>
    %max3A_611 = arith.maxsi %max3A_610, %convert_element_type3A_607 : vector<16xi32>
    %min3A_612 = vector.broadcast %jit3A_609 : i32 to vector<16xi32>
    %min3A_613 = arith.minsi %min3A_612, %max3A_611 : vector<16xi32>
    %add3A_614 = arith.constant 2.000000e+00 : f32
    %add3A_615 = vector.broadcast %add3A_614 : f32 to vector<16xf32>
    %add3A_616 = arith.addf %get3A_587, %add3A_615 : vector<16xf32>
    %mul3A_617 = arith.constant 1.600000e+01 : f32
    %mul3A_618 = vector.broadcast %mul3A_617 : f32 to vector<16xf32>
    %mul3A_619 = arith.mulf %add3A_616, %mul3A_618 : vector<16xf32>
    %convert_element_type3A_620 = arith.fptosi %mul3A_619 : vector<16xf32> to vector<16xi32>
    %jit3A_621 = arith.constant 0 : i32
    %jit3A_622 = arith.constant 63 : i32
    %max3A_623 = vector.broadcast %jit3A_621 : i32 to vector<16xi32>
    %max3A_624 = arith.maxsi %max3A_623, %convert_element_type3A_620 : vector<16xi32>
    %min3A_625 = vector.broadcast %jit3A_622 : i32 to vector<16xi32>
    %min3A_626 = arith.minsi %min3A_625, %max3A_624 : vector<16xi32>
    %mul3A_627 = arith.constant 4096 : i32
    %mul3A_628 = vector.broadcast %mul3A_627 : i32 to vector<16xi32>
    %mul3A_629 = arith.muli %min3A_600, %mul3A_628 : vector<16xi32>
    %mul3A_630 = arith.constant 64 : i32
    %mul3A_631 = vector.broadcast %mul3A_630 : i32 to vector<16xi32>
    %mul3A_632 = arith.muli %min3A_613, %mul3A_631 : vector<16xi32>
    %add3A_633 = arith.addi %mul3A_629, %mul3A_632 : vector<16xi32>
    %add3A_634 = arith.addi %add3A_633, %min3A_626 : vector<16xi32>
    %add3A_635 = arith.constant 112 : i32
    %add3A_636 = vector.broadcast %add3A_635 : i32 to vector<16xi32>
    %add3A_637 = arith.addi %iota3A, %add3A_636 : vector<16xi32>
    %mul3A_638 = arith.constant 640 : i32
    %mul3A_639 = arith.muli %arg1, %mul3A_638 : i32
    %add3A_640 = vector.broadcast %mul3A_639 : i32 to vector<16xi32>
    %add3A_641 = arith.addi %add3A_637, %add3A_640 : vector<16xi32>
    %lt3A_642 = arith.constant 10000 : i32
    %lt3A_643 = vector.broadcast %lt3A_642 : i32 to vector<16xi32>
    %lt3A_644 = arith.cmpi slt, %add3A_641, %lt3A_643 : vector<16xi32>
    %jit3A_645 = arith.constant 1.000000e+00 : f32
    %jit3A_646 = arith.constant 0.000000e+00 : f32
    %broadcast_in_dim3A_647 = vector.broadcast %jit3A_645 : f32 to vector<16xf32>
    %broadcast_in_dim3A_648 = vector.broadcast %jit3A_646 : f32 to vector<16xf32>
    %select_n3A_649 = arith.select %lt3A_644, %broadcast_in_dim3A_647, %broadcast_in_dim3A_648 : vector<16xi1>, vector<16xf32>
    %swap3A_650 = arith.constant 0 : i32
    %swap3A_651 = arith.index_cast %swap3A_650 : i32 to index
    %swap3A_652 = arith.constant 112 : index
    %swap3A_653 = tpu.vector_load %arg10[%swap3A_651, %swap3A_652] {strides = array<i32>} : memref<5x128xi32, #tpu.memory_space<vmem>>, vector<1x16xi32>,
    %swap3A_654 = vector.shape_cast %swap3A_653 : vector<1x16xi32> to vector<16xi32>
    %swap3A_655 = vector.shape_cast %add3A_634 : vector<16xi32> to vector<1x16xi32>
    tpu.vector_store %arg10[%swap3A_651, %swap3A_652], %swap3A_655 {strides = array<i32>} : memref<5x128xi32, #tpu.memory_space<vmem>>, vector<1x16xi32>,
    %swap3A_656 = arith.constant 0 : i32
    %swap3A_657 = arith.index_cast %swap3A_656 : i32 to index
    %swap3A_658 = arith.constant 112 : index
    %swap3A_659 = tpu.vector_load %arg11[%swap3A_657, %swap3A_658] {strides = array<i32>} : memref<5x128xf32, #tpu.memory_space<vmem>>, vector<1x16xf32>,
    %swap3A_660 = vector.shape_cast %swap3A_659 : vector<1x16xf32> to vector<16xf32>
    %swap3A_661 = vector.shape_cast %select_n3A_649 : vector<16xf32> to vector<1x16xf32>
    tpu.vector_store %arg11[%swap3A_657, %swap3A_658], %swap3A_661 {strides = array<i32>} : memref<5x128xf32, #tpu.memory_space<vmem>>, vector<1x16xf32>,
    %get3A_662 = arith.constant 128 : index
    %get3A_663 = tpu.vector_load %arg7[%get3A_662] {strides = array<i32>} : memref<640xf32, #tpu.memory_space<vmem>>, vector<16xf32>,
    %get3A_664 = vector.shape_cast %get3A_663 : vector<16xf32> to vector<16xf32>
    %get3A_665 = arith.constant 128 : index
    %get3A_666 = tpu.vector_load %arg8[%get3A_665] {strides = array<i32>} : memref<640xf32, #tpu.memory_space<vmem>>, vector<16xf32>,
    %get3A_667 = vector.shape_cast %get3A_666 : vector<16xf32> to vector<16xf32>
    %get3A_668 = arith.constant 128 : index
    %get3A_669 = tpu.vector_load %arg9[%get3A_668] {strides = array<i32>} : memref<640xf32, #tpu.memory_space<vmem>>, vector<16xf32>,
    %get3A_670 = vector.shape_cast %get3A_669 : vector<16xf32> to vector<16xf32>
    %add3A_671 = arith.constant 2.000000e+00 : f32
    %add3A_672 = vector.broadcast %add3A_671 : f32 to vector<16xf32>
    %add3A_673 = arith.addf %get3A_664, %add3A_672 : vector<16xf32>
    %mul3A_674 = arith.constant 1.600000e+01 : f32
    %mul3A_675 = vector.broadcast %mul3A_674 : f32 to vector<16xf32>
    %mul3A_676 = arith.mulf %add3A_673, %mul3A_675 : vector<16xf32>
    %convert_element_type3A_677 = arith.fptosi %mul3A_676 : vector<16xf32> to vector<16xi32>
    %jit3A_678 = arith.constant 0 : i32
    %jit3A_679 = arith.constant 63 : i32
    %max3A_680 = vector.broadcast %jit3A_678 : i32 to vector<16xi32>
    %max3A_681 = arith.maxsi %max3A_680, %convert_element_type3A_677 : vector<16xi32>
    %min3A_682 = vector.broadcast %jit3A_679 : i32 to vector<16xi32>
    %min3A_683 = arith.minsi %min3A_682, %max3A_681 : vector<16xi32>
    %add3A_684 = arith.constant 2.000000e+00 : f32
    %add3A_685 = vector.broadcast %add3A_684 : f32 to vector<16xf32>
    %add3A_686 = arith.addf %get3A_667, %add3A_685 : vector<16xf32>
    %mul3A_687 = arith.constant 1.600000e+01 : f32
    %mul3A_688 = vector.broadcast %mul3A_687 : f32 to vector<16xf32>
    %mul3A_689 = arith.mulf %add3A_686, %mul3A_688 : vector<16xf32>
    %convert_element_type3A_690 = arith.fptosi %mul3A_689 : vector<16xf32> to vector<16xi32>
    %jit3A_691 = arith.constant 0 : i32
    %jit3A_692 = arith.constant 63 : i32
    %max3A_693 = vector.broadcast %jit3A_691 : i32 to vector<16xi32>
    %max3A_694 = arith.maxsi %max3A_693, %convert_element_type3A_690 : vector<16xi32>
    %min3A_695 = vector.broadcast %jit3A_692 : i32 to vector<16xi32>
    %min3A_696 = arith.minsi %min3A_695, %max3A_694 : vector<16xi32>
    %add3A_697 = arith.constant 2.000000e+00 : f32
    %add3A_698 = vector.broadcast %add3A_697 : f32 to vector<16xf32>
    %add3A_699 = arith.addf %get3A_670, %add3A_698 : vector<16xf32>
    %mul3A_700 = arith.constant 1.600000e+01 : f32
    %mul3A_701 = vector.broadcast %mul3A_700 : f32 to vector<16xf32>
    %mul3A_702 = arith.mulf %add3A_699, %mul3A_701 : vector<16xf32>
    %convert_element_type3A_703 = arith.fptosi %mul3A_702 : vector<16xf32> to vector<16xi32>
    %jit3A_704 = arith.constant 0 : i32
    %jit3A_705 = arith.constant 63 : i32
    %max3A_706 = vector.broadcast %jit3A_704 : i32 to vector<16xi32>
    %max3A_707 = arith.maxsi %max3A_706, %convert_element_type3A_703 : vector<16xi32>
    %min3A_708 = vector.broadcast %jit3A_705 : i32 to vector<16xi32>
    %min3A_709 = arith.minsi %min3A_708, %max3A_707 : vector<16xi32>
    %mul3A_710 = arith.constant 4096 : i32
    %mul3A_711 = vector.broadcast %mul3A_710 : i32 to vector<16xi32>
    %mul3A_712 = arith.muli %min3A_683, %mul3A_711 : vector<16xi32>
    %mul3A_713 = arith.constant 64 : i32
    %mul3A_714 = vector.broadcast %mul3A_713 : i32 to vector<16xi32>
    %mul3A_715 = arith.muli %min3A_696, %mul3A_714 : vector<16xi32>
    %add3A_716 = arith.addi %mul3A_712, %mul3A_715 : vector<16xi32>
    %add3A_717 = arith.addi %add3A_716, %min3A_709 : vector<16xi32>
    %add3A_718 = arith.constant 128 : i32
    %add3A_719 = vector.broadcast %add3A_718 : i32 to vector<16xi32>
    %add3A_720 = arith.addi %iota3A, %add3A_719 : vector<16xi32>
    %mul3A_721 = arith.constant 640 : i32
    %mul3A_722 = arith.muli %arg1, %mul3A_721 : i32
    %add3A_723 = vector.broadcast %mul3A_722 : i32 to vector<16xi32>
    %add3A_724 = arith.addi %add3A_720, %add3A_723 : vector<16xi32>
    %lt3A_725 = arith.constant 10000 : i32
    %lt3A_726 = vector.broadcast %lt3A_725 : i32 to vector<16xi32>
    %lt3A_727 = arith.cmpi slt, %add3A_724, %lt3A_726 : vector<16xi32>
    %jit3A_728 = arith.constant 1.000000e+00 : f32
    %jit3A_729 = arith.constant 0.000000e+00 : f32
    %broadcast_in_dim3A_730 = vector.broadcast %jit3A_728 : f32 to vector<16xf32>
    %broadcast_in_dim3A_731 = vector.broadcast %jit3A_729 : f32 to vector<16xf32>
    %select_n3A_732 = arith.select %lt3A_727, %broadcast_in_dim3A_730, %broadcast_in_dim3A_731 : vector<16xi1>, vector<16xf32>
    %swap3A_733 = arith.constant 1 : i32
    %swap3A_734 = arith.index_cast %swap3A_733 : i32 to index
    %swap3A_735 = arith.constant 0 : index
    %swap3A_736 = tpu.vector_load %arg10[%swap3A_734, %swap3A_735] {strides = array<i32>} : memref<5x128xi32, #tpu.memory_space<vmem>>, vector<1x16xi32>,
    %swap3A_737 = vector.shape_cast %swap3A_736 : vector<1x16xi32> to vector<16xi32>
    %swap3A_738 = vector.shape_cast %add3A_717 : vector<16xi32> to vector<1x16xi32>
    tpu.vector_store %arg10[%swap3A_734, %swap3A_735], %swap3A_738 {strides = array<i32>} : memref<5x128xi32, #tpu.memory_space<vmem>>, vector<1x16xi32>,
    %swap3A_739 = arith.constant 1 : i32
    %swap3A_740 = arith.index_cast %swap3A_739 : i32 to index
    %swap3A_741 = arith.constant 0 : index
    %swap3A_742 = tpu.vector_load %arg11[%swap3A_740, %swap3A_741] {strides = array<i32>} : memref<5x128xf32, #tpu.memory_space<vmem>>, vector<1x16xf32>,
    %swap3A_743 = vector.shape_cast %swap3A_742 : vector<1x16xf32> to vector<16xf32>
    %swap3A_744 = vector.shape_cast %select_n3A_732 : vector<16xf32> to vector<1x16xf32>
    tpu.vector_store %arg11[%swap3A_740, %swap3A_741], %swap3A_744 {strides = array<i32>} : memref<5x128xf32, #tpu.memory_space<vmem>>, vector<1x16xf32>,
    %get3A_745 = arith.constant 144 : index
    %get3A_746 = tpu.vector_load %arg7[%get3A_745] {strides = array<i32>} : memref<640xf32, #tpu.memory_space<vmem>>, vector<16xf32>,
    %get3A_747 = vector.shape_cast %get3A_746 : vector<16xf32> to vector<16xf32>
    %get3A_748 = arith.constant 144 : index
    %get3A_749 = tpu.vector_load %arg8[%get3A_748] {strides = array<i32>} : memref<640xf32, #tpu.memory_space<vmem>>, vector<16xf32>,
    %get3A_750 = vector.shape_cast %get3A_749 : vector<16xf32> to vector<16xf32>
    %get3A_751 = arith.constant 144 : index
    %get3A_752 = tpu.vector_load %arg9[%get3A_751] {strides = array<i32>} : memref<640xf32, #tpu.memory_space<vmem>>, vector<16xf32>,
    %get3A_753 = vector.shape_cast %get3A_752 : vector<16xf32> to vector<16xf32>
    %add3A_754 = arith.constant 2.000000e+00 : f32
    %add3A_755 = vector.broadcast %add3A_754 : f32 to vector<16xf32>
    %add3A_756 = arith.addf %get3A_747, %add3A_755 : vector<16xf32>
    %mul3A_757 = arith.constant 1.600000e+01 : f32
    %mul3A_758 = vector.broadcast %mul3A_757 : f32 to vector<16xf32>
    %mul3A_759 = arith.mulf %add3A_756, %mul3A_758 : vector<16xf32>
    %convert_element_type3A_760 = arith.fptosi %mul3A_759 : vector<16xf32> to vector<16xi32>
    %jit3A_761 = arith.constant 0 : i32
    %jit3A_762 = arith.constant 63 : i32
    %max3A_763 = vector.broadcast %jit3A_761 : i32 to vector<16xi32>
    %max3A_764 = arith.maxsi %max3A_763, %convert_element_type3A_760 : vector<16xi32>
    %min3A_765 = vector.broadcast %jit3A_762 : i32 to vector<16xi32>
    %min3A_766 = arith.minsi %min3A_765, %max3A_764 : vector<16xi32>
    %add3A_767 = arith.constant 2.000000e+00 : f32
    %add3A_768 = vector.broadcast %add3A_767 : f32 to vector<16xf32>
    %add3A_769 = arith.addf %get3A_750, %add3A_768 : vector<16xf32>
    %mul3A_770 = arith.constant 1.600000e+01 : f32
    %mul3A_771 = vector.broadcast %mul3A_770 : f32 to vector<16xf32>
    %mul3A_772 = arith.mulf %add3A_769, %mul3A_771 : vector<16xf32>
    %convert_element_type3A_773 = arith.fptosi %mul3A_772 : vector<16xf32> to vector<16xi32>
    %jit3A_774 = arith.constant 0 : i32
    %jit3A_775 = arith.constant 63 : i32
    %max3A_776 = vector.broadcast %jit3A_774 : i32 to vector<16xi32>
    %max3A_777 = arith.maxsi %max3A_776, %convert_element_type3A_773 : vector<16xi32>
    %min3A_778 = vector.broadcast %jit3A_775 : i32 to vector<16xi32>
    %min3A_779 = arith.minsi %min3A_778, %max3A_777 : vector<16xi32>
    %add3A_780 = arith.constant 2.000000e+00 : f32
    %add3A_781 = vector.broadcast %add3A_780 : f32 to vector<16xf32>
    %add3A_782 = arith.addf %get3A_753, %add3A_781 : vector<16xf32>
    %mul3A_783 = arith.constant 1.600000e+01 : f32
    %mul3A_784 = vector.broadcast %mul3A_783 : f32 to vector<16xf32>
    %mul3A_785 = arith.mulf %add3A_782, %mul3A_784 : vector<16xf32>
    %convert_element_type3A_786 = arith.fptosi %mul3A_785 : vector<16xf32> to vector<16xi32>
    %jit3A_787 = arith.constant 0 : i32
    %jit3A_788 = arith.constant 63 : i32
    %max3A_789 = vector.broadcast %jit3A_787 : i32 to vector<16xi32>
    %max3A_790 = arith.maxsi %max3A_789, %convert_element_type3A_786 : vector<16xi32>
    %min3A_791 = vector.broadcast %jit3A_788 : i32 to vector<16xi32>
    %min3A_792 = arith.minsi %min3A_791, %max3A_790 : vector<16xi32>
    %mul3A_793 = arith.constant 4096 : i32
    %mul3A_794 = vector.broadcast %mul3A_793 : i32 to vector<16xi32>
    %mul3A_795 = arith.muli %min3A_766, %mul3A_794 : vector<16xi32>
    %mul3A_796 = arith.constant 64 : i32
    %mul3A_797 = vector.broadcast %mul3A_796 : i32 to vector<16xi32>
    %mul3A_798 = arith.muli %min3A_779, %mul3A_797 : vector<16xi32>
    %add3A_799 = arith.addi %mul3A_795, %mul3A_798 : vector<16xi32>
    %add3A_800 = arith.addi %add3A_799, %min3A_792 : vector<16xi32>
    %add3A_801 = arith.constant 144 : i32
    %add3A_802 = vector.broadcast %add3A_801 : i32 to vector<16xi32>
    %add3A_803 = arith.addi %iota3A, %add3A_802 : vector<16xi32>
    %mul3A_804 = arith.constant 640 : i32
    %mul3A_805 = arith.muli %arg1, %mul3A_804 : i32
    %add3A_806 = vector.broadcast %mul3A_805 : i32 to vector<16xi32>
    %add3A_807 = arith.addi %add3A_803, %add3A_806 : vector<16xi32>
    %lt3A_808 = arith.constant 10000 : i32
    %lt3A_809 = vector.broadcast %lt3A_808 : i32 to vector<16xi32>
    %lt3A_810 = arith.cmpi slt, %add3A_807, %lt3A_809 : vector<16xi32>
    %jit3A_811 = arith.constant 1.000000e+00 : f32
    %jit3A_812 = arith.constant 0.000000e+00 : f32
    %broadcast_in_dim3A_813 = vector.broadcast %jit3A_811 : f32 to vector<16xf32>
    %broadcast_in_dim3A_814 = vector.broadcast %jit3A_812 : f32 to vector<16xf32>
    %select_n3A_815 = arith.select %lt3A_810, %broadcast_in_dim3A_813, %broadcast_in_dim3A_814 : vector<16xi1>, vector<16xf32>
    %swap3A_816 = arith.constant 1 : i32
    %swap3A_817 = arith.index_cast %swap3A_816 : i32 to index
    %swap3A_818 = arith.constant 16 : index
    %swap3A_819 = tpu.vector_load %arg10[%swap3A_817, %swap3A_818] {strides = array<i32>} : memref<5x128xi32, #tpu.memory_space<vmem>>, vector<1x16xi32>,
    %swap3A_820 = vector.shape_cast %swap3A_819 : vector<1x16xi32> to vector<16xi32>
    %swap3A_821 = vector.shape_cast %add3A_800 : vector<16xi32> to vector<1x16xi32>
    tpu.vector_store %arg10[%swap3A_817, %swap3A_818], %swap3A_821 {strides = array<i32>} : memref<5x128xi32, #tpu.memory_space<vmem>>, vector<1x16xi32>,
    %swap3A_822 = arith.constant 1 : i32
    %swap3A_823 = arith.index_cast %swap3A_822 : i32 to index
    %swap3A_824 = arith.constant 16 : index
    %swap3A_825 = tpu.vector_load %arg11[%swap3A_823, %swap3A_824] {strides = array<i32>} : memref<5x128xf32, #tpu.memory_space<vmem>>, vector<1x16xf32>,
    %swap3A_826 = vector.shape_cast %swap3A_825 : vector<1x16xf32> to vector<16xf32>
    %swap3A_827 = vector.shape_cast %select_n3A_815 : vector<16xf32> to vector<1x16xf32>
    tpu.vector_store %arg11[%swap3A_823, %swap3A_824], %swap3A_827 {strides = array<i32>} : memref<5x128xf32, #tpu.memory_space<vmem>>, vector<1x16xf32>,
    %get3A_828 = arith.constant 160 : index
    %get3A_829 = tpu.vector_load %arg7[%get3A_828] {strides = array<i32>} : memref<640xf32, #tpu.memory_space<vmem>>, vector<16xf32>,
    %get3A_830 = vector.shape_cast %get3A_829 : vector<16xf32> to vector<16xf32>
    %get3A_831 = arith.constant 160 : index
    %get3A_832 = tpu.vector_load %arg8[%get3A_831] {strides = array<i32>} : memref<640xf32, #tpu.memory_space<vmem>>, vector<16xf32>,
    %get3A_833 = vector.shape_cast %get3A_832 : vector<16xf32> to vector<16xf32>
    %get3A_834 = arith.constant 160 : index
    %get3A_835 = tpu.vector_load %arg9[%get3A_834] {strides = array<i32>} : memref<640xf32, #tpu.memory_space<vmem>>, vector<16xf32>,
    %get3A_836 = vector.shape_cast %get3A_835 : vector<16xf32> to vector<16xf32>
    %add3A_837 = arith.constant 2.000000e+00 : f32
    %add3A_838 = vector.broadcast %add3A_837 : f32 to vector<16xf32>
    %add3A_839 = arith.addf %get3A_830, %add3A_838 : vector<16xf32>
    %mul3A_840 = arith.constant 1.600000e+01 : f32
    %mul3A_841 = vector.broadcast %mul3A_840 : f32 to vector<16xf32>
    %mul3A_842 = arith.mulf %add3A_839, %mul3A_841 : vector<16xf32>
    %convert_element_type3A_843 = arith.fptosi %mul3A_842 : vector<16xf32> to vector<16xi32>
    %jit3A_844 = arith.constant 0 : i32
    %jit3A_845 = arith.constant 63 : i32
    %max3A_846 = vector.broadcast %jit3A_844 : i32 to vector<16xi32>
    %max3A_847 = arith.maxsi %max3A_846, %convert_element_type3A_843 : vector<16xi32>
    %min3A_848 = vector.broadcast %jit3A_845 : i32 to vector<16xi32>
    %min3A_849 = arith.minsi %min3A_848, %max3A_847 : vector<16xi32>
    %add3A_850 = arith.constant 2.000000e+00 : f32
    %add3A_851 = vector.broadcast %add3A_850 : f32 to vector<16xf32>
    %add3A_852 = arith.addf %get3A_833, %add3A_851 : vector<16xf32>
    %mul3A_853 = arith.constant 1.600000e+01 : f32
    %mul3A_854 = vector.broadcast %mul3A_853 : f32 to vector<16xf32>
    %mul3A_855 = arith.mulf %add3A_852, %mul3A_854 : vector<16xf32>
    %convert_element_type3A_856 = arith.fptosi %mul3A_855 : vector<16xf32> to vector<16xi32>
    %jit3A_857 = arith.constant 0 : i32
    %jit3A_858 = arith.constant 63 : i32
    %max3A_859 = vector.broadcast %jit3A_857 : i32 to vector<16xi32>
    %max3A_860 = arith.maxsi %max3A_859, %convert_element_type3A_856 : vector<16xi32>
    %min3A_861 = vector.broadcast %jit3A_858 : i32 to vector<16xi32>
    %min3A_862 = arith.minsi %min3A_861, %max3A_860 : vector<16xi32>
    %add3A_863 = arith.constant 2.000000e+00 : f32
    %add3A_864 = vector.broadcast %add3A_863 : f32 to vector<16xf32>
    %add3A_865 = arith.addf %get3A_836, %add3A_864 : vector<16xf32>
    %mul3A_866 = arith.constant 1.600000e+01 : f32
    %mul3A_867 = vector.broadcast %mul3A_866 : f32 to vector<16xf32>
    %mul3A_868 = arith.mulf %add3A_865, %mul3A_867 : vector<16xf32>
    %convert_element_type3A_869 = arith.fptosi %mul3A_868 : vector<16xf32> to vector<16xi32>
    %jit3A_870 = arith.constant 0 : i32
    %jit3A_871 = arith.constant 63 : i32
    %max3A_872 = vector.broadcast %jit3A_870 : i32 to vector<16xi32>
    %max3A_873 = arith.maxsi %max3A_872, %convert_element_type3A_869 : vector<16xi32>
    %min3A_874 = vector.broadcast %jit3A_871 : i32 to vector<16xi32>
    %min3A_875 = arith.minsi %min3A_874, %max3A_873 : vector<16xi32>
    %mul3A_876 = arith.constant 4096 : i32
    %mul3A_877 = vector.broadcast %mul3A_876 : i32 to vector<16xi32>
    %mul3A_878 = arith.muli %min3A_849, %mul3A_877 : vector<16xi32>
    %mul3A_879 = arith.constant 64 : i32
    %mul3A_880 = vector.broadcast %mul3A_879 : i32 to vector<16xi32>
    %mul3A_881 = arith.muli %min3A_862, %mul3A_880 : vector<16xi32>
    %add3A_882 = arith.addi %mul3A_878, %mul3A_881 : vector<16xi32>
    %add3A_883 = arith.addi %add3A_882, %min3A_875 : vector<16xi32>
    %add3A_884 = arith.constant 160 : i32
    %add3A_885 = vector.broadcast %add3A_884 : i32 to vector<16xi32>
    %add3A_886 = arith.addi %iota3A, %add3A_885 : vector<16xi32>
    %mul3A_887 = arith.constant 640 : i32
    %mul3A_888 = arith.muli %arg1, %mul3A_887 : i32
    %add3A_889 = vector.broadcast %mul3A_888 : i32 to vector<16xi32>
    %add3A_890 = arith.addi %add3A_886, %add3A_889 : vector<16xi32>
    %lt3A_891 = arith.constant 10000 : i32
    %lt3A_892 = vector.broadcast %lt3A_891 : i32 to vector<16xi32>
    %lt3A_893 = arith.cmpi slt, %add3A_890, %lt3A_892 : vector<16xi32>
    %jit3A_894 = arith.constant 1.000000e+00 : f32
    %jit3A_895 = arith.constant 0.000000e+00 : f32
    %broadcast_in_dim3A_896 = vector.broadcast %jit3A_894 : f32 to vector<16xf32>
    %broadcast_in_dim3A_897 = vector.broadcast %jit3A_895 : f32 to vector<16xf32>
    %select_n3A_898 = arith.select %lt3A_893, %broadcast_in_dim3A_896, %broadcast_in_dim3A_897 : vector<16xi1>, vector<16xf32>
    %swap3A_899 = arith.constant 1 : i32
    %swap3A_900 = arith.index_cast %swap3A_899 : i32 to index
    %swap3A_901 = arith.constant 32 : index
    %swap3A_902 = tpu.vector_load %arg10[%swap3A_900, %swap3A_901] {strides = array<i32>} : memref<5x128xi32, #tpu.memory_space<vmem>>, vector<1x16xi32>,
    %swap3A_903 = vector.shape_cast %swap3A_902 : vector<1x16xi32> to vector<16xi32>
    %swap3A_904 = vector.shape_cast %add3A_883 : vector<16xi32> to vector<1x16xi32>
    tpu.vector_store %arg10[%swap3A_900, %swap3A_901], %swap3A_904 {strides = array<i32>} : memref<5x128xi32, #tpu.memory_space<vmem>>, vector<1x16xi32>,
    %swap3A_905 = arith.constant 1 : i32
    %swap3A_906 = arith.index_cast %swap3A_905 : i32 to index
    %swap3A_907 = arith.constant 32 : index
    %swap3A_908 = tpu.vector_load %arg11[%swap3A_906, %swap3A_907] {strides = array<i32>} : memref<5x128xf32, #tpu.memory_space<vmem>>, vector<1x16xf32>,
    %swap3A_909 = vector.shape_cast %swap3A_908 : vector<1x16xf32> to vector<16xf32>
    %swap3A_910 = vector.shape_cast %select_n3A_898 : vector<16xf32> to vector<1x16xf32>
    tpu.vector_store %arg11[%swap3A_906, %swap3A_907], %swap3A_910 {strides = array<i32>} : memref<5x128xf32, #tpu.memory_space<vmem>>, vector<1x16xf32>,
    %get3A_911 = arith.constant 176 : index
    %get3A_912 = tpu.vector_load %arg7[%get3A_911] {strides = array<i32>} : memref<640xf32, #tpu.memory_space<vmem>>, vector<16xf32>,
    %get3A_913 = vector.shape_cast %get3A_912 : vector<16xf32> to vector<16xf32>
    %get3A_914 = arith.constant 176 : index
    %get3A_915 = tpu.vector_load %arg8[%get3A_914] {strides = array<i32>} : memref<640xf32, #tpu.memory_space<vmem>>, vector<16xf32>,
    %get3A_916 = vector.shape_cast %get3A_915 : vector<16xf32> to vector<16xf32>
    %get3A_917 = arith.constant 176 : index
    %get3A_918 = tpu.vector_load %arg9[%get3A_917] {strides = array<i32>} : memref<640xf32, #tpu.memory_space<vmem>>, vector<16xf32>,
    %get3A_919 = vector.shape_cast %get3A_918 : vector<16xf32> to vector<16xf32>
    %add3A_920 = arith.constant 2.000000e+00 : f32
    %add3A_921 = vector.broadcast %add3A_920 : f32 to vector<16xf32>
    %add3A_922 = arith.addf %get3A_913, %add3A_921 : vector<16xf32>
    %mul3A_923 = arith.constant 1.600000e+01 : f32
    %mul3A_924 = vector.broadcast %mul3A_923 : f32 to vector<16xf32>
    %mul3A_925 = arith.mulf %add3A_922, %mul3A_924 : vector<16xf32>
    %convert_element_type3A_926 = arith.fptosi %mul3A_925 : vector<16xf32> to vector<16xi32>
    %jit3A_927 = arith.constant 0 : i32
    %jit3A_928 = arith.constant 63 : i32
    %max3A_929 = vector.broadcast %jit3A_927 : i32 to vector<16xi32>
    %max3A_930 = arith.maxsi %max3A_929, %convert_element_type3A_926 : vector<16xi32>
    %min3A_931 = vector.broadcast %jit3A_928 : i32 to vector<16xi32>
    %min3A_932 = arith.minsi %min3A_931, %max3A_930 : vector<16xi32>
    %add3A_933 = arith.constant 2.000000e+00 : f32
    %add3A_934 = vector.broadcast %add3A_933 : f32 to vector<16xf32>
    %add3A_935 = arith.addf %get3A_916, %add3A_934 : vector<16xf32>
    %mul3A_936 = arith.constant 1.600000e+01 : f32
    %mul3A_937 = vector.broadcast %mul3A_936 : f32 to vector<16xf32>
    %mul3A_938 = arith.mulf %add3A_935, %mul3A_937 : vector<16xf32>
    %convert_element_type3A_939 = arith.fptosi %mul3A_938 : vector<16xf32> to vector<16xi32>
    %jit3A_940 = arith.constant 0 : i32
    %jit3A_941 = arith.constant 63 : i32
    %max3A_942 = vector.broadcast %jit3A_940 : i32 to vector<16xi32>
    %max3A_943 = arith.maxsi %max3A_942, %convert_element_type3A_939 : vector<16xi32>
    %min3A_944 = vector.broadcast %jit3A_941 : i32 to vector<16xi32>
    %min3A_945 = arith.minsi %min3A_944, %max3A_943 : vector<16xi32>
    %add3A_946 = arith.constant 2.000000e+00 : f32
    %add3A_947 = vector.broadcast %add3A_946 : f32 to vector<16xf32>
    %add3A_948 = arith.addf %get3A_919, %add3A_947 : vector<16xf32>
    %mul3A_949 = arith.constant 1.600000e+01 : f32
    %mul3A_950 = vector.broadcast %mul3A_949 : f32 to vector<16xf32>
    %mul3A_951 = arith.mulf %add3A_948, %mul3A_950 : vector<16xf32>
    %convert_element_type3A_952 = arith.fptosi %mul3A_951 : vector<16xf32> to vector<16xi32>
    %jit3A_953 = arith.constant 0 : i32
    %jit3A_954 = arith.constant 63 : i32
    %max3A_955 = vector.broadcast %jit3A_953 : i32 to vector<16xi32>
    %max3A_956 = arith.maxsi %max3A_955, %convert_element_type3A_952 : vector<16xi32>
    %min3A_957 = vector.broadcast %jit3A_954 : i32 to vector<16xi32>
    %min3A_958 = arith.minsi %min3A_957, %max3A_956 : vector<16xi32>
    %mul3A_959 = arith.constant 4096 : i32
    %mul3A_960 = vector.broadcast %mul3A_959 : i32 to vector<16xi32>
    %mul3A_961 = arith.muli %min3A_932, %mul3A_960 : vector<16xi32>
    %mul3A_962 = arith.constant 64 : i32
    %mul3A_963 = vector.broadcast %mul3A_962 : i32 to vector<16xi32>
    %mul3A_964 = arith.muli %min3A_945, %mul3A_963 : vector<16xi32>
    %add3A_965 = arith.addi %mul3A_961, %mul3A_964 : vector<16xi32>
    %add3A_966 = arith.addi %add3A_965, %min3A_958 : vector<16xi32>
    %add3A_967 = arith.constant 176 : i32
    %add3A_968 = vector.broadcast %add3A_967 : i32 to vector<16xi32>
    %add3A_969 = arith.addi %iota3A, %add3A_968 : vector<16xi32>
    %mul3A_970 = arith.constant 640 : i32
    %mul3A_971 = arith.muli %arg1, %mul3A_970 : i32
    %add3A_972 = vector.broadcast %mul3A_971 : i32 to vector<16xi32>
    %add3A_973 = arith.addi %add3A_969, %add3A_972 : vector<16xi32>
    %lt3A_974 = arith.constant 10000 : i32
    %lt3A_975 = vector.broadcast %lt3A_974 : i32 to vector<16xi32>
    %lt3A_976 = arith.cmpi slt, %add3A_973, %lt3A_975 : vector<16xi32>
    %jit3A_977 = arith.constant 1.000000e+00 : f32
    %jit3A_978 = arith.constant 0.000000e+00 : f32
    %broadcast_in_dim3A_979 = vector.broadcast %jit3A_977 : f32 to vector<16xf32>
    %broadcast_in_dim3A_980 = vector.broadcast %jit3A_978 : f32 to vector<16xf32>
    %select_n3A_981 = arith.select %lt3A_976, %broadcast_in_dim3A_979, %broadcast_in_dim3A_980 : vector<16xi1>, vector<16xf32>
    %swap3A_982 = arith.constant 1 : i32
    %swap3A_983 = arith.index_cast %swap3A_982 : i32 to index
    %swap3A_984 = arith.constant 48 : index
    %swap3A_985 = tpu.vector_load %arg10[%swap3A_983, %swap3A_984] {strides = array<i32>} : memref<5x128xi32, #tpu.memory_space<vmem>>, vector<1x16xi32>,
    %swap3A_986 = vector.shape_cast %swap3A_985 : vector<1x16xi32> to vector<16xi32>
    %swap3A_987 = vector.shape_cast %add3A_966 : vector<16xi32> to vector<1x16xi32>
    tpu.vector_store %arg10[%swap3A_983, %swap3A_984], %swap3A_987 {strides = array<i32>} : memref<5x128xi32, #tpu.memory_space<vmem>>, vector<1x16xi32>,
    %swap3A_988 = arith.constant 1 : i32
    %swap3A_989 = arith.index_cast %swap3A_988 : i32 to index
    %swap3A_990 = arith.constant 48 : index
    %swap3A_991 = tpu.vector_load %arg11[%swap3A_989, %swap3A_990] {strides = array<i32>} : memref<5x128xf32, #tpu.memory_space<vmem>>, vector<1x16xf32>,
    %swap3A_992 = vector.shape_cast %swap3A_991 : vector<1x16xf32> to vector<16xf32>
    %swap3A_993 = vector.shape_cast %select_n3A_981 : vector<16xf32> to vector<1x16xf32>
    tpu.vector_store %arg11[%swap3A_989, %swap3A_990], %swap3A_993 {strides = array<i32>} : memref<5x128xf32, #tpu.memory_space<vmem>>, vector<1x16xf32>,
    %get3A_994 = arith.constant 192 : index
    %get3A_995 = tpu.vector_load %arg7[%get3A_994] {strides = array<i32>} : memref<640xf32, #tpu.memory_space<vmem>>, vector<16xf32>,
    %get3A_996 = vector.shape_cast %get3A_995 : vector<16xf32> to vector<16xf32>
    %get3A_997 = arith.constant 192 : index
    %get3A_998 = tpu.vector_load %arg8[%get3A_997] {strides = array<i32>} : memref<640xf32, #tpu.memory_space<vmem>>, vector<16xf32>,
    %get3A_999 = vector.shape_cast %get3A_998 : vector<16xf32> to vector<16xf32>
    %get3A_1000 = arith.constant 192 : index
    %get3A_1001 = tpu.vector_load %arg9[%get3A_1000] {strides = array<i32>} : memref<640xf32, #tpu.memory_space<vmem>>, vector<16xf32>,
    %get3A_1002 = vector.shape_cast %get3A_1001 : vector<16xf32> to vector<16xf32>
    %add3A_1003 = arith.constant 2.000000e+00 : f32
    %add3A_1004 = vector.broadcast %add3A_1003 : f32 to vector<16xf32>
    %add3A_1005 = arith.addf %get3A_996, %add3A_1004 : vector<16xf32>
    %mul3A_1006 = arith.constant 1.600000e+01 : f32
    %mul3A_1007 = vector.broadcast %mul3A_1006 : f32 to vector<16xf32>
    %mul3A_1008 = arith.mulf %add3A_1005, %mul3A_1007 : vector<16xf32>
    %convert_element_type3A_1009 = arith.fptosi %mul3A_1008 : vector<16xf32> to vector<16xi32>
    %jit3A_1010 = arith.constant 0 : i32
    %jit3A_1011 = arith.constant 63 : i32
    %max3A_1012 = vector.broadcast %jit3A_1010 : i32 to vector<16xi32>
    %max3A_1013 = arith.maxsi %max3A_1012, %convert_element_type3A_1009 : vector<16xi32>
    %min3A_1014 = vector.broadcast %jit3A_1011 : i32 to vector<16xi32>
    %min3A_1015 = arith.minsi %min3A_1014, %max3A_1013 : vector<16xi32>
    %add3A_1016 = arith.constant 2.000000e+00 : f32
    %add3A_1017 = vector.broadcast %add3A_1016 : f32 to vector<16xf32>
    %add3A_1018 = arith.addf %get3A_999, %add3A_1017 : vector<16xf32>
    %mul3A_1019 = arith.constant 1.600000e+01 : f32
    %mul3A_1020 = vector.broadcast %mul3A_1019 : f32 to vector<16xf32>
    %mul3A_1021 = arith.mulf %add3A_1018, %mul3A_1020 : vector<16xf32>
    %convert_element_type3A_1022 = arith.fptosi %mul3A_1021 : vector<16xf32> to vector<16xi32>
    %jit3A_1023 = arith.constant 0 : i32
    %jit3A_1024 = arith.constant 63 : i32
    %max3A_1025 = vector.broadcast %jit3A_1023 : i32 to vector<16xi32>
    %max3A_1026 = arith.maxsi %max3A_1025, %convert_element_type3A_1022 : vector<16xi32>
    %min3A_1027 = vector.broadcast %jit3A_1024 : i32 to vector<16xi32>
    %min3A_1028 = arith.minsi %min3A_1027, %max3A_1026 : vector<16xi32>
    %add3A_1029 = arith.constant 2.000000e+00 : f32
    %add3A_1030 = vector.broadcast %add3A_1029 : f32 to vector<16xf32>
    %add3A_1031 = arith.addf %get3A_1002, %add3A_1030 : vector<16xf32>
    %mul3A_1032 = arith.constant 1.600000e+01 : f32
    %mul3A_1033 = vector.broadcast %mul3A_1032 : f32 to vector<16xf32>
    %mul3A_1034 = arith.mulf %add3A_1031, %mul3A_1033 : vector<16xf32>
    %convert_element_type3A_1035 = arith.fptosi %mul3A_1034 : vector<16xf32> to vector<16xi32>
    %jit3A_1036 = arith.constant 0 : i32
    %jit3A_1037 = arith.constant 63 : i32
    %max3A_1038 = vector.broadcast %jit3A_1036 : i32 to vector<16xi32>
    %max3A_1039 = arith.maxsi %max3A_1038, %convert_element_type3A_1035 : vector<16xi32>
    %min3A_1040 = vector.broadcast %jit3A_1037 : i32 to vector<16xi32>
    %min3A_1041 = arith.minsi %min3A_1040, %max3A_1039 : vector<16xi32>
    %mul3A_1042 = arith.constant 4096 : i32
    %mul3A_1043 = vector.broadcast %mul3A_1042 : i32 to vector<16xi32>
    %mul3A_1044 = arith.muli %min3A_1015, %mul3A_1043 : vector<16xi32>
    %mul3A_1045 = arith.constant 64 : i32
    %mul3A_1046 = vector.broadcast %mul3A_1045 : i32 to vector<16xi32>
    %mul3A_1047 = arith.muli %min3A_1028, %mul3A_1046 : vector<16xi32>
    %add3A_1048 = arith.addi %mul3A_1044, %mul3A_1047 : vector<16xi32>
    %add3A_1049 = arith.addi %add3A_1048, %min3A_1041 : vector<16xi32>
    %add3A_1050 = arith.constant 192 : i32
    %add3A_1051 = vector.broadcast %add3A_1050 : i32 to vector<16xi32>
    %add3A_1052 = arith.addi %iota3A, %add3A_1051 : vector<16xi32>
    %mul3A_1053 = arith.constant 640 : i32
    %mul3A_1054 = arith.muli %arg1, %mul3A_1053 : i32
    %add3A_1055 = vector.broadcast %mul3A_1054 : i32 to vector<16xi32>
    %add3A_1056 = arith.addi %add3A_1052, %add3A_1055 : vector<16xi32>
    %lt3A_1057 = arith.constant 10000 : i32
    %lt3A_1058 = vector.broadcast %lt3A_1057 : i32 to vector<16xi32>
    %lt3A_1059 = arith.cmpi slt, %add3A_1056, %lt3A_1058 : vector<16xi32>
    %jit3A_1060 = arith.constant 1.000000e+00 : f32
    %jit3A_1061 = arith.constant 0.000000e+00 : f32
    %broadcast_in_dim3A_1062 = vector.broadcast %jit3A_1060 : f32 to vector<16xf32>
    %broadcast_in_dim3A_1063 = vector.broadcast %jit3A_1061 : f32 to vector<16xf32>
    %select_n3A_1064 = arith.select %lt3A_1059, %broadcast_in_dim3A_1062, %broadcast_in_dim3A_1063 : vector<16xi1>, vector<16xf32>
    %swap3A_1065 = arith.constant 1 : i32
    %swap3A_1066 = arith.index_cast %swap3A_1065 : i32 to index
    %swap3A_1067 = arith.constant 64 : index
    %swap3A_1068 = tpu.vector_load %arg10[%swap3A_1066, %swap3A_1067] {strides = array<i32>} : memref<5x128xi32, #tpu.memory_space<vmem>>, vector<1x16xi32>,
    %swap3A_1069 = vector.shape_cast %swap3A_1068 : vector<1x16xi32> to vector<16xi32>
    %swap3A_1070 = vector.shape_cast %add3A_1049 : vector<16xi32> to vector<1x16xi32>
    tpu.vector_store %arg10[%swap3A_1066, %swap3A_1067], %swap3A_1070 {strides = array<i32>} : memref<5x128xi32, #tpu.memory_space<vmem>>, vector<1x16xi32>,
    %swap3A_1071 = arith.constant 1 : i32
    %swap3A_1072 = arith.index_cast %swap3A_1071 : i32 to index
    %swap3A_1073 = arith.constant 64 : index
    %swap3A_1074 = tpu.vector_load %arg11[%swap3A_1072, %swap3A_1073] {strides = array<i32>} : memref<5x128xf32, #tpu.memory_space<vmem>>, vector<1x16xf32>,
    %swap3A_1075 = vector.shape_cast %swap3A_1074 : vector<1x16xf32> to vector<16xf32>
    %swap3A_1076 = vector.shape_cast %select_n3A_1064 : vector<16xf32> to vector<1x16xf32>
    tpu.vector_store %arg11[%swap3A_1072, %swap3A_1073], %swap3A_1076 {strides = array<i32>} : memref<5x128xf32, #tpu.memory_space<vmem>>, vector<1x16xf32>,
    %get3A_1077 = arith.constant 208 : index
    %get3A_1078 = tpu.vector_load %arg7[%get3A_1077] {strides = array<i32>} : memref<640xf32, #tpu.memory_space<vmem>>, vector<16xf32>,
    %get3A_1079 = vector.shape_cast %get3A_1078 : vector<16xf32> to vector<16xf32>
    %get3A_1080 = arith.constant 208 : index
    %get3A_1081 = tpu.vector_load %arg8[%get3A_1080] {strides = array<i32>} : memref<640xf32, #tpu.memory_space<vmem>>, vector<16xf32>,
    %get3A_1082 = vector.shape_cast %get3A_1081 : vector<16xf32> to vector<16xf32>
    %get3A_1083 = arith.constant 208 : index
    %get3A_1084 = tpu.vector_load %arg9[%get3A_1083] {strides = array<i32>} : memref<640xf32, #tpu.memory_space<vmem>>, vector<16xf32>,
    %get3A_1085 = vector.shape_cast %get3A_1084 : vector<16xf32> to vector<16xf32>
    %add3A_1086 = arith.constant 2.000000e+00 : f32
    %add3A_1087 = vector.broadcast %add3A_1086 : f32 to vector<16xf32>
    %add3A_1088 = arith.addf %get3A_1079, %add3A_1087 : vector<16xf32>
    %mul3A_1089 = arith.constant 1.600000e+01 : f32
    %mul3A_1090 = vector.broadcast %mul3A_1089 : f32 to vector<16xf32>
    %mul3A_1091 = arith.mulf %add3A_1088, %mul3A_1090 : vector<16xf32>
    %convert_element_type3A_1092 = arith.fptosi %mul3A_1091 : vector<16xf32> to vector<16xi32>
    %jit3A_1093 = arith.constant 0 : i32
    %jit3A_1094 = arith.constant 63 : i32
    %max3A_1095 = vector.broadcast %jit3A_1093 : i32 to vector<16xi32>
    %max3A_1096 = arith.maxsi %max3A_1095, %convert_element_type3A_1092 : vector<16xi32>
    %min3A_1097 = vector.broadcast %jit3A_1094 : i32 to vector<16xi32>
    %min3A_1098 = arith.minsi %min3A_1097, %max3A_1096 : vector<16xi32>
    %add3A_1099 = arith.constant 2.000000e+00 : f32
    %add3A_1100 = vector.broadcast %add3A_1099 : f32 to vector<16xf32>
    %add3A_1101 = arith.addf %get3A_1082, %add3A_1100 : vector<16xf32>
    %mul3A_1102 = arith.constant 1.600000e+01 : f32
    %mul3A_1103 = vector.broadcast %mul3A_1102 : f32 to vector<16xf32>
    %mul3A_1104 = arith.mulf %add3A_1101, %mul3A_1103 : vector<16xf32>
    %convert_element_type3A_1105 = arith.fptosi %mul3A_1104 : vector<16xf32> to vector<16xi32>
    %jit3A_1106 = arith.constant 0 : i32
    %jit3A_1107 = arith.constant 63 : i32
    %max3A_1108 = vector.broadcast %jit3A_1106 : i32 to vector<16xi32>
    %max3A_1109 = arith.maxsi %max3A_1108, %convert_element_type3A_1105 : vector<16xi32>
    %min3A_1110 = vector.broadcast %jit3A_1107 : i32 to vector<16xi32>
    %min3A_1111 = arith.minsi %min3A_1110, %max3A_1109 : vector<16xi32>
    %add3A_1112 = arith.constant 2.000000e+00 : f32
    %add3A_1113 = vector.broadcast %add3A_1112 : f32 to vector<16xf32>
    %add3A_1114 = arith.addf %get3A_1085, %add3A_1113 : vector<16xf32>
    %mul3A_1115 = arith.constant 1.600000e+01 : f32
    %mul3A_1116 = vector.broadcast %mul3A_1115 : f32 to vector<16xf32>
    %mul3A_1117 = arith.mulf %add3A_1114, %mul3A_1116 : vector<16xf32>
    %convert_element_type3A_1118 = arith.fptosi %mul3A_1117 : vector<16xf32> to vector<16xi32>
    %jit3A_1119 = arith.constant 0 : i32
    %jit3A_1120 = arith.constant 63 : i32
    %max3A_1121 = vector.broadcast %jit3A_1119 : i32 to vector<16xi32>
    %max3A_1122 = arith.maxsi %max3A_1121, %convert_element_type3A_1118 : vector<16xi32>
    %min3A_1123 = vector.broadcast %jit3A_1120 : i32 to vector<16xi32>
    %min3A_1124 = arith.minsi %min3A_1123, %max3A_1122 : vector<16xi32>
    %mul3A_1125 = arith.constant 4096 : i32
    %mul3A_1126 = vector.broadcast %mul3A_1125 : i32 to vector<16xi32>
    %mul3A_1127 = arith.muli %min3A_1098, %mul3A_1126 : vector<16xi32>
    %mul3A_1128 = arith.constant 64 : i32
    %mul3A_1129 = vector.broadcast %mul3A_1128 : i32 to vector<16xi32>
    %mul3A_1130 = arith.muli %min3A_1111, %mul3A_1129 : vector<16xi32>
    %add3A_1131 = arith.addi %mul3A_1127, %mul3A_1130 : vector<16xi32>
    %add3A_1132 = arith.addi %add3A_1131, %min3A_1124 : vector<16xi32>
    %add3A_1133 = arith.constant 208 : i32
    %add3A_1134 = vector.broadcast %add3A_1133 : i32 to vector<16xi32>
    %add3A_1135 = arith.addi %iota3A, %add3A_1134 : vector<16xi32>
    %mul3A_1136 = arith.constant 640 : i32
    %mul3A_1137 = arith.muli %arg1, %mul3A_1136 : i32
    %add3A_1138 = vector.broadcast %mul3A_1137 : i32 to vector<16xi32>
    %add3A_1139 = arith.addi %add3A_1135, %add3A_1138 : vector<16xi32>
    %lt3A_1140 = arith.constant 10000 : i32
    %lt3A_1141 = vector.broadcast %lt3A_1140 : i32 to vector<16xi32>
    %lt3A_1142 = arith.cmpi slt, %add3A_1139, %lt3A_1141 : vector<16xi32>
    %jit3A_1143 = arith.constant 1.000000e+00 : f32
    %jit3A_1144 = arith.constant 0.000000e+00 : f32
    %broadcast_in_dim3A_1145 = vector.broadcast %jit3A_1143 : f32 to vector<16xf32>
    %broadcast_in_dim3A_1146 = vector.broadcast %jit3A_1144 : f32 to vector<16xf32>
    %select_n3A_1147 = arith.select %lt3A_1142, %broadcast_in_dim3A_1145, %broadcast_in_dim3A_1146 : vector<16xi1>, vector<16xf32>
    %swap3A_1148 = arith.constant 1 : i32
    %swap3A_1149 = arith.index_cast %swap3A_1148 : i32 to index
    %swap3A_1150 = arith.constant 80 : index
    %swap3A_1151 = tpu.vector_load %arg10[%swap3A_1149, %swap3A_1150] {strides = array<i32>} : memref<5x128xi32, #tpu.memory_space<vmem>>, vector<1x16xi32>,
    %swap3A_1152 = vector.shape_cast %swap3A_1151 : vector<1x16xi32> to vector<16xi32>
    %swap3A_1153 = vector.shape_cast %add3A_1132 : vector<16xi32> to vector<1x16xi32>
    tpu.vector_store %arg10[%swap3A_1149, %swap3A_1150], %swap3A_1153 {strides = array<i32>} : memref<5x128xi32, #tpu.memory_space<vmem>>, vector<1x16xi32>,
    %swap3A_1154 = arith.constant 1 : i32
    %swap3A_1155 = arith.index_cast %swap3A_1154 : i32 to index
    %swap3A_1156 = arith.constant 80 : index
    %swap3A_1157 = tpu.vector_load %arg11[%swap3A_1155, %swap3A_1156] {strides = array<i32>} : memref<5x128xf32, #tpu.memory_space<vmem>>, vector<1x16xf32>,
    %swap3A_1158 = vector.shape_cast %swap3A_1157 : vector<1x16xf32> to vector<16xf32>
    %swap3A_1159 = vector.shape_cast %select_n3A_1147 : vector<16xf32> to vector<1x16xf32>
    tpu.vector_store %arg11[%swap3A_1155, %swap3A_1156], %swap3A_1159 {strides = array<i32>} : memref<5x128xf32, #tpu.memory_space<vmem>>, vector<1x16xf32>,
    %get3A_1160 = arith.constant 224 : index
    %get3A_1161 = tpu.vector_load %arg7[%get3A_1160] {strides = array<i32>} : memref<640xf32, #tpu.memory_space<vmem>>, vector<16xf32>,
    %get3A_1162 = vector.shape_cast %get3A_1161 : vector<16xf32> to vector<16xf32>
    %get3A_1163 = arith.constant 224 : index
    %get3A_1164 = tpu.vector_load %arg8[%get3A_1163] {strides = array<i32>} : memref<640xf32, #tpu.memory_space<vmem>>, vector<16xf32>,
    %get3A_1165 = vector.shape_cast %get3A_1164 : vector<16xf32> to vector<16xf32>
    %get3A_1166 = arith.constant 224 : index
    %get3A_1167 = tpu.vector_load %arg9[%get3A_1166] {strides = array<i32>} : memref<640xf32, #tpu.memory_space<vmem>>, vector<16xf32>,
    %get3A_1168 = vector.shape_cast %get3A_1167 : vector<16xf32> to vector<16xf32>
    %add3A_1169 = arith.constant 2.000000e+00 : f32
    %add3A_1170 = vector.broadcast %add3A_1169 : f32 to vector<16xf32>
    %add3A_1171 = arith.addf %get3A_1162, %add3A_1170 : vector<16xf32>
    %mul3A_1172 = arith.constant 1.600000e+01 : f32
    %mul3A_1173 = vector.broadcast %mul3A_1172 : f32 to vector<16xf32>
    %mul3A_1174 = arith.mulf %add3A_1171, %mul3A_1173 : vector<16xf32>
    %convert_element_type3A_1175 = arith.fptosi %mul3A_1174 : vector<16xf32> to vector<16xi32>
    %jit3A_1176 = arith.constant 0 : i32
    %jit3A_1177 = arith.constant 63 : i32
    %max3A_1178 = vector.broadcast %jit3A_1176 : i32 to vector<16xi32>
    %max3A_1179 = arith.maxsi %max3A_1178, %convert_element_type3A_1175 : vector<16xi32>
    %min3A_1180 = vector.broadcast %jit3A_1177 : i32 to vector<16xi32>
    %min3A_1181 = arith.minsi %min3A_1180, %max3A_1179 : vector<16xi32>
    %add3A_1182 = arith.constant 2.000000e+00 : f32
    %add3A_1183 = vector.broadcast %add3A_1182 : f32 to vector<16xf32>
    %add3A_1184 = arith.addf %get3A_1165, %add3A_1183 : vector<16xf32>
    %mul3A_1185 = arith.constant 1.600000e+01 : f32
    %mul3A_1186 = vector.broadcast %mul3A_1185 : f32 to vector<16xf32>
    %mul3A_1187 = arith.mulf %add3A_1184, %mul3A_1186 : vector<16xf32>
    %convert_element_type3A_1188 = arith.fptosi %mul3A_1187 : vector<16xf32> to vector<16xi32>
    %jit3A_1189 = arith.constant 0 : i32
    %jit3A_1190 = arith.constant 63 : i32
    %max3A_1191 = vector.broadcast %jit3A_1189 : i32 to vector<16xi32>
    %max3A_1192 = arith.maxsi %max3A_1191, %convert_element_type3A_1188 : vector<16xi32>
    %min3A_1193 = vector.broadcast %jit3A_1190 : i32 to vector<16xi32>
    %min3A_1194 = arith.minsi %min3A_1193, %max3A_1192 : vector<16xi32>
    %add3A_1195 = arith.constant 2.000000e+00 : f32
    %add3A_1196 = vector.broadcast %add3A_1195 : f32 to vector<16xf32>
    %add3A_1197 = arith.addf %get3A_1168, %add3A_1196 : vector<16xf32>
    %mul3A_1198 = arith.constant 1.600000e+01 : f32
    %mul3A_1199 = vector.broadcast %mul3A_1198 : f32 to vector<16xf32>
    %mul3A_1200 = arith.mulf %add3A_1197, %mul3A_1199 : vector<16xf32>
    %convert_element_type3A_1201 = arith.fptosi %mul3A_1200 : vector<16xf32> to vector<16xi32>
    %jit3A_1202 = arith.constant 0 : i32
    %jit3A_1203 = arith.constant 63 : i32
    %max3A_1204 = vector.broadcast %jit3A_1202 : i32 to vector<16xi32>
    %max3A_1205 = arith.maxsi %max3A_1204, %convert_element_type3A_1201 : vector<16xi32>
    %min3A_1206 = vector.broadcast %jit3A_1203 : i32 to vector<16xi32>
    %min3A_1207 = arith.minsi %min3A_1206, %max3A_1205 : vector<16xi32>
    %mul3A_1208 = arith.constant 4096 : i32
    %mul3A_1209 = vector.broadcast %mul3A_1208 : i32 to vector<16xi32>
    %mul3A_1210 = arith.muli %min3A_1181, %mul3A_1209 : vector<16xi32>
    %mul3A_1211 = arith.constant 64 : i32
    %mul3A_1212 = vector.broadcast %mul3A_1211 : i32 to vector<16xi32>
    %mul3A_1213 = arith.muli %min3A_1194, %mul3A_1212 : vector<16xi32>
    %add3A_1214 = arith.addi %mul3A_1210, %mul3A_1213 : vector<16xi32>
    %add3A_1215 = arith.addi %add3A_1214, %min3A_1207 : vector<16xi32>
    %add3A_1216 = arith.constant 224 : i32
    %add3A_1217 = vector.broadcast %add3A_1216 : i32 to vector<16xi32>
    %add3A_1218 = arith.addi %iota3A, %add3A_1217 : vector<16xi32>
    %mul3A_1219 = arith.constant 640 : i32
    %mul3A_1220 = arith.muli %arg1, %mul3A_1219 : i32
    %add3A_1221 = vector.broadcast %mul3A_1220 : i32 to vector<16xi32>
    %add3A_1222 = arith.addi %add3A_1218, %add3A_1221 : vector<16xi32>
    %lt3A_1223 = arith.constant 10000 : i32
    %lt3A_1224 = vector.broadcast %lt3A_1223 : i32 to vector<16xi32>
    %lt3A_1225 = arith.cmpi slt, %add3A_1222, %lt3A_1224 : vector<16xi32>
    %jit3A_1226 = arith.constant 1.000000e+00 : f32
    %jit3A_1227 = arith.constant 0.000000e+00 : f32
    %broadcast_in_dim3A_1228 = vector.broadcast %jit3A_1226 : f32 to vector<16xf32>
    %broadcast_in_dim3A_1229 = vector.broadcast %jit3A_1227 : f32 to vector<16xf32>
    %select_n3A_1230 = arith.select %lt3A_1225, %broadcast_in_dim3A_1228, %broadcast_in_dim3A_1229 : vector<16xi1>, vector<16xf32>
    %swap3A_1231 = arith.constant 1 : i32
    %swap3A_1232 = arith.index_cast %swap3A_1231 : i32 to index
    %swap3A_1233 = arith.constant 96 : index
    %swap3A_1234 = tpu.vector_load %arg10[%swap3A_1232, %swap3A_1233] {strides = array<i32>} : memref<5x128xi32, #tpu.memory_space<vmem>>, vector<1x16xi32>,
    %swap3A_1235 = vector.shape_cast %swap3A_1234 : vector<1x16xi32> to vector<16xi32>
    %swap3A_1236 = vector.shape_cast %add3A_1215 : vector<16xi32> to vector<1x16xi32>
    tpu.vector_store %arg10[%swap3A_1232, %swap3A_1233], %swap3A_1236 {strides = array<i32>} : memref<5x128xi32, #tpu.memory_space<vmem>>, vector<1x16xi32>,
    %swap3A_1237 = arith.constant 1 : i32
    %swap3A_1238 = arith.index_cast %swap3A_1237 : i32 to index
    %swap3A_1239 = arith.constant 96 : index
    %swap3A_1240 = tpu.vector_load %arg11[%swap3A_1238, %swap3A_1239] {strides = array<i32>} : memref<5x128xf32, #tpu.memory_space<vmem>>, vector<1x16xf32>,
    %swap3A_1241 = vector.shape_cast %swap3A_1240 : vector<1x16xf32> to vector<16xf32>
    %swap3A_1242 = vector.shape_cast %select_n3A_1230 : vector<16xf32> to vector<1x16xf32>
    tpu.vector_store %arg11[%swap3A_1238, %swap3A_1239], %swap3A_1242 {strides = array<i32>} : memref<5x128xf32, #tpu.memory_space<vmem>>, vector<1x16xf32>,
    %get3A_1243 = arith.constant 240 : index
    %get3A_1244 = tpu.vector_load %arg7[%get3A_1243] {strides = array<i32>} : memref<640xf32, #tpu.memory_space<vmem>>, vector<16xf32>,
    %get3A_1245 = vector.shape_cast %get3A_1244 : vector<16xf32> to vector<16xf32>
    %get3A_1246 = arith.constant 240 : index
    %get3A_1247 = tpu.vector_load %arg8[%get3A_1246] {strides = array<i32>} : memref<640xf32, #tpu.memory_space<vmem>>, vector<16xf32>,
    %get3A_1248 = vector.shape_cast %get3A_1247 : vector<16xf32> to vector<16xf32>
    %get3A_1249 = arith.constant 240 : index
    %get3A_1250 = tpu.vector_load %arg9[%get3A_1249] {strides = array<i32>} : memref<640xf32, #tpu.memory_space<vmem>>, vector<16xf32>,
    %get3A_1251 = vector.shape_cast %get3A_1250 : vector<16xf32> to vector<16xf32>
    %add3A_1252 = arith.constant 2.000000e+00 : f32
    %add3A_1253 = vector.broadcast %add3A_1252 : f32 to vector<16xf32>
    %add3A_1254 = arith.addf %get3A_1245, %add3A_1253 : vector<16xf32>
    %mul3A_1255 = arith.constant 1.600000e+01 : f32
    %mul3A_1256 = vector.broadcast %mul3A_1255 : f32 to vector<16xf32>
    %mul3A_1257 = arith.mulf %add3A_1254, %mul3A_1256 : vector<16xf32>
    %convert_element_type3A_1258 = arith.fptosi %mul3A_1257 : vector<16xf32> to vector<16xi32>
    %jit3A_1259 = arith.constant 0 : i32
    %jit3A_1260 = arith.constant 63 : i32
    %max3A_1261 = vector.broadcast %jit3A_1259 : i32 to vector<16xi32>
    %max3A_1262 = arith.maxsi %max3A_1261, %convert_element_type3A_1258 : vector<16xi32>
    %min3A_1263 = vector.broadcast %jit3A_1260 : i32 to vector<16xi32>
    %min3A_1264 = arith.minsi %min3A_1263, %max3A_1262 : vector<16xi32>
    %add3A_1265 = arith.constant 2.000000e+00 : f32
    %add3A_1266 = vector.broadcast %add3A_1265 : f32 to vector<16xf32>
    %add3A_1267 = arith.addf %get3A_1248, %add3A_1266 : vector<16xf32>
    %mul3A_1268 = arith.constant 1.600000e+01 : f32
    %mul3A_1269 = vector.broadcast %mul3A_1268 : f32 to vector<16xf32>
    %mul3A_1270 = arith.mulf %add3A_1267, %mul3A_1269 : vector<16xf32>
    %convert_element_type3A_1271 = arith.fptosi %mul3A_1270 : vector<16xf32> to vector<16xi32>
    %jit3A_1272 = arith.constant 0 : i32
    %jit3A_1273 = arith.constant 63 : i32
    %max3A_1274 = vector.broadcast %jit3A_1272 : i32 to vector<16xi32>
    %max3A_1275 = arith.maxsi %max3A_1274, %convert_element_type3A_1271 : vector<16xi32>
    %min3A_1276 = vector.broadcast %jit3A_1273 : i32 to vector<16xi32>
    %min3A_1277 = arith.minsi %min3A_1276, %max3A_1275 : vector<16xi32>
    %add3A_1278 = arith.constant 2.000000e+00 : f32
    %add3A_1279 = vector.broadcast %add3A_1278 : f32 to vector<16xf32>
    %add3A_1280 = arith.addf %get3A_1251, %add3A_1279 : vector<16xf32>
    %mul3A_1281 = arith.constant 1.600000e+01 : f32
    %mul3A_1282 = vector.broadcast %mul3A_1281 : f32 to vector<16xf32>
    %mul3A_1283 = arith.mulf %add3A_1280, %mul3A_1282 : vector<16xf32>
    %convert_element_type3A_1284 = arith.fptosi %mul3A_1283 : vector<16xf32> to vector<16xi32>
    %jit3A_1285 = arith.constant 0 : i32
    %jit3A_1286 = arith.constant 63 : i32
    %max3A_1287 = vector.broadcast %jit3A_1285 : i32 to vector<16xi32>
    %max3A_1288 = arith.maxsi %max3A_1287, %convert_element_type3A_1284 : vector<16xi32>
    %min3A_1289 = vector.broadcast %jit3A_1286 : i32 to vector<16xi32>
    %min3A_1290 = arith.minsi %min3A_1289, %max3A_1288 : vector<16xi32>
    %mul3A_1291 = arith.constant 4096 : i32
    %mul3A_1292 = vector.broadcast %mul3A_1291 : i32 to vector<16xi32>
    %mul3A_1293 = arith.muli %min3A_1264, %mul3A_1292 : vector<16xi32>
    %mul3A_1294 = arith.constant 64 : i32
    %mul3A_1295 = vector.broadcast %mul3A_1294 : i32 to vector<16xi32>
    %mul3A_1296 = arith.muli %min3A_1277, %mul3A_1295 : vector<16xi32>
    %add3A_1297 = arith.addi %mul3A_1293, %mul3A_1296 : vector<16xi32>
    %add3A_1298 = arith.addi %add3A_1297, %min3A_1290 : vector<16xi32>
    %add3A_1299 = arith.constant 240 : i32
    %add3A_1300 = vector.broadcast %add3A_1299 : i32 to vector<16xi32>
    %add3A_1301 = arith.addi %iota3A, %add3A_1300 : vector<16xi32>
    %mul3A_1302 = arith.constant 640 : i32
    %mul3A_1303 = arith.muli %arg1, %mul3A_1302 : i32
    %add3A_1304 = vector.broadcast %mul3A_1303 : i32 to vector<16xi32>
    %add3A_1305 = arith.addi %add3A_1301, %add3A_1304 : vector<16xi32>
    %lt3A_1306 = arith.constant 10000 : i32
    %lt3A_1307 = vector.broadcast %lt3A_1306 : i32 to vector<16xi32>
    %lt3A_1308 = arith.cmpi slt, %add3A_1305, %lt3A_1307 : vector<16xi32>
    %jit3A_1309 = arith.constant 1.000000e+00 : f32
    %jit3A_1310 = arith.constant 0.000000e+00 : f32
    %broadcast_in_dim3A_1311 = vector.broadcast %jit3A_1309 : f32 to vector<16xf32>
    %broadcast_in_dim3A_1312 = vector.broadcast %jit3A_1310 : f32 to vector<16xf32>
    %select_n3A_1313 = arith.select %lt3A_1308, %broadcast_in_dim3A_1311, %broadcast_in_dim3A_1312 : vector<16xi1>, vector<16xf32>
    %swap3A_1314 = arith.constant 1 : i32
    %swap3A_1315 = arith.index_cast %swap3A_1314 : i32 to index
    %swap3A_1316 = arith.constant 112 : index
    %swap3A_1317 = tpu.vector_load %arg10[%swap3A_1315, %swap3A_1316] {strides = array<i32>} : memref<5x128xi32, #tpu.memory_space<vmem>>, vector<1x16xi32>,
    %swap3A_1318 = vector.shape_cast %swap3A_1317 : vector<1x16xi32> to vector<16xi32>
    %swap3A_1319 = vector.shape_cast %add3A_1298 : vector<16xi32> to vector<1x16xi32>
    tpu.vector_store %arg10[%swap3A_1315, %swap3A_1316], %swap3A_1319 {strides = array<i32>} : memref<5x128xi32, #tpu.memory_space<vmem>>, vector<1x16xi32>,
    %swap3A_1320 = arith.constant 1 : i32
    %swap3A_1321 = arith.index_cast %swap3A_1320 : i32 to index
    %swap3A_1322 = arith.constant 112 : index
    %swap3A_1323 = tpu.vector_load %arg11[%swap3A_1321, %swap3A_1322] {strides = array<i32>} : memref<5x128xf32, #tpu.memory_space<vmem>>, vector<1x16xf32>,
    %swap3A_1324 = vector.shape_cast %swap3A_1323 : vector<1x16xf32> to vector<16xf32>
    %swap3A_1325 = vector.shape_cast %select_n3A_1313 : vector<16xf32> to vector<1x16xf32>
    tpu.vector_store %arg11[%swap3A_1321, %swap3A_1322], %swap3A_1325 {strides = array<i32>} : memref<5x128xf32, #tpu.memory_space<vmem>>, vector<1x16xf32>,
    %get3A_1326 = arith.constant 256 : index
    %get3A_1327 = tpu.vector_load %arg7[%get3A_1326] {strides = array<i32>} : memref<640xf32, #tpu.memory_space<vmem>>, vector<16xf32>,
    %get3A_1328 = vector.shape_cast %get3A_1327 : vector<16xf32> to vector<16xf32>
    %get3A_1329 = arith.constant 256 : index
    %get3A_1330 = tpu.vector_load %arg8[%get3A_1329] {strides = array<i32>} : memref<640xf32, #tpu.memory_space<vmem>>, vector<16xf32>,
    %get3A_1331 = vector.shape_cast %get3A_1330 : vector<16xf32> to vector<16xf32>
    %get3A_1332 = arith.constant 256 : index
    %get3A_1333 = tpu.vector_load %arg9[%get3A_1332] {strides = array<i32>} : memref<640xf32, #tpu.memory_space<vmem>>, vector<16xf32>,
    %get3A_1334 = vector.shape_cast %get3A_1333 : vector<16xf32> to vector<16xf32>
    %add3A_1335 = arith.constant 2.000000e+00 : f32
    %add3A_1336 = vector.broadcast %add3A_1335 : f32 to vector<16xf32>
    %add3A_1337 = arith.addf %get3A_1328, %add3A_1336 : vector<16xf32>
    %mul3A_1338 = arith.constant 1.600000e+01 : f32
    %mul3A_1339 = vector.broadcast %mul3A_1338 : f32 to vector<16xf32>
    %mul3A_1340 = arith.mulf %add3A_1337, %mul3A_1339 : vector<16xf32>
    %convert_element_type3A_1341 = arith.fptosi %mul3A_1340 : vector<16xf32> to vector<16xi32>
    %jit3A_1342 = arith.constant 0 : i32
    %jit3A_1343 = arith.constant 63 : i32
    %max3A_1344 = vector.broadcast %jit3A_1342 : i32 to vector<16xi32>
    %max3A_1345 = arith.maxsi %max3A_1344, %convert_element_type3A_1341 : vector<16xi32>
    %min3A_1346 = vector.broadcast %jit3A_1343 : i32 to vector<16xi32>
    %min3A_1347 = arith.minsi %min3A_1346, %max3A_1345 : vector<16xi32>
    %add3A_1348 = arith.constant 2.000000e+00 : f32
    %add3A_1349 = vector.broadcast %add3A_1348 : f32 to vector<16xf32>
    %add3A_1350 = arith.addf %get3A_1331, %add3A_1349 : vector<16xf32>
    %mul3A_1351 = arith.constant 1.600000e+01 : f32
    %mul3A_1352 = vector.broadcast %mul3A_1351 : f32 to vector<16xf32>
    %mul3A_1353 = arith.mulf %add3A_1350, %mul3A_1352 : vector<16xf32>
    %convert_element_type3A_1354 = arith.fptosi %mul3A_1353 : vector<16xf32> to vector<16xi32>
    %jit3A_1355 = arith.constant 0 : i32
    %jit3A_1356 = arith.constant 63 : i32
    %max3A_1357 = vector.broadcast %jit3A_1355 : i32 to vector<16xi32>
    %max3A_1358 = arith.maxsi %max3A_1357, %convert_element_type3A_1354 : vector<16xi32>
    %min3A_1359 = vector.broadcast %jit3A_1356 : i32 to vector<16xi32>
    %min3A_1360 = arith.minsi %min3A_1359, %max3A_1358 : vector<16xi32>
    %add3A_1361 = arith.constant 2.000000e+00 : f32
    %add3A_1362 = vector.broadcast %add3A_1361 : f32 to vector<16xf32>
    %add3A_1363 = arith.addf %get3A_1334, %add3A_1362 : vector<16xf32>
    %mul3A_1364 = arith.constant 1.600000e+01 : f32
    %mul3A_1365 = vector.broadcast %mul3A_1364 : f32 to vector<16xf32>
    %mul3A_1366 = arith.mulf %add3A_1363, %mul3A_1365 : vector<16xf32>
    %convert_element_type3A_1367 = arith.fptosi %mul3A_1366 : vector<16xf32> to vector<16xi32>
    %jit3A_1368 = arith.constant 0 : i32
    %jit3A_1369 = arith.constant 63 : i32
    %max3A_1370 = vector.broadcast %jit3A_1368 : i32 to vector<16xi32>
    %max3A_1371 = arith.maxsi %max3A_1370, %convert_element_type3A_1367 : vector<16xi32>
    %min3A_1372 = vector.broadcast %jit3A_1369 : i32 to vector<16xi32>
    %min3A_1373 = arith.minsi %min3A_1372, %max3A_1371 : vector<16xi32>
    %mul3A_1374 = arith.constant 4096 : i32
    %mul3A_1375 = vector.broadcast %mul3A_1374 : i32 to vector<16xi32>
    %mul3A_1376 = arith.muli %min3A_1347, %mul3A_1375 : vector<16xi32>
    %mul3A_1377 = arith.constant 64 : i32
    %mul3A_1378 = vector.broadcast %mul3A_1377 : i32 to vector<16xi32>
    %mul3A_1379 = arith.muli %min3A_1360, %mul3A_1378 : vector<16xi32>
    %add3A_1380 = arith.addi %mul3A_1376, %mul3A_1379 : vector<16xi32>
    %add3A_1381 = arith.addi %add3A_1380, %min3A_1373 : vector<16xi32>
    %add3A_1382 = arith.constant 256 : i32
    %add3A_1383 = vector.broadcast %add3A_1382 : i32 to vector<16xi32>
    %add3A_1384 = arith.addi %iota3A, %add3A_1383 : vector<16xi32>
    %mul3A_1385 = arith.constant 640 : i32
    %mul3A_1386 = arith.muli %arg1, %mul3A_1385 : i32
    %add3A_1387 = vector.broadcast %mul3A_1386 : i32 to vector<16xi32>
    %add3A_1388 = arith.addi %add3A_1384, %add3A_1387 : vector<16xi32>
    %lt3A_1389 = arith.constant 10000 : i32
    %lt3A_1390 = vector.broadcast %lt3A_1389 : i32 to vector<16xi32>
    %lt3A_1391 = arith.cmpi slt, %add3A_1388, %lt3A_1390 : vector<16xi32>
    %jit3A_1392 = arith.constant 1.000000e+00 : f32
    %jit3A_1393 = arith.constant 0.000000e+00 : f32
    %broadcast_in_dim3A_1394 = vector.broadcast %jit3A_1392 : f32 to vector<16xf32>
    %broadcast_in_dim3A_1395 = vector.broadcast %jit3A_1393 : f32 to vector<16xf32>
    %select_n3A_1396 = arith.select %lt3A_1391, %broadcast_in_dim3A_1394, %broadcast_in_dim3A_1395 : vector<16xi1>, vector<16xf32>
    %swap3A_1397 = arith.constant 2 : i32
    %swap3A_1398 = arith.index_cast %swap3A_1397 : i32 to index
    %swap3A_1399 = arith.constant 0 : index
    %swap3A_1400 = tpu.vector_load %arg10[%swap3A_1398, %swap3A_1399] {strides = array<i32>} : memref<5x128xi32, #tpu.memory_space<vmem>>, vector<1x16xi32>,
    %swap3A_1401 = vector.shape_cast %swap3A_1400 : vector<1x16xi32> to vector<16xi32>
    %swap3A_1402 = vector.shape_cast %add3A_1381 : vector<16xi32> to vector<1x16xi32>
    tpu.vector_store %arg10[%swap3A_1398, %swap3A_1399], %swap3A_1402 {strides = array<i32>} : memref<5x128xi32, #tpu.memory_space<vmem>>, vector<1x16xi32>,
    %swap3A_1403 = arith.constant 2 : i32
    %swap3A_1404 = arith.index_cast %swap3A_1403 : i32 to index
    %swap3A_1405 = arith.constant 0 : index
    %swap3A_1406 = tpu.vector_load %arg11[%swap3A_1404, %swap3A_1405] {strides = array<i32>} : memref<5x128xf32, #tpu.memory_space<vmem>>, vector<1x16xf32>,
    %swap3A_1407 = vector.shape_cast %swap3A_1406 : vector<1x16xf32> to vector<16xf32>
    %swap3A_1408 = vector.shape_cast %select_n3A_1396 : vector<16xf32> to vector<1x16xf32>
    tpu.vector_store %arg11[%swap3A_1404, %swap3A_1405], %swap3A_1408 {strides = array<i32>} : memref<5x128xf32, #tpu.memory_space<vmem>>, vector<1x16xf32>,
    %get3A_1409 = arith.constant 272 : index
    %get3A_1410 = tpu.vector_load %arg7[%get3A_1409] {strides = array<i32>} : memref<640xf32, #tpu.memory_space<vmem>>, vector<16xf32>,
    %get3A_1411 = vector.shape_cast %get3A_1410 : vector<16xf32> to vector<16xf32>
    %get3A_1412 = arith.constant 272 : index
    %get3A_1413 = tpu.vector_load %arg8[%get3A_1412] {strides = array<i32>} : memref<640xf32, #tpu.memory_space<vmem>>, vector<16xf32>,
    %get3A_1414 = vector.shape_cast %get3A_1413 : vector<16xf32> to vector<16xf32>
    %get3A_1415 = arith.constant 272 : index
    %get3A_1416 = tpu.vector_load %arg9[%get3A_1415] {strides = array<i32>} : memref<640xf32, #tpu.memory_space<vmem>>, vector<16xf32>,
    %get3A_1417 = vector.shape_cast %get3A_1416 : vector<16xf32> to vector<16xf32>
    %add3A_1418 = arith.constant 2.000000e+00 : f32
    %add3A_1419 = vector.broadcast %add3A_1418 : f32 to vector<16xf32>
    %add3A_1420 = arith.addf %get3A_1411, %add3A_1419 : vector<16xf32>
    %mul3A_1421 = arith.constant 1.600000e+01 : f32
    %mul3A_1422 = vector.broadcast %mul3A_1421 : f32 to vector<16xf32>
    %mul3A_1423 = arith.mulf %add3A_1420, %mul3A_1422 : vector<16xf32>
    %convert_element_type3A_1424 = arith.fptosi %mul3A_1423 : vector<16xf32> to vector<16xi32>
    %jit3A_1425 = arith.constant 0 : i32
    %jit3A_1426 = arith.constant 63 : i32
    %max3A_1427 = vector.broadcast %jit3A_1425 : i32 to vector<16xi32>
    %max3A_1428 = arith.maxsi %max3A_1427, %convert_element_type3A_1424 : vector<16xi32>
    %min3A_1429 = vector.broadcast %jit3A_1426 : i32 to vector<16xi32>
    %min3A_1430 = arith.minsi %min3A_1429, %max3A_1428 : vector<16xi32>
    %add3A_1431 = arith.constant 2.000000e+00 : f32
    %add3A_1432 = vector.broadcast %add3A_1431 : f32 to vector<16xf32>
    %add3A_1433 = arith.addf %get3A_1414, %add3A_1432 : vector<16xf32>
    %mul3A_1434 = arith.constant 1.600000e+01 : f32
    %mul3A_1435 = vector.broadcast %mul3A_1434 : f32 to vector<16xf32>
    %mul3A_1436 = arith.mulf %add3A_1433, %mul3A_1435 : vector<16xf32>
    %convert_element_type3A_1437 = arith.fptosi %mul3A_1436 : vector<16xf32> to vector<16xi32>
    %jit3A_1438 = arith.constant 0 : i32
    %jit3A_1439 = arith.constant 63 : i32
    %max3A_1440 = vector.broadcast %jit3A_1438 : i32 to vector<16xi32>
    %max3A_1441 = arith.maxsi %max3A_1440, %convert_element_type3A_1437 : vector<16xi32>
    %min3A_1442 = vector.broadcast %jit3A_1439 : i32 to vector<16xi32>
    %min3A_1443 = arith.minsi %min3A_1442, %max3A_1441 : vector<16xi32>
    %add3A_1444 = arith.constant 2.000000e+00 : f32
    %add3A_1445 = vector.broadcast %add3A_1444 : f32 to vector<16xf32>
    %add3A_1446 = arith.addf %get3A_1417, %add3A_1445 : vector<16xf32>
    %mul3A_1447 = arith.constant 1.600000e+01 : f32
    %mul3A_1448 = vector.broadcast %mul3A_1447 : f32 to vector<16xf32>
    %mul3A_1449 = arith.mulf %add3A_1446, %mul3A_1448 : vector<16xf32>
    %convert_element_type3A_1450 = arith.fptosi %mul3A_1449 : vector<16xf32> to vector<16xi32>
    %jit3A_1451 = arith.constant 0 : i32
    %jit3A_1452 = arith.constant 63 : i32
    %max3A_1453 = vector.broadcast %jit3A_1451 : i32 to vector<16xi32>
    %max3A_1454 = arith.maxsi %max3A_1453, %convert_element_type3A_1450 : vector<16xi32>
    %min3A_1455 = vector.broadcast %jit3A_1452 : i32 to vector<16xi32>
    %min3A_1456 = arith.minsi %min3A_1455, %max3A_1454 : vector<16xi32>
    %mul3A_1457 = arith.constant 4096 : i32
    %mul3A_1458 = vector.broadcast %mul3A_1457 : i32 to vector<16xi32>
    %mul3A_1459 = arith.muli %min3A_1430, %mul3A_1458 : vector<16xi32>
    %mul3A_1460 = arith.constant 64 : i32
    %mul3A_1461 = vector.broadcast %mul3A_1460 : i32 to vector<16xi32>
    %mul3A_1462 = arith.muli %min3A_1443, %mul3A_1461 : vector<16xi32>
    %add3A_1463 = arith.addi %mul3A_1459, %mul3A_1462 : vector<16xi32>
    %add3A_1464 = arith.addi %add3A_1463, %min3A_1456 : vector<16xi32>
    %add3A_1465 = arith.constant 272 : i32
    %add3A_1466 = vector.broadcast %add3A_1465 : i32 to vector<16xi32>
    %add3A_1467 = arith.addi %iota3A, %add3A_1466 : vector<16xi32>
    %mul3A_1468 = arith.constant 640 : i32
    %mul3A_1469 = arith.muli %arg1, %mul3A_1468 : i32
    %add3A_1470 = vector.broadcast %mul3A_1469 : i32 to vector<16xi32>
    %add3A_1471 = arith.addi %add3A_1467, %add3A_1470 : vector<16xi32>
    %lt3A_1472 = arith.constant 10000 : i32
    %lt3A_1473 = vector.broadcast %lt3A_1472 : i32 to vector<16xi32>
    %lt3A_1474 = arith.cmpi slt, %add3A_1471, %lt3A_1473 : vector<16xi32>
    %jit3A_1475 = arith.constant 1.000000e+00 : f32
    %jit3A_1476 = arith.constant 0.000000e+00 : f32
    %broadcast_in_dim3A_1477 = vector.broadcast %jit3A_1475 : f32 to vector<16xf32>
    %broadcast_in_dim3A_1478 = vector.broadcast %jit3A_1476 : f32 to vector<16xf32>
    %select_n3A_1479 = arith.select %lt3A_1474, %broadcast_in_dim3A_1477, %broadcast_in_dim3A_1478 : vector<16xi1>, vector<16xf32>
    %swap3A_1480 = arith.constant 2 : i32
    %swap3A_1481 = arith.index_cast %swap3A_1480 : i32 to index
    %swap3A_1482 = arith.constant 16 : index
    %swap3A_1483 = tpu.vector_load %arg10[%swap3A_1481, %swap3A_1482] {strides = array<i32>} : memref<5x128xi32, #tpu.memory_space<vmem>>, vector<1x16xi32>,
    %swap3A_1484 = vector.shape_cast %swap3A_1483 : vector<1x16xi32> to vector<16xi32>
    %swap3A_1485 = vector.shape_cast %add3A_1464 : vector<16xi32> to vector<1x16xi32>
    tpu.vector_store %arg10[%swap3A_1481, %swap3A_1482], %swap3A_1485 {strides = array<i32>} : memref<5x128xi32, #tpu.memory_space<vmem>>, vector<1x16xi32>,
    %swap3A_1486 = arith.constant 2 : i32
    %swap3A_1487 = arith.index_cast %swap3A_1486 : i32 to index
    %swap3A_1488 = arith.constant 16 : index
    %swap3A_1489 = tpu.vector_load %arg11[%swap3A_1487, %swap3A_1488] {strides = array<i32>} : memref<5x128xf32, #tpu.memory_space<vmem>>, vector<1x16xf32>,
    %swap3A_1490 = vector.shape_cast %swap3A_1489 : vector<1x16xf32> to vector<16xf32>
    %swap3A_1491 = vector.shape_cast %select_n3A_1479 : vector<16xf32> to vector<1x16xf32>
    tpu.vector_store %arg11[%swap3A_1487, %swap3A_1488], %swap3A_1491 {strides = array<i32>} : memref<5x128xf32, #tpu.memory_space<vmem>>, vector<1x16xf32>,
    %get3A_1492 = arith.constant 288 : index
    %get3A_1493 = tpu.vector_load %arg7[%get3A_1492] {strides = array<i32>} : memref<640xf32, #tpu.memory_space<vmem>>, vector<16xf32>,
    %get3A_1494 = vector.shape_cast %get3A_1493 : vector<16xf32> to vector<16xf32>
    %get3A_1495 = arith.constant 288 : index
    %get3A_1496 = tpu.vector_load %arg8[%get3A_1495] {strides = array<i32>} : memref<640xf32, #tpu.memory_space<vmem>>, vector<16xf32>,
    %get3A_1497 = vector.shape_cast %get3A_1496 : vector<16xf32> to vector<16xf32>
    %get3A_1498 = arith.constant 288 : index
    %get3A_1499 = tpu.vector_load %arg9[%get3A_1498] {strides = array<i32>} : memref<640xf32, #tpu.memory_space<vmem>>, vector<16xf32>,
    %get3A_1500 = vector.shape_cast %get3A_1499 : vector<16xf32> to vector<16xf32>
    %add3A_1501 = arith.constant 2.000000e+00 : f32
    %add3A_1502 = vector.broadcast %add3A_1501 : f32 to vector<16xf32>
    %add3A_1503 = arith.addf %get3A_1494, %add3A_1502 : vector<16xf32>
    %mul3A_1504 = arith.constant 1.600000e+01 : f32
    %mul3A_1505 = vector.broadcast %mul3A_1504 : f32 to vector<16xf32>
    %mul3A_1506 = arith.mulf %add3A_1503, %mul3A_1505 : vector<16xf32>
    %convert_element_type3A_1507 = arith.fptosi %mul3A_1506 : vector<16xf32> to vector<16xi32>
    %jit3A_1508 = arith.constant 0 : i32
    %jit3A_1509 = arith.constant 63 : i32
    %max3A_1510 = vector.broadcast %jit3A_1508 : i32 to vector<16xi32>
    %max3A_1511 = arith.maxsi %max3A_1510, %convert_element_type3A_1507 : vector<16xi32>
    %min3A_1512 = vector.broadcast %jit3A_1509 : i32 to vector<16xi32>
    %min3A_1513 = arith.minsi %min3A_1512, %max3A_1511 : vector<16xi32>
    %add3A_1514 = arith.constant 2.000000e+00 : f32
    %add3A_1515 = vector.broadcast %add3A_1514 : f32 to vector<16xf32>
    %add3A_1516 = arith.addf %get3A_1497, %add3A_1515 : vector<16xf32>
    %mul3A_1517 = arith.constant 1.600000e+01 : f32
    %mul3A_1518 = vector.broadcast %mul3A_1517 : f32 to vector<16xf32>
    %mul3A_1519 = arith.mulf %add3A_1516, %mul3A_1518 : vector<16xf32>
    %convert_element_type3A_1520 = arith.fptosi %mul3A_1519 : vector<16xf32> to vector<16xi32>
    %jit3A_1521 = arith.constant 0 : i32
    %jit3A_1522 = arith.constant 63 : i32
    %max3A_1523 = vector.broadcast %jit3A_1521 : i32 to vector<16xi32>
    %max3A_1524 = arith.maxsi %max3A_1523, %convert_element_type3A_1520 : vector<16xi32>
    %min3A_1525 = vector.broadcast %jit3A_1522 : i32 to vector<16xi32>
    %min3A_1526 = arith.minsi %min3A_1525, %max3A_1524 : vector<16xi32>
    %add3A_1527 = arith.constant 2.000000e+00 : f32
    %add3A_1528 = vector.broadcast %add3A_1527 : f32 to vector<16xf32>
    %add3A_1529 = arith.addf %get3A_1500, %add3A_1528 : vector<16xf32>
    %mul3A_1530 = arith.constant 1.600000e+01 : f32
    %mul3A_1531 = vector.broadcast %mul3A_1530 : f32 to vector<16xf32>
    %mul3A_1532 = arith.mulf %add3A_1529, %mul3A_1531 : vector<16xf32>
    %convert_element_type3A_1533 = arith.fptosi %mul3A_1532 : vector<16xf32> to vector<16xi32>
    %jit3A_1534 = arith.constant 0 : i32
    %jit3A_1535 = arith.constant 63 : i32
    %max3A_1536 = vector.broadcast %jit3A_1534 : i32 to vector<16xi32>
    %max3A_1537 = arith.maxsi %max3A_1536, %convert_element_type3A_1533 : vector<16xi32>
    %min3A_1538 = vector.broadcast %jit3A_1535 : i32 to vector<16xi32>
    %min3A_1539 = arith.minsi %min3A_1538, %max3A_1537 : vector<16xi32>
    %mul3A_1540 = arith.constant 4096 : i32
    %mul3A_1541 = vector.broadcast %mul3A_1540 : i32 to vector<16xi32>
    %mul3A_1542 = arith.muli %min3A_1513, %mul3A_1541 : vector<16xi32>
    %mul3A_1543 = arith.constant 64 : i32
    %mul3A_1544 = vector.broadcast %mul3A_1543 : i32 to vector<16xi32>
    %mul3A_1545 = arith.muli %min3A_1526, %mul3A_1544 : vector<16xi32>
    %add3A_1546 = arith.addi %mul3A_1542, %mul3A_1545 : vector<16xi32>
    %add3A_1547 = arith.addi %add3A_1546, %min3A_1539 : vector<16xi32>
    %add3A_1548 = arith.constant 288 : i32
    %add3A_1549 = vector.broadcast %add3A_1548 : i32 to vector<16xi32>
    %add3A_1550 = arith.addi %iota3A, %add3A_1549 : vector<16xi32>
    %mul3A_1551 = arith.constant 640 : i32
    %mul3A_1552 = arith.muli %arg1, %mul3A_1551 : i32
    %add3A_1553 = vector.broadcast %mul3A_1552 : i32 to vector<16xi32>
    %add3A_1554 = arith.addi %add3A_1550, %add3A_1553 : vector<16xi32>
    %lt3A_1555 = arith.constant 10000 : i32
    %lt3A_1556 = vector.broadcast %lt3A_1555 : i32 to vector<16xi32>
    %lt3A_1557 = arith.cmpi slt, %add3A_1554, %lt3A_1556 : vector<16xi32>
    %jit3A_1558 = arith.constant 1.000000e+00 : f32
    %jit3A_1559 = arith.constant 0.000000e+00 : f32
    %broadcast_in_dim3A_1560 = vector.broadcast %jit3A_1558 : f32 to vector<16xf32>
    %broadcast_in_dim3A_1561 = vector.broadcast %jit3A_1559 : f32 to vector<16xf32>
    %select_n3A_1562 = arith.select %lt3A_1557, %broadcast_in_dim3A_1560, %broadcast_in_dim3A_1561 : vector<16xi1>, vector<16xf32>
    %swap3A_1563 = arith.constant 2 : i32
    %swap3A_1564 = arith.index_cast %swap3A_1563 : i32 to index
    %swap3A_1565 = arith.constant 32 : index
    %swap3A_1566 = tpu.vector_load %arg10[%swap3A_1564, %swap3A_1565] {strides = array<i32>} : memref<5x128xi32, #tpu.memory_space<vmem>>, vector<1x16xi32>,
    %swap3A_1567 = vector.shape_cast %swap3A_1566 : vector<1x16xi32> to vector<16xi32>
    %swap3A_1568 = vector.shape_cast %add3A_1547 : vector<16xi32> to vector<1x16xi32>
    tpu.vector_store %arg10[%swap3A_1564, %swap3A_1565], %swap3A_1568 {strides = array<i32>} : memref<5x128xi32, #tpu.memory_space<vmem>>, vector<1x16xi32>,
    %swap3A_1569 = arith.constant 2 : i32
    %swap3A_1570 = arith.index_cast %swap3A_1569 : i32 to index
    %swap3A_1571 = arith.constant 32 : index
    %swap3A_1572 = tpu.vector_load %arg11[%swap3A_1570, %swap3A_1571] {strides = array<i32>} : memref<5x128xf32, #tpu.memory_space<vmem>>, vector<1x16xf32>,
    %swap3A_1573 = vector.shape_cast %swap3A_1572 : vector<1x16xf32> to vector<16xf32>
    %swap3A_1574 = vector.shape_cast %select_n3A_1562 : vector<16xf32> to vector<1x16xf32>
    tpu.vector_store %arg11[%swap3A_1570, %swap3A_1571], %swap3A_1574 {strides = array<i32>} : memref<5x128xf32, #tpu.memory_space<vmem>>, vector<1x16xf32>,
    %get3A_1575 = arith.constant 304 : index
    %get3A_1576 = tpu.vector_load %arg7[%get3A_1575] {strides = array<i32>} : memref<640xf32, #tpu.memory_space<vmem>>, vector<16xf32>,
    %get3A_1577 = vector.shape_cast %get3A_1576 : vector<16xf32> to vector<16xf32>
    %get3A_1578 = arith.constant 304 : index
    %get3A_1579 = tpu.vector_load %arg8[%get3A_1578] {strides = array<i32>} : memref<640xf32, #tpu.memory_space<vmem>>, vector<16xf32>,
    %get3A_1580 = vector.shape_cast %get3A_1579 : vector<16xf32> to vector<16xf32>
    %get3A_1581 = arith.constant 304 : index
    %get3A_1582 = tpu.vector_load %arg9[%get3A_1581] {strides = array<i32>} : memref<640xf32, #tpu.memory_space<vmem>>, vector<16xf32>,
    %get3A_1583 = vector.shape_cast %get3A_1582 : vector<16xf32> to vector<16xf32>
    %add3A_1584 = arith.constant 2.000000e+00 : f32
    %add3A_1585 = vector.broadcast %add3A_1584 : f32 to vector<16xf32>
    %add3A_1586 = arith.addf %get3A_1577, %add3A_1585 : vector<16xf32>
    %mul3A_1587 = arith.constant 1.600000e+01 : f32
    %mul3A_1588 = vector.broadcast %mul3A_1587 : f32 to vector<16xf32>
    %mul3A_1589 = arith.mulf %add3A_1586, %mul3A_1588 : vector<16xf32>
    %convert_element_type3A_1590 = arith.fptosi %mul3A_1589 : vector<16xf32> to vector<16xi32>
    %jit3A_1591 = arith.constant 0 : i32
    %jit3A_1592 = arith.constant 63 : i32
    %max3A_1593 = vector.broadcast %jit3A_1591 : i32 to vector<16xi32>
    %max3A_1594 = arith.maxsi %max3A_1593, %convert_element_type3A_1590 : vector<16xi32>
    %min3A_1595 = vector.broadcast %jit3A_1592 : i32 to vector<16xi32>
    %min3A_1596 = arith.minsi %min3A_1595, %max3A_1594 : vector<16xi32>
    %add3A_1597 = arith.constant 2.000000e+00 : f32
    %add3A_1598 = vector.broadcast %add3A_1597 : f32 to vector<16xf32>
    %add3A_1599 = arith.addf %get3A_1580, %add3A_1598 : vector<16xf32>
    %mul3A_1600 = arith.constant 1.600000e+01 : f32
    %mul3A_1601 = vector.broadcast %mul3A_1600 : f32 to vector<16xf32>
    %mul3A_1602 = arith.mulf %add3A_1599, %mul3A_1601 : vector<16xf32>
    %convert_element_type3A_1603 = arith.fptosi %mul3A_1602 : vector<16xf32> to vector<16xi32>
    %jit3A_1604 = arith.constant 0 : i32
    %jit3A_1605 = arith.constant 63 : i32
    %max3A_1606 = vector.broadcast %jit3A_1604 : i32 to vector<16xi32>
    %max3A_1607 = arith.maxsi %max3A_1606, %convert_element_type3A_1603 : vector<16xi32>
    %min3A_1608 = vector.broadcast %jit3A_1605 : i32 to vector<16xi32>
    %min3A_1609 = arith.minsi %min3A_1608, %max3A_1607 : vector<16xi32>
    %add3A_1610 = arith.constant 2.000000e+00 : f32
    %add3A_1611 = vector.broadcast %add3A_1610 : f32 to vector<16xf32>
    %add3A_1612 = arith.addf %get3A_1583, %add3A_1611 : vector<16xf32>
    %mul3A_1613 = arith.constant 1.600000e+01 : f32
    %mul3A_1614 = vector.broadcast %mul3A_1613 : f32 to vector<16xf32>
    %mul3A_1615 = arith.mulf %add3A_1612, %mul3A_1614 : vector<16xf32>
    %convert_element_type3A_1616 = arith.fptosi %mul3A_1615 : vector<16xf32> to vector<16xi32>
    %jit3A_1617 = arith.constant 0 : i32
    %jit3A_1618 = arith.constant 63 : i32
    %max3A_1619 = vector.broadcast %jit3A_1617 : i32 to vector<16xi32>
    %max3A_1620 = arith.maxsi %max3A_1619, %convert_element_type3A_1616 : vector<16xi32>
    %min3A_1621 = vector.broadcast %jit3A_1618 : i32 to vector<16xi32>
    %min3A_1622 = arith.minsi %min3A_1621, %max3A_1620 : vector<16xi32>
    %mul3A_1623 = arith.constant 4096 : i32
    %mul3A_1624 = vector.broadcast %mul3A_1623 : i32 to vector<16xi32>
    %mul3A_1625 = arith.muli %min3A_1596, %mul3A_1624 : vector<16xi32>
    %mul3A_1626 = arith.constant 64 : i32
    %mul3A_1627 = vector.broadcast %mul3A_1626 : i32 to vector<16xi32>
    %mul3A_1628 = arith.muli %min3A_1609, %mul3A_1627 : vector<16xi32>
    %add3A_1629 = arith.addi %mul3A_1625, %mul3A_1628 : vector<16xi32>
    %add3A_1630 = arith.addi %add3A_1629, %min3A_1622 : vector<16xi32>
    %add3A_1631 = arith.constant 304 : i32
    %add3A_1632 = vector.broadcast %add3A_1631 : i32 to vector<16xi32>
    %add3A_1633 = arith.addi %iota3A, %add3A_1632 : vector<16xi32>
    %mul3A_1634 = arith.constant 640 : i32
    %mul3A_1635 = arith.muli %arg1, %mul3A_1634 : i32
    %add3A_1636 = vector.broadcast %mul3A_1635 : i32 to vector<16xi32>
    %add3A_1637 = arith.addi %add3A_1633, %add3A_1636 : vector<16xi32>
    %lt3A_1638 = arith.constant 10000 : i32
    %lt3A_1639 = vector.broadcast %lt3A_1638 : i32 to vector<16xi32>
    %lt3A_1640 = arith.cmpi slt, %add3A_1637, %lt3A_1639 : vector<16xi32>
    %jit3A_1641 = arith.constant 1.000000e+00 : f32
    %jit3A_1642 = arith.constant 0.000000e+00 : f32
    %broadcast_in_dim3A_1643 = vector.broadcast %jit3A_1641 : f32 to vector<16xf32>
    %broadcast_in_dim3A_1644 = vector.broadcast %jit3A_1642 : f32 to vector<16xf32>
    %select_n3A_1645 = arith.select %lt3A_1640, %broadcast_in_dim3A_1643, %broadcast_in_dim3A_1644 : vector<16xi1>, vector<16xf32>
    %swap3A_1646 = arith.constant 2 : i32
    %swap3A_1647 = arith.index_cast %swap3A_1646 : i32 to index
    %swap3A_1648 = arith.constant 48 : index
    %swap3A_1649 = tpu.vector_load %arg10[%swap3A_1647, %swap3A_1648] {strides = array<i32>} : memref<5x128xi32, #tpu.memory_space<vmem>>, vector<1x16xi32>,
    %swap3A_1650 = vector.shape_cast %swap3A_1649 : vector<1x16xi32> to vector<16xi32>
    %swap3A_1651 = vector.shape_cast %add3A_1630 : vector<16xi32> to vector<1x16xi32>
    tpu.vector_store %arg10[%swap3A_1647, %swap3A_1648], %swap3A_1651 {strides = array<i32>} : memref<5x128xi32, #tpu.memory_space<vmem>>, vector<1x16xi32>,
    %swap3A_1652 = arith.constant 2 : i32
    %swap3A_1653 = arith.index_cast %swap3A_1652 : i32 to index
    %swap3A_1654 = arith.constant 48 : index
    %swap3A_1655 = tpu.vector_load %arg11[%swap3A_1653, %swap3A_1654] {strides = array<i32>} : memref<5x128xf32, #tpu.memory_space<vmem>>, vector<1x16xf32>,
    %swap3A_1656 = vector.shape_cast %swap3A_1655 : vector<1x16xf32> to vector<16xf32>
    %swap3A_1657 = vector.shape_cast %select_n3A_1645 : vector<16xf32> to vector<1x16xf32>
    tpu.vector_store %arg11[%swap3A_1653, %swap3A_1654], %swap3A_1657 {strides = array<i32>} : memref<5x128xf32, #tpu.memory_space<vmem>>, vector<1x16xf32>,
    %get3A_1658 = arith.constant 320 : index
    %get3A_1659 = tpu.vector_load %arg7[%get3A_1658] {strides = array<i32>} : memref<640xf32, #tpu.memory_space<vmem>>, vector<16xf32>,
    %get3A_1660 = vector.shape_cast %get3A_1659 : vector<16xf32> to vector<16xf32>
    %get3A_1661 = arith.constant 320 : index
    %get3A_1662 = tpu.vector_load %arg8[%get3A_1661] {strides = array<i32>} : memref<640xf32, #tpu.memory_space<vmem>>, vector<16xf32>,
    %get3A_1663 = vector.shape_cast %get3A_1662 : vector<16xf32> to vector<16xf32>
    %get3A_1664 = arith.constant 320 : index
    %get3A_1665 = tpu.vector_load %arg9[%get3A_1664] {strides = array<i32>} : memref<640xf32, #tpu.memory_space<vmem>>, vector<16xf32>,
    %get3A_1666 = vector.shape_cast %get3A_1665 : vector<16xf32> to vector<16xf32>
    %add3A_1667 = arith.constant 2.000000e+00 : f32
    %add3A_1668 = vector.broadcast %add3A_1667 : f32 to vector<16xf32>
    %add3A_1669 = arith.addf %get3A_1660, %add3A_1668 : vector<16xf32>
    %mul3A_1670 = arith.constant 1.600000e+01 : f32
    %mul3A_1671 = vector.broadcast %mul3A_1670 : f32 to vector<16xf32>
    %mul3A_1672 = arith.mulf %add3A_1669, %mul3A_1671 : vector<16xf32>
    %convert_element_type3A_1673 = arith.fptosi %mul3A_1672 : vector<16xf32> to vector<16xi32>
    %jit3A_1674 = arith.constant 0 : i32
    %jit3A_1675 = arith.constant 63 : i32
    %max3A_1676 = vector.broadcast %jit3A_1674 : i32 to vector<16xi32>
    %max3A_1677 = arith.maxsi %max3A_1676, %convert_element_type3A_1673 : vector<16xi32>
    %min3A_1678 = vector.broadcast %jit3A_1675 : i32 to vector<16xi32>
    %min3A_1679 = arith.minsi %min3A_1678, %max3A_1677 : vector<16xi32>
    %add3A_1680 = arith.constant 2.000000e+00 : f32
    %add3A_1681 = vector.broadcast %add3A_1680 : f32 to vector<16xf32>
    %add3A_1682 = arith.addf %get3A_1663, %add3A_1681 : vector<16xf32>
    %mul3A_1683 = arith.constant 1.600000e+01 : f32
    %mul3A_1684 = vector.broadcast %mul3A_1683 : f32 to vector<16xf32>
    %mul3A_1685 = arith.mulf %add3A_1682, %mul3A_1684 : vector<16xf32>
    %convert_element_type3A_1686 = arith.fptosi %mul3A_1685 : vector<16xf32> to vector<16xi32>
    %jit3A_1687 = arith.constant 0 : i32
    %jit3A_1688 = arith.constant 63 : i32
    %max3A_1689 = vector.broadcast %jit3A_1687 : i32 to vector<16xi32>
    %max3A_1690 = arith.maxsi %max3A_1689, %convert_element_type3A_1686 : vector<16xi32>
    %min3A_1691 = vector.broadcast %jit3A_1688 : i32 to vector<16xi32>
    %min3A_1692 = arith.minsi %min3A_1691, %max3A_1690 : vector<16xi32>
    %add3A_1693 = arith.constant 2.000000e+00 : f32
    %add3A_1694 = vector.broadcast %add3A_1693 : f32 to vector<16xf32>
    %add3A_1695 = arith.addf %get3A_1666, %add3A_1694 : vector<16xf32>
    %mul3A_1696 = arith.constant 1.600000e+01 : f32
    %mul3A_1697 = vector.broadcast %mul3A_1696 : f32 to vector<16xf32>
    %mul3A_1698 = arith.mulf %add3A_1695, %mul3A_1697 : vector<16xf32>
    %convert_element_type3A_1699 = arith.fptosi %mul3A_1698 : vector<16xf32> to vector<16xi32>
    %jit3A_1700 = arith.constant 0 : i32
    %jit3A_1701 = arith.constant 63 : i32
    %max3A_1702 = vector.broadcast %jit3A_1700 : i32 to vector<16xi32>
    %max3A_1703 = arith.maxsi %max3A_1702, %convert_element_type3A_1699 : vector<16xi32>
    %min3A_1704 = vector.broadcast %jit3A_1701 : i32 to vector<16xi32>
    %min3A_1705 = arith.minsi %min3A_1704, %max3A_1703 : vector<16xi32>
    %mul3A_1706 = arith.constant 4096 : i32
    %mul3A_1707 = vector.broadcast %mul3A_1706 : i32 to vector<16xi32>
    %mul3A_1708 = arith.muli %min3A_1679, %mul3A_1707 : vector<16xi32>
    %mul3A_1709 = arith.constant 64 : i32
    %mul3A_1710 = vector.broadcast %mul3A_1709 : i32 to vector<16xi32>
    %mul3A_1711 = arith.muli %min3A_1692, %mul3A_1710 : vector<16xi32>
    %add3A_1712 = arith.addi %mul3A_1708, %mul3A_1711 : vector<16xi32>
    %add3A_1713 = arith.addi %add3A_1712, %min3A_1705 : vector<16xi32>
    %add3A_1714 = arith.constant 320 : i32
    %add3A_1715 = vector.broadcast %add3A_1714 : i32 to vector<16xi32>
    %add3A_1716 = arith.addi %iota3A, %add3A_1715 : vector<16xi32>
    %mul3A_1717 = arith.constant 640 : i32
    %mul3A_1718 = arith.muli %arg1, %mul3A_1717 : i32
    %add3A_1719 = vector.broadcast %mul3A_1718 : i32 to vector<16xi32>
    %add3A_1720 = arith.addi %add3A_1716, %add3A_1719 : vector<16xi32>
    %lt3A_1721 = arith.constant 10000 : i32
    %lt3A_1722 = vector.broadcast %lt3A_1721 : i32 to vector<16xi32>
    %lt3A_1723 = arith.cmpi slt, %add3A_1720, %lt3A_1722 : vector<16xi32>
    %jit3A_1724 = arith.constant 1.000000e+00 : f32
    %jit3A_1725 = arith.constant 0.000000e+00 : f32
    %broadcast_in_dim3A_1726 = vector.broadcast %jit3A_1724 : f32 to vector<16xf32>
    %broadcast_in_dim3A_1727 = vector.broadcast %jit3A_1725 : f32 to vector<16xf32>
    %select_n3A_1728 = arith.select %lt3A_1723, %broadcast_in_dim3A_1726, %broadcast_in_dim3A_1727 : vector<16xi1>, vector<16xf32>
    %swap3A_1729 = arith.constant 2 : i32
    %swap3A_1730 = arith.index_cast %swap3A_1729 : i32 to index
    %swap3A_1731 = arith.constant 64 : index
    %swap3A_1732 = tpu.vector_load %arg10[%swap3A_1730, %swap3A_1731] {strides = array<i32>} : memref<5x128xi32, #tpu.memory_space<vmem>>, vector<1x16xi32>,
    %swap3A_1733 = vector.shape_cast %swap3A_1732 : vector<1x16xi32> to vector<16xi32>
    %swap3A_1734 = vector.shape_cast %add3A_1713 : vector<16xi32> to vector<1x16xi32>
    tpu.vector_store %arg10[%swap3A_1730, %swap3A_1731], %swap3A_1734 {strides = array<i32>} : memref<5x128xi32, #tpu.memory_space<vmem>>, vector<1x16xi32>,
    %swap3A_1735 = arith.constant 2 : i32
    %swap3A_1736 = arith.index_cast %swap3A_1735 : i32 to index
    %swap3A_1737 = arith.constant 64 : index
    %swap3A_1738 = tpu.vector_load %arg11[%swap3A_1736, %swap3A_1737] {strides = array<i32>} : memref<5x128xf32, #tpu.memory_space<vmem>>, vector<1x16xf32>,
    %swap3A_1739 = vector.shape_cast %swap3A_1738 : vector<1x16xf32> to vector<16xf32>
    %swap3A_1740 = vector.shape_cast %select_n3A_1728 : vector<16xf32> to vector<1x16xf32>
    tpu.vector_store %arg11[%swap3A_1736, %swap3A_1737], %swap3A_1740 {strides = array<i32>} : memref<5x128xf32, #tpu.memory_space<vmem>>, vector<1x16xf32>,
    %get3A_1741 = arith.constant 336 : index
    %get3A_1742 = tpu.vector_load %arg7[%get3A_1741] {strides = array<i32>} : memref<640xf32, #tpu.memory_space<vmem>>, vector<16xf32>,
    %get3A_1743 = vector.shape_cast %get3A_1742 : vector<16xf32> to vector<16xf32>
    %get3A_1744 = arith.constant 336 : index
    %get3A_1745 = tpu.vector_load %arg8[%get3A_1744] {strides = array<i32>} : memref<640xf32, #tpu.memory_space<vmem>>, vector<16xf32>,
    %get3A_1746 = vector.shape_cast %get3A_1745 : vector<16xf32> to vector<16xf32>
    %get3A_1747 = arith.constant 336 : index
    %get3A_1748 = tpu.vector_load %arg9[%get3A_1747] {strides = array<i32>} : memref<640xf32, #tpu.memory_space<vmem>>, vector<16xf32>,
    %get3A_1749 = vector.shape_cast %get3A_1748 : vector<16xf32> to vector<16xf32>
    %add3A_1750 = arith.constant 2.000000e+00 : f32
    %add3A_1751 = vector.broadcast %add3A_1750 : f32 to vector<16xf32>
    %add3A_1752 = arith.addf %get3A_1743, %add3A_1751 : vector<16xf32>
    %mul3A_1753 = arith.constant 1.600000e+01 : f32
    %mul3A_1754 = vector.broadcast %mul3A_1753 : f32 to vector<16xf32>
    %mul3A_1755 = arith.mulf %add3A_1752, %mul3A_1754 : vector<16xf32>
    %convert_element_type3A_1756 = arith.fptosi %mul3A_1755 : vector<16xf32> to vector<16xi32>
    %jit3A_1757 = arith.constant 0 : i32
    %jit3A_1758 = arith.constant 63 : i32
    %max3A_1759 = vector.broadcast %jit3A_1757 : i32 to vector<16xi32>
    %max3A_1760 = arith.maxsi %max3A_1759, %convert_element_type3A_1756 : vector<16xi32>
    %min3A_1761 = vector.broadcast %jit3A_1758 : i32 to vector<16xi32>
    %min3A_1762 = arith.minsi %min3A_1761, %max3A_1760 : vector<16xi32>
    %add3A_1763 = arith.constant 2.000000e+00 : f32
    %add3A_1764 = vector.broadcast %add3A_1763 : f32 to vector<16xf32>
    %add3A_1765 = arith.addf %get3A_1746, %add3A_1764 : vector<16xf32>
    %mul3A_1766 = arith.constant 1.600000e+01 : f32
    %mul3A_1767 = vector.broadcast %mul3A_1766 : f32 to vector<16xf32>
    %mul3A_1768 = arith.mulf %add3A_1765, %mul3A_1767 : vector<16xf32>
    %convert_element_type3A_1769 = arith.fptosi %mul3A_1768 : vector<16xf32> to vector<16xi32>
    %jit3A_1770 = arith.constant 0 : i32
    %jit3A_1771 = arith.constant 63 : i32
    %max3A_1772 = vector.broadcast %jit3A_1770 : i32 to vector<16xi32>
    %max3A_1773 = arith.maxsi %max3A_1772, %convert_element_type3A_1769 : vector<16xi32>
    %min3A_1774 = vector.broadcast %jit3A_1771 : i32 to vector<16xi32>
    %min3A_1775 = arith.minsi %min3A_1774, %max3A_1773 : vector<16xi32>
    %add3A_1776 = arith.constant 2.000000e+00 : f32
    %add3A_1777 = vector.broadcast %add3A_1776 : f32 to vector<16xf32>
    %add3A_1778 = arith.addf %get3A_1749, %add3A_1777 : vector<16xf32>
    %mul3A_1779 = arith.constant 1.600000e+01 : f32
    %mul3A_1780 = vector.broadcast %mul3A_1779 : f32 to vector<16xf32>
    %mul3A_1781 = arith.mulf %add3A_1778, %mul3A_1780 : vector<16xf32>
    %convert_element_type3A_1782 = arith.fptosi %mul3A_1781 : vector<16xf32> to vector<16xi32>
    %jit3A_1783 = arith.constant 0 : i32
    %jit3A_1784 = arith.constant 63 : i32
    %max3A_1785 = vector.broadcast %jit3A_1783 : i32 to vector<16xi32>
    %max3A_1786 = arith.maxsi %max3A_1785, %convert_element_type3A_1782 : vector<16xi32>
    %min3A_1787 = vector.broadcast %jit3A_1784 : i32 to vector<16xi32>
    %min3A_1788 = arith.minsi %min3A_1787, %max3A_1786 : vector<16xi32>
    %mul3A_1789 = arith.constant 4096 : i32
    %mul3A_1790 = vector.broadcast %mul3A_1789 : i32 to vector<16xi32>
    %mul3A_1791 = arith.muli %min3A_1762, %mul3A_1790 : vector<16xi32>
    %mul3A_1792 = arith.constant 64 : i32
    %mul3A_1793 = vector.broadcast %mul3A_1792 : i32 to vector<16xi32>
    %mul3A_1794 = arith.muli %min3A_1775, %mul3A_1793 : vector<16xi32>
    %add3A_1795 = arith.addi %mul3A_1791, %mul3A_1794 : vector<16xi32>
    %add3A_1796 = arith.addi %add3A_1795, %min3A_1788 : vector<16xi32>
    %add3A_1797 = arith.constant 336 : i32
    %add3A_1798 = vector.broadcast %add3A_1797 : i32 to vector<16xi32>
    %add3A_1799 = arith.addi %iota3A, %add3A_1798 : vector<16xi32>
    %mul3A_1800 = arith.constant 640 : i32
    %mul3A_1801 = arith.muli %arg1, %mul3A_1800 : i32
    %add3A_1802 = vector.broadcast %mul3A_1801 : i32 to vector<16xi32>
    %add3A_1803 = arith.addi %add3A_1799, %add3A_1802 : vector<16xi32>
    %lt3A_1804 = arith.constant 10000 : i32
    %lt3A_1805 = vector.broadcast %lt3A_1804 : i32 to vector<16xi32>
    %lt3A_1806 = arith.cmpi slt, %add3A_1803, %lt3A_1805 : vector<16xi32>
    %jit3A_1807 = arith.constant 1.000000e+00 : f32
    %jit3A_1808 = arith.constant 0.000000e+00 : f32
    %broadcast_in_dim3A_1809 = vector.broadcast %jit3A_1807 : f32 to vector<16xf32>
    %broadcast_in_dim3A_1810 = vector.broadcast %jit3A_1808 : f32 to vector<16xf32>
    %select_n3A_1811 = arith.select %lt3A_1806, %broadcast_in_dim3A_1809, %broadcast_in_dim3A_1810 : vector<16xi1>, vector<16xf32>
    %swap3A_1812 = arith.constant 2 : i32
    %swap3A_1813 = arith.index_cast %swap3A_1812 : i32 to index
    %swap3A_1814 = arith.constant 80 : index
    %swap3A_1815 = tpu.vector_load %arg10[%swap3A_1813, %swap3A_1814] {strides = array<i32>} : memref<5x128xi32, #tpu.memory_space<vmem>>, vector<1x16xi32>,
    %swap3A_1816 = vector.shape_cast %swap3A_1815 : vector<1x16xi32> to vector<16xi32>
    %swap3A_1817 = vector.shape_cast %add3A_1796 : vector<16xi32> to vector<1x16xi32>
    tpu.vector_store %arg10[%swap3A_1813, %swap3A_1814], %swap3A_1817 {strides = array<i32>} : memref<5x128xi32, #tpu.memory_space<vmem>>, vector<1x16xi32>,
    %swap3A_1818 = arith.constant 2 : i32
    %swap3A_1819 = arith.index_cast %swap3A_1818 : i32 to index
    %swap3A_1820 = arith.constant 80 : index
    %swap3A_1821 = tpu.vector_load %arg11[%swap3A_1819, %swap3A_1820] {strides = array<i32>} : memref<5x128xf32, #tpu.memory_space<vmem>>, vector<1x16xf32>,
    %swap3A_1822 = vector.shape_cast %swap3A_1821 : vector<1x16xf32> to vector<16xf32>
    %swap3A_1823 = vector.shape_cast %select_n3A_1811 : vector<16xf32> to vector<1x16xf32>
    tpu.vector_store %arg11[%swap3A_1819, %swap3A_1820], %swap3A_1823 {strides = array<i32>} : memref<5x128xf32, #tpu.memory_space<vmem>>, vector<1x16xf32>,
    %get3A_1824 = arith.constant 352 : index
    %get3A_1825 = tpu.vector_load %arg7[%get3A_1824] {strides = array<i32>} : memref<640xf32, #tpu.memory_space<vmem>>, vector<16xf32>,
    %get3A_1826 = vector.shape_cast %get3A_1825 : vector<16xf32> to vector<16xf32>
    %get3A_1827 = arith.constant 352 : index
    %get3A_1828 = tpu.vector_load %arg8[%get3A_1827] {strides = array<i32>} : memref<640xf32, #tpu.memory_space<vmem>>, vector<16xf32>,
    %get3A_1829 = vector.shape_cast %get3A_1828 : vector<16xf32> to vector<16xf32>
    %get3A_1830 = arith.constant 352 : index
    %get3A_1831 = tpu.vector_load %arg9[%get3A_1830] {strides = array<i32>} : memref<640xf32, #tpu.memory_space<vmem>>, vector<16xf32>,
    %get3A_1832 = vector.shape_cast %get3A_1831 : vector<16xf32> to vector<16xf32>
    %add3A_1833 = arith.constant 2.000000e+00 : f32
    %add3A_1834 = vector.broadcast %add3A_1833 : f32 to vector<16xf32>
    %add3A_1835 = arith.addf %get3A_1826, %add3A_1834 : vector<16xf32>
    %mul3A_1836 = arith.constant 1.600000e+01 : f32
    %mul3A_1837 = vector.broadcast %mul3A_1836 : f32 to vector<16xf32>
    %mul3A_1838 = arith.mulf %add3A_1835, %mul3A_1837 : vector<16xf32>
    %convert_element_type3A_1839 = arith.fptosi %mul3A_1838 : vector<16xf32> to vector<16xi32>
    %jit3A_1840 = arith.constant 0 : i32
    %jit3A_1841 = arith.constant 63 : i32
    %max3A_1842 = vector.broadcast %jit3A_1840 : i32 to vector<16xi32>
    %max3A_1843 = arith.maxsi %max3A_1842, %convert_element_type3A_1839 : vector<16xi32>
    %min3A_1844 = vector.broadcast %jit3A_1841 : i32 to vector<16xi32>
    %min3A_1845 = arith.minsi %min3A_1844, %max3A_1843 : vector<16xi32>
    %add3A_1846 = arith.constant 2.000000e+00 : f32
    %add3A_1847 = vector.broadcast %add3A_1846 : f32 to vector<16xf32>
    %add3A_1848 = arith.addf %get3A_1829, %add3A_1847 : vector<16xf32>
    %mul3A_1849 = arith.constant 1.600000e+01 : f32
    %mul3A_1850 = vector.broadcast %mul3A_1849 : f32 to vector<16xf32>
    %mul3A_1851 = arith.mulf %add3A_1848, %mul3A_1850 : vector<16xf32>
    %convert_element_type3A_1852 = arith.fptosi %mul3A_1851 : vector<16xf32> to vector<16xi32>
    %jit3A_1853 = arith.constant 0 : i32
    %jit3A_1854 = arith.constant 63 : i32
    %max3A_1855 = vector.broadcast %jit3A_1853 : i32 to vector<16xi32>
    %max3A_1856 = arith.maxsi %max3A_1855, %convert_element_type3A_1852 : vector<16xi32>
    %min3A_1857 = vector.broadcast %jit3A_1854 : i32 to vector<16xi32>
    %min3A_1858 = arith.minsi %min3A_1857, %max3A_1856 : vector<16xi32>
    %add3A_1859 = arith.constant 2.000000e+00 : f32
    %add3A_1860 = vector.broadcast %add3A_1859 : f32 to vector<16xf32>
    %add3A_1861 = arith.addf %get3A_1832, %add3A_1860 : vector<16xf32>
    %mul3A_1862 = arith.constant 1.600000e+01 : f32
    %mul3A_1863 = vector.broadcast %mul3A_1862 : f32 to vector<16xf32>
    %mul3A_1864 = arith.mulf %add3A_1861, %mul3A_1863 : vector<16xf32>
    %convert_element_type3A_1865 = arith.fptosi %mul3A_1864 : vector<16xf32> to vector<16xi32>
    %jit3A_1866 = arith.constant 0 : i32
    %jit3A_1867 = arith.constant 63 : i32
    %max3A_1868 = vector.broadcast %jit3A_1866 : i32 to vector<16xi32>
    %max3A_1869 = arith.maxsi %max3A_1868, %convert_element_type3A_1865 : vector<16xi32>
    %min3A_1870 = vector.broadcast %jit3A_1867 : i32 to vector<16xi32>
    %min3A_1871 = arith.minsi %min3A_1870, %max3A_1869 : vector<16xi32>
    %mul3A_1872 = arith.constant 4096 : i32
    %mul3A_1873 = vector.broadcast %mul3A_1872 : i32 to vector<16xi32>
    %mul3A_1874 = arith.muli %min3A_1845, %mul3A_1873 : vector<16xi32>
    %mul3A_1875 = arith.constant 64 : i32
    %mul3A_1876 = vector.broadcast %mul3A_1875 : i32 to vector<16xi32>
    %mul3A_1877 = arith.muli %min3A_1858, %mul3A_1876 : vector<16xi32>
    %add3A_1878 = arith.addi %mul3A_1874, %mul3A_1877 : vector<16xi32>
    %add3A_1879 = arith.addi %add3A_1878, %min3A_1871 : vector<16xi32>
    %add3A_1880 = arith.constant 352 : i32
    %add3A_1881 = vector.broadcast %add3A_1880 : i32 to vector<16xi32>
    %add3A_1882 = arith.addi %iota3A, %add3A_1881 : vector<16xi32>
    %mul3A_1883 = arith.constant 640 : i32
    %mul3A_1884 = arith.muli %arg1, %mul3A_1883 : i32
    %add3A_1885 = vector.broadcast %mul3A_1884 : i32 to vector<16xi32>
    %add3A_1886 = arith.addi %add3A_1882, %add3A_1885 : vector<16xi32>
    %lt3A_1887 = arith.constant 10000 : i32
    %lt3A_1888 = vector.broadcast %lt3A_1887 : i32 to vector<16xi32>
    %lt3A_1889 = arith.cmpi slt, %add3A_1886, %lt3A_1888 : vector<16xi32>
    %jit3A_1890 = arith.constant 1.000000e+00 : f32
    %jit3A_1891 = arith.constant 0.000000e+00 : f32
    %broadcast_in_dim3A_1892 = vector.broadcast %jit3A_1890 : f32 to vector<16xf32>
    %broadcast_in_dim3A_1893 = vector.broadcast %jit3A_1891 : f32 to vector<16xf32>
    %select_n3A_1894 = arith.select %lt3A_1889, %broadcast_in_dim3A_1892, %broadcast_in_dim3A_1893 : vector<16xi1>, vector<16xf32>
    %swap3A_1895 = arith.constant 2 : i32
    %swap3A_1896 = arith.index_cast %swap3A_1895 : i32 to index
    %swap3A_1897 = arith.constant 96 : index
    %swap3A_1898 = tpu.vector_load %arg10[%swap3A_1896, %swap3A_1897] {strides = array<i32>} : memref<5x128xi32, #tpu.memory_space<vmem>>, vector<1x16xi32>,
    %swap3A_1899 = vector.shape_cast %swap3A_1898 : vector<1x16xi32> to vector<16xi32>
    %swap3A_1900 = vector.shape_cast %add3A_1879 : vector<16xi32> to vector<1x16xi32>
    tpu.vector_store %arg10[%swap3A_1896, %swap3A_1897], %swap3A_1900 {strides = array<i32>} : memref<5x128xi32, #tpu.memory_space<vmem>>, vector<1x16xi32>,
    %swap3A_1901 = arith.constant 2 : i32
    %swap3A_1902 = arith.index_cast %swap3A_1901 : i32 to index
    %swap3A_1903 = arith.constant 96 : index
    %swap3A_1904 = tpu.vector_load %arg11[%swap3A_1902, %swap3A_1903] {strides = array<i32>} : memref<5x128xf32, #tpu.memory_space<vmem>>, vector<1x16xf32>,
    %swap3A_1905 = vector.shape_cast %swap3A_1904 : vector<1x16xf32> to vector<16xf32>
    %swap3A_1906 = vector.shape_cast %select_n3A_1894 : vector<16xf32> to vector<1x16xf32>
    tpu.vector_store %arg11[%swap3A_1902, %swap3A_1903], %swap3A_1906 {strides = array<i32>} : memref<5x128xf32, #tpu.memory_space<vmem>>, vector<1x16xf32>,
    %get3A_1907 = arith.constant 368 : index
    %get3A_1908 = tpu.vector_load %arg7[%get3A_1907] {strides = array<i32>} : memref<640xf32, #tpu.memory_space<vmem>>, vector<16xf32>,
    %get3A_1909 = vector.shape_cast %get3A_1908 : vector<16xf32> to vector<16xf32>
    %get3A_1910 = arith.constant 368 : index
    %get3A_1911 = tpu.vector_load %arg8[%get3A_1910] {strides = array<i32>} : memref<640xf32, #tpu.memory_space<vmem>>, vector<16xf32>,
    %get3A_1912 = vector.shape_cast %get3A_1911 : vector<16xf32> to vector<16xf32>
    %get3A_1913 = arith.constant 368 : index
    %get3A_1914 = tpu.vector_load %arg9[%get3A_1913] {strides = array<i32>} : memref<640xf32, #tpu.memory_space<vmem>>, vector<16xf32>,
    %get3A_1915 = vector.shape_cast %get3A_1914 : vector<16xf32> to vector<16xf32>
    %add3A_1916 = arith.constant 2.000000e+00 : f32
    %add3A_1917 = vector.broadcast %add3A_1916 : f32 to vector<16xf32>
    %add3A_1918 = arith.addf %get3A_1909, %add3A_1917 : vector<16xf32>
    %mul3A_1919 = arith.constant 1.600000e+01 : f32
    %mul3A_1920 = vector.broadcast %mul3A_1919 : f32 to vector<16xf32>
    %mul3A_1921 = arith.mulf %add3A_1918, %mul3A_1920 : vector<16xf32>
    %convert_element_type3A_1922 = arith.fptosi %mul3A_1921 : vector<16xf32> to vector<16xi32>
    %jit3A_1923 = arith.constant 0 : i32
    %jit3A_1924 = arith.constant 63 : i32
    %max3A_1925 = vector.broadcast %jit3A_1923 : i32 to vector<16xi32>
    %max3A_1926 = arith.maxsi %max3A_1925, %convert_element_type3A_1922 : vector<16xi32>
    %min3A_1927 = vector.broadcast %jit3A_1924 : i32 to vector<16xi32>
    %min3A_1928 = arith.minsi %min3A_1927, %max3A_1926 : vector<16xi32>
    %add3A_1929 = arith.constant 2.000000e+00 : f32
    %add3A_1930 = vector.broadcast %add3A_1929 : f32 to vector<16xf32>
    %add3A_1931 = arith.addf %get3A_1912, %add3A_1930 : vector<16xf32>
    %mul3A_1932 = arith.constant 1.600000e+01 : f32
    %mul3A_1933 = vector.broadcast %mul3A_1932 : f32 to vector<16xf32>
    %mul3A_1934 = arith.mulf %add3A_1931, %mul3A_1933 : vector<16xf32>
    %convert_element_type3A_1935 = arith.fptosi %mul3A_1934 : vector<16xf32> to vector<16xi32>
    %jit3A_1936 = arith.constant 0 : i32
    %jit3A_1937 = arith.constant 63 : i32
    %max3A_1938 = vector.broadcast %jit3A_1936 : i32 to vector<16xi32>
    %max3A_1939 = arith.maxsi %max3A_1938, %convert_element_type3A_1935 : vector<16xi32>
    %min3A_1940 = vector.broadcast %jit3A_1937 : i32 to vector<16xi32>
    %min3A_1941 = arith.minsi %min3A_1940, %max3A_1939 : vector<16xi32>
    %add3A_1942 = arith.constant 2.000000e+00 : f32
    %add3A_1943 = vector.broadcast %add3A_1942 : f32 to vector<16xf32>
    %add3A_1944 = arith.addf %get3A_1915, %add3A_1943 : vector<16xf32>
    %mul3A_1945 = arith.constant 1.600000e+01 : f32
    %mul3A_1946 = vector.broadcast %mul3A_1945 : f32 to vector<16xf32>
    %mul3A_1947 = arith.mulf %add3A_1944, %mul3A_1946 : vector<16xf32>
    %convert_element_type3A_1948 = arith.fptosi %mul3A_1947 : vector<16xf32> to vector<16xi32>
    %jit3A_1949 = arith.constant 0 : i32
    %jit3A_1950 = arith.constant 63 : i32
    %max3A_1951 = vector.broadcast %jit3A_1949 : i32 to vector<16xi32>
    %max3A_1952 = arith.maxsi %max3A_1951, %convert_element_type3A_1948 : vector<16xi32>
    %min3A_1953 = vector.broadcast %jit3A_1950 : i32 to vector<16xi32>
    %min3A_1954 = arith.minsi %min3A_1953, %max3A_1952 : vector<16xi32>
    %mul3A_1955 = arith.constant 4096 : i32
    %mul3A_1956 = vector.broadcast %mul3A_1955 : i32 to vector<16xi32>
    %mul3A_1957 = arith.muli %min3A_1928, %mul3A_1956 : vector<16xi32>
    %mul3A_1958 = arith.constant 64 : i32
    %mul3A_1959 = vector.broadcast %mul3A_1958 : i32 to vector<16xi32>
    %mul3A_1960 = arith.muli %min3A_1941, %mul3A_1959 : vector<16xi32>
    %add3A_1961 = arith.addi %mul3A_1957, %mul3A_1960 : vector<16xi32>
    %add3A_1962 = arith.addi %add3A_1961, %min3A_1954 : vector<16xi32>
    %add3A_1963 = arith.constant 368 : i32
    %add3A_1964 = vector.broadcast %add3A_1963 : i32 to vector<16xi32>
    %add3A_1965 = arith.addi %iota3A, %add3A_1964 : vector<16xi32>
    %mul3A_1966 = arith.constant 640 : i32
    %mul3A_1967 = arith.muli %arg1, %mul3A_1966 : i32
    %add3A_1968 = vector.broadcast %mul3A_1967 : i32 to vector<16xi32>
    %add3A_1969 = arith.addi %add3A_1965, %add3A_1968 : vector<16xi32>
    %lt3A_1970 = arith.constant 10000 : i32
    %lt3A_1971 = vector.broadcast %lt3A_1970 : i32 to vector<16xi32>
    %lt3A_1972 = arith.cmpi slt, %add3A_1969, %lt3A_1971 : vector<16xi32>
    %jit3A_1973 = arith.constant 1.000000e+00 : f32
    %jit3A_1974 = arith.constant 0.000000e+00 : f32
    %broadcast_in_dim3A_1975 = vector.broadcast %jit3A_1973 : f32 to vector<16xf32>
    %broadcast_in_dim3A_1976 = vector.broadcast %jit3A_1974 : f32 to vector<16xf32>
    %select_n3A_1977 = arith.select %lt3A_1972, %broadcast_in_dim3A_1975, %broadcast_in_dim3A_1976 : vector<16xi1>, vector<16xf32>
    %swap3A_1978 = arith.constant 2 : i32
    %swap3A_1979 = arith.index_cast %swap3A_1978 : i32 to index
    %swap3A_1980 = arith.constant 112 : index
    %swap3A_1981 = tpu.vector_load %arg10[%swap3A_1979, %swap3A_1980] {strides = array<i32>} : memref<5x128xi32, #tpu.memory_space<vmem>>, vector<1x16xi32>,
    %swap3A_1982 = vector.shape_cast %swap3A_1981 : vector<1x16xi32> to vector<16xi32>
    %swap3A_1983 = vector.shape_cast %add3A_1962 : vector<16xi32> to vector<1x16xi32>
    tpu.vector_store %arg10[%swap3A_1979, %swap3A_1980], %swap3A_1983 {strides = array<i32>} : memref<5x128xi32, #tpu.memory_space<vmem>>, vector<1x16xi32>,
    %swap3A_1984 = arith.constant 2 : i32
    %swap3A_1985 = arith.index_cast %swap3A_1984 : i32 to index
    %swap3A_1986 = arith.constant 112 : index
    %swap3A_1987 = tpu.vector_load %arg11[%swap3A_1985, %swap3A_1986] {strides = array<i32>} : memref<5x128xf32, #tpu.memory_space<vmem>>, vector<1x16xf32>,
    %swap3A_1988 = vector.shape_cast %swap3A_1987 : vector<1x16xf32> to vector<16xf32>
    %swap3A_1989 = vector.shape_cast %select_n3A_1977 : vector<16xf32> to vector<1x16xf32>
    tpu.vector_store %arg11[%swap3A_1985, %swap3A_1986], %swap3A_1989 {strides = array<i32>} : memref<5x128xf32, #tpu.memory_space<vmem>>, vector<1x16xf32>,
    %get3A_1990 = arith.constant 384 : index
    %get3A_1991 = tpu.vector_load %arg7[%get3A_1990] {strides = array<i32>} : memref<640xf32, #tpu.memory_space<vmem>>, vector<16xf32>,
    %get3A_1992 = vector.shape_cast %get3A_1991 : vector<16xf32> to vector<16xf32>
    %get3A_1993 = arith.constant 384 : index
    %get3A_1994 = tpu.vector_load %arg8[%get3A_1993] {strides = array<i32>} : memref<640xf32, #tpu.memory_space<vmem>>, vector<16xf32>,
    %get3A_1995 = vector.shape_cast %get3A_1994 : vector<16xf32> to vector<16xf32>
    %get3A_1996 = arith.constant 384 : index
    %get3A_1997 = tpu.vector_load %arg9[%get3A_1996] {strides = array<i32>} : memref<640xf32, #tpu.memory_space<vmem>>, vector<16xf32>,
    %get3A_1998 = vector.shape_cast %get3A_1997 : vector<16xf32> to vector<16xf32>
    %add3A_1999 = arith.constant 2.000000e+00 : f32
    %add3A_2000 = vector.broadcast %add3A_1999 : f32 to vector<16xf32>
    %add3A_2001 = arith.addf %get3A_1992, %add3A_2000 : vector<16xf32>
    %mul3A_2002 = arith.constant 1.600000e+01 : f32
    %mul3A_2003 = vector.broadcast %mul3A_2002 : f32 to vector<16xf32>
    %mul3A_2004 = arith.mulf %add3A_2001, %mul3A_2003 : vector<16xf32>
    %convert_element_type3A_2005 = arith.fptosi %mul3A_2004 : vector<16xf32> to vector<16xi32>
    %jit3A_2006 = arith.constant 0 : i32
    %jit3A_2007 = arith.constant 63 : i32
    %max3A_2008 = vector.broadcast %jit3A_2006 : i32 to vector<16xi32>
    %max3A_2009 = arith.maxsi %max3A_2008, %convert_element_type3A_2005 : vector<16xi32>
    %min3A_2010 = vector.broadcast %jit3A_2007 : i32 to vector<16xi32>
    %min3A_2011 = arith.minsi %min3A_2010, %max3A_2009 : vector<16xi32>
    %add3A_2012 = arith.constant 2.000000e+00 : f32
    %add3A_2013 = vector.broadcast %add3A_2012 : f32 to vector<16xf32>
    %add3A_2014 = arith.addf %get3A_1995, %add3A_2013 : vector<16xf32>
    %mul3A_2015 = arith.constant 1.600000e+01 : f32
    %mul3A_2016 = vector.broadcast %mul3A_2015 : f32 to vector<16xf32>
    %mul3A_2017 = arith.mulf %add3A_2014, %mul3A_2016 : vector<16xf32>
    %convert_element_type3A_2018 = arith.fptosi %mul3A_2017 : vector<16xf32> to vector<16xi32>
    %jit3A_2019 = arith.constant 0 : i32
    %jit3A_2020 = arith.constant 63 : i32
    %max3A_2021 = vector.broadcast %jit3A_2019 : i32 to vector<16xi32>
    %max3A_2022 = arith.maxsi %max3A_2021, %convert_element_type3A_2018 : vector<16xi32>
    %min3A_2023 = vector.broadcast %jit3A_2020 : i32 to vector<16xi32>
    %min3A_2024 = arith.minsi %min3A_2023, %max3A_2022 : vector<16xi32>
    %add3A_2025 = arith.constant 2.000000e+00 : f32
    %add3A_2026 = vector.broadcast %add3A_2025 : f32 to vector<16xf32>
    %add3A_2027 = arith.addf %get3A_1998, %add3A_2026 : vector<16xf32>
    %mul3A_2028 = arith.constant 1.600000e+01 : f32
    %mul3A_2029 = vector.broadcast %mul3A_2028 : f32 to vector<16xf32>
    %mul3A_2030 = arith.mulf %add3A_2027, %mul3A_2029 : vector<16xf32>
    %convert_element_type3A_2031 = arith.fptosi %mul3A_2030 : vector<16xf32> to vector<16xi32>
    %jit3A_2032 = arith.constant 0 : i32
    %jit3A_2033 = arith.constant 63 : i32
    %max3A_2034 = vector.broadcast %jit3A_2032 : i32 to vector<16xi32>
    %max3A_2035 = arith.maxsi %max3A_2034, %convert_element_type3A_2031 : vector<16xi32>
    %min3A_2036 = vector.broadcast %jit3A_2033 : i32 to vector<16xi32>
    %min3A_2037 = arith.minsi %min3A_2036, %max3A_2035 : vector<16xi32>
    %mul3A_2038 = arith.constant 4096 : i32
    %mul3A_2039 = vector.broadcast %mul3A_2038 : i32 to vector<16xi32>
    %mul3A_2040 = arith.muli %min3A_2011, %mul3A_2039 : vector<16xi32>
    %mul3A_2041 = arith.constant 64 : i32
    %mul3A_2042 = vector.broadcast %mul3A_2041 : i32 to vector<16xi32>
    %mul3A_2043 = arith.muli %min3A_2024, %mul3A_2042 : vector<16xi32>
    %add3A_2044 = arith.addi %mul3A_2040, %mul3A_2043 : vector<16xi32>
    %add3A_2045 = arith.addi %add3A_2044, %min3A_2037 : vector<16xi32>
    %add3A_2046 = arith.constant 384 : i32
    %add3A_2047 = vector.broadcast %add3A_2046 : i32 to vector<16xi32>
    %add3A_2048 = arith.addi %iota3A, %add3A_2047 : vector<16xi32>
    %mul3A_2049 = arith.constant 640 : i32
    %mul3A_2050 = arith.muli %arg1, %mul3A_2049 : i32
    %add3A_2051 = vector.broadcast %mul3A_2050 : i32 to vector<16xi32>
    %add3A_2052 = arith.addi %add3A_2048, %add3A_2051 : vector<16xi32>
    %lt3A_2053 = arith.constant 10000 : i32
    %lt3A_2054 = vector.broadcast %lt3A_2053 : i32 to vector<16xi32>
    %lt3A_2055 = arith.cmpi slt, %add3A_2052, %lt3A_2054 : vector<16xi32>
    %jit3A_2056 = arith.constant 1.000000e+00 : f32
    %jit3A_2057 = arith.constant 0.000000e+00 : f32
    %broadcast_in_dim3A_2058 = vector.broadcast %jit3A_2056 : f32 to vector<16xf32>
    %broadcast_in_dim3A_2059 = vector.broadcast %jit3A_2057 : f32 to vector<16xf32>
    %select_n3A_2060 = arith.select %lt3A_2055, %broadcast_in_dim3A_2058, %broadcast_in_dim3A_2059 : vector<16xi1>, vector<16xf32>
    %swap3A_2061 = arith.constant 3 : i32
    %swap3A_2062 = arith.index_cast %swap3A_2061 : i32 to index
    %swap3A_2063 = arith.constant 0 : index
    %swap3A_2064 = tpu.vector_load %arg10[%swap3A_2062, %swap3A_2063] {strides = array<i32>} : memref<5x128xi32, #tpu.memory_space<vmem>>, vector<1x16xi32>,
    %swap3A_2065 = vector.shape_cast %swap3A_2064 : vector<1x16xi32> to vector<16xi32>
    %swap3A_2066 = vector.shape_cast %add3A_2045 : vector<16xi32> to vector<1x16xi32>
    tpu.vector_store %arg10[%swap3A_2062, %swap3A_2063], %swap3A_2066 {strides = array<i32>} : memref<5x128xi32, #tpu.memory_space<vmem>>, vector<1x16xi32>,
    %swap3A_2067 = arith.constant 3 : i32
    %swap3A_2068 = arith.index_cast %swap3A_2067 : i32 to index
    %swap3A_2069 = arith.constant 0 : index
    %swap3A_2070 = tpu.vector_load %arg11[%swap3A_2068, %swap3A_2069] {strides = array<i32>} : memref<5x128xf32, #tpu.memory_space<vmem>>, vector<1x16xf32>,
    %swap3A_2071 = vector.shape_cast %swap3A_2070 : vector<1x16xf32> to vector<16xf32>
    %swap3A_2072 = vector.shape_cast %select_n3A_2060 : vector<16xf32> to vector<1x16xf32>
    tpu.vector_store %arg11[%swap3A_2068, %swap3A_2069], %swap3A_2072 {strides = array<i32>} : memref<5x128xf32, #tpu.memory_space<vmem>>, vector<1x16xf32>,
    %get3A_2073 = arith.constant 400 : index
    %get3A_2074 = tpu.vector_load %arg7[%get3A_2073] {strides = array<i32>} : memref<640xf32, #tpu.memory_space<vmem>>, vector<16xf32>,
    %get3A_2075 = vector.shape_cast %get3A_2074 : vector<16xf32> to vector<16xf32>
    %get3A_2076 = arith.constant 400 : index
    %get3A_2077 = tpu.vector_load %arg8[%get3A_2076] {strides = array<i32>} : memref<640xf32, #tpu.memory_space<vmem>>, vector<16xf32>,
    %get3A_2078 = vector.shape_cast %get3A_2077 : vector<16xf32> to vector<16xf32>
    %get3A_2079 = arith.constant 400 : index
    %get3A_2080 = tpu.vector_load %arg9[%get3A_2079] {strides = array<i32>} : memref<640xf32, #tpu.memory_space<vmem>>, vector<16xf32>,
    %get3A_2081 = vector.shape_cast %get3A_2080 : vector<16xf32> to vector<16xf32>
    %add3A_2082 = arith.constant 2.000000e+00 : f32
    %add3A_2083 = vector.broadcast %add3A_2082 : f32 to vector<16xf32>
    %add3A_2084 = arith.addf %get3A_2075, %add3A_2083 : vector<16xf32>
    %mul3A_2085 = arith.constant 1.600000e+01 : f32
    %mul3A_2086 = vector.broadcast %mul3A_2085 : f32 to vector<16xf32>
    %mul3A_2087 = arith.mulf %add3A_2084, %mul3A_2086 : vector<16xf32>
    %convert_element_type3A_2088 = arith.fptosi %mul3A_2087 : vector<16xf32> to vector<16xi32>
    %jit3A_2089 = arith.constant 0 : i32
    %jit3A_2090 = arith.constant 63 : i32
    %max3A_2091 = vector.broadcast %jit3A_2089 : i32 to vector<16xi32>
    %max3A_2092 = arith.maxsi %max3A_2091, %convert_element_type3A_2088 : vector<16xi32>
    %min3A_2093 = vector.broadcast %jit3A_2090 : i32 to vector<16xi32>
    %min3A_2094 = arith.minsi %min3A_2093, %max3A_2092 : vector<16xi32>
    %add3A_2095 = arith.constant 2.000000e+00 : f32
    %add3A_2096 = vector.broadcast %add3A_2095 : f32 to vector<16xf32>
    %add3A_2097 = arith.addf %get3A_2078, %add3A_2096 : vector<16xf32>
    %mul3A_2098 = arith.constant 1.600000e+01 : f32
    %mul3A_2099 = vector.broadcast %mul3A_2098 : f32 to vector<16xf32>
    %mul3A_2100 = arith.mulf %add3A_2097, %mul3A_2099 : vector<16xf32>
    %convert_element_type3A_2101 = arith.fptosi %mul3A_2100 : vector<16xf32> to vector<16xi32>
    %jit3A_2102 = arith.constant 0 : i32
    %jit3A_2103 = arith.constant 63 : i32
    %max3A_2104 = vector.broadcast %jit3A_2102 : i32 to vector<16xi32>
    %max3A_2105 = arith.maxsi %max3A_2104, %convert_element_type3A_2101 : vector<16xi32>
    %min3A_2106 = vector.broadcast %jit3A_2103 : i32 to vector<16xi32>
    %min3A_2107 = arith.minsi %min3A_2106, %max3A_2105 : vector<16xi32>
    %add3A_2108 = arith.constant 2.000000e+00 : f32
    %add3A_2109 = vector.broadcast %add3A_2108 : f32 to vector<16xf32>
    %add3A_2110 = arith.addf %get3A_2081, %add3A_2109 : vector<16xf32>
    %mul3A_2111 = arith.constant 1.600000e+01 : f32
    %mul3A_2112 = vector.broadcast %mul3A_2111 : f32 to vector<16xf32>
    %mul3A_2113 = arith.mulf %add3A_2110, %mul3A_2112 : vector<16xf32>
    %convert_element_type3A_2114 = arith.fptosi %mul3A_2113 : vector<16xf32> to vector<16xi32>
    %jit3A_2115 = arith.constant 0 : i32
    %jit3A_2116 = arith.constant 63 : i32
    %max3A_2117 = vector.broadcast %jit3A_2115 : i32 to vector<16xi32>
    %max3A_2118 = arith.maxsi %max3A_2117, %convert_element_type3A_2114 : vector<16xi32>
    %min3A_2119 = vector.broadcast %jit3A_2116 : i32 to vector<16xi32>
    %min3A_2120 = arith.minsi %min3A_2119, %max3A_2118 : vector<16xi32>
    %mul3A_2121 = arith.constant 4096 : i32
    %mul3A_2122 = vector.broadcast %mul3A_2121 : i32 to vector<16xi32>
    %mul3A_2123 = arith.muli %min3A_2094, %mul3A_2122 : vector<16xi32>
    %mul3A_2124 = arith.constant 64 : i32
    %mul3A_2125 = vector.broadcast %mul3A_2124 : i32 to vector<16xi32>
    %mul3A_2126 = arith.muli %min3A_2107, %mul3A_2125 : vector<16xi32>
    %add3A_2127 = arith.addi %mul3A_2123, %mul3A_2126 : vector<16xi32>
    %add3A_2128 = arith.addi %add3A_2127, %min3A_2120 : vector<16xi32>
    %add3A_2129 = arith.constant 400 : i32
    %add3A_2130 = vector.broadcast %add3A_2129 : i32 to vector<16xi32>
    %add3A_2131 = arith.addi %iota3A, %add3A_2130 : vector<16xi32>
    %mul3A_2132 = arith.constant 640 : i32
    %mul3A_2133 = arith.muli %arg1, %mul3A_2132 : i32
    %add3A_2134 = vector.broadcast %mul3A_2133 : i32 to vector<16xi32>
    %add3A_2135 = arith.addi %add3A_2131, %add3A_2134 : vector<16xi32>
    %lt3A_2136 = arith.constant 10000 : i32
    %lt3A_2137 = vector.broadcast %lt3A_2136 : i32 to vector<16xi32>
    %lt3A_2138 = arith.cmpi slt, %add3A_2135, %lt3A_2137 : vector<16xi32>
    %jit3A_2139 = arith.constant 1.000000e+00 : f32
    %jit3A_2140 = arith.constant 0.000000e+00 : f32
    %broadcast_in_dim3A_2141 = vector.broadcast %jit3A_2139 : f32 to vector<16xf32>
    %broadcast_in_dim3A_2142 = vector.broadcast %jit3A_2140 : f32 to vector<16xf32>
    %select_n3A_2143 = arith.select %lt3A_2138, %broadcast_in_dim3A_2141, %broadcast_in_dim3A_2142 : vector<16xi1>, vector<16xf32>
    %swap3A_2144 = arith.constant 3 : i32
    %swap3A_2145 = arith.index_cast %swap3A_2144 : i32 to index
    %swap3A_2146 = arith.constant 16 : index
    %swap3A_2147 = tpu.vector_load %arg10[%swap3A_2145, %swap3A_2146] {strides = array<i32>} : memref<5x128xi32, #tpu.memory_space<vmem>>, vector<1x16xi32>,
    %swap3A_2148 = vector.shape_cast %swap3A_2147 : vector<1x16xi32> to vector<16xi32>
    %swap3A_2149 = vector.shape_cast %add3A_2128 : vector<16xi32> to vector<1x16xi32>
    tpu.vector_store %arg10[%swap3A_2145, %swap3A_2146], %swap3A_2149 {strides = array<i32>} : memref<5x128xi32, #tpu.memory_space<vmem>>, vector<1x16xi32>,
    %swap3A_2150 = arith.constant 3 : i32
    %swap3A_2151 = arith.index_cast %swap3A_2150 : i32 to index
    %swap3A_2152 = arith.constant 16 : index
    %swap3A_2153 = tpu.vector_load %arg11[%swap3A_2151, %swap3A_2152] {strides = array<i32>} : memref<5x128xf32, #tpu.memory_space<vmem>>, vector<1x16xf32>,
    %swap3A_2154 = vector.shape_cast %swap3A_2153 : vector<1x16xf32> to vector<16xf32>
    %swap3A_2155 = vector.shape_cast %select_n3A_2143 : vector<16xf32> to vector<1x16xf32>
    tpu.vector_store %arg11[%swap3A_2151, %swap3A_2152], %swap3A_2155 {strides = array<i32>} : memref<5x128xf32, #tpu.memory_space<vmem>>, vector<1x16xf32>,
    %get3A_2156 = arith.constant 416 : index
    %get3A_2157 = tpu.vector_load %arg7[%get3A_2156] {strides = array<i32>} : memref<640xf32, #tpu.memory_space<vmem>>, vector<16xf32>,
    %get3A_2158 = vector.shape_cast %get3A_2157 : vector<16xf32> to vector<16xf32>
    %get3A_2159 = arith.constant 416 : index
    %get3A_2160 = tpu.vector_load %arg8[%get3A_2159] {strides = array<i32>} : memref<640xf32, #tpu.memory_space<vmem>>, vector<16xf32>,
    %get3A_2161 = vector.shape_cast %get3A_2160 : vector<16xf32> to vector<16xf32>
    %get3A_2162 = arith.constant 416 : index
    %get3A_2163 = tpu.vector_load %arg9[%get3A_2162] {strides = array<i32>} : memref<640xf32, #tpu.memory_space<vmem>>, vector<16xf32>,
    %get3A_2164 = vector.shape_cast %get3A_2163 : vector<16xf32> to vector<16xf32>
    %add3A_2165 = arith.constant 2.000000e+00 : f32
    %add3A_2166 = vector.broadcast %add3A_2165 : f32 to vector<16xf32>
    %add3A_2167 = arith.addf %get3A_2158, %add3A_2166 : vector<16xf32>
    %mul3A_2168 = arith.constant 1.600000e+01 : f32
    %mul3A_2169 = vector.broadcast %mul3A_2168 : f32 to vector<16xf32>
    %mul3A_2170 = arith.mulf %add3A_2167, %mul3A_2169 : vector<16xf32>
    %convert_element_type3A_2171 = arith.fptosi %mul3A_2170 : vector<16xf32> to vector<16xi32>
    %jit3A_2172 = arith.constant 0 : i32
    %jit3A_2173 = arith.constant 63 : i32
    %max3A_2174 = vector.broadcast %jit3A_2172 : i32 to vector<16xi32>
    %max3A_2175 = arith.maxsi %max3A_2174, %convert_element_type3A_2171 : vector<16xi32>
    %min3A_2176 = vector.broadcast %jit3A_2173 : i32 to vector<16xi32>
    %min3A_2177 = arith.minsi %min3A_2176, %max3A_2175 : vector<16xi32>
    %add3A_2178 = arith.constant 2.000000e+00 : f32
    %add3A_2179 = vector.broadcast %add3A_2178 : f32 to vector<16xf32>
    %add3A_2180 = arith.addf %get3A_2161, %add3A_2179 : vector<16xf32>
    %mul3A_2181 = arith.constant 1.600000e+01 : f32
    %mul3A_2182 = vector.broadcast %mul3A_2181 : f32 to vector<16xf32>
    %mul3A_2183 = arith.mulf %add3A_2180, %mul3A_2182 : vector<16xf32>
    %convert_element_type3A_2184 = arith.fptosi %mul3A_2183 : vector<16xf32> to vector<16xi32>
    %jit3A_2185 = arith.constant 0 : i32
    %jit3A_2186 = arith.constant 63 : i32
    %max3A_2187 = vector.broadcast %jit3A_2185 : i32 to vector<16xi32>
    %max3A_2188 = arith.maxsi %max3A_2187, %convert_element_type3A_2184 : vector<16xi32>
    %min3A_2189 = vector.broadcast %jit3A_2186 : i32 to vector<16xi32>
    %min3A_2190 = arith.minsi %min3A_2189, %max3A_2188 : vector<16xi32>
    %add3A_2191 = arith.constant 2.000000e+00 : f32
    %add3A_2192 = vector.broadcast %add3A_2191 : f32 to vector<16xf32>
    %add3A_2193 = arith.addf %get3A_2164, %add3A_2192 : vector<16xf32>
    %mul3A_2194 = arith.constant 1.600000e+01 : f32
    %mul3A_2195 = vector.broadcast %mul3A_2194 : f32 to vector<16xf32>
    %mul3A_2196 = arith.mulf %add3A_2193, %mul3A_2195 : vector<16xf32>
    %convert_element_type3A_2197 = arith.fptosi %mul3A_2196 : vector<16xf32> to vector<16xi32>
    %jit3A_2198 = arith.constant 0 : i32
    %jit3A_2199 = arith.constant 63 : i32
    %max3A_2200 = vector.broadcast %jit3A_2198 : i32 to vector<16xi32>
    %max3A_2201 = arith.maxsi %max3A_2200, %convert_element_type3A_2197 : vector<16xi32>
    %min3A_2202 = vector.broadcast %jit3A_2199 : i32 to vector<16xi32>
    %min3A_2203 = arith.minsi %min3A_2202, %max3A_2201 : vector<16xi32>
    %mul3A_2204 = arith.constant 4096 : i32
    %mul3A_2205 = vector.broadcast %mul3A_2204 : i32 to vector<16xi32>
    %mul3A_2206 = arith.muli %min3A_2177, %mul3A_2205 : vector<16xi32>
    %mul3A_2207 = arith.constant 64 : i32
    %mul3A_2208 = vector.broadcast %mul3A_2207 : i32 to vector<16xi32>
    %mul3A_2209 = arith.muli %min3A_2190, %mul3A_2208 : vector<16xi32>
    %add3A_2210 = arith.addi %mul3A_2206, %mul3A_2209 : vector<16xi32>
    %add3A_2211 = arith.addi %add3A_2210, %min3A_2203 : vector<16xi32>
    %add3A_2212 = arith.constant 416 : i32
    %add3A_2213 = vector.broadcast %add3A_2212 : i32 to vector<16xi32>
    %add3A_2214 = arith.addi %iota3A, %add3A_2213 : vector<16xi32>
    %mul3A_2215 = arith.constant 640 : i32
    %mul3A_2216 = arith.muli %arg1, %mul3A_2215 : i32
    %add3A_2217 = vector.broadcast %mul3A_2216 : i32 to vector<16xi32>
    %add3A_2218 = arith.addi %add3A_2214, %add3A_2217 : vector<16xi32>
    %lt3A_2219 = arith.constant 10000 : i32
    %lt3A_2220 = vector.broadcast %lt3A_2219 : i32 to vector<16xi32>
    %lt3A_2221 = arith.cmpi slt, %add3A_2218, %lt3A_2220 : vector<16xi32>
    %jit3A_2222 = arith.constant 1.000000e+00 : f32
    %jit3A_2223 = arith.constant 0.000000e+00 : f32
    %broadcast_in_dim3A_2224 = vector.broadcast %jit3A_2222 : f32 to vector<16xf32>
    %broadcast_in_dim3A_2225 = vector.broadcast %jit3A_2223 : f32 to vector<16xf32>
    %select_n3A_2226 = arith.select %lt3A_2221, %broadcast_in_dim3A_2224, %broadcast_in_dim3A_2225 : vector<16xi1>, vector<16xf32>
    %swap3A_2227 = arith.constant 3 : i32
    %swap3A_2228 = arith.index_cast %swap3A_2227 : i32 to index
    %swap3A_2229 = arith.constant 32 : index
    %swap3A_2230 = tpu.vector_load %arg10[%swap3A_2228, %swap3A_2229] {strides = array<i32>} : memref<5x128xi32, #tpu.memory_space<vmem>>, vector<1x16xi32>,
    %swap3A_2231 = vector.shape_cast %swap3A_2230 : vector<1x16xi32> to vector<16xi32>
    %swap3A_2232 = vector.shape_cast %add3A_2211 : vector<16xi32> to vector<1x16xi32>
    tpu.vector_store %arg10[%swap3A_2228, %swap3A_2229], %swap3A_2232 {strides = array<i32>} : memref<5x128xi32, #tpu.memory_space<vmem>>, vector<1x16xi32>,
    %swap3A_2233 = arith.constant 3 : i32
    %swap3A_2234 = arith.index_cast %swap3A_2233 : i32 to index
    %swap3A_2235 = arith.constant 32 : index
    %swap3A_2236 = tpu.vector_load %arg11[%swap3A_2234, %swap3A_2235] {strides = array<i32>} : memref<5x128xf32, #tpu.memory_space<vmem>>, vector<1x16xf32>,
    %swap3A_2237 = vector.shape_cast %swap3A_2236 : vector<1x16xf32> to vector<16xf32>
    %swap3A_2238 = vector.shape_cast %select_n3A_2226 : vector<16xf32> to vector<1x16xf32>
    tpu.vector_store %arg11[%swap3A_2234, %swap3A_2235], %swap3A_2238 {strides = array<i32>} : memref<5x128xf32, #tpu.memory_space<vmem>>, vector<1x16xf32>,
    %get3A_2239 = arith.constant 432 : index
    %get3A_2240 = tpu.vector_load %arg7[%get3A_2239] {strides = array<i32>} : memref<640xf32, #tpu.memory_space<vmem>>, vector<16xf32>,
    %get3A_2241 = vector.shape_cast %get3A_2240 : vector<16xf32> to vector<16xf32>
    %get3A_2242 = arith.constant 432 : index
    %get3A_2243 = tpu.vector_load %arg8[%get3A_2242] {strides = array<i32>} : memref<640xf32, #tpu.memory_space<vmem>>, vector<16xf32>,
    %get3A_2244 = vector.shape_cast %get3A_2243 : vector<16xf32> to vector<16xf32>
    %get3A_2245 = arith.constant 432 : index
    %get3A_2246 = tpu.vector_load %arg9[%get3A_2245] {strides = array<i32>} : memref<640xf32, #tpu.memory_space<vmem>>, vector<16xf32>,
    %get3A_2247 = vector.shape_cast %get3A_2246 : vector<16xf32> to vector<16xf32>
    %add3A_2248 = arith.constant 2.000000e+00 : f32
    %add3A_2249 = vector.broadcast %add3A_2248 : f32 to vector<16xf32>
    %add3A_2250 = arith.addf %get3A_2241, %add3A_2249 : vector<16xf32>
    %mul3A_2251 = arith.constant 1.600000e+01 : f32
    %mul3A_2252 = vector.broadcast %mul3A_2251 : f32 to vector<16xf32>
    %mul3A_2253 = arith.mulf %add3A_2250, %mul3A_2252 : vector<16xf32>
    %convert_element_type3A_2254 = arith.fptosi %mul3A_2253 : vector<16xf32> to vector<16xi32>
    %jit3A_2255 = arith.constant 0 : i32
    %jit3A_2256 = arith.constant 63 : i32
    %max3A_2257 = vector.broadcast %jit3A_2255 : i32 to vector<16xi32>
    %max3A_2258 = arith.maxsi %max3A_2257, %convert_element_type3A_2254 : vector<16xi32>
    %min3A_2259 = vector.broadcast %jit3A_2256 : i32 to vector<16xi32>
    %min3A_2260 = arith.minsi %min3A_2259, %max3A_2258 : vector<16xi32>
    %add3A_2261 = arith.constant 2.000000e+00 : f32
    %add3A_2262 = vector.broadcast %add3A_2261 : f32 to vector<16xf32>
    %add3A_2263 = arith.addf %get3A_2244, %add3A_2262 : vector<16xf32>
    %mul3A_2264 = arith.constant 1.600000e+01 : f32
    %mul3A_2265 = vector.broadcast %mul3A_2264 : f32 to vector<16xf32>
    %mul3A_2266 = arith.mulf %add3A_2263, %mul3A_2265 : vector<16xf32>
    %convert_element_type3A_2267 = arith.fptosi %mul3A_2266 : vector<16xf32> to vector<16xi32>
    %jit3A_2268 = arith.constant 0 : i32
    %jit3A_2269 = arith.constant 63 : i32
    %max3A_2270 = vector.broadcast %jit3A_2268 : i32 to vector<16xi32>
    %max3A_2271 = arith.maxsi %max3A_2270, %convert_element_type3A_2267 : vector<16xi32>
    %min3A_2272 = vector.broadcast %jit3A_2269 : i32 to vector<16xi32>
    %min3A_2273 = arith.minsi %min3A_2272, %max3A_2271 : vector<16xi32>
    %add3A_2274 = arith.constant 2.000000e+00 : f32
    %add3A_2275 = vector.broadcast %add3A_2274 : f32 to vector<16xf32>
    %add3A_2276 = arith.addf %get3A_2247, %add3A_2275 : vector<16xf32>
    %mul3A_2277 = arith.constant 1.600000e+01 : f32
    %mul3A_2278 = vector.broadcast %mul3A_2277 : f32 to vector<16xf32>
    %mul3A_2279 = arith.mulf %add3A_2276, %mul3A_2278 : vector<16xf32>
    %convert_element_type3A_2280 = arith.fptosi %mul3A_2279 : vector<16xf32> to vector<16xi32>
    %jit3A_2281 = arith.constant 0 : i32
    %jit3A_2282 = arith.constant 63 : i32
    %max3A_2283 = vector.broadcast %jit3A_2281 : i32 to vector<16xi32>
    %max3A_2284 = arith.maxsi %max3A_2283, %convert_element_type3A_2280 : vector<16xi32>
    %min3A_2285 = vector.broadcast %jit3A_2282 : i32 to vector<16xi32>
    %min3A_2286 = arith.minsi %min3A_2285, %max3A_2284 : vector<16xi32>
    %mul3A_2287 = arith.constant 4096 : i32
    %mul3A_2288 = vector.broadcast %mul3A_2287 : i32 to vector<16xi32>
    %mul3A_2289 = arith.muli %min3A_2260, %mul3A_2288 : vector<16xi32>
    %mul3A_2290 = arith.constant 64 : i32
    %mul3A_2291 = vector.broadcast %mul3A_2290 : i32 to vector<16xi32>
    %mul3A_2292 = arith.muli %min3A_2273, %mul3A_2291 : vector<16xi32>
    %add3A_2293 = arith.addi %mul3A_2289, %mul3A_2292 : vector<16xi32>
    %add3A_2294 = arith.addi %add3A_2293, %min3A_2286 : vector<16xi32>
    %add3A_2295 = arith.constant 432 : i32
    %add3A_2296 = vector.broadcast %add3A_2295 : i32 to vector<16xi32>
    %add3A_2297 = arith.addi %iota3A, %add3A_2296 : vector<16xi32>
    %mul3A_2298 = arith.constant 640 : i32
    %mul3A_2299 = arith.muli %arg1, %mul3A_2298 : i32
    %add3A_2300 = vector.broadcast %mul3A_2299 : i32 to vector<16xi32>
    %add3A_2301 = arith.addi %add3A_2297, %add3A_2300 : vector<16xi32>
    %lt3A_2302 = arith.constant 10000 : i32
    %lt3A_2303 = vector.broadcast %lt3A_2302 : i32 to vector<16xi32>
    %lt3A_2304 = arith.cmpi slt, %add3A_2301, %lt3A_2303 : vector<16xi32>
    %jit3A_2305 = arith.constant 1.000000e+00 : f32
    %jit3A_2306 = arith.constant 0.000000e+00 : f32
    %broadcast_in_dim3A_2307 = vector.broadcast %jit3A_2305 : f32 to vector<16xf32>
    %broadcast_in_dim3A_2308 = vector.broadcast %jit3A_2306 : f32 to vector<16xf32>
    %select_n3A_2309 = arith.select %lt3A_2304, %broadcast_in_dim3A_2307, %broadcast_in_dim3A_2308 : vector<16xi1>, vector<16xf32>
    %swap3A_2310 = arith.constant 3 : i32
    %swap3A_2311 = arith.index_cast %swap3A_2310 : i32 to index
    %swap3A_2312 = arith.constant 48 : index
    %swap3A_2313 = tpu.vector_load %arg10[%swap3A_2311, %swap3A_2312] {strides = array<i32>} : memref<5x128xi32, #tpu.memory_space<vmem>>, vector<1x16xi32>,
    %swap3A_2314 = vector.shape_cast %swap3A_2313 : vector<1x16xi32> to vector<16xi32>
    %swap3A_2315 = vector.shape_cast %add3A_2294 : vector<16xi32> to vector<1x16xi32>
    tpu.vector_store %arg10[%swap3A_2311, %swap3A_2312], %swap3A_2315 {strides = array<i32>} : memref<5x128xi32, #tpu.memory_space<vmem>>, vector<1x16xi32>,
    %swap3A_2316 = arith.constant 3 : i32
    %swap3A_2317 = arith.index_cast %swap3A_2316 : i32 to index
    %swap3A_2318 = arith.constant 48 : index
    %swap3A_2319 = tpu.vector_load %arg11[%swap3A_2317, %swap3A_2318] {strides = array<i32>} : memref<5x128xf32, #tpu.memory_space<vmem>>, vector<1x16xf32>,
    %swap3A_2320 = vector.shape_cast %swap3A_2319 : vector<1x16xf32> to vector<16xf32>
    %swap3A_2321 = vector.shape_cast %select_n3A_2309 : vector<16xf32> to vector<1x16xf32>
    tpu.vector_store %arg11[%swap3A_2317, %swap3A_2318], %swap3A_2321 {strides = array<i32>} : memref<5x128xf32, #tpu.memory_space<vmem>>, vector<1x16xf32>,
    %get3A_2322 = arith.constant 448 : index
    %get3A_2323 = tpu.vector_load %arg7[%get3A_2322] {strides = array<i32>} : memref<640xf32, #tpu.memory_space<vmem>>, vector<16xf32>,
    %get3A_2324 = vector.shape_cast %get3A_2323 : vector<16xf32> to vector<16xf32>
    %get3A_2325 = arith.constant 448 : index
    %get3A_2326 = tpu.vector_load %arg8[%get3A_2325] {strides = array<i32>} : memref<640xf32, #tpu.memory_space<vmem>>, vector<16xf32>,
    %get3A_2327 = vector.shape_cast %get3A_2326 : vector<16xf32> to vector<16xf32>
    %get3A_2328 = arith.constant 448 : index
    %get3A_2329 = tpu.vector_load %arg9[%get3A_2328] {strides = array<i32>} : memref<640xf32, #tpu.memory_space<vmem>>, vector<16xf32>,
    %get3A_2330 = vector.shape_cast %get3A_2329 : vector<16xf32> to vector<16xf32>
    %add3A_2331 = arith.constant 2.000000e+00 : f32
    %add3A_2332 = vector.broadcast %add3A_2331 : f32 to vector<16xf32>
    %add3A_2333 = arith.addf %get3A_2324, %add3A_2332 : vector<16xf32>
    %mul3A_2334 = arith.constant 1.600000e+01 : f32
    %mul3A_2335 = vector.broadcast %mul3A_2334 : f32 to vector<16xf32>
    %mul3A_2336 = arith.mulf %add3A_2333, %mul3A_2335 : vector<16xf32>
    %convert_element_type3A_2337 = arith.fptosi %mul3A_2336 : vector<16xf32> to vector<16xi32>
    %jit3A_2338 = arith.constant 0 : i32
    %jit3A_2339 = arith.constant 63 : i32
    %max3A_2340 = vector.broadcast %jit3A_2338 : i32 to vector<16xi32>
    %max3A_2341 = arith.maxsi %max3A_2340, %convert_element_type3A_2337 : vector<16xi32>
    %min3A_2342 = vector.broadcast %jit3A_2339 : i32 to vector<16xi32>
    %min3A_2343 = arith.minsi %min3A_2342, %max3A_2341 : vector<16xi32>
    %add3A_2344 = arith.constant 2.000000e+00 : f32
    %add3A_2345 = vector.broadcast %add3A_2344 : f32 to vector<16xf32>
    %add3A_2346 = arith.addf %get3A_2327, %add3A_2345 : vector<16xf32>
    %mul3A_2347 = arith.constant 1.600000e+01 : f32
    %mul3A_2348 = vector.broadcast %mul3A_2347 : f32 to vector<16xf32>
    %mul3A_2349 = arith.mulf %add3A_2346, %mul3A_2348 : vector<16xf32>
    %convert_element_type3A_2350 = arith.fptosi %mul3A_2349 : vector<16xf32> to vector<16xi32>
    %jit3A_2351 = arith.constant 0 : i32
    %jit3A_2352 = arith.constant 63 : i32
    %max3A_2353 = vector.broadcast %jit3A_2351 : i32 to vector<16xi32>
    %max3A_2354 = arith.maxsi %max3A_2353, %convert_element_type3A_2350 : vector<16xi32>
    %min3A_2355 = vector.broadcast %jit3A_2352 : i32 to vector<16xi32>
    %min3A_2356 = arith.minsi %min3A_2355, %max3A_2354 : vector<16xi32>
    %add3A_2357 = arith.constant 2.000000e+00 : f32
    %add3A_2358 = vector.broadcast %add3A_2357 : f32 to vector<16xf32>
    %add3A_2359 = arith.addf %get3A_2330, %add3A_2358 : vector<16xf32>
    %mul3A_2360 = arith.constant 1.600000e+01 : f32
    %mul3A_2361 = vector.broadcast %mul3A_2360 : f32 to vector<16xf32>
    %mul3A_2362 = arith.mulf %add3A_2359, %mul3A_2361 : vector<16xf32>
    %convert_element_type3A_2363 = arith.fptosi %mul3A_2362 : vector<16xf32> to vector<16xi32>
    %jit3A_2364 = arith.constant 0 : i32
    %jit3A_2365 = arith.constant 63 : i32
    %max3A_2366 = vector.broadcast %jit3A_2364 : i32 to vector<16xi32>
    %max3A_2367 = arith.maxsi %max3A_2366, %convert_element_type3A_2363 : vector<16xi32>
    %min3A_2368 = vector.broadcast %jit3A_2365 : i32 to vector<16xi32>
    %min3A_2369 = arith.minsi %min3A_2368, %max3A_2367 : vector<16xi32>
    %mul3A_2370 = arith.constant 4096 : i32
    %mul3A_2371 = vector.broadcast %mul3A_2370 : i32 to vector<16xi32>
    %mul3A_2372 = arith.muli %min3A_2343, %mul3A_2371 : vector<16xi32>
    %mul3A_2373 = arith.constant 64 : i32
    %mul3A_2374 = vector.broadcast %mul3A_2373 : i32 to vector<16xi32>
    %mul3A_2375 = arith.muli %min3A_2356, %mul3A_2374 : vector<16xi32>
    %add3A_2376 = arith.addi %mul3A_2372, %mul3A_2375 : vector<16xi32>
    %add3A_2377 = arith.addi %add3A_2376, %min3A_2369 : vector<16xi32>
    %add3A_2378 = arith.constant 448 : i32
    %add3A_2379 = vector.broadcast %add3A_2378 : i32 to vector<16xi32>
    %add3A_2380 = arith.addi %iota3A, %add3A_2379 : vector<16xi32>
    %mul3A_2381 = arith.constant 640 : i32
    %mul3A_2382 = arith.muli %arg1, %mul3A_2381 : i32
    %add3A_2383 = vector.broadcast %mul3A_2382 : i32 to vector<16xi32>
    %add3A_2384 = arith.addi %add3A_2380, %add3A_2383 : vector<16xi32>
    %lt3A_2385 = arith.constant 10000 : i32
    %lt3A_2386 = vector.broadcast %lt3A_2385 : i32 to vector<16xi32>
    %lt3A_2387 = arith.cmpi slt, %add3A_2384, %lt3A_2386 : vector<16xi32>
    %jit3A_2388 = arith.constant 1.000000e+00 : f32
    %jit3A_2389 = arith.constant 0.000000e+00 : f32
    %broadcast_in_dim3A_2390 = vector.broadcast %jit3A_2388 : f32 to vector<16xf32>
    %broadcast_in_dim3A_2391 = vector.broadcast %jit3A_2389 : f32 to vector<16xf32>
    %select_n3A_2392 = arith.select %lt3A_2387, %broadcast_in_dim3A_2390, %broadcast_in_dim3A_2391 : vector<16xi1>, vector<16xf32>
    %swap3A_2393 = arith.constant 3 : i32
    %swap3A_2394 = arith.index_cast %swap3A_2393 : i32 to index
    %swap3A_2395 = arith.constant 64 : index
    %swap3A_2396 = tpu.vector_load %arg10[%swap3A_2394, %swap3A_2395] {strides = array<i32>} : memref<5x128xi32, #tpu.memory_space<vmem>>, vector<1x16xi32>,
    %swap3A_2397 = vector.shape_cast %swap3A_2396 : vector<1x16xi32> to vector<16xi32>
    %swap3A_2398 = vector.shape_cast %add3A_2377 : vector<16xi32> to vector<1x16xi32>
    tpu.vector_store %arg10[%swap3A_2394, %swap3A_2395], %swap3A_2398 {strides = array<i32>} : memref<5x128xi32, #tpu.memory_space<vmem>>, vector<1x16xi32>,
    %swap3A_2399 = arith.constant 3 : i32
    %swap3A_2400 = arith.index_cast %swap3A_2399 : i32 to index
    %swap3A_2401 = arith.constant 64 : index
    %swap3A_2402 = tpu.vector_load %arg11[%swap3A_2400, %swap3A_2401] {strides = array<i32>} : memref<5x128xf32, #tpu.memory_space<vmem>>, vector<1x16xf32>,
    %swap3A_2403 = vector.shape_cast %swap3A_2402 : vector<1x16xf32> to vector<16xf32>
    %swap3A_2404 = vector.shape_cast %select_n3A_2392 : vector<16xf32> to vector<1x16xf32>
    tpu.vector_store %arg11[%swap3A_2400, %swap3A_2401], %swap3A_2404 {strides = array<i32>} : memref<5x128xf32, #tpu.memory_space<vmem>>, vector<1x16xf32>,
    %get3A_2405 = arith.constant 464 : index
    %get3A_2406 = tpu.vector_load %arg7[%get3A_2405] {strides = array<i32>} : memref<640xf32, #tpu.memory_space<vmem>>, vector<16xf32>,
    %get3A_2407 = vector.shape_cast %get3A_2406 : vector<16xf32> to vector<16xf32>
    %get3A_2408 = arith.constant 464 : index
    %get3A_2409 = tpu.vector_load %arg8[%get3A_2408] {strides = array<i32>} : memref<640xf32, #tpu.memory_space<vmem>>, vector<16xf32>,
    %get3A_2410 = vector.shape_cast %get3A_2409 : vector<16xf32> to vector<16xf32>
    %get3A_2411 = arith.constant 464 : index
    %get3A_2412 = tpu.vector_load %arg9[%get3A_2411] {strides = array<i32>} : memref<640xf32, #tpu.memory_space<vmem>>, vector<16xf32>,
    %get3A_2413 = vector.shape_cast %get3A_2412 : vector<16xf32> to vector<16xf32>
    %add3A_2414 = arith.constant 2.000000e+00 : f32
    %add3A_2415 = vector.broadcast %add3A_2414 : f32 to vector<16xf32>
    %add3A_2416 = arith.addf %get3A_2407, %add3A_2415 : vector<16xf32>
    %mul3A_2417 = arith.constant 1.600000e+01 : f32
    %mul3A_2418 = vector.broadcast %mul3A_2417 : f32 to vector<16xf32>
    %mul3A_2419 = arith.mulf %add3A_2416, %mul3A_2418 : vector<16xf32>
    %convert_element_type3A_2420 = arith.fptosi %mul3A_2419 : vector<16xf32> to vector<16xi32>
    %jit3A_2421 = arith.constant 0 : i32
    %jit3A_2422 = arith.constant 63 : i32
    %max3A_2423 = vector.broadcast %jit3A_2421 : i32 to vector<16xi32>
    %max3A_2424 = arith.maxsi %max3A_2423, %convert_element_type3A_2420 : vector<16xi32>
    %min3A_2425 = vector.broadcast %jit3A_2422 : i32 to vector<16xi32>
    %min3A_2426 = arith.minsi %min3A_2425, %max3A_2424 : vector<16xi32>
    %add3A_2427 = arith.constant 2.000000e+00 : f32
    %add3A_2428 = vector.broadcast %add3A_2427 : f32 to vector<16xf32>
    %add3A_2429 = arith.addf %get3A_2410, %add3A_2428 : vector<16xf32>
    %mul3A_2430 = arith.constant 1.600000e+01 : f32
    %mul3A_2431 = vector.broadcast %mul3A_2430 : f32 to vector<16xf32>
    %mul3A_2432 = arith.mulf %add3A_2429, %mul3A_2431 : vector<16xf32>
    %convert_element_type3A_2433 = arith.fptosi %mul3A_2432 : vector<16xf32> to vector<16xi32>
    %jit3A_2434 = arith.constant 0 : i32
    %jit3A_2435 = arith.constant 63 : i32
    %max3A_2436 = vector.broadcast %jit3A_2434 : i32 to vector<16xi32>
    %max3A_2437 = arith.maxsi %max3A_2436, %convert_element_type3A_2433 : vector<16xi32>
    %min3A_2438 = vector.broadcast %jit3A_2435 : i32 to vector<16xi32>
    %min3A_2439 = arith.minsi %min3A_2438, %max3A_2437 : vector<16xi32>
    %add3A_2440 = arith.constant 2.000000e+00 : f32
    %add3A_2441 = vector.broadcast %add3A_2440 : f32 to vector<16xf32>
    %add3A_2442 = arith.addf %get3A_2413, %add3A_2441 : vector<16xf32>
    %mul3A_2443 = arith.constant 1.600000e+01 : f32
    %mul3A_2444 = vector.broadcast %mul3A_2443 : f32 to vector<16xf32>
    %mul3A_2445 = arith.mulf %add3A_2442, %mul3A_2444 : vector<16xf32>
    %convert_element_type3A_2446 = arith.fptosi %mul3A_2445 : vector<16xf32> to vector<16xi32>
    %jit3A_2447 = arith.constant 0 : i32
    %jit3A_2448 = arith.constant 63 : i32
    %max3A_2449 = vector.broadcast %jit3A_2447 : i32 to vector<16xi32>
    %max3A_2450 = arith.maxsi %max3A_2449, %convert_element_type3A_2446 : vector<16xi32>
    %min3A_2451 = vector.broadcast %jit3A_2448 : i32 to vector<16xi32>
    %min3A_2452 = arith.minsi %min3A_2451, %max3A_2450 : vector<16xi32>
    %mul3A_2453 = arith.constant 4096 : i32
    %mul3A_2454 = vector.broadcast %mul3A_2453 : i32 to vector<16xi32>
    %mul3A_2455 = arith.muli %min3A_2426, %mul3A_2454 : vector<16xi32>
    %mul3A_2456 = arith.constant 64 : i32
    %mul3A_2457 = vector.broadcast %mul3A_2456 : i32 to vector<16xi32>
    %mul3A_2458 = arith.muli %min3A_2439, %mul3A_2457 : vector<16xi32>
    %add3A_2459 = arith.addi %mul3A_2455, %mul3A_2458 : vector<16xi32>
    %add3A_2460 = arith.addi %add3A_2459, %min3A_2452 : vector<16xi32>
    %add3A_2461 = arith.constant 464 : i32
    %add3A_2462 = vector.broadcast %add3A_2461 : i32 to vector<16xi32>
    %add3A_2463 = arith.addi %iota3A, %add3A_2462 : vector<16xi32>
    %mul3A_2464 = arith.constant 640 : i32
    %mul3A_2465 = arith.muli %arg1, %mul3A_2464 : i32
    %add3A_2466 = vector.broadcast %mul3A_2465 : i32 to vector<16xi32>
    %add3A_2467 = arith.addi %add3A_2463, %add3A_2466 : vector<16xi32>
    %lt3A_2468 = arith.constant 10000 : i32
    %lt3A_2469 = vector.broadcast %lt3A_2468 : i32 to vector<16xi32>
    %lt3A_2470 = arith.cmpi slt, %add3A_2467, %lt3A_2469 : vector<16xi32>
    %jit3A_2471 = arith.constant 1.000000e+00 : f32
    %jit3A_2472 = arith.constant 0.000000e+00 : f32
    %broadcast_in_dim3A_2473 = vector.broadcast %jit3A_2471 : f32 to vector<16xf32>
    %broadcast_in_dim3A_2474 = vector.broadcast %jit3A_2472 : f32 to vector<16xf32>
    %select_n3A_2475 = arith.select %lt3A_2470, %broadcast_in_dim3A_2473, %broadcast_in_dim3A_2474 : vector<16xi1>, vector<16xf32>
    %swap3A_2476 = arith.constant 3 : i32
    %swap3A_2477 = arith.index_cast %swap3A_2476 : i32 to index
    %swap3A_2478 = arith.constant 80 : index
    %swap3A_2479 = tpu.vector_load %arg10[%swap3A_2477, %swap3A_2478] {strides = array<i32>} : memref<5x128xi32, #tpu.memory_space<vmem>>, vector<1x16xi32>,
    %swap3A_2480 = vector.shape_cast %swap3A_2479 : vector<1x16xi32> to vector<16xi32>
    %swap3A_2481 = vector.shape_cast %add3A_2460 : vector<16xi32> to vector<1x16xi32>
    tpu.vector_store %arg10[%swap3A_2477, %swap3A_2478], %swap3A_2481 {strides = array<i32>} : memref<5x128xi32, #tpu.memory_space<vmem>>, vector<1x16xi32>,
    %swap3A_2482 = arith.constant 3 : i32
    %swap3A_2483 = arith.index_cast %swap3A_2482 : i32 to index
    %swap3A_2484 = arith.constant 80 : index
    %swap3A_2485 = tpu.vector_load %arg11[%swap3A_2483, %swap3A_2484] {strides = array<i32>} : memref<5x128xf32, #tpu.memory_space<vmem>>, vector<1x16xf32>,
    %swap3A_2486 = vector.shape_cast %swap3A_2485 : vector<1x16xf32> to vector<16xf32>
    %swap3A_2487 = vector.shape_cast %select_n3A_2475 : vector<16xf32> to vector<1x16xf32>
    tpu.vector_store %arg11[%swap3A_2483, %swap3A_2484], %swap3A_2487 {strides = array<i32>} : memref<5x128xf32, #tpu.memory_space<vmem>>, vector<1x16xf32>,
    %get3A_2488 = arith.constant 480 : index
    %get3A_2489 = tpu.vector_load %arg7[%get3A_2488] {strides = array<i32>} : memref<640xf32, #tpu.memory_space<vmem>>, vector<16xf32>,
    %get3A_2490 = vector.shape_cast %get3A_2489 : vector<16xf32> to vector<16xf32>
    %get3A_2491 = arith.constant 480 : index
    %get3A_2492 = tpu.vector_load %arg8[%get3A_2491] {strides = array<i32>} : memref<640xf32, #tpu.memory_space<vmem>>, vector<16xf32>,
    %get3A_2493 = vector.shape_cast %get3A_2492 : vector<16xf32> to vector<16xf32>
    %get3A_2494 = arith.constant 480 : index
    %get3A_2495 = tpu.vector_load %arg9[%get3A_2494] {strides = array<i32>} : memref<640xf32, #tpu.memory_space<vmem>>, vector<16xf32>,
    %get3A_2496 = vector.shape_cast %get3A_2495 : vector<16xf32> to vector<16xf32>
    %add3A_2497 = arith.constant 2.000000e+00 : f32
    %add3A_2498 = vector.broadcast %add3A_2497 : f32 to vector<16xf32>
    %add3A_2499 = arith.addf %get3A_2490, %add3A_2498 : vector<16xf32>
    %mul3A_2500 = arith.constant 1.600000e+01 : f32
    %mul3A_2501 = vector.broadcast %mul3A_2500 : f32 to vector<16xf32>
    %mul3A_2502 = arith.mulf %add3A_2499, %mul3A_2501 : vector<16xf32>
    %convert_element_type3A_2503 = arith.fptosi %mul3A_2502 : vector<16xf32> to vector<16xi32>
    %jit3A_2504 = arith.constant 0 : i32
    %jit3A_2505 = arith.constant 63 : i32
    %max3A_2506 = vector.broadcast %jit3A_2504 : i32 to vector<16xi32>
    %max3A_2507 = arith.maxsi %max3A_2506, %convert_element_type3A_2503 : vector<16xi32>
    %min3A_2508 = vector.broadcast %jit3A_2505 : i32 to vector<16xi32>
    %min3A_2509 = arith.minsi %min3A_2508, %max3A_2507 : vector<16xi32>
    %add3A_2510 = arith.constant 2.000000e+00 : f32
    %add3A_2511 = vector.broadcast %add3A_2510 : f32 to vector<16xf32>
    %add3A_2512 = arith.addf %get3A_2493, %add3A_2511 : vector<16xf32>
    %mul3A_2513 = arith.constant 1.600000e+01 : f32
    %mul3A_2514 = vector.broadcast %mul3A_2513 : f32 to vector<16xf32>
    %mul3A_2515 = arith.mulf %add3A_2512, %mul3A_2514 : vector<16xf32>
    %convert_element_type3A_2516 = arith.fptosi %mul3A_2515 : vector<16xf32> to vector<16xi32>
    %jit3A_2517 = arith.constant 0 : i32
    %jit3A_2518 = arith.constant 63 : i32
    %max3A_2519 = vector.broadcast %jit3A_2517 : i32 to vector<16xi32>
    %max3A_2520 = arith.maxsi %max3A_2519, %convert_element_type3A_2516 : vector<16xi32>
    %min3A_2521 = vector.broadcast %jit3A_2518 : i32 to vector<16xi32>
    %min3A_2522 = arith.minsi %min3A_2521, %max3A_2520 : vector<16xi32>
    %add3A_2523 = arith.constant 2.000000e+00 : f32
    %add3A_2524 = vector.broadcast %add3A_2523 : f32 to vector<16xf32>
    %add3A_2525 = arith.addf %get3A_2496, %add3A_2524 : vector<16xf32>
    %mul3A_2526 = arith.constant 1.600000e+01 : f32
    %mul3A_2527 = vector.broadcast %mul3A_2526 : f32 to vector<16xf32>
    %mul3A_2528 = arith.mulf %add3A_2525, %mul3A_2527 : vector<16xf32>
    %convert_element_type3A_2529 = arith.fptosi %mul3A_2528 : vector<16xf32> to vector<16xi32>
    %jit3A_2530 = arith.constant 0 : i32
    %jit3A_2531 = arith.constant 63 : i32
    %max3A_2532 = vector.broadcast %jit3A_2530 : i32 to vector<16xi32>
    %max3A_2533 = arith.maxsi %max3A_2532, %convert_element_type3A_2529 : vector<16xi32>
    %min3A_2534 = vector.broadcast %jit3A_2531 : i32 to vector<16xi32>
    %min3A_2535 = arith.minsi %min3A_2534, %max3A_2533 : vector<16xi32>
    %mul3A_2536 = arith.constant 4096 : i32
    %mul3A_2537 = vector.broadcast %mul3A_2536 : i32 to vector<16xi32>
    %mul3A_2538 = arith.muli %min3A_2509, %mul3A_2537 : vector<16xi32>
    %mul3A_2539 = arith.constant 64 : i32
    %mul3A_2540 = vector.broadcast %mul3A_2539 : i32 to vector<16xi32>
    %mul3A_2541 = arith.muli %min3A_2522, %mul3A_2540 : vector<16xi32>
    %add3A_2542 = arith.addi %mul3A_2538, %mul3A_2541 : vector<16xi32>
    %add3A_2543 = arith.addi %add3A_2542, %min3A_2535 : vector<16xi32>
    %add3A_2544 = arith.constant 480 : i32
    %add3A_2545 = vector.broadcast %add3A_2544 : i32 to vector<16xi32>
    %add3A_2546 = arith.addi %iota3A, %add3A_2545 : vector<16xi32>
    %mul3A_2547 = arith.constant 640 : i32
    %mul3A_2548 = arith.muli %arg1, %mul3A_2547 : i32
    %add3A_2549 = vector.broadcast %mul3A_2548 : i32 to vector<16xi32>
    %add3A_2550 = arith.addi %add3A_2546, %add3A_2549 : vector<16xi32>
    %lt3A_2551 = arith.constant 10000 : i32
    %lt3A_2552 = vector.broadcast %lt3A_2551 : i32 to vector<16xi32>
    %lt3A_2553 = arith.cmpi slt, %add3A_2550, %lt3A_2552 : vector<16xi32>
    %jit3A_2554 = arith.constant 1.000000e+00 : f32
    %jit3A_2555 = arith.constant 0.000000e+00 : f32
    %broadcast_in_dim3A_2556 = vector.broadcast %jit3A_2554 : f32 to vector<16xf32>
    %broadcast_in_dim3A_2557 = vector.broadcast %jit3A_2555 : f32 to vector<16xf32>
    %select_n3A_2558 = arith.select %lt3A_2553, %broadcast_in_dim3A_2556, %broadcast_in_dim3A_2557 : vector<16xi1>, vector<16xf32>
    %swap3A_2559 = arith.constant 3 : i32
    %swap3A_2560 = arith.index_cast %swap3A_2559 : i32 to index
    %swap3A_2561 = arith.constant 96 : index
    %swap3A_2562 = tpu.vector_load %arg10[%swap3A_2560, %swap3A_2561] {strides = array<i32>} : memref<5x128xi32, #tpu.memory_space<vmem>>, vector<1x16xi32>,
    %swap3A_2563 = vector.shape_cast %swap3A_2562 : vector<1x16xi32> to vector<16xi32>
    %swap3A_2564 = vector.shape_cast %add3A_2543 : vector<16xi32> to vector<1x16xi32>
    tpu.vector_store %arg10[%swap3A_2560, %swap3A_2561], %swap3A_2564 {strides = array<i32>} : memref<5x128xi32, #tpu.memory_space<vmem>>, vector<1x16xi32>,
    %swap3A_2565 = arith.constant 3 : i32
    %swap3A_2566 = arith.index_cast %swap3A_2565 : i32 to index
    %swap3A_2567 = arith.constant 96 : index
    %swap3A_2568 = tpu.vector_load %arg11[%swap3A_2566, %swap3A_2567] {strides = array<i32>} : memref<5x128xf32, #tpu.memory_space<vmem>>, vector<1x16xf32>,
    %swap3A_2569 = vector.shape_cast %swap3A_2568 : vector<1x16xf32> to vector<16xf32>
    %swap3A_2570 = vector.shape_cast %select_n3A_2558 : vector<16xf32> to vector<1x16xf32>
    tpu.vector_store %arg11[%swap3A_2566, %swap3A_2567], %swap3A_2570 {strides = array<i32>} : memref<5x128xf32, #tpu.memory_space<vmem>>, vector<1x16xf32>,
    %get3A_2571 = arith.constant 496 : index
    %get3A_2572 = tpu.vector_load %arg7[%get3A_2571] {strides = array<i32>} : memref<640xf32, #tpu.memory_space<vmem>>, vector<16xf32>,
    %get3A_2573 = vector.shape_cast %get3A_2572 : vector<16xf32> to vector<16xf32>
    %get3A_2574 = arith.constant 496 : index
    %get3A_2575 = tpu.vector_load %arg8[%get3A_2574] {strides = array<i32>} : memref<640xf32, #tpu.memory_space<vmem>>, vector<16xf32>,
    %get3A_2576 = vector.shape_cast %get3A_2575 : vector<16xf32> to vector<16xf32>
    %get3A_2577 = arith.constant 496 : index
    %get3A_2578 = tpu.vector_load %arg9[%get3A_2577] {strides = array<i32>} : memref<640xf32, #tpu.memory_space<vmem>>, vector<16xf32>,
    %get3A_2579 = vector.shape_cast %get3A_2578 : vector<16xf32> to vector<16xf32>
    %add3A_2580 = arith.constant 2.000000e+00 : f32
    %add3A_2581 = vector.broadcast %add3A_2580 : f32 to vector<16xf32>
    %add3A_2582 = arith.addf %get3A_2573, %add3A_2581 : vector<16xf32>
    %mul3A_2583 = arith.constant 1.600000e+01 : f32
    %mul3A_2584 = vector.broadcast %mul3A_2583 : f32 to vector<16xf32>
    %mul3A_2585 = arith.mulf %add3A_2582, %mul3A_2584 : vector<16xf32>
    %convert_element_type3A_2586 = arith.fptosi %mul3A_2585 : vector<16xf32> to vector<16xi32>
    %jit3A_2587 = arith.constant 0 : i32
    %jit3A_2588 = arith.constant 63 : i32
    %max3A_2589 = vector.broadcast %jit3A_2587 : i32 to vector<16xi32>
    %max3A_2590 = arith.maxsi %max3A_2589, %convert_element_type3A_2586 : vector<16xi32>
    %min3A_2591 = vector.broadcast %jit3A_2588 : i32 to vector<16xi32>
    %min3A_2592 = arith.minsi %min3A_2591, %max3A_2590 : vector<16xi32>
    %add3A_2593 = arith.constant 2.000000e+00 : f32
    %add3A_2594 = vector.broadcast %add3A_2593 : f32 to vector<16xf32>
    %add3A_2595 = arith.addf %get3A_2576, %add3A_2594 : vector<16xf32>
    %mul3A_2596 = arith.constant 1.600000e+01 : f32
    %mul3A_2597 = vector.broadcast %mul3A_2596 : f32 to vector<16xf32>
    %mul3A_2598 = arith.mulf %add3A_2595, %mul3A_2597 : vector<16xf32>
    %convert_element_type3A_2599 = arith.fptosi %mul3A_2598 : vector<16xf32> to vector<16xi32>
    %jit3A_2600 = arith.constant 0 : i32
    %jit3A_2601 = arith.constant 63 : i32
    %max3A_2602 = vector.broadcast %jit3A_2600 : i32 to vector<16xi32>
    %max3A_2603 = arith.maxsi %max3A_2602, %convert_element_type3A_2599 : vector<16xi32>
    %min3A_2604 = vector.broadcast %jit3A_2601 : i32 to vector<16xi32>
    %min3A_2605 = arith.minsi %min3A_2604, %max3A_2603 : vector<16xi32>
    %add3A_2606 = arith.constant 2.000000e+00 : f32
    %add3A_2607 = vector.broadcast %add3A_2606 : f32 to vector<16xf32>
    %add3A_2608 = arith.addf %get3A_2579, %add3A_2607 : vector<16xf32>
    %mul3A_2609 = arith.constant 1.600000e+01 : f32
    %mul3A_2610 = vector.broadcast %mul3A_2609 : f32 to vector<16xf32>
    %mul3A_2611 = arith.mulf %add3A_2608, %mul3A_2610 : vector<16xf32>
    %convert_element_type3A_2612 = arith.fptosi %mul3A_2611 : vector<16xf32> to vector<16xi32>
    %jit3A_2613 = arith.constant 0 : i32
    %jit3A_2614 = arith.constant 63 : i32
    %max3A_2615 = vector.broadcast %jit3A_2613 : i32 to vector<16xi32>
    %max3A_2616 = arith.maxsi %max3A_2615, %convert_element_type3A_2612 : vector<16xi32>
    %min3A_2617 = vector.broadcast %jit3A_2614 : i32 to vector<16xi32>
    %min3A_2618 = arith.minsi %min3A_2617, %max3A_2616 : vector<16xi32>
    %mul3A_2619 = arith.constant 4096 : i32
    %mul3A_2620 = vector.broadcast %mul3A_2619 : i32 to vector<16xi32>
    %mul3A_2621 = arith.muli %min3A_2592, %mul3A_2620 : vector<16xi32>
    %mul3A_2622 = arith.constant 64 : i32
    %mul3A_2623 = vector.broadcast %mul3A_2622 : i32 to vector<16xi32>
    %mul3A_2624 = arith.muli %min3A_2605, %mul3A_2623 : vector<16xi32>
    %add3A_2625 = arith.addi %mul3A_2621, %mul3A_2624 : vector<16xi32>
    %add3A_2626 = arith.addi %add3A_2625, %min3A_2618 : vector<16xi32>
    %add3A_2627 = arith.constant 496 : i32
    %add3A_2628 = vector.broadcast %add3A_2627 : i32 to vector<16xi32>
    %add3A_2629 = arith.addi %iota3A, %add3A_2628 : vector<16xi32>
    %mul3A_2630 = arith.constant 640 : i32
    %mul3A_2631 = arith.muli %arg1, %mul3A_2630 : i32
    %add3A_2632 = vector.broadcast %mul3A_2631 : i32 to vector<16xi32>
    %add3A_2633 = arith.addi %add3A_2629, %add3A_2632 : vector<16xi32>
    %lt3A_2634 = arith.constant 10000 : i32
    %lt3A_2635 = vector.broadcast %lt3A_2634 : i32 to vector<16xi32>
    %lt3A_2636 = arith.cmpi slt, %add3A_2633, %lt3A_2635 : vector<16xi32>
    %jit3A_2637 = arith.constant 1.000000e+00 : f32
    %jit3A_2638 = arith.constant 0.000000e+00 : f32
    %broadcast_in_dim3A_2639 = vector.broadcast %jit3A_2637 : f32 to vector<16xf32>
    %broadcast_in_dim3A_2640 = vector.broadcast %jit3A_2638 : f32 to vector<16xf32>
    %select_n3A_2641 = arith.select %lt3A_2636, %broadcast_in_dim3A_2639, %broadcast_in_dim3A_2640 : vector<16xi1>, vector<16xf32>
    %swap3A_2642 = arith.constant 3 : i32
    %swap3A_2643 = arith.index_cast %swap3A_2642 : i32 to index
    %swap3A_2644 = arith.constant 112 : index
    %swap3A_2645 = tpu.vector_load %arg10[%swap3A_2643, %swap3A_2644] {strides = array<i32>} : memref<5x128xi32, #tpu.memory_space<vmem>>, vector<1x16xi32>,
    %swap3A_2646 = vector.shape_cast %swap3A_2645 : vector<1x16xi32> to vector<16xi32>
    %swap3A_2647 = vector.shape_cast %add3A_2626 : vector<16xi32> to vector<1x16xi32>
    tpu.vector_store %arg10[%swap3A_2643, %swap3A_2644], %swap3A_2647 {strides = array<i32>} : memref<5x128xi32, #tpu.memory_space<vmem>>, vector<1x16xi32>,
    %swap3A_2648 = arith.constant 3 : i32
    %swap3A_2649 = arith.index_cast %swap3A_2648 : i32 to index
    %swap3A_2650 = arith.constant 112 : index
    %swap3A_2651 = tpu.vector_load %arg11[%swap3A_2649, %swap3A_2650] {strides = array<i32>} : memref<5x128xf32, #tpu.memory_space<vmem>>, vector<1x16xf32>,
    %swap3A_2652 = vector.shape_cast %swap3A_2651 : vector<1x16xf32> to vector<16xf32>
    %swap3A_2653 = vector.shape_cast %select_n3A_2641 : vector<16xf32> to vector<1x16xf32>
    tpu.vector_store %arg11[%swap3A_2649, %swap3A_2650], %swap3A_2653 {strides = array<i32>} : memref<5x128xf32, #tpu.memory_space<vmem>>, vector<1x16xf32>,
    %get3A_2654 = arith.constant 512 : index
    %get3A_2655 = tpu.vector_load %arg7[%get3A_2654] {strides = array<i32>} : memref<640xf32, #tpu.memory_space<vmem>>, vector<16xf32>,
    %get3A_2656 = vector.shape_cast %get3A_2655 : vector<16xf32> to vector<16xf32>
    %get3A_2657 = arith.constant 512 : index
    %get3A_2658 = tpu.vector_load %arg8[%get3A_2657] {strides = array<i32>} : memref<640xf32, #tpu.memory_space<vmem>>, vector<16xf32>,
    %get3A_2659 = vector.shape_cast %get3A_2658 : vector<16xf32> to vector<16xf32>
    %get3A_2660 = arith.constant 512 : index
    %get3A_2661 = tpu.vector_load %arg9[%get3A_2660] {strides = array<i32>} : memref<640xf32, #tpu.memory_space<vmem>>, vector<16xf32>,
    %get3A_2662 = vector.shape_cast %get3A_2661 : vector<16xf32> to vector<16xf32>
    %add3A_2663 = arith.constant 2.000000e+00 : f32
    %add3A_2664 = vector.broadcast %add3A_2663 : f32 to vector<16xf32>
    %add3A_2665 = arith.addf %get3A_2656, %add3A_2664 : vector<16xf32>
    %mul3A_2666 = arith.constant 1.600000e+01 : f32
    %mul3A_2667 = vector.broadcast %mul3A_2666 : f32 to vector<16xf32>
    %mul3A_2668 = arith.mulf %add3A_2665, %mul3A_2667 : vector<16xf32>
    %convert_element_type3A_2669 = arith.fptosi %mul3A_2668 : vector<16xf32> to vector<16xi32>
    %jit3A_2670 = arith.constant 0 : i32
    %jit3A_2671 = arith.constant 63 : i32
    %max3A_2672 = vector.broadcast %jit3A_2670 : i32 to vector<16xi32>
    %max3A_2673 = arith.maxsi %max3A_2672, %convert_element_type3A_2669 : vector<16xi32>
    %min3A_2674 = vector.broadcast %jit3A_2671 : i32 to vector<16xi32>
    %min3A_2675 = arith.minsi %min3A_2674, %max3A_2673 : vector<16xi32>
    %add3A_2676 = arith.constant 2.000000e+00 : f32
    %add3A_2677 = vector.broadcast %add3A_2676 : f32 to vector<16xf32>
    %add3A_2678 = arith.addf %get3A_2659, %add3A_2677 : vector<16xf32>
    %mul3A_2679 = arith.constant 1.600000e+01 : f32
    %mul3A_2680 = vector.broadcast %mul3A_2679 : f32 to vector<16xf32>
    %mul3A_2681 = arith.mulf %add3A_2678, %mul3A_2680 : vector<16xf32>
    %convert_element_type3A_2682 = arith.fptosi %mul3A_2681 : vector<16xf32> to vector<16xi32>
    %jit3A_2683 = arith.constant 0 : i32
    %jit3A_2684 = arith.constant 63 : i32
    %max3A_2685 = vector.broadcast %jit3A_2683 : i32 to vector<16xi32>
    %max3A_2686 = arith.maxsi %max3A_2685, %convert_element_type3A_2682 : vector<16xi32>
    %min3A_2687 = vector.broadcast %jit3A_2684 : i32 to vector<16xi32>
    %min3A_2688 = arith.minsi %min3A_2687, %max3A_2686 : vector<16xi32>
    %add3A_2689 = arith.constant 2.000000e+00 : f32
    %add3A_2690 = vector.broadcast %add3A_2689 : f32 to vector<16xf32>
    %add3A_2691 = arith.addf %get3A_2662, %add3A_2690 : vector<16xf32>
    %mul3A_2692 = arith.constant 1.600000e+01 : f32
    %mul3A_2693 = vector.broadcast %mul3A_2692 : f32 to vector<16xf32>
    %mul3A_2694 = arith.mulf %add3A_2691, %mul3A_2693 : vector<16xf32>
    %convert_element_type3A_2695 = arith.fptosi %mul3A_2694 : vector<16xf32> to vector<16xi32>
    %jit3A_2696 = arith.constant 0 : i32
    %jit3A_2697 = arith.constant 63 : i32
    %max3A_2698 = vector.broadcast %jit3A_2696 : i32 to vector<16xi32>
    %max3A_2699 = arith.maxsi %max3A_2698, %convert_element_type3A_2695 : vector<16xi32>
    %min3A_2700 = vector.broadcast %jit3A_2697 : i32 to vector<16xi32>
    %min3A_2701 = arith.minsi %min3A_2700, %max3A_2699 : vector<16xi32>
    %mul3A_2702 = arith.constant 4096 : i32
    %mul3A_2703 = vector.broadcast %mul3A_2702 : i32 to vector<16xi32>
    %mul3A_2704 = arith.muli %min3A_2675, %mul3A_2703 : vector<16xi32>
    %mul3A_2705 = arith.constant 64 : i32
    %mul3A_2706 = vector.broadcast %mul3A_2705 : i32 to vector<16xi32>
    %mul3A_2707 = arith.muli %min3A_2688, %mul3A_2706 : vector<16xi32>
    %add3A_2708 = arith.addi %mul3A_2704, %mul3A_2707 : vector<16xi32>
    %add3A_2709 = arith.addi %add3A_2708, %min3A_2701 : vector<16xi32>
    %add3A_2710 = arith.constant 512 : i32
    %add3A_2711 = vector.broadcast %add3A_2710 : i32 to vector<16xi32>
    %add3A_2712 = arith.addi %iota3A, %add3A_2711 : vector<16xi32>
    %mul3A_2713 = arith.constant 640 : i32
    %mul3A_2714 = arith.muli %arg1, %mul3A_2713 : i32
    %add3A_2715 = vector.broadcast %mul3A_2714 : i32 to vector<16xi32>
    %add3A_2716 = arith.addi %add3A_2712, %add3A_2715 : vector<16xi32>
    %lt3A_2717 = arith.constant 10000 : i32
    %lt3A_2718 = vector.broadcast %lt3A_2717 : i32 to vector<16xi32>
    %lt3A_2719 = arith.cmpi slt, %add3A_2716, %lt3A_2718 : vector<16xi32>
    %jit3A_2720 = arith.constant 1.000000e+00 : f32
    %jit3A_2721 = arith.constant 0.000000e+00 : f32
    %broadcast_in_dim3A_2722 = vector.broadcast %jit3A_2720 : f32 to vector<16xf32>
    %broadcast_in_dim3A_2723 = vector.broadcast %jit3A_2721 : f32 to vector<16xf32>
    %select_n3A_2724 = arith.select %lt3A_2719, %broadcast_in_dim3A_2722, %broadcast_in_dim3A_2723 : vector<16xi1>, vector<16xf32>
    %swap3A_2725 = arith.constant 4 : i32
    %swap3A_2726 = arith.index_cast %swap3A_2725 : i32 to index
    %swap3A_2727 = arith.constant 0 : index
    %swap3A_2728 = tpu.vector_load %arg10[%swap3A_2726, %swap3A_2727] {strides = array<i32>} : memref<5x128xi32, #tpu.memory_space<vmem>>, vector<1x16xi32>,
    %swap3A_2729 = vector.shape_cast %swap3A_2728 : vector<1x16xi32> to vector<16xi32>
    %swap3A_2730 = vector.shape_cast %add3A_2709 : vector<16xi32> to vector<1x16xi32>
    tpu.vector_store %arg10[%swap3A_2726, %swap3A_2727], %swap3A_2730 {strides = array<i32>} : memref<5x128xi32, #tpu.memory_space<vmem>>, vector<1x16xi32>,
    %swap3A_2731 = arith.constant 4 : i32
    %swap3A_2732 = arith.index_cast %swap3A_2731 : i32 to index
    %swap3A_2733 = arith.constant 0 : index
    %swap3A_2734 = tpu.vector_load %arg11[%swap3A_2732, %swap3A_2733] {strides = array<i32>} : memref<5x128xf32, #tpu.memory_space<vmem>>, vector<1x16xf32>,
    %swap3A_2735 = vector.shape_cast %swap3A_2734 : vector<1x16xf32> to vector<16xf32>
    %swap3A_2736 = vector.shape_cast %select_n3A_2724 : vector<16xf32> to vector<1x16xf32>
    tpu.vector_store %arg11[%swap3A_2732, %swap3A_2733], %swap3A_2736 {strides = array<i32>} : memref<5x128xf32, #tpu.memory_space<vmem>>, vector<1x16xf32>,
    %get3A_2737 = arith.constant 528 : index
    %get3A_2738 = tpu.vector_load %arg7[%get3A_2737] {strides = array<i32>} : memref<640xf32, #tpu.memory_space<vmem>>, vector<16xf32>,
    %get3A_2739 = vector.shape_cast %get3A_2738 : vector<16xf32> to vector<16xf32>
    %get3A_2740 = arith.constant 528 : index
    %get3A_2741 = tpu.vector_load %arg8[%get3A_2740] {strides = array<i32>} : memref<640xf32, #tpu.memory_space<vmem>>, vector<16xf32>,
    %get3A_2742 = vector.shape_cast %get3A_2741 : vector<16xf32> to vector<16xf32>
    %get3A_2743 = arith.constant 528 : index
    %get3A_2744 = tpu.vector_load %arg9[%get3A_2743] {strides = array<i32>} : memref<640xf32, #tpu.memory_space<vmem>>, vector<16xf32>,
    %get3A_2745 = vector.shape_cast %get3A_2744 : vector<16xf32> to vector<16xf32>
    %add3A_2746 = arith.constant 2.000000e+00 : f32
    %add3A_2747 = vector.broadcast %add3A_2746 : f32 to vector<16xf32>
    %add3A_2748 = arith.addf %get3A_2739, %add3A_2747 : vector<16xf32>
    %mul3A_2749 = arith.constant 1.600000e+01 : f32
    %mul3A_2750 = vector.broadcast %mul3A_2749 : f32 to vector<16xf32>
    %mul3A_2751 = arith.mulf %add3A_2748, %mul3A_2750 : vector<16xf32>
    %convert_element_type3A_2752 = arith.fptosi %mul3A_2751 : vector<16xf32> to vector<16xi32>
    %jit3A_2753 = arith.constant 0 : i32
    %jit3A_2754 = arith.constant 63 : i32
    %max3A_2755 = vector.broadcast %jit3A_2753 : i32 to vector<16xi32>
    %max3A_2756 = arith.maxsi %max3A_2755, %convert_element_type3A_2752 : vector<16xi32>
    %min3A_2757 = vector.broadcast %jit3A_2754 : i32 to vector<16xi32>
    %min3A_2758 = arith.minsi %min3A_2757, %max3A_2756 : vector<16xi32>
    %add3A_2759 = arith.constant 2.000000e+00 : f32
    %add3A_2760 = vector.broadcast %add3A_2759 : f32 to vector<16xf32>
    %add3A_2761 = arith.addf %get3A_2742, %add3A_2760 : vector<16xf32>
    %mul3A_2762 = arith.constant 1.600000e+01 : f32
    %mul3A_2763 = vector.broadcast %mul3A_2762 : f32 to vector<16xf32>
    %mul3A_2764 = arith.mulf %add3A_2761, %mul3A_2763 : vector<16xf32>
    %convert_element_type3A_2765 = arith.fptosi %mul3A_2764 : vector<16xf32> to vector<16xi32>
    %jit3A_2766 = arith.constant 0 : i32
    %jit3A_2767 = arith.constant 63 : i32
    %max3A_2768 = vector.broadcast %jit3A_2766 : i32 to vector<16xi32>
    %max3A_2769 = arith.maxsi %max3A_2768, %convert_element_type3A_2765 : vector<16xi32>
    %min3A_2770 = vector.broadcast %jit3A_2767 : i32 to vector<16xi32>
    %min3A_2771 = arith.minsi %min3A_2770, %max3A_2769 : vector<16xi32>
    %add3A_2772 = arith.constant 2.000000e+00 : f32
    %add3A_2773 = vector.broadcast %add3A_2772 : f32 to vector<16xf32>
    %add3A_2774 = arith.addf %get3A_2745, %add3A_2773 : vector<16xf32>
    %mul3A_2775 = arith.constant 1.600000e+01 : f32
    %mul3A_2776 = vector.broadcast %mul3A_2775 : f32 to vector<16xf32>
    %mul3A_2777 = arith.mulf %add3A_2774, %mul3A_2776 : vector<16xf32>
    %convert_element_type3A_2778 = arith.fptosi %mul3A_2777 : vector<16xf32> to vector<16xi32>
    %jit3A_2779 = arith.constant 0 : i32
    %jit3A_2780 = arith.constant 63 : i32
    %max3A_2781 = vector.broadcast %jit3A_2779 : i32 to vector<16xi32>
    %max3A_2782 = arith.maxsi %max3A_2781, %convert_element_type3A_2778 : vector<16xi32>
    %min3A_2783 = vector.broadcast %jit3A_2780 : i32 to vector<16xi32>
    %min3A_2784 = arith.minsi %min3A_2783, %max3A_2782 : vector<16xi32>
    %mul3A_2785 = arith.constant 4096 : i32
    %mul3A_2786 = vector.broadcast %mul3A_2785 : i32 to vector<16xi32>
    %mul3A_2787 = arith.muli %min3A_2758, %mul3A_2786 : vector<16xi32>
    %mul3A_2788 = arith.constant 64 : i32
    %mul3A_2789 = vector.broadcast %mul3A_2788 : i32 to vector<16xi32>
    %mul3A_2790 = arith.muli %min3A_2771, %mul3A_2789 : vector<16xi32>
    %add3A_2791 = arith.addi %mul3A_2787, %mul3A_2790 : vector<16xi32>
    %add3A_2792 = arith.addi %add3A_2791, %min3A_2784 : vector<16xi32>
    %add3A_2793 = arith.constant 528 : i32
    %add3A_2794 = vector.broadcast %add3A_2793 : i32 to vector<16xi32>
    %add3A_2795 = arith.addi %iota3A, %add3A_2794 : vector<16xi32>
    %mul3A_2796 = arith.constant 640 : i32
    %mul3A_2797 = arith.muli %arg1, %mul3A_2796 : i32
    %add3A_2798 = vector.broadcast %mul3A_2797 : i32 to vector<16xi32>
    %add3A_2799 = arith.addi %add3A_2795, %add3A_2798 : vector<16xi32>
    %lt3A_2800 = arith.constant 10000 : i32
    %lt3A_2801 = vector.broadcast %lt3A_2800 : i32 to vector<16xi32>
    %lt3A_2802 = arith.cmpi slt, %add3A_2799, %lt3A_2801 : vector<16xi32>
    %jit3A_2803 = arith.constant 1.000000e+00 : f32
    %jit3A_2804 = arith.constant 0.000000e+00 : f32
    %broadcast_in_dim3A_2805 = vector.broadcast %jit3A_2803 : f32 to vector<16xf32>
    %broadcast_in_dim3A_2806 = vector.broadcast %jit3A_2804 : f32 to vector<16xf32>
    %select_n3A_2807 = arith.select %lt3A_2802, %broadcast_in_dim3A_2805, %broadcast_in_dim3A_2806 : vector<16xi1>, vector<16xf32>
    %swap3A_2808 = arith.constant 4 : i32
    %swap3A_2809 = arith.index_cast %swap3A_2808 : i32 to index
    %swap3A_2810 = arith.constant 16 : index
    %swap3A_2811 = tpu.vector_load %arg10[%swap3A_2809, %swap3A_2810] {strides = array<i32>} : memref<5x128xi32, #tpu.memory_space<vmem>>, vector<1x16xi32>,
    %swap3A_2812 = vector.shape_cast %swap3A_2811 : vector<1x16xi32> to vector<16xi32>
    %swap3A_2813 = vector.shape_cast %add3A_2792 : vector<16xi32> to vector<1x16xi32>
    tpu.vector_store %arg10[%swap3A_2809, %swap3A_2810], %swap3A_2813 {strides = array<i32>} : memref<5x128xi32, #tpu.memory_space<vmem>>, vector<1x16xi32>,
    %swap3A_2814 = arith.constant 4 : i32
    %swap3A_2815 = arith.index_cast %swap3A_2814 : i32 to index
    %swap3A_2816 = arith.constant 16 : index
    %swap3A_2817 = tpu.vector_load %arg11[%swap3A_2815, %swap3A_2816] {strides = array<i32>} : memref<5x128xf32, #tpu.memory_space<vmem>>, vector<1x16xf32>,
    %swap3A_2818 = vector.shape_cast %swap3A_2817 : vector<1x16xf32> to vector<16xf32>
    %swap3A_2819 = vector.shape_cast %select_n3A_2807 : vector<16xf32> to vector<1x16xf32>
    tpu.vector_store %arg11[%swap3A_2815, %swap3A_2816], %swap3A_2819 {strides = array<i32>} : memref<5x128xf32, #tpu.memory_space<vmem>>, vector<1x16xf32>,
    %get3A_2820 = arith.constant 544 : index
    %get3A_2821 = tpu.vector_load %arg7[%get3A_2820] {strides = array<i32>} : memref<640xf32, #tpu.memory_space<vmem>>, vector<16xf32>,
    %get3A_2822 = vector.shape_cast %get3A_2821 : vector<16xf32> to vector<16xf32>
    %get3A_2823 = arith.constant 544 : index
    %get3A_2824 = tpu.vector_load %arg8[%get3A_2823] {strides = array<i32>} : memref<640xf32, #tpu.memory_space<vmem>>, vector<16xf32>,
    %get3A_2825 = vector.shape_cast %get3A_2824 : vector<16xf32> to vector<16xf32>
    %get3A_2826 = arith.constant 544 : index
    %get3A_2827 = tpu.vector_load %arg9[%get3A_2826] {strides = array<i32>} : memref<640xf32, #tpu.memory_space<vmem>>, vector<16xf32>,
    %get3A_2828 = vector.shape_cast %get3A_2827 : vector<16xf32> to vector<16xf32>
    %add3A_2829 = arith.constant 2.000000e+00 : f32
    %add3A_2830 = vector.broadcast %add3A_2829 : f32 to vector<16xf32>
    %add3A_2831 = arith.addf %get3A_2822, %add3A_2830 : vector<16xf32>
    %mul3A_2832 = arith.constant 1.600000e+01 : f32
    %mul3A_2833 = vector.broadcast %mul3A_2832 : f32 to vector<16xf32>
    %mul3A_2834 = arith.mulf %add3A_2831, %mul3A_2833 : vector<16xf32>
    %convert_element_type3A_2835 = arith.fptosi %mul3A_2834 : vector<16xf32> to vector<16xi32>
    %jit3A_2836 = arith.constant 0 : i32
    %jit3A_2837 = arith.constant 63 : i32
    %max3A_2838 = vector.broadcast %jit3A_2836 : i32 to vector<16xi32>
    %max3A_2839 = arith.maxsi %max3A_2838, %convert_element_type3A_2835 : vector<16xi32>
    %min3A_2840 = vector.broadcast %jit3A_2837 : i32 to vector<16xi32>
    %min3A_2841 = arith.minsi %min3A_2840, %max3A_2839 : vector<16xi32>
    %add3A_2842 = arith.constant 2.000000e+00 : f32
    %add3A_2843 = vector.broadcast %add3A_2842 : f32 to vector<16xf32>
    %add3A_2844 = arith.addf %get3A_2825, %add3A_2843 : vector<16xf32>
    %mul3A_2845 = arith.constant 1.600000e+01 : f32
    %mul3A_2846 = vector.broadcast %mul3A_2845 : f32 to vector<16xf32>
    %mul3A_2847 = arith.mulf %add3A_2844, %mul3A_2846 : vector<16xf32>
    %convert_element_type3A_2848 = arith.fptosi %mul3A_2847 : vector<16xf32> to vector<16xi32>
    %jit3A_2849 = arith.constant 0 : i32
    %jit3A_2850 = arith.constant 63 : i32
    %max3A_2851 = vector.broadcast %jit3A_2849 : i32 to vector<16xi32>
    %max3A_2852 = arith.maxsi %max3A_2851, %convert_element_type3A_2848 : vector<16xi32>
    %min3A_2853 = vector.broadcast %jit3A_2850 : i32 to vector<16xi32>
    %min3A_2854 = arith.minsi %min3A_2853, %max3A_2852 : vector<16xi32>
    %add3A_2855 = arith.constant 2.000000e+00 : f32
    %add3A_2856 = vector.broadcast %add3A_2855 : f32 to vector<16xf32>
    %add3A_2857 = arith.addf %get3A_2828, %add3A_2856 : vector<16xf32>
    %mul3A_2858 = arith.constant 1.600000e+01 : f32
    %mul3A_2859 = vector.broadcast %mul3A_2858 : f32 to vector<16xf32>
    %mul3A_2860 = arith.mulf %add3A_2857, %mul3A_2859 : vector<16xf32>
    %convert_element_type3A_2861 = arith.fptosi %mul3A_2860 : vector<16xf32> to vector<16xi32>
    %jit3A_2862 = arith.constant 0 : i32
    %jit3A_2863 = arith.constant 63 : i32
    %max3A_2864 = vector.broadcast %jit3A_2862 : i32 to vector<16xi32>
    %max3A_2865 = arith.maxsi %max3A_2864, %convert_element_type3A_2861 : vector<16xi32>
    %min3A_2866 = vector.broadcast %jit3A_2863 : i32 to vector<16xi32>
    %min3A_2867 = arith.minsi %min3A_2866, %max3A_2865 : vector<16xi32>
    %mul3A_2868 = arith.constant 4096 : i32
    %mul3A_2869 = vector.broadcast %mul3A_2868 : i32 to vector<16xi32>
    %mul3A_2870 = arith.muli %min3A_2841, %mul3A_2869 : vector<16xi32>
    %mul3A_2871 = arith.constant 64 : i32
    %mul3A_2872 = vector.broadcast %mul3A_2871 : i32 to vector<16xi32>
    %mul3A_2873 = arith.muli %min3A_2854, %mul3A_2872 : vector<16xi32>
    %add3A_2874 = arith.addi %mul3A_2870, %mul3A_2873 : vector<16xi32>
    %add3A_2875 = arith.addi %add3A_2874, %min3A_2867 : vector<16xi32>
    %add3A_2876 = arith.constant 544 : i32
    %add3A_2877 = vector.broadcast %add3A_2876 : i32 to vector<16xi32>
    %add3A_2878 = arith.addi %iota3A, %add3A_2877 : vector<16xi32>
    %mul3A_2879 = arith.constant 640 : i32
    %mul3A_2880 = arith.muli %arg1, %mul3A_2879 : i32
    %add3A_2881 = vector.broadcast %mul3A_2880 : i32 to vector<16xi32>
    %add3A_2882 = arith.addi %add3A_2878, %add3A_2881 : vector<16xi32>
    %lt3A_2883 = arith.constant 10000 : i32
    %lt3A_2884 = vector.broadcast %lt3A_2883 : i32 to vector<16xi32>
    %lt3A_2885 = arith.cmpi slt, %add3A_2882, %lt3A_2884 : vector<16xi32>
    %jit3A_2886 = arith.constant 1.000000e+00 : f32
    %jit3A_2887 = arith.constant 0.000000e+00 : f32
    %broadcast_in_dim3A_2888 = vector.broadcast %jit3A_2886 : f32 to vector<16xf32>
    %broadcast_in_dim3A_2889 = vector.broadcast %jit3A_2887 : f32 to vector<16xf32>
    %select_n3A_2890 = arith.select %lt3A_2885, %broadcast_in_dim3A_2888, %broadcast_in_dim3A_2889 : vector<16xi1>, vector<16xf32>
    %swap3A_2891 = arith.constant 4 : i32
    %swap3A_2892 = arith.index_cast %swap3A_2891 : i32 to index
    %swap3A_2893 = arith.constant 32 : index
    %swap3A_2894 = tpu.vector_load %arg10[%swap3A_2892, %swap3A_2893] {strides = array<i32>} : memref<5x128xi32, #tpu.memory_space<vmem>>, vector<1x16xi32>,
    %swap3A_2895 = vector.shape_cast %swap3A_2894 : vector<1x16xi32> to vector<16xi32>
    %swap3A_2896 = vector.shape_cast %add3A_2875 : vector<16xi32> to vector<1x16xi32>
    tpu.vector_store %arg10[%swap3A_2892, %swap3A_2893], %swap3A_2896 {strides = array<i32>} : memref<5x128xi32, #tpu.memory_space<vmem>>, vector<1x16xi32>,
    %swap3A_2897 = arith.constant 4 : i32
    %swap3A_2898 = arith.index_cast %swap3A_2897 : i32 to index
    %swap3A_2899 = arith.constant 32 : index
    %swap3A_2900 = tpu.vector_load %arg11[%swap3A_2898, %swap3A_2899] {strides = array<i32>} : memref<5x128xf32, #tpu.memory_space<vmem>>, vector<1x16xf32>,
    %swap3A_2901 = vector.shape_cast %swap3A_2900 : vector<1x16xf32> to vector<16xf32>
    %swap3A_2902 = vector.shape_cast %select_n3A_2890 : vector<16xf32> to vector<1x16xf32>
    tpu.vector_store %arg11[%swap3A_2898, %swap3A_2899], %swap3A_2902 {strides = array<i32>} : memref<5x128xf32, #tpu.memory_space<vmem>>, vector<1x16xf32>,
    %get3A_2903 = arith.constant 560 : index
    %get3A_2904 = tpu.vector_load %arg7[%get3A_2903] {strides = array<i32>} : memref<640xf32, #tpu.memory_space<vmem>>, vector<16xf32>,
    %get3A_2905 = vector.shape_cast %get3A_2904 : vector<16xf32> to vector<16xf32>
    %get3A_2906 = arith.constant 560 : index
    %get3A_2907 = tpu.vector_load %arg8[%get3A_2906] {strides = array<i32>} : memref<640xf32, #tpu.memory_space<vmem>>, vector<16xf32>,
    %get3A_2908 = vector.shape_cast %get3A_2907 : vector<16xf32> to vector<16xf32>
    %get3A_2909 = arith.constant 560 : index
    %get3A_2910 = tpu.vector_load %arg9[%get3A_2909] {strides = array<i32>} : memref<640xf32, #tpu.memory_space<vmem>>, vector<16xf32>,
    %get3A_2911 = vector.shape_cast %get3A_2910 : vector<16xf32> to vector<16xf32>
    %add3A_2912 = arith.constant 2.000000e+00 : f32
    %add3A_2913 = vector.broadcast %add3A_2912 : f32 to vector<16xf32>
    %add3A_2914 = arith.addf %get3A_2905, %add3A_2913 : vector<16xf32>
    %mul3A_2915 = arith.constant 1.600000e+01 : f32
    %mul3A_2916 = vector.broadcast %mul3A_2915 : f32 to vector<16xf32>
    %mul3A_2917 = arith.mulf %add3A_2914, %mul3A_2916 : vector<16xf32>
    %convert_element_type3A_2918 = arith.fptosi %mul3A_2917 : vector<16xf32> to vector<16xi32>
    %jit3A_2919 = arith.constant 0 : i32
    %jit3A_2920 = arith.constant 63 : i32
    %max3A_2921 = vector.broadcast %jit3A_2919 : i32 to vector<16xi32>
    %max3A_2922 = arith.maxsi %max3A_2921, %convert_element_type3A_2918 : vector<16xi32>
    %min3A_2923 = vector.broadcast %jit3A_2920 : i32 to vector<16xi32>
    %min3A_2924 = arith.minsi %min3A_2923, %max3A_2922 : vector<16xi32>
    %add3A_2925 = arith.constant 2.000000e+00 : f32
    %add3A_2926 = vector.broadcast %add3A_2925 : f32 to vector<16xf32>
    %add3A_2927 = arith.addf %get3A_2908, %add3A_2926 : vector<16xf32>
    %mul3A_2928 = arith.constant 1.600000e+01 : f32
    %mul3A_2929 = vector.broadcast %mul3A_2928 : f32 to vector<16xf32>
    %mul3A_2930 = arith.mulf %add3A_2927, %mul3A_2929 : vector<16xf32>
    %convert_element_type3A_2931 = arith.fptosi %mul3A_2930 : vector<16xf32> to vector<16xi32>
    %jit3A_2932 = arith.constant 0 : i32
    %jit3A_2933 = arith.constant 63 : i32
    %max3A_2934 = vector.broadcast %jit3A_2932 : i32 to vector<16xi32>
    %max3A_2935 = arith.maxsi %max3A_2934, %convert_element_type3A_2931 : vector<16xi32>
    %min3A_2936 = vector.broadcast %jit3A_2933 : i32 to vector<16xi32>
    %min3A_2937 = arith.minsi %min3A_2936, %max3A_2935 : vector<16xi32>
    %add3A_2938 = arith.constant 2.000000e+00 : f32
    %add3A_2939 = vector.broadcast %add3A_2938 : f32 to vector<16xf32>
    %add3A_2940 = arith.addf %get3A_2911, %add3A_2939 : vector<16xf32>
    %mul3A_2941 = arith.constant 1.600000e+01 : f32
    %mul3A_2942 = vector.broadcast %mul3A_2941 : f32 to vector<16xf32>
    %mul3A_2943 = arith.mulf %add3A_2940, %mul3A_2942 : vector<16xf32>
    %convert_element_type3A_2944 = arith.fptosi %mul3A_2943 : vector<16xf32> to vector<16xi32>
    %jit3A_2945 = arith.constant 0 : i32
    %jit3A_2946 = arith.constant 63 : i32
    %max3A_2947 = vector.broadcast %jit3A_2945 : i32 to vector<16xi32>
    %max3A_2948 = arith.maxsi %max3A_2947, %convert_element_type3A_2944 : vector<16xi32>
    %min3A_2949 = vector.broadcast %jit3A_2946 : i32 to vector<16xi32>
    %min3A_2950 = arith.minsi %min3A_2949, %max3A_2948 : vector<16xi32>
    %mul3A_2951 = arith.constant 4096 : i32
    %mul3A_2952 = vector.broadcast %mul3A_2951 : i32 to vector<16xi32>
    %mul3A_2953 = arith.muli %min3A_2924, %mul3A_2952 : vector<16xi32>
    %mul3A_2954 = arith.constant 64 : i32
    %mul3A_2955 = vector.broadcast %mul3A_2954 : i32 to vector<16xi32>
    %mul3A_2956 = arith.muli %min3A_2937, %mul3A_2955 : vector<16xi32>
    %add3A_2957 = arith.addi %mul3A_2953, %mul3A_2956 : vector<16xi32>
    %add3A_2958 = arith.addi %add3A_2957, %min3A_2950 : vector<16xi32>
    %add3A_2959 = arith.constant 560 : i32
    %add3A_2960 = vector.broadcast %add3A_2959 : i32 to vector<16xi32>
    %add3A_2961 = arith.addi %iota3A, %add3A_2960 : vector<16xi32>
    %mul3A_2962 = arith.constant 640 : i32
    %mul3A_2963 = arith.muli %arg1, %mul3A_2962 : i32
    %add3A_2964 = vector.broadcast %mul3A_2963 : i32 to vector<16xi32>
    %add3A_2965 = arith.addi %add3A_2961, %add3A_2964 : vector<16xi32>
    %lt3A_2966 = arith.constant 10000 : i32
    %lt3A_2967 = vector.broadcast %lt3A_2966 : i32 to vector<16xi32>
    %lt3A_2968 = arith.cmpi slt, %add3A_2965, %lt3A_2967 : vector<16xi32>
    %jit3A_2969 = arith.constant 1.000000e+00 : f32
    %jit3A_2970 = arith.constant 0.000000e+00 : f32
    %broadcast_in_dim3A_2971 = vector.broadcast %jit3A_2969 : f32 to vector<16xf32>
    %broadcast_in_dim3A_2972 = vector.broadcast %jit3A_2970 : f32 to vector<16xf32>
    %select_n3A_2973 = arith.select %lt3A_2968, %broadcast_in_dim3A_2971, %broadcast_in_dim3A_2972 : vector<16xi1>, vector<16xf32>
    %swap3A_2974 = arith.constant 4 : i32
    %swap3A_2975 = arith.index_cast %swap3A_2974 : i32 to index
    %swap3A_2976 = arith.constant 48 : index
    %swap3A_2977 = tpu.vector_load %arg10[%swap3A_2975, %swap3A_2976] {strides = array<i32>} : memref<5x128xi32, #tpu.memory_space<vmem>>, vector<1x16xi32>,
    %swap3A_2978 = vector.shape_cast %swap3A_2977 : vector<1x16xi32> to vector<16xi32>
    %swap3A_2979 = vector.shape_cast %add3A_2958 : vector<16xi32> to vector<1x16xi32>
    tpu.vector_store %arg10[%swap3A_2975, %swap3A_2976], %swap3A_2979 {strides = array<i32>} : memref<5x128xi32, #tpu.memory_space<vmem>>, vector<1x16xi32>,
    %swap3A_2980 = arith.constant 4 : i32
    %swap3A_2981 = arith.index_cast %swap3A_2980 : i32 to index
    %swap3A_2982 = arith.constant 48 : index
    %swap3A_2983 = tpu.vector_load %arg11[%swap3A_2981, %swap3A_2982] {strides = array<i32>} : memref<5x128xf32, #tpu.memory_space<vmem>>, vector<1x16xf32>,
    %swap3A_2984 = vector.shape_cast %swap3A_2983 : vector<1x16xf32> to vector<16xf32>
    %swap3A_2985 = vector.shape_cast %select_n3A_2973 : vector<16xf32> to vector<1x16xf32>
    tpu.vector_store %arg11[%swap3A_2981, %swap3A_2982], %swap3A_2985 {strides = array<i32>} : memref<5x128xf32, #tpu.memory_space<vmem>>, vector<1x16xf32>,
    %get3A_2986 = arith.constant 576 : index
    %get3A_2987 = tpu.vector_load %arg7[%get3A_2986] {strides = array<i32>} : memref<640xf32, #tpu.memory_space<vmem>>, vector<16xf32>,
    %get3A_2988 = vector.shape_cast %get3A_2987 : vector<16xf32> to vector<16xf32>
    %get3A_2989 = arith.constant 576 : index
    %get3A_2990 = tpu.vector_load %arg8[%get3A_2989] {strides = array<i32>} : memref<640xf32, #tpu.memory_space<vmem>>, vector<16xf32>,
    %get3A_2991 = vector.shape_cast %get3A_2990 : vector<16xf32> to vector<16xf32>
    %get3A_2992 = arith.constant 576 : index
    %get3A_2993 = tpu.vector_load %arg9[%get3A_2992] {strides = array<i32>} : memref<640xf32, #tpu.memory_space<vmem>>, vector<16xf32>,
    %get3A_2994 = vector.shape_cast %get3A_2993 : vector<16xf32> to vector<16xf32>
    %add3A_2995 = arith.constant 2.000000e+00 : f32
    %add3A_2996 = vector.broadcast %add3A_2995 : f32 to vector<16xf32>
    %add3A_2997 = arith.addf %get3A_2988, %add3A_2996 : vector<16xf32>
    %mul3A_2998 = arith.constant 1.600000e+01 : f32
    %mul3A_2999 = vector.broadcast %mul3A_2998 : f32 to vector<16xf32>
    %mul3A_3000 = arith.mulf %add3A_2997, %mul3A_2999 : vector<16xf32>
    %convert_element_type3A_3001 = arith.fptosi %mul3A_3000 : vector<16xf32> to vector<16xi32>
    %jit3A_3002 = arith.constant 0 : i32
    %jit3A_3003 = arith.constant 63 : i32
    %max3A_3004 = vector.broadcast %jit3A_3002 : i32 to vector<16xi32>
    %max3A_3005 = arith.maxsi %max3A_3004, %convert_element_type3A_3001 : vector<16xi32>
    %min3A_3006 = vector.broadcast %jit3A_3003 : i32 to vector<16xi32>
    %min3A_3007 = arith.minsi %min3A_3006, %max3A_3005 : vector<16xi32>
    %add3A_3008 = arith.constant 2.000000e+00 : f32
    %add3A_3009 = vector.broadcast %add3A_3008 : f32 to vector<16xf32>
    %add3A_3010 = arith.addf %get3A_2991, %add3A_3009 : vector<16xf32>
    %mul3A_3011 = arith.constant 1.600000e+01 : f32
    %mul3A_3012 = vector.broadcast %mul3A_3011 : f32 to vector<16xf32>
    %mul3A_3013 = arith.mulf %add3A_3010, %mul3A_3012 : vector<16xf32>
    %convert_element_type3A_3014 = arith.fptosi %mul3A_3013 : vector<16xf32> to vector<16xi32>
    %jit3A_3015 = arith.constant 0 : i32
    %jit3A_3016 = arith.constant 63 : i32
    %max3A_3017 = vector.broadcast %jit3A_3015 : i32 to vector<16xi32>
    %max3A_3018 = arith.maxsi %max3A_3017, %convert_element_type3A_3014 : vector<16xi32>
    %min3A_3019 = vector.broadcast %jit3A_3016 : i32 to vector<16xi32>
    %min3A_3020 = arith.minsi %min3A_3019, %max3A_3018 : vector<16xi32>
    %add3A_3021 = arith.constant 2.000000e+00 : f32
    %add3A_3022 = vector.broadcast %add3A_3021 : f32 to vector<16xf32>
    %add3A_3023 = arith.addf %get3A_2994, %add3A_3022 : vector<16xf32>
    %mul3A_3024 = arith.constant 1.600000e+01 : f32
    %mul3A_3025 = vector.broadcast %mul3A_3024 : f32 to vector<16xf32>
    %mul3A_3026 = arith.mulf %add3A_3023, %mul3A_3025 : vector<16xf32>
    %convert_element_type3A_3027 = arith.fptosi %mul3A_3026 : vector<16xf32> to vector<16xi32>
    %jit3A_3028 = arith.constant 0 : i32
    %jit3A_3029 = arith.constant 63 : i32
    %max3A_3030 = vector.broadcast %jit3A_3028 : i32 to vector<16xi32>
    %max3A_3031 = arith.maxsi %max3A_3030, %convert_element_type3A_3027 : vector<16xi32>
    %min3A_3032 = vector.broadcast %jit3A_3029 : i32 to vector<16xi32>
    %min3A_3033 = arith.minsi %min3A_3032, %max3A_3031 : vector<16xi32>
    %mul3A_3034 = arith.constant 4096 : i32
    %mul3A_3035 = vector.broadcast %mul3A_3034 : i32 to vector<16xi32>
    %mul3A_3036 = arith.muli %min3A_3007, %mul3A_3035 : vector<16xi32>
    %mul3A_3037 = arith.constant 64 : i32
    %mul3A_3038 = vector.broadcast %mul3A_3037 : i32 to vector<16xi32>
    %mul3A_3039 = arith.muli %min3A_3020, %mul3A_3038 : vector<16xi32>
    %add3A_3040 = arith.addi %mul3A_3036, %mul3A_3039 : vector<16xi32>
    %add3A_3041 = arith.addi %add3A_3040, %min3A_3033 : vector<16xi32>
    %add3A_3042 = arith.constant 576 : i32
    %add3A_3043 = vector.broadcast %add3A_3042 : i32 to vector<16xi32>
    %add3A_3044 = arith.addi %iota3A, %add3A_3043 : vector<16xi32>
    %mul3A_3045 = arith.constant 640 : i32
    %mul3A_3046 = arith.muli %arg1, %mul3A_3045 : i32
    %add3A_3047 = vector.broadcast %mul3A_3046 : i32 to vector<16xi32>
    %add3A_3048 = arith.addi %add3A_3044, %add3A_3047 : vector<16xi32>
    %lt3A_3049 = arith.constant 10000 : i32
    %lt3A_3050 = vector.broadcast %lt3A_3049 : i32 to vector<16xi32>
    %lt3A_3051 = arith.cmpi slt, %add3A_3048, %lt3A_3050 : vector<16xi32>
    %jit3A_3052 = arith.constant 1.000000e+00 : f32
    %jit3A_3053 = arith.constant 0.000000e+00 : f32
    %broadcast_in_dim3A_3054 = vector.broadcast %jit3A_3052 : f32 to vector<16xf32>
    %broadcast_in_dim3A_3055 = vector.broadcast %jit3A_3053 : f32 to vector<16xf32>
    %select_n3A_3056 = arith.select %lt3A_3051, %broadcast_in_dim3A_3054, %broadcast_in_dim3A_3055 : vector<16xi1>, vector<16xf32>
    %swap3A_3057 = arith.constant 4 : i32
    %swap3A_3058 = arith.index_cast %swap3A_3057 : i32 to index
    %swap3A_3059 = arith.constant 64 : index
    %swap3A_3060 = tpu.vector_load %arg10[%swap3A_3058, %swap3A_3059] {strides = array<i32>} : memref<5x128xi32, #tpu.memory_space<vmem>>, vector<1x16xi32>,
    %swap3A_3061 = vector.shape_cast %swap3A_3060 : vector<1x16xi32> to vector<16xi32>
    %swap3A_3062 = vector.shape_cast %add3A_3041 : vector<16xi32> to vector<1x16xi32>
    tpu.vector_store %arg10[%swap3A_3058, %swap3A_3059], %swap3A_3062 {strides = array<i32>} : memref<5x128xi32, #tpu.memory_space<vmem>>, vector<1x16xi32>,
    %swap3A_3063 = arith.constant 4 : i32
    %swap3A_3064 = arith.index_cast %swap3A_3063 : i32 to index
    %swap3A_3065 = arith.constant 64 : index
    %swap3A_3066 = tpu.vector_load %arg11[%swap3A_3064, %swap3A_3065] {strides = array<i32>} : memref<5x128xf32, #tpu.memory_space<vmem>>, vector<1x16xf32>,
    %swap3A_3067 = vector.shape_cast %swap3A_3066 : vector<1x16xf32> to vector<16xf32>
    %swap3A_3068 = vector.shape_cast %select_n3A_3056 : vector<16xf32> to vector<1x16xf32>
    tpu.vector_store %arg11[%swap3A_3064, %swap3A_3065], %swap3A_3068 {strides = array<i32>} : memref<5x128xf32, #tpu.memory_space<vmem>>, vector<1x16xf32>,
    %get3A_3069 = arith.constant 592 : index
    %get3A_3070 = tpu.vector_load %arg7[%get3A_3069] {strides = array<i32>} : memref<640xf32, #tpu.memory_space<vmem>>, vector<16xf32>,
    %get3A_3071 = vector.shape_cast %get3A_3070 : vector<16xf32> to vector<16xf32>
    %get3A_3072 = arith.constant 592 : index
    %get3A_3073 = tpu.vector_load %arg8[%get3A_3072] {strides = array<i32>} : memref<640xf32, #tpu.memory_space<vmem>>, vector<16xf32>,
    %get3A_3074 = vector.shape_cast %get3A_3073 : vector<16xf32> to vector<16xf32>
    %get3A_3075 = arith.constant 592 : index
    %get3A_3076 = tpu.vector_load %arg9[%get3A_3075] {strides = array<i32>} : memref<640xf32, #tpu.memory_space<vmem>>, vector<16xf32>,
    %get3A_3077 = vector.shape_cast %get3A_3076 : vector<16xf32> to vector<16xf32>
    %add3A_3078 = arith.constant 2.000000e+00 : f32
    %add3A_3079 = vector.broadcast %add3A_3078 : f32 to vector<16xf32>
    %add3A_3080 = arith.addf %get3A_3071, %add3A_3079 : vector<16xf32>
    %mul3A_3081 = arith.constant 1.600000e+01 : f32
    %mul3A_3082 = vector.broadcast %mul3A_3081 : f32 to vector<16xf32>
    %mul3A_3083 = arith.mulf %add3A_3080, %mul3A_3082 : vector<16xf32>
    %convert_element_type3A_3084 = arith.fptosi %mul3A_3083 : vector<16xf32> to vector<16xi32>
    %jit3A_3085 = arith.constant 0 : i32
    %jit3A_3086 = arith.constant 63 : i32
    %max3A_3087 = vector.broadcast %jit3A_3085 : i32 to vector<16xi32>
    %max3A_3088 = arith.maxsi %max3A_3087, %convert_element_type3A_3084 : vector<16xi32>
    %min3A_3089 = vector.broadcast %jit3A_3086 : i32 to vector<16xi32>
    %min3A_3090 = arith.minsi %min3A_3089, %max3A_3088 : vector<16xi32>
    %add3A_3091 = arith.constant 2.000000e+00 : f32
    %add3A_3092 = vector.broadcast %add3A_3091 : f32 to vector<16xf32>
    %add3A_3093 = arith.addf %get3A_3074, %add3A_3092 : vector<16xf32>
    %mul3A_3094 = arith.constant 1.600000e+01 : f32
    %mul3A_3095 = vector.broadcast %mul3A_3094 : f32 to vector<16xf32>
    %mul3A_3096 = arith.mulf %add3A_3093, %mul3A_3095 : vector<16xf32>
    %convert_element_type3A_3097 = arith.fptosi %mul3A_3096 : vector<16xf32> to vector<16xi32>
    %jit3A_3098 = arith.constant 0 : i32
    %jit3A_3099 = arith.constant 63 : i32
    %max3A_3100 = vector.broadcast %jit3A_3098 : i32 to vector<16xi32>
    %max3A_3101 = arith.maxsi %max3A_3100, %convert_element_type3A_3097 : vector<16xi32>
    %min3A_3102 = vector.broadcast %jit3A_3099 : i32 to vector<16xi32>
    %min3A_3103 = arith.minsi %min3A_3102, %max3A_3101 : vector<16xi32>
    %add3A_3104 = arith.constant 2.000000e+00 : f32
    %add3A_3105 = vector.broadcast %add3A_3104 : f32 to vector<16xf32>
    %add3A_3106 = arith.addf %get3A_3077, %add3A_3105 : vector<16xf32>
    %mul3A_3107 = arith.constant 1.600000e+01 : f32
    %mul3A_3108 = vector.broadcast %mul3A_3107 : f32 to vector<16xf32>
    %mul3A_3109 = arith.mulf %add3A_3106, %mul3A_3108 : vector<16xf32>
    %convert_element_type3A_3110 = arith.fptosi %mul3A_3109 : vector<16xf32> to vector<16xi32>
    %jit3A_3111 = arith.constant 0 : i32
    %jit3A_3112 = arith.constant 63 : i32
    %max3A_3113 = vector.broadcast %jit3A_3111 : i32 to vector<16xi32>
    %max3A_3114 = arith.maxsi %max3A_3113, %convert_element_type3A_3110 : vector<16xi32>
    %min3A_3115 = vector.broadcast %jit3A_3112 : i32 to vector<16xi32>
    %min3A_3116 = arith.minsi %min3A_3115, %max3A_3114 : vector<16xi32>
    %mul3A_3117 = arith.constant 4096 : i32
    %mul3A_3118 = vector.broadcast %mul3A_3117 : i32 to vector<16xi32>
    %mul3A_3119 = arith.muli %min3A_3090, %mul3A_3118 : vector<16xi32>
    %mul3A_3120 = arith.constant 64 : i32
    %mul3A_3121 = vector.broadcast %mul3A_3120 : i32 to vector<16xi32>
    %mul3A_3122 = arith.muli %min3A_3103, %mul3A_3121 : vector<16xi32>
    %add3A_3123 = arith.addi %mul3A_3119, %mul3A_3122 : vector<16xi32>
    %add3A_3124 = arith.addi %add3A_3123, %min3A_3116 : vector<16xi32>
    %add3A_3125 = arith.constant 592 : i32
    %add3A_3126 = vector.broadcast %add3A_3125 : i32 to vector<16xi32>
    %add3A_3127 = arith.addi %iota3A, %add3A_3126 : vector<16xi32>
    %mul3A_3128 = arith.constant 640 : i32
    %mul3A_3129 = arith.muli %arg1, %mul3A_3128 : i32
    %add3A_3130 = vector.broadcast %mul3A_3129 : i32 to vector<16xi32>
    %add3A_3131 = arith.addi %add3A_3127, %add3A_3130 : vector<16xi32>
    %lt3A_3132 = arith.constant 10000 : i32
    %lt3A_3133 = vector.broadcast %lt3A_3132 : i32 to vector<16xi32>
    %lt3A_3134 = arith.cmpi slt, %add3A_3131, %lt3A_3133 : vector<16xi32>
    %jit3A_3135 = arith.constant 1.000000e+00 : f32
    %jit3A_3136 = arith.constant 0.000000e+00 : f32
    %broadcast_in_dim3A_3137 = vector.broadcast %jit3A_3135 : f32 to vector<16xf32>
    %broadcast_in_dim3A_3138 = vector.broadcast %jit3A_3136 : f32 to vector<16xf32>
    %select_n3A_3139 = arith.select %lt3A_3134, %broadcast_in_dim3A_3137, %broadcast_in_dim3A_3138 : vector<16xi1>, vector<16xf32>
    %swap3A_3140 = arith.constant 4 : i32
    %swap3A_3141 = arith.index_cast %swap3A_3140 : i32 to index
    %swap3A_3142 = arith.constant 80 : index
    %swap3A_3143 = tpu.vector_load %arg10[%swap3A_3141, %swap3A_3142] {strides = array<i32>} : memref<5x128xi32, #tpu.memory_space<vmem>>, vector<1x16xi32>,
    %swap3A_3144 = vector.shape_cast %swap3A_3143 : vector<1x16xi32> to vector<16xi32>
    %swap3A_3145 = vector.shape_cast %add3A_3124 : vector<16xi32> to vector<1x16xi32>
    tpu.vector_store %arg10[%swap3A_3141, %swap3A_3142], %swap3A_3145 {strides = array<i32>} : memref<5x128xi32, #tpu.memory_space<vmem>>, vector<1x16xi32>,
    %swap3A_3146 = arith.constant 4 : i32
    %swap3A_3147 = arith.index_cast %swap3A_3146 : i32 to index
    %swap3A_3148 = arith.constant 80 : index
    %swap3A_3149 = tpu.vector_load %arg11[%swap3A_3147, %swap3A_3148] {strides = array<i32>} : memref<5x128xf32, #tpu.memory_space<vmem>>, vector<1x16xf32>,
    %swap3A_3150 = vector.shape_cast %swap3A_3149 : vector<1x16xf32> to vector<16xf32>
    %swap3A_3151 = vector.shape_cast %select_n3A_3139 : vector<16xf32> to vector<1x16xf32>
    tpu.vector_store %arg11[%swap3A_3147, %swap3A_3148], %swap3A_3151 {strides = array<i32>} : memref<5x128xf32, #tpu.memory_space<vmem>>, vector<1x16xf32>,
    %get3A_3152 = arith.constant 608 : index
    %get3A_3153 = tpu.vector_load %arg7[%get3A_3152] {strides = array<i32>} : memref<640xf32, #tpu.memory_space<vmem>>, vector<16xf32>,
    %get3A_3154 = vector.shape_cast %get3A_3153 : vector<16xf32> to vector<16xf32>
    %get3A_3155 = arith.constant 608 : index
    %get3A_3156 = tpu.vector_load %arg8[%get3A_3155] {strides = array<i32>} : memref<640xf32, #tpu.memory_space<vmem>>, vector<16xf32>,
    %get3A_3157 = vector.shape_cast %get3A_3156 : vector<16xf32> to vector<16xf32>
    %get3A_3158 = arith.constant 608 : index
    %get3A_3159 = tpu.vector_load %arg9[%get3A_3158] {strides = array<i32>} : memref<640xf32, #tpu.memory_space<vmem>>, vector<16xf32>,
    %get3A_3160 = vector.shape_cast %get3A_3159 : vector<16xf32> to vector<16xf32>
    %add3A_3161 = arith.constant 2.000000e+00 : f32
    %add3A_3162 = vector.broadcast %add3A_3161 : f32 to vector<16xf32>
    %add3A_3163 = arith.addf %get3A_3154, %add3A_3162 : vector<16xf32>
    %mul3A_3164 = arith.constant 1.600000e+01 : f32
    %mul3A_3165 = vector.broadcast %mul3A_3164 : f32 to vector<16xf32>
    %mul3A_3166 = arith.mulf %add3A_3163, %mul3A_3165 : vector<16xf32>
    %convert_element_type3A_3167 = arith.fptosi %mul3A_3166 : vector<16xf32> to vector<16xi32>
    %jit3A_3168 = arith.constant 0 : i32
    %jit3A_3169 = arith.constant 63 : i32
    %max3A_3170 = vector.broadcast %jit3A_3168 : i32 to vector<16xi32>
    %max3A_3171 = arith.maxsi %max3A_3170, %convert_element_type3A_3167 : vector<16xi32>
    %min3A_3172 = vector.broadcast %jit3A_3169 : i32 to vector<16xi32>
    %min3A_3173 = arith.minsi %min3A_3172, %max3A_3171 : vector<16xi32>
    %add3A_3174 = arith.constant 2.000000e+00 : f32
    %add3A_3175 = vector.broadcast %add3A_3174 : f32 to vector<16xf32>
    %add3A_3176 = arith.addf %get3A_3157, %add3A_3175 : vector<16xf32>
    %mul3A_3177 = arith.constant 1.600000e+01 : f32
    %mul3A_3178 = vector.broadcast %mul3A_3177 : f32 to vector<16xf32>
    %mul3A_3179 = arith.mulf %add3A_3176, %mul3A_3178 : vector<16xf32>
    %convert_element_type3A_3180 = arith.fptosi %mul3A_3179 : vector<16xf32> to vector<16xi32>
    %jit3A_3181 = arith.constant 0 : i32
    %jit3A_3182 = arith.constant 63 : i32
    %max3A_3183 = vector.broadcast %jit3A_3181 : i32 to vector<16xi32>
    %max3A_3184 = arith.maxsi %max3A_3183, %convert_element_type3A_3180 : vector<16xi32>
    %min3A_3185 = vector.broadcast %jit3A_3182 : i32 to vector<16xi32>
    %min3A_3186 = arith.minsi %min3A_3185, %max3A_3184 : vector<16xi32>
    %add3A_3187 = arith.constant 2.000000e+00 : f32
    %add3A_3188 = vector.broadcast %add3A_3187 : f32 to vector<16xf32>
    %add3A_3189 = arith.addf %get3A_3160, %add3A_3188 : vector<16xf32>
    %mul3A_3190 = arith.constant 1.600000e+01 : f32
    %mul3A_3191 = vector.broadcast %mul3A_3190 : f32 to vector<16xf32>
    %mul3A_3192 = arith.mulf %add3A_3189, %mul3A_3191 : vector<16xf32>
    %convert_element_type3A_3193 = arith.fptosi %mul3A_3192 : vector<16xf32> to vector<16xi32>
    %jit3A_3194 = arith.constant 0 : i32
    %jit3A_3195 = arith.constant 63 : i32
    %max3A_3196 = vector.broadcast %jit3A_3194 : i32 to vector<16xi32>
    %max3A_3197 = arith.maxsi %max3A_3196, %convert_element_type3A_3193 : vector<16xi32>
    %min3A_3198 = vector.broadcast %jit3A_3195 : i32 to vector<16xi32>
    %min3A_3199 = arith.minsi %min3A_3198, %max3A_3197 : vector<16xi32>
    %mul3A_3200 = arith.constant 4096 : i32
    %mul3A_3201 = vector.broadcast %mul3A_3200 : i32 to vector<16xi32>
    %mul3A_3202 = arith.muli %min3A_3173, %mul3A_3201 : vector<16xi32>
    %mul3A_3203 = arith.constant 64 : i32
    %mul3A_3204 = vector.broadcast %mul3A_3203 : i32 to vector<16xi32>
    %mul3A_3205 = arith.muli %min3A_3186, %mul3A_3204 : vector<16xi32>
    %add3A_3206 = arith.addi %mul3A_3202, %mul3A_3205 : vector<16xi32>
    %add3A_3207 = arith.addi %add3A_3206, %min3A_3199 : vector<16xi32>
    %add3A_3208 = arith.constant 608 : i32
    %add3A_3209 = vector.broadcast %add3A_3208 : i32 to vector<16xi32>
    %add3A_3210 = arith.addi %iota3A, %add3A_3209 : vector<16xi32>
    %mul3A_3211 = arith.constant 640 : i32
    %mul3A_3212 = arith.muli %arg1, %mul3A_3211 : i32
    %add3A_3213 = vector.broadcast %mul3A_3212 : i32 to vector<16xi32>
    %add3A_3214 = arith.addi %add3A_3210, %add3A_3213 : vector<16xi32>
    %lt3A_3215 = arith.constant 10000 : i32
    %lt3A_3216 = vector.broadcast %lt3A_3215 : i32 to vector<16xi32>
    %lt3A_3217 = arith.cmpi slt, %add3A_3214, %lt3A_3216 : vector<16xi32>
    %jit3A_3218 = arith.constant 1.000000e+00 : f32
    %jit3A_3219 = arith.constant 0.000000e+00 : f32
    %broadcast_in_dim3A_3220 = vector.broadcast %jit3A_3218 : f32 to vector<16xf32>
    %broadcast_in_dim3A_3221 = vector.broadcast %jit3A_3219 : f32 to vector<16xf32>
    %select_n3A_3222 = arith.select %lt3A_3217, %broadcast_in_dim3A_3220, %broadcast_in_dim3A_3221 : vector<16xi1>, vector<16xf32>
    %swap3A_3223 = arith.constant 4 : i32
    %swap3A_3224 = arith.index_cast %swap3A_3223 : i32 to index
    %swap3A_3225 = arith.constant 96 : index
    %swap3A_3226 = tpu.vector_load %arg10[%swap3A_3224, %swap3A_3225] {strides = array<i32>} : memref<5x128xi32, #tpu.memory_space<vmem>>, vector<1x16xi32>,
    %swap3A_3227 = vector.shape_cast %swap3A_3226 : vector<1x16xi32> to vector<16xi32>
    %swap3A_3228 = vector.shape_cast %add3A_3207 : vector<16xi32> to vector<1x16xi32>
    tpu.vector_store %arg10[%swap3A_3224, %swap3A_3225], %swap3A_3228 {strides = array<i32>} : memref<5x128xi32, #tpu.memory_space<vmem>>, vector<1x16xi32>,
    %swap3A_3229 = arith.constant 4 : i32
    %swap3A_3230 = arith.index_cast %swap3A_3229 : i32 to index
    %swap3A_3231 = arith.constant 96 : index
    %swap3A_3232 = tpu.vector_load %arg11[%swap3A_3230, %swap3A_3231] {strides = array<i32>} : memref<5x128xf32, #tpu.memory_space<vmem>>, vector<1x16xf32>,
    %swap3A_3233 = vector.shape_cast %swap3A_3232 : vector<1x16xf32> to vector<16xf32>
    %swap3A_3234 = vector.shape_cast %select_n3A_3222 : vector<16xf32> to vector<1x16xf32>
    tpu.vector_store %arg11[%swap3A_3230, %swap3A_3231], %swap3A_3234 {strides = array<i32>} : memref<5x128xf32, #tpu.memory_space<vmem>>, vector<1x16xf32>,
    %get3A_3235 = arith.constant 624 : index
    %get3A_3236 = tpu.vector_load %arg7[%get3A_3235] {strides = array<i32>} : memref<640xf32, #tpu.memory_space<vmem>>, vector<16xf32>,
    %get3A_3237 = vector.shape_cast %get3A_3236 : vector<16xf32> to vector<16xf32>
    %get3A_3238 = arith.constant 624 : index
    %get3A_3239 = tpu.vector_load %arg8[%get3A_3238] {strides = array<i32>} : memref<640xf32, #tpu.memory_space<vmem>>, vector<16xf32>,
    %get3A_3240 = vector.shape_cast %get3A_3239 : vector<16xf32> to vector<16xf32>
    %get3A_3241 = arith.constant 624 : index
    %get3A_3242 = tpu.vector_load %arg9[%get3A_3241] {strides = array<i32>} : memref<640xf32, #tpu.memory_space<vmem>>, vector<16xf32>,
    %get3A_3243 = vector.shape_cast %get3A_3242 : vector<16xf32> to vector<16xf32>
    %add3A_3244 = arith.constant 2.000000e+00 : f32
    %add3A_3245 = vector.broadcast %add3A_3244 : f32 to vector<16xf32>
    %add3A_3246 = arith.addf %get3A_3237, %add3A_3245 : vector<16xf32>
    %mul3A_3247 = arith.constant 1.600000e+01 : f32
    %mul3A_3248 = vector.broadcast %mul3A_3247 : f32 to vector<16xf32>
    %mul3A_3249 = arith.mulf %add3A_3246, %mul3A_3248 : vector<16xf32>
    %convert_element_type3A_3250 = arith.fptosi %mul3A_3249 : vector<16xf32> to vector<16xi32>
    %jit3A_3251 = arith.constant 0 : i32
    %jit3A_3252 = arith.constant 63 : i32
    %max3A_3253 = vector.broadcast %jit3A_3251 : i32 to vector<16xi32>
    %max3A_3254 = arith.maxsi %max3A_3253, %convert_element_type3A_3250 : vector<16xi32>
    %min3A_3255 = vector.broadcast %jit3A_3252 : i32 to vector<16xi32>
    %min3A_3256 = arith.minsi %min3A_3255, %max3A_3254 : vector<16xi32>
    %add3A_3257 = arith.constant 2.000000e+00 : f32
    %add3A_3258 = vector.broadcast %add3A_3257 : f32 to vector<16xf32>
    %add3A_3259 = arith.addf %get3A_3240, %add3A_3258 : vector<16xf32>
    %mul3A_3260 = arith.constant 1.600000e+01 : f32
    %mul3A_3261 = vector.broadcast %mul3A_3260 : f32 to vector<16xf32>
    %mul3A_3262 = arith.mulf %add3A_3259, %mul3A_3261 : vector<16xf32>
    %convert_element_type3A_3263 = arith.fptosi %mul3A_3262 : vector<16xf32> to vector<16xi32>
    %jit3A_3264 = arith.constant 0 : i32
    %jit3A_3265 = arith.constant 63 : i32
    %max3A_3266 = vector.broadcast %jit3A_3264 : i32 to vector<16xi32>
    %max3A_3267 = arith.maxsi %max3A_3266, %convert_element_type3A_3263 : vector<16xi32>
    %min3A_3268 = vector.broadcast %jit3A_3265 : i32 to vector<16xi32>
    %min3A_3269 = arith.minsi %min3A_3268, %max3A_3267 : vector<16xi32>
    %add3A_3270 = arith.constant 2.000000e+00 : f32
    %add3A_3271 = vector.broadcast %add3A_3270 : f32 to vector<16xf32>
    %add3A_3272 = arith.addf %get3A_3243, %add3A_3271 : vector<16xf32>
    %mul3A_3273 = arith.constant 1.600000e+01 : f32
    %mul3A_3274 = vector.broadcast %mul3A_3273 : f32 to vector<16xf32>
    %mul3A_3275 = arith.mulf %add3A_3272, %mul3A_3274 : vector<16xf32>
    %convert_element_type3A_3276 = arith.fptosi %mul3A_3275 : vector<16xf32> to vector<16xi32>
    %jit3A_3277 = arith.constant 0 : i32
    %jit3A_3278 = arith.constant 63 : i32
    %max3A_3279 = vector.broadcast %jit3A_3277 : i32 to vector<16xi32>
    %max3A_3280 = arith.maxsi %max3A_3279, %convert_element_type3A_3276 : vector<16xi32>
    %min3A_3281 = vector.broadcast %jit3A_3278 : i32 to vector<16xi32>
    %min3A_3282 = arith.minsi %min3A_3281, %max3A_3280 : vector<16xi32>
    %mul3A_3283 = arith.constant 4096 : i32
    %mul3A_3284 = vector.broadcast %mul3A_3283 : i32 to vector<16xi32>
    %mul3A_3285 = arith.muli %min3A_3256, %mul3A_3284 : vector<16xi32>
    %mul3A_3286 = arith.constant 64 : i32
    %mul3A_3287 = vector.broadcast %mul3A_3286 : i32 to vector<16xi32>
    %mul3A_3288 = arith.muli %min3A_3269, %mul3A_3287 : vector<16xi32>
    %add3A_3289 = arith.addi %mul3A_3285, %mul3A_3288 : vector<16xi32>
    %add3A_3290 = arith.addi %add3A_3289, %min3A_3282 : vector<16xi32>
    %add3A_3291 = arith.constant 624 : i32
    %add3A_3292 = vector.broadcast %add3A_3291 : i32 to vector<16xi32>
    %add3A_3293 = arith.addi %iota3A, %add3A_3292 : vector<16xi32>
    %mul3A_3294 = arith.constant 640 : i32
    %mul3A_3295 = arith.muli %arg1, %mul3A_3294 : i32
    %add3A_3296 = vector.broadcast %mul3A_3295 : i32 to vector<16xi32>
    %add3A_3297 = arith.addi %add3A_3293, %add3A_3296 : vector<16xi32>
    %lt3A_3298 = arith.constant 10000 : i32
    %lt3A_3299 = vector.broadcast %lt3A_3298 : i32 to vector<16xi32>
    %lt3A_3300 = arith.cmpi slt, %add3A_3297, %lt3A_3299 : vector<16xi32>
    %jit3A_3301 = arith.constant 1.000000e+00 : f32
    %jit3A_3302 = arith.constant 0.000000e+00 : f32
    %broadcast_in_dim3A_3303 = vector.broadcast %jit3A_3301 : f32 to vector<16xf32>
    %broadcast_in_dim3A_3304 = vector.broadcast %jit3A_3302 : f32 to vector<16xf32>
    %select_n3A_3305 = arith.select %lt3A_3300, %broadcast_in_dim3A_3303, %broadcast_in_dim3A_3304 : vector<16xi1>, vector<16xf32>
    %swap3A_3306 = arith.constant 4 : i32
    %swap3A_3307 = arith.index_cast %swap3A_3306 : i32 to index
    %swap3A_3308 = arith.constant 112 : index
    %swap3A_3309 = tpu.vector_load %arg10[%swap3A_3307, %swap3A_3308] {strides = array<i32>} : memref<5x128xi32, #tpu.memory_space<vmem>>, vector<1x16xi32>,
    %swap3A_3310 = vector.shape_cast %swap3A_3309 : vector<1x16xi32> to vector<16xi32>
    %swap3A_3311 = vector.shape_cast %add3A_3290 : vector<16xi32> to vector<1x16xi32>
    tpu.vector_store %arg10[%swap3A_3307, %swap3A_3308], %swap3A_3311 {strides = array<i32>} : memref<5x128xi32, #tpu.memory_space<vmem>>, vector<1x16xi32>,
    %swap3A_3312 = arith.constant 4 : i32
    %swap3A_3313 = arith.index_cast %swap3A_3312 : i32 to index
    %swap3A_3314 = arith.constant 112 : index
    %swap3A_3315 = tpu.vector_load %arg11[%swap3A_3313, %swap3A_3314] {strides = array<i32>} : memref<5x128xf32, #tpu.memory_space<vmem>>, vector<1x16xf32>,
    %swap3A_3316 = vector.shape_cast %swap3A_3315 : vector<1x16xf32> to vector<16xf32>
    %swap3A_3317 = vector.shape_cast %select_n3A_3305 : vector<16xf32> to vector<1x16xf32>
    tpu.vector_store %arg11[%swap3A_3313, %swap3A_3314], %swap3A_3317 {strides = array<i32>} : memref<5x128xf32, #tpu.memory_space<vmem>>, vector<1x16xf32>,
    %run_scoped3A = arith.constant 0 : i32
    %run_scoped3A_3318 = arith.constant 0 : i32
    "tpu.region"() ({
      %run_scoped3A_3347 = tpu.sem_alloc : memref<!tpu.dma_semaphore, #tpu.memory_space<semaphore_mem>>
      %dma_start3A = arith.constant 0 : i32
      %dma_start3A_3348 = tpu.memref_slice %arg11[%run_scoped3A, %dma_start3A] : memref<5x128xf32, #tpu.memory_space<vmem>> -> memref<1x128xf32, #tpu.memory_space<vmem>>
      %dma_start3A_3349 = tpu.memref_squeeze %dma_start3A_3348 : memref<1x128xf32, #tpu.memory_space<vmem>> -> memref<128xf32, #tpu.memory_space<vmem>>
      %dma_start3A_3350 = arith.constant 0 : i32
      %dma_start3A_3351 = tpu.memref_slice %arg10[%run_scoped3A_3318, %dma_start3A_3350] : memref<5x128xi32, #tpu.memory_space<vmem>> -> memref<1x128xi32, #tpu.memory_space<vmem>>
      %dma_start3A_3352 = tpu.memref_squeeze %dma_start3A_3351 : memref<1x128xi32, #tpu.memory_space<vmem>> -> memref<128xi32, #tpu.memory_space<vmem>>
      %dma_start3A_3353 = arith.constant 0 : i32
      %dma_start3A_3354 = tpu.memref_slice %arg14[%dma_start3A_3353] : memref<262144xf32, #tpu.memory_space<vmem_shared>> -> memref<262144xf32, #tpu.memory_space<vmem_shared>>
      tpu.enqueue_indirect_dma source(%dma_start3A_3349 : memref<128xf32, #tpu.memory_space<vmem>>) target(%dma_start3A_3354 : memref<262144xf32, #tpu.memory_space<vmem_shared>>) offsets(%dma_start3A_3352 : memref<128xi32, #tpu.memory_space<vmem>>) semaphore(%run_scoped3A_3347 : memref<!tpu.dma_semaphore, #tpu.memory_space<semaphore_mem>>) {add = true}
      %dma_wait3A = arith.constant 0 : i32
      %dma_wait3A_3355 = tpu.memref_slice %arg11[%run_scoped3A, %dma_wait3A] : memref<5x128xf32, #tpu.memory_space<vmem>> -> memref<1x128xf32, #tpu.memory_space<vmem>>
      %dma_wait3A_3356 = tpu.memref_squeeze %dma_wait3A_3355 : memref<1x128xf32, #tpu.memory_space<vmem>> -> memref<128xf32, #tpu.memory_space<vmem>>
      %dma_wait3A_3357 = arith.constant 0 : i32
      %dma_wait3A_3358 = tpu.memref_slice %arg10[%run_scoped3A_3318, %dma_wait3A_3357] : memref<5x128xi32, #tpu.memory_space<vmem>> -> memref<1x128xi32, #tpu.memory_space<vmem>>
      %dma_wait3A_3359 = tpu.memref_squeeze %dma_wait3A_3358 : memref<1x128xi32, #tpu.memory_space<vmem>> -> memref<128xi32, #tpu.memory_space<vmem>>
      %dma_wait3A_3360 = arith.constant 0 : i32
      %dma_wait3A_3361 = tpu.memref_slice %arg14[%dma_wait3A_3360] : memref<262144xf32, #tpu.memory_space<vmem_shared>> -> memref<262144xf32, #tpu.memory_space<vmem_shared>>
      tpu.wait_indirect_dma semaphore(%run_scoped3A_3347 : memref<!tpu.dma_semaphore, #tpu.memory_space<semaphore_mem>>) src(%dma_wait3A_3356 : memref<128xf32, #tpu.memory_space<vmem>>) dst(%dma_wait3A_3361 : memref<262144xf32, #tpu.memory_space<vmem_shared>>)
      tpu.yield
    }) : () -> ()
    %run_scoped3A_3319 = arith.constant 1 : i32
    %run_scoped3A_3320 = arith.constant 1 : i32
    "tpu.region"() ({
      %run_scoped3A_3347 = tpu.sem_alloc : memref<!tpu.dma_semaphore, #tpu.memory_space<semaphore_mem>>
      %dma_start3A = arith.constant 0 : i32
      %dma_start3A_3348 = tpu.memref_slice %arg11[%run_scoped3A_3319, %dma_start3A] : memref<5x128xf32, #tpu.memory_space<vmem>> -> memref<1x128xf32, #tpu.memory_space<vmem>>
      %dma_start3A_3349 = tpu.memref_squeeze %dma_start3A_3348 : memref<1x128xf32, #tpu.memory_space<vmem>> -> memref<128xf32, #tpu.memory_space<vmem>>
      %dma_start3A_3350 = arith.constant 0 : i32
      %dma_start3A_3351 = tpu.memref_slice %arg10[%run_scoped3A_3320, %dma_start3A_3350] : memref<5x128xi32, #tpu.memory_space<vmem>> -> memref<1x128xi32, #tpu.memory_space<vmem>>
      %dma_start3A_3352 = tpu.memref_squeeze %dma_start3A_3351 : memref<1x128xi32, #tpu.memory_space<vmem>> -> memref<128xi32, #tpu.memory_space<vmem>>
      %dma_start3A_3353 = arith.constant 0 : i32
      %dma_start3A_3354 = tpu.memref_slice %arg14[%dma_start3A_3353] : memref<262144xf32, #tpu.memory_space<vmem_shared>> -> memref<262144xf32, #tpu.memory_space<vmem_shared>>
      tpu.enqueue_indirect_dma source(%dma_start3A_3349 : memref<128xf32, #tpu.memory_space<vmem>>) target(%dma_start3A_3354 : memref<262144xf32, #tpu.memory_space<vmem_shared>>) offsets(%dma_start3A_3352 : memref<128xi32, #tpu.memory_space<vmem>>) semaphore(%run_scoped3A_3347 : memref<!tpu.dma_semaphore, #tpu.memory_space<semaphore_mem>>) {add = true}
      %dma_wait3A = arith.constant 0 : i32
      %dma_wait3A_3355 = tpu.memref_slice %arg11[%run_scoped3A_3319, %dma_wait3A] : memref<5x128xf32, #tpu.memory_space<vmem>> -> memref<1x128xf32, #tpu.memory_space<vmem>>
      %dma_wait3A_3356 = tpu.memref_squeeze %dma_wait3A_3355 : memref<1x128xf32, #tpu.memory_space<vmem>> -> memref<128xf32, #tpu.memory_space<vmem>>
      %dma_wait3A_3357 = arith.constant 0 : i32
      %dma_wait3A_3358 = tpu.memref_slice %arg10[%run_scoped3A_3320, %dma_wait3A_3357] : memref<5x128xi32, #tpu.memory_space<vmem>> -> memref<1x128xi32, #tpu.memory_space<vmem>>
      %dma_wait3A_3359 = tpu.memref_squeeze %dma_wait3A_3358 : memref<1x128xi32, #tpu.memory_space<vmem>> -> memref<128xi32, #tpu.memory_space<vmem>>
      %dma_wait3A_3360 = arith.constant 0 : i32
      %dma_wait3A_3361 = tpu.memref_slice %arg14[%dma_wait3A_3360] : memref<262144xf32, #tpu.memory_space<vmem_shared>> -> memref<262144xf32, #tpu.memory_space<vmem_shared>>
      tpu.wait_indirect_dma semaphore(%run_scoped3A_3347 : memref<!tpu.dma_semaphore, #tpu.memory_space<semaphore_mem>>) src(%dma_wait3A_3356 : memref<128xf32, #tpu.memory_space<vmem>>) dst(%dma_wait3A_3361 : memref<262144xf32, #tpu.memory_space<vmem_shared>>)
      tpu.yield
    }) : () -> ()
    %run_scoped3A_3321 = arith.constant 2 : i32
    %run_scoped3A_3322 = arith.constant 2 : i32
    "tpu.region"() ({
      %run_scoped3A_3347 = tpu.sem_alloc : memref<!tpu.dma_semaphore, #tpu.memory_space<semaphore_mem>>
      %dma_start3A = arith.constant 0 : i32
      %dma_start3A_3348 = tpu.memref_slice %arg11[%run_scoped3A_3321, %dma_start3A] : memref<5x128xf32, #tpu.memory_space<vmem>> -> memref<1x128xf32, #tpu.memory_space<vmem>>
      %dma_start3A_3349 = tpu.memref_squeeze %dma_start3A_3348 : memref<1x128xf32, #tpu.memory_space<vmem>> -> memref<128xf32, #tpu.memory_space<vmem>>
      %dma_start3A_3350 = arith.constant 0 : i32
      %dma_start3A_3351 = tpu.memref_slice %arg10[%run_scoped3A_3322, %dma_start3A_3350] : memref<5x128xi32, #tpu.memory_space<vmem>> -> memref<1x128xi32, #tpu.memory_space<vmem>>
      %dma_start3A_3352 = tpu.memref_squeeze %dma_start3A_3351 : memref<1x128xi32, #tpu.memory_space<vmem>> -> memref<128xi32, #tpu.memory_space<vmem>>
      %dma_start3A_3353 = arith.constant 0 : i32
      %dma_start3A_3354 = tpu.memref_slice %arg14[%dma_start3A_3353] : memref<262144xf32, #tpu.memory_space<vmem_shared>> -> memref<262144xf32, #tpu.memory_space<vmem_shared>>
      tpu.enqueue_indirect_dma source(%dma_start3A_3349 : memref<128xf32, #tpu.memory_space<vmem>>) target(%dma_start3A_3354 : memref<262144xf32, #tpu.memory_space<vmem_shared>>) offsets(%dma_start3A_3352 : memref<128xi32, #tpu.memory_space<vmem>>) semaphore(%run_scoped3A_3347 : memref<!tpu.dma_semaphore, #tpu.memory_space<semaphore_mem>>) {add = true}
      %dma_wait3A = arith.constant 0 : i32
      %dma_wait3A_3355 = tpu.memref_slice %arg11[%run_scoped3A_3321, %dma_wait3A] : memref<5x128xf32, #tpu.memory_space<vmem>> -> memref<1x128xf32, #tpu.memory_space<vmem>>
      %dma_wait3A_3356 = tpu.memref_squeeze %dma_wait3A_3355 : memref<1x128xf32, #tpu.memory_space<vmem>> -> memref<128xf32, #tpu.memory_space<vmem>>
      %dma_wait3A_3357 = arith.constant 0 : i32
      %dma_wait3A_3358 = tpu.memref_slice %arg10[%run_scoped3A_3322, %dma_wait3A_3357] : memref<5x128xi32, #tpu.memory_space<vmem>> -> memref<1x128xi32, #tpu.memory_space<vmem>>
      %dma_wait3A_3359 = tpu.memref_squeeze %dma_wait3A_3358 : memref<1x128xi32, #tpu.memory_space<vmem>> -> memref<128xi32, #tpu.memory_space<vmem>>
      %dma_wait3A_3360 = arith.constant 0 : i32
      %dma_wait3A_3361 = tpu.memref_slice %arg14[%dma_wait3A_3360] : memref<262144xf32, #tpu.memory_space<vmem_shared>> -> memref<262144xf32, #tpu.memory_space<vmem_shared>>
      tpu.wait_indirect_dma semaphore(%run_scoped3A_3347 : memref<!tpu.dma_semaphore, #tpu.memory_space<semaphore_mem>>) src(%dma_wait3A_3356 : memref<128xf32, #tpu.memory_space<vmem>>) dst(%dma_wait3A_3361 : memref<262144xf32, #tpu.memory_space<vmem_shared>>)
      tpu.yield
    }) : () -> ()
    %run_scoped3A_3323 = arith.constant 3 : i32
    %run_scoped3A_3324 = arith.constant 3 : i32
    "tpu.region"() ({
      %run_scoped3A_3347 = tpu.sem_alloc : memref<!tpu.dma_semaphore, #tpu.memory_space<semaphore_mem>>
      %dma_start3A = arith.constant 0 : i32
      %dma_start3A_3348 = tpu.memref_slice %arg11[%run_scoped3A_3323, %dma_start3A] : memref<5x128xf32, #tpu.memory_space<vmem>> -> memref<1x128xf32, #tpu.memory_space<vmem>>
      %dma_start3A_3349 = tpu.memref_squeeze %dma_start3A_3348 : memref<1x128xf32, #tpu.memory_space<vmem>> -> memref<128xf32, #tpu.memory_space<vmem>>
      %dma_start3A_3350 = arith.constant 0 : i32
      %dma_start3A_3351 = tpu.memref_slice %arg10[%run_scoped3A_3324, %dma_start3A_3350] : memref<5x128xi32, #tpu.memory_space<vmem>> -> memref<1x128xi32, #tpu.memory_space<vmem>>
      %dma_start3A_3352 = tpu.memref_squeeze %dma_start3A_3351 : memref<1x128xi32, #tpu.memory_space<vmem>> -> memref<128xi32, #tpu.memory_space<vmem>>
      %dma_start3A_3353 = arith.constant 0 : i32
      %dma_start3A_3354 = tpu.memref_slice %arg14[%dma_start3A_3353] : memref<262144xf32, #tpu.memory_space<vmem_shared>> -> memref<262144xf32, #tpu.memory_space<vmem_shared>>
      tpu.enqueue_indirect_dma source(%dma_start3A_3349 : memref<128xf32, #tpu.memory_space<vmem>>) target(%dma_start3A_3354 : memref<262144xf32, #tpu.memory_space<vmem_shared>>) offsets(%dma_start3A_3352 : memref<128xi32, #tpu.memory_space<vmem>>) semaphore(%run_scoped3A_3347 : memref<!tpu.dma_semaphore, #tpu.memory_space<semaphore_mem>>) {add = true}
      %dma_wait3A = arith.constant 0 : i32
      %dma_wait3A_3355 = tpu.memref_slice %arg11[%run_scoped3A_3323, %dma_wait3A] : memref<5x128xf32, #tpu.memory_space<vmem>> -> memref<1x128xf32, #tpu.memory_space<vmem>>
      %dma_wait3A_3356 = tpu.memref_squeeze %dma_wait3A_3355 : memref<1x128xf32, #tpu.memory_space<vmem>> -> memref<128xf32, #tpu.memory_space<vmem>>
      %dma_wait3A_3357 = arith.constant 0 : i32
      %dma_wait3A_3358 = tpu.memref_slice %arg10[%run_scoped3A_3324, %dma_wait3A_3357] : memref<5x128xi32, #tpu.memory_space<vmem>> -> memref<1x128xi32, #tpu.memory_space<vmem>>
      %dma_wait3A_3359 = tpu.memref_squeeze %dma_wait3A_3358 : memref<1x128xi32, #tpu.memory_space<vmem>> -> memref<128xi32, #tpu.memory_space<vmem>>
      %dma_wait3A_3360 = arith.constant 0 : i32
      %dma_wait3A_3361 = tpu.memref_slice %arg14[%dma_wait3A_3360] : memref<262144xf32, #tpu.memory_space<vmem_shared>> -> memref<262144xf32, #tpu.memory_space<vmem_shared>>
      tpu.wait_indirect_dma semaphore(%run_scoped3A_3347 : memref<!tpu.dma_semaphore, #tpu.memory_space<semaphore_mem>>) src(%dma_wait3A_3356 : memref<128xf32, #tpu.memory_space<vmem>>) dst(%dma_wait3A_3361 : memref<262144xf32, #tpu.memory_space<vmem_shared>>)
      tpu.yield
    }) : () -> ()
    %run_scoped3A_3325 = arith.constant 4 : i32
    %run_scoped3A_3326 = arith.constant 4 : i32
    "tpu.region"() ({
      %run_scoped3A_3347 = tpu.sem_alloc : memref<!tpu.dma_semaphore, #tpu.memory_space<semaphore_mem>>
      %dma_start3A = arith.constant 0 : i32
      %dma_start3A_3348 = tpu.memref_slice %arg11[%run_scoped3A_3325, %dma_start3A] : memref<5x128xf32, #tpu.memory_space<vmem>> -> memref<1x128xf32, #tpu.memory_space<vmem>>
      %dma_start3A_3349 = tpu.memref_squeeze %dma_start3A_3348 : memref<1x128xf32, #tpu.memory_space<vmem>> -> memref<128xf32, #tpu.memory_space<vmem>>
      %dma_start3A_3350 = arith.constant 0 : i32
      %dma_start3A_3351 = tpu.memref_slice %arg10[%run_scoped3A_3326, %dma_start3A_3350] : memref<5x128xi32, #tpu.memory_space<vmem>> -> memref<1x128xi32, #tpu.memory_space<vmem>>
      %dma_start3A_3352 = tpu.memref_squeeze %dma_start3A_3351 : memref<1x128xi32, #tpu.memory_space<vmem>> -> memref<128xi32, #tpu.memory_space<vmem>>
      %dma_start3A_3353 = arith.constant 0 : i32
      %dma_start3A_3354 = tpu.memref_slice %arg14[%dma_start3A_3353] : memref<262144xf32, #tpu.memory_space<vmem_shared>> -> memref<262144xf32, #tpu.memory_space<vmem_shared>>
      tpu.enqueue_indirect_dma source(%dma_start3A_3349 : memref<128xf32, #tpu.memory_space<vmem>>) target(%dma_start3A_3354 : memref<262144xf32, #tpu.memory_space<vmem_shared>>) offsets(%dma_start3A_3352 : memref<128xi32, #tpu.memory_space<vmem>>) semaphore(%run_scoped3A_3347 : memref<!tpu.dma_semaphore, #tpu.memory_space<semaphore_mem>>) {add = true}
      %dma_wait3A = arith.constant 0 : i32
      %dma_wait3A_3355 = tpu.memref_slice %arg11[%run_scoped3A_3325, %dma_wait3A] : memref<5x128xf32, #tpu.memory_space<vmem>> -> memref<1x128xf32, #tpu.memory_space<vmem>>
      %dma_wait3A_3356 = tpu.memref_squeeze %dma_wait3A_3355 : memref<1x128xf32, #tpu.memory_space<vmem>> -> memref<128xf32, #tpu.memory_space<vmem>>
      %dma_wait3A_3357 = arith.constant 0 : i32
      %dma_wait3A_3358 = tpu.memref_slice %arg10[%run_scoped3A_3326, %dma_wait3A_3357] : memref<5x128xi32, #tpu.memory_space<vmem>> -> memref<1x128xi32, #tpu.memory_space<vmem>>
      %dma_wait3A_3359 = tpu.memref_squeeze %dma_wait3A_3358 : memref<1x128xi32, #tpu.memory_space<vmem>> -> memref<128xi32, #tpu.memory_space<vmem>>
      %dma_wait3A_3360 = arith.constant 0 : i32
      %dma_wait3A_3361 = tpu.memref_slice %arg14[%dma_wait3A_3360] : memref<262144xf32, #tpu.memory_space<vmem_shared>> -> memref<262144xf32, #tpu.memory_space<vmem_shared>>
      tpu.wait_indirect_dma semaphore(%run_scoped3A_3347 : memref<!tpu.dma_semaphore, #tpu.memory_space<semaphore_mem>>) src(%dma_wait3A_3356 : memref<128xf32, #tpu.memory_space<vmem>>) dst(%dma_wait3A_3361 : memref<262144xf32, #tpu.memory_space<vmem_shared>>)
      tpu.yield
    }) : () -> ()
    %barrier3A_3327 = arith.constant 0 : index
    tpu.barrier barrier_id(%barrier3A_3327)
    "tpu.region"() ({
      %run_scoped3A_3347 = tpu.sem_alloc : memref<!tpu.dma_semaphore, #tpu.memory_space<semaphore_mem>>
      %dma_start3A = tpu.memref_slice %arg14[%mul3A_3] : memref<262144xf32, #tpu.memory_space<vmem_shared>> -> memref<8192xf32, #tpu.memory_space<vmem_shared>>
      %dma_start3A_3348 = tpu.memref_slice %arg14[%mul3A_3] : memref<262144xf32, #tpu.memory_space<vmem_shared>> -> memref<8192xf32, #tpu.memory_space<vmem_shared>>
      tpu.enqueue_dma source(%dma_start3A_3348 : memref<8192xf32, #tpu.memory_space<vmem_shared>>) target(%arg12 : memref<8192xf32, #tpu.memory_space<vmem>>) target_semaphore(%run_scoped3A_3347 : memref<!tpu.dma_semaphore, #tpu.memory_space<semaphore_mem>>)
      %dma_wait3A = tpu.memref_slice %arg14[%mul3A_3] : memref<262144xf32, #tpu.memory_space<vmem_shared>> -> memref<8192xf32, #tpu.memory_space<vmem_shared>>
      %dma_wait3A_3349 = tpu.memref_slice %arg14[%mul3A_3] : memref<262144xf32, #tpu.memory_space<vmem_shared>> -> memref<8192xf32, #tpu.memory_space<vmem_shared>>
      tpu.wait_dma2 semaphore(%run_scoped3A_3347 : memref<!tpu.dma_semaphore, #tpu.memory_space<semaphore_mem>>) src(%dma_wait3A_3349 : memref<8192xf32, #tpu.memory_space<vmem_shared>>) dst(%arg12 : memref<8192xf32, #tpu.memory_space<vmem>>)
      tpu.yield
    }) : () -> ()
    %scan3A = arith.constant 0 : i32
    %scan3A_3328 = arith.constant 64 : i32
    %scan3A_3329 = arith.addi %scan3A, %scan3A_3328 : i32
    %scan3A_3330 = arith.constant 1 : i32
    %scan3A_3331:8 = scf.for %scan3A_3347 = %scan3A to %scan3A_3329 step %scan3A_3330 iter_args(%scan3A_3348 = %broadcast_in_dim3A_0, %scan3A_3349 = %broadcast_in_dim3A_0, %scan3A_3350 = %broadcast_in_dim3A_0, %scan3A_3351 = %broadcast_in_dim3A_0, %scan3A_3352 = %broadcast_in_dim3A_0, %scan3A_3353 = %broadcast_in_dim3A_0, %scan3A_3354 = %broadcast_in_dim3A_0, %scan3A_3355 = %broadcast_in_dim3A_0) -> (vector<16xf32>, vector<16xf32>, vector<16xf32>, vector<16xf32>, vector<16xf32>, vector<16xf32>, vector<16xf32>, vector<16xf32>)  : i32 {
      %mul3A_3356 = arith.constant 128 : i32
      %mul3A_3357 = arith.muli %scan3A_3347, %mul3A_3356 : i32
      %add3A_3358 = arith.constant 0 : i32
      %add3A_3359 = arith.addi %mul3A_3357, %add3A_3358 : i32
      %get3A_3360 = arith.index_cast %add3A_3359 : i32 to index
      %get3A_3361 = tpu.vector_load %arg12[%get3A_3360] {strides = array<i32>} : memref<8192xf32, #tpu.memory_space<vmem>>, vector<16xf32>,
      %get3A_3362 = vector.shape_cast %get3A_3361 : vector<16xf32> to vector<16xf32>
      %gt3A = arith.constant 0.000000e+00 : f32
      %gt3A_3363 = vector.broadcast %gt3A : f32 to vector<16xf32>
      %gt3A_3364 = arith.cmpf ogt, %get3A_3362, %gt3A_3363 : vector<16xf32>
      %jit3A_3365 = arith.constant 1.000000e+00 : f32
      %jit3A_3366 = arith.constant 0.000000e+00 : f32
      %broadcast_in_dim3A_3367 = vector.broadcast %jit3A_3365 : f32 to vector<16xf32>
      %broadcast_in_dim3A_3368 = vector.broadcast %jit3A_3366 : f32 to vector<16xf32>
      %select_n3A_3369 = arith.select %gt3A_3364, %broadcast_in_dim3A_3367, %broadcast_in_dim3A_3368 : vector<16xi1>, vector<16xf32>
      %add3A_3370 = arith.addf %scan3A_3348, %select_n3A_3369 : vector<16xf32>
      %add3A_3371 = arith.constant 16 : i32
      %add3A_3372 = arith.addi %mul3A_3357, %add3A_3371 : i32
      %get3A_3373 = arith.index_cast %add3A_3372 : i32 to index
      %get3A_3374 = tpu.vector_load %arg12[%get3A_3373] {strides = array<i32>} : memref<8192xf32, #tpu.memory_space<vmem>>, vector<16xf32>,
      %get3A_3375 = vector.shape_cast %get3A_3374 : vector<16xf32> to vector<16xf32>
      %gt3A_3376 = arith.constant 0.000000e+00 : f32
      %gt3A_3377 = vector.broadcast %gt3A_3376 : f32 to vector<16xf32>
      %gt3A_3378 = arith.cmpf ogt, %get3A_3375, %gt3A_3377 : vector<16xf32>
      %jit3A_3379 = arith.constant 1.000000e+00 : f32
      %jit3A_3380 = arith.constant 0.000000e+00 : f32
      %broadcast_in_dim3A_3381 = vector.broadcast %jit3A_3379 : f32 to vector<16xf32>
      %broadcast_in_dim3A_3382 = vector.broadcast %jit3A_3380 : f32 to vector<16xf32>
      %select_n3A_3383 = arith.select %gt3A_3378, %broadcast_in_dim3A_3381, %broadcast_in_dim3A_3382 : vector<16xi1>, vector<16xf32>
      %add3A_3384 = arith.addf %scan3A_3349, %select_n3A_3383 : vector<16xf32>
      %add3A_3385 = arith.constant 32 : i32
      %add3A_3386 = arith.addi %mul3A_3357, %add3A_3385 : i32
      %get3A_3387 = arith.index_cast %add3A_3386 : i32 to index
      %get3A_3388 = tpu.vector_load %arg12[%get3A_3387] {strides = array<i32>} : memref<8192xf32, #tpu.memory_space<vmem>>, vector<16xf32>,
      %get3A_3389 = vector.shape_cast %get3A_3388 : vector<16xf32> to vector<16xf32>
      %gt3A_3390 = arith.constant 0.000000e+00 : f32
      %gt3A_3391 = vector.broadcast %gt3A_3390 : f32 to vector<16xf32>
      %gt3A_3392 = arith.cmpf ogt, %get3A_3389, %gt3A_3391 : vector<16xf32>
      %jit3A_3393 = arith.constant 1.000000e+00 : f32
      %jit3A_3394 = arith.constant 0.000000e+00 : f32
      %broadcast_in_dim3A_3395 = vector.broadcast %jit3A_3393 : f32 to vector<16xf32>
      %broadcast_in_dim3A_3396 = vector.broadcast %jit3A_3394 : f32 to vector<16xf32>
      %select_n3A_3397 = arith.select %gt3A_3392, %broadcast_in_dim3A_3395, %broadcast_in_dim3A_3396 : vector<16xi1>, vector<16xf32>
      %add3A_3398 = arith.addf %scan3A_3350, %select_n3A_3397 : vector<16xf32>
      %add3A_3399 = arith.constant 48 : i32
      %add3A_3400 = arith.addi %mul3A_3357, %add3A_3399 : i32
      %get3A_3401 = arith.index_cast %add3A_3400 : i32 to index
      %get3A_3402 = tpu.vector_load %arg12[%get3A_3401] {strides = array<i32>} : memref<8192xf32, #tpu.memory_space<vmem>>, vector<16xf32>,
      %get3A_3403 = vector.shape_cast %get3A_3402 : vector<16xf32> to vector<16xf32>
      %gt3A_3404 = arith.constant 0.000000e+00 : f32
      %gt3A_3405 = vector.broadcast %gt3A_3404 : f32 to vector<16xf32>
      %gt3A_3406 = arith.cmpf ogt, %get3A_3403, %gt3A_3405 : vector<16xf32>
      %jit3A_3407 = arith.constant 1.000000e+00 : f32
      %jit3A_3408 = arith.constant 0.000000e+00 : f32
      %broadcast_in_dim3A_3409 = vector.broadcast %jit3A_3407 : f32 to vector<16xf32>
      %broadcast_in_dim3A_3410 = vector.broadcast %jit3A_3408 : f32 to vector<16xf32>
      %select_n3A_3411 = arith.select %gt3A_3406, %broadcast_in_dim3A_3409, %broadcast_in_dim3A_3410 : vector<16xi1>, vector<16xf32>
      %add3A_3412 = arith.addf %scan3A_3351, %select_n3A_3411 : vector<16xf32>
      %add3A_3413 = arith.constant 64 : i32
      %add3A_3414 = arith.addi %mul3A_3357, %add3A_3413 : i32
      %get3A_3415 = arith.index_cast %add3A_3414 : i32 to index
      %get3A_3416 = tpu.vector_load %arg12[%get3A_3415] {strides = array<i32>} : memref<8192xf32, #tpu.memory_space<vmem>>, vector<16xf32>,
      %get3A_3417 = vector.shape_cast %get3A_3416 : vector<16xf32> to vector<16xf32>
      %gt3A_3418 = arith.constant 0.000000e+00 : f32
      %gt3A_3419 = vector.broadcast %gt3A_3418 : f32 to vector<16xf32>
      %gt3A_3420 = arith.cmpf ogt, %get3A_3417, %gt3A_3419 : vector<16xf32>
      %jit3A_3421 = arith.constant 1.000000e+00 : f32
      %jit3A_3422 = arith.constant 0.000000e+00 : f32
      %broadcast_in_dim3A_3423 = vector.broadcast %jit3A_3421 : f32 to vector<16xf32>
      %broadcast_in_dim3A_3424 = vector.broadcast %jit3A_3422 : f32 to vector<16xf32>
      %select_n3A_3425 = arith.select %gt3A_3420, %broadcast_in_dim3A_3423, %broadcast_in_dim3A_3424 : vector<16xi1>, vector<16xf32>
      %add3A_3426 = arith.addf %scan3A_3352, %select_n3A_3425 : vector<16xf32>
      %add3A_3427 = arith.constant 80 : i32
      %add3A_3428 = arith.addi %mul3A_3357, %add3A_3427 : i32
      %get3A_3429 = arith.index_cast %add3A_3428 : i32 to index
      %get3A_3430 = tpu.vector_load %arg12[%get3A_3429] {strides = array<i32>} : memref<8192xf32, #tpu.memory_space<vmem>>, vector<16xf32>,
      %get3A_3431 = vector.shape_cast %get3A_3430 : vector<16xf32> to vector<16xf32>
      %gt3A_3432 = arith.constant 0.000000e+00 : f32
      %gt3A_3433 = vector.broadcast %gt3A_3432 : f32 to vector<16xf32>
      %gt3A_3434 = arith.cmpf ogt, %get3A_3431, %gt3A_3433 : vector<16xf32>
      %jit3A_3435 = arith.constant 1.000000e+00 : f32
      %jit3A_3436 = arith.constant 0.000000e+00 : f32
      %broadcast_in_dim3A_3437 = vector.broadcast %jit3A_3435 : f32 to vector<16xf32>
      %broadcast_in_dim3A_3438 = vector.broadcast %jit3A_3436 : f32 to vector<16xf32>
      %select_n3A_3439 = arith.select %gt3A_3434, %broadcast_in_dim3A_3437, %broadcast_in_dim3A_3438 : vector<16xi1>, vector<16xf32>
      %add3A_3440 = arith.addf %scan3A_3353, %select_n3A_3439 : vector<16xf32>
      %add3A_3441 = arith.constant 96 : i32
      %add3A_3442 = arith.addi %mul3A_3357, %add3A_3441 : i32
      %get3A_3443 = arith.index_cast %add3A_3442 : i32 to index
      %get3A_3444 = tpu.vector_load %arg12[%get3A_3443] {strides = array<i32>} : memref<8192xf32, #tpu.memory_space<vmem>>, vector<16xf32>,
      %get3A_3445 = vector.shape_cast %get3A_3444 : vector<16xf32> to vector<16xf32>
      %gt3A_3446 = arith.constant 0.000000e+00 : f32
      %gt3A_3447 = vector.broadcast %gt3A_3446 : f32 to vector<16xf32>
      %gt3A_3448 = arith.cmpf ogt, %get3A_3445, %gt3A_3447 : vector<16xf32>
      %jit3A_3449 = arith.constant 1.000000e+00 : f32
      %jit3A_3450 = arith.constant 0.000000e+00 : f32
      %broadcast_in_dim3A_3451 = vector.broadcast %jit3A_3449 : f32 to vector<16xf32>
      %broadcast_in_dim3A_3452 = vector.broadcast %jit3A_3450 : f32 to vector<16xf32>
      %select_n3A_3453 = arith.select %gt3A_3448, %broadcast_in_dim3A_3451, %broadcast_in_dim3A_3452 : vector<16xi1>, vector<16xf32>
      %add3A_3454 = arith.addf %scan3A_3354, %select_n3A_3453 : vector<16xf32>
      %add3A_3455 = arith.constant 112 : i32
      %add3A_3456 = arith.addi %mul3A_3357, %add3A_3455 : i32
      %get3A_3457 = arith.index_cast %add3A_3456 : i32 to index
      %get3A_3458 = tpu.vector_load %arg12[%get3A_3457] {strides = array<i32>} : memref<8192xf32, #tpu.memory_space<vmem>>, vector<16xf32>,
      %get3A_3459 = vector.shape_cast %get3A_3458 : vector<16xf32> to vector<16xf32>
      %gt3A_3460 = arith.constant 0.000000e+00 : f32
      %gt3A_3461 = vector.broadcast %gt3A_3460 : f32 to vector<16xf32>
      %gt3A_3462 = arith.cmpf ogt, %get3A_3459, %gt3A_3461 : vector<16xf32>
      %jit3A_3463 = arith.constant 1.000000e+00 : f32
      %jit3A_3464 = arith.constant 0.000000e+00 : f32
      %broadcast_in_dim3A_3465 = vector.broadcast %jit3A_3463 : f32 to vector<16xf32>
      %broadcast_in_dim3A_3466 = vector.broadcast %jit3A_3464 : f32 to vector<16xf32>
      %select_n3A_3467 = arith.select %gt3A_3462, %broadcast_in_dim3A_3465, %broadcast_in_dim3A_3466 : vector<16xi1>, vector<16xf32>
      %add3A_3468 = arith.addf %scan3A_3355, %select_n3A_3467 : vector<16xf32>
      scf.yield %add3A_3370, %add3A_3384, %add3A_3398, %add3A_3412, %add3A_3426, %add3A_3440, %add3A_3454, %add3A_3468 : vector<16xf32>, vector<16xf32>, vector<16xf32>, vector<16xf32>, vector<16xf32>, vector<16xf32>, vector<16xf32>, vector<16xf32>
    }
    %scan3A_3332 = arith.constant 64 : i32
    %add3A_3333 = arith.addf %scan3A_3331#0, %scan3A_3331#1 : vector<16xf32>
    %add3A_3334 = arith.addf %add3A_3333, %scan3A_3331#2 : vector<16xf32>
    %add3A_3335 = arith.addf %add3A_3334, %scan3A_3331#3 : vector<16xf32>
    %add3A_3336 = arith.addf %add3A_3335, %scan3A_3331#4 : vector<16xf32>
    %add3A_3337 = arith.addf %add3A_3336, %scan3A_3331#5 : vector<16xf32>
    %add3A_3338 = arith.addf %add3A_3337, %scan3A_3331#6 : vector<16xf32>
    %add3A_3339 = arith.addf %add3A_3338, %scan3A_3331#7 : vector<16xf32>
    %swap3A_3340 = arith.constant 0 : index
    %swap3A_3341 = tpu.vector_load %arg13[%swap3A_3340] {strides = array<i32>} : memref<16xf32, #tpu.memory_space<vmem>>, vector<16xf32>,
    %swap3A_3342 = vector.shape_cast %swap3A_3341 : vector<16xf32> to vector<16xf32>
    %swap3A_3343 = vector.shape_cast %add3A_3339 : vector<16xf32> to vector<16xf32>
    tpu.vector_store %arg13[%swap3A_3340], %swap3A_3343 {strides = array<i32>} : memref<16xf32, #tpu.memory_space<vmem>>, vector<16xf32>,
    %mul3A_3344 = arith.constant 16 : i32
    %mul3A_3345 = arith.muli %arg0, %mul3A_3344 : i32
    %add3A_3346 = arith.addi %mul3A_3345, %arg1 : i32
    "tpu.region"() ({
      %run_scoped3A_3347 = tpu.sem_alloc : memref<!tpu.dma_semaphore, #tpu.memory_space<semaphore_mem>>
      %dma_start3A = arith.constant 0 : i32
      %dma_start3A_3348 = tpu.memref_slice %arg6[%add3A_3346, %dma_start3A] : memref<32x16xf32, #tpu.memory_space<hbm>> -> memref<1x16xf32, #tpu.memory_space<hbm>>
      %dma_start3A_3349 = tpu.memref_squeeze %dma_start3A_3348 : memref<1x16xf32, #tpu.memory_space<hbm>> -> memref<16xf32, #tpu.memory_space<hbm>>
      %dma_start3A_3350 = arith.constant 0 : i32
      %dma_start3A_3351 = tpu.memref_slice %arg6[%add3A_3346, %dma_start3A_3350] : memref<32x16xf32, #tpu.memory_space<hbm>> -> memref<1x16xf32, #tpu.memory_space<hbm>>
      %dma_start3A_3352 = tpu.memref_squeeze %dma_start3A_3351 : memref<1x16xf32, #tpu.memory_space<hbm>> -> memref<16xf32, #tpu.memory_space<hbm>>
      tpu.enqueue_dma source(%arg13 : memref<16xf32, #tpu.memory_space<vmem>>) target(%dma_start3A_3352 : memref<16xf32, #tpu.memory_space<hbm>>) target_semaphore(%run_scoped3A_3347 : memref<!tpu.dma_semaphore, #tpu.memory_space<semaphore_mem>>)
      %dma_wait3A = arith.constant 0 : i32
      %dma_wait3A_3353 = tpu.memref_slice %arg6[%add3A_3346, %dma_wait3A] : memref<32x16xf32, #tpu.memory_space<hbm>> -> memref<1x16xf32, #tpu.memory_space<hbm>>
      %dma_wait3A_3354 = tpu.memref_squeeze %dma_wait3A_3353 : memref<1x16xf32, #tpu.memory_space<hbm>> -> memref<16xf32, #tpu.memory_space<hbm>>
      %dma_wait3A_3355 = arith.constant 0 : i32
      %dma_wait3A_3356 = tpu.memref_slice %arg6[%add3A_3346, %dma_wait3A_3355] : memref<32x16xf32, #tpu.memory_space<hbm>> -> memref<1x16xf32, #tpu.memory_space<hbm>>
      %dma_wait3A_3357 = tpu.memref_squeeze %dma_wait3A_3356 : memref<1x16xf32, #tpu.memory_space<hbm>> -> memref<16xf32, #tpu.memory_space<hbm>>
      tpu.wait_dma2 semaphore(%run_scoped3A_3347 : memref<!tpu.dma_semaphore, #tpu.memory_space<semaphore_mem>>) src(%arg13 : memref<16xf32, #tpu.memory_space<vmem>>) dst(%dma_wait3A_3357 : memref<16xf32, #tpu.memory_space<hbm>>)
      tpu.yield
    }) : () -> ()
    return
  }
}

module attributes {stable_mosaic.version = 14 : i64} {
  func.func @body(%arg0: i32, %arg1: memref<512x50xf32, #tpu.memory_space<vmem>>, %arg2: memref<512x200xf32, #tpu.memory_space<vmem>>, %arg3: memref<32x16xf32, #tpu.memory_space<vmem>>, %arg4: memref<8x50x384xf32, #tpu.memory_space<vmem>>, %arg5: memref<8x200x64xf32, #tpu.memory_space<vmem>>, %arg6: memref<8x200x32xf32, #tpu.memory_space<vmem>>, %arg7: memref<8x512x512xf32, #tpu.memory_space<vmem>>) attributes {dimension_semantics = [#tpu.dimension_semantics<arbitrary>], iteration_bounds = array<i64: 2>, scalar_prefetch = 0 : i64, scratch_operands = 0 : i64, tpu.core_type = #tpu.core_type<tc>, window_params = [{pipeline_mode = #tpu.pipeline_mode<synchronous>, transform_indices = @transform_0, window_bounds = array<i64: 512, 50>}, {pipeline_mode = #tpu.pipeline_mode<synchronous>, transform_indices = @transform_1, window_bounds = array<i64: 512, 200>}, {pipeline_mode = #tpu.pipeline_mode<synchronous>, transform_indices = @transform_2, window_bounds = array<i64: 32, 16>}, {transform_indices = @transform_3, window_bounds = array<i64: 8, 50, 384>}, {transform_indices = @transform_4, window_bounds = array<i64: 8, 200, 64>}, {transform_indices = @transform_5, window_bounds = array<i64: 8, 200, 32>}, {transform_indices = @transform_6, window_bounds = array<i64: 8, 512, 512>}]} {
    %get3A = arith.constant 0 : index
    %get3A_0 = arith.constant 0 : index
    %get3A_1 = vector.load %arg3[%get3A, %get3A_0] : memref<32x16xf32, #tpu.memory_space<vmem>>, vector<32x16xf32>
    %reduce_sum3A = vector.shape_cast %get3A_1 : vector<32x16xf32> to vector<1x32x16xf32>
    %reduce_sum3A_2 = arith.constant dense<0.000000e+00> : vector<1xf32>
    %reduce_sum3A_3 = vector.multi_reduction <add>, %reduce_sum3A, %reduce_sum3A_2 [1, 2] : vector<1x32x16xf32> to vector<1xf32>
    %reduce_sum3A_4 = vector.shape_cast %reduce_sum3A_3 : vector<1xf32> to vector<1x1x1xf32>
    %reduce_sum3A_5 = vector.extract %reduce_sum3A_4[0, 0, 0] : f32 from vector<1x1x1xf32>
    %mul3A = arith.constant 3.81469727E-6 : f32
    %mul3A_6 = arith.mulf %reduce_sum3A_5, %mul3A : f32
    %broadcast_in_dim3A = vector.broadcast %mul3A_6 : f32 to vector<512x32xf32>
    %get3A_7 = arith.constant 0 : index
    %get3A_8 = arith.constant 0 : index
    %get3A_9 = vector.load %arg1[%get3A_7, %get3A_8] : memref<512x50xf32, #tpu.memory_space<vmem>>, vector<512x50xf32>
    %get3A_10 = arith.constant 0 : index
    %get3A_11 = arith.constant 0 : index
    %get3A_12 = arith.constant 0 : index
    %get3A_13 = vector.load %arg4[%get3A_10, %get3A_11, %get3A_12] : memref<8x50x384xf32, #tpu.memory_space<vmem>>, vector<1x50x384xf32>
    %get3A_14 = vector.shape_cast %get3A_13 : vector<1x50x384xf32> to vector<50x384xf32>
    %dot_general3A = arith.constant dense<0.000000e+00> : vector<512x384xf32>
    %dot_general3A_15 = tpu.matmul %get3A_9, %get3A_14, %dot_general3A {dimension_numbers = #tpu.dot_dimension_numbers<[1], [0], [0], [1], [0, 0, 1, 1], [], []>, transpose_lhs_hint = false} : vector<512x50xf32>, vector<50x384xf32>, vector<512x384xf32> -> vector<512x384xf32>
    %get3A_16 = arith.constant 0 : index
    %get3A_17 = arith.constant 0 : index
    %get3A_18 = vector.load %arg2[%get3A_16, %get3A_17] : memref<512x200xf32, #tpu.memory_space<vmem>>, vector<512x200xf32>
    %get3A_19 = arith.constant 0 : index
    %get3A_20 = arith.constant 0 : index
    %get3A_21 = arith.constant 0 : index
    %get3A_22 = vector.load %arg5[%get3A_19, %get3A_20, %get3A_21] : memref<8x200x64xf32, #tpu.memory_space<vmem>>, vector<1x200x64xf32>
    %get3A_23 = vector.shape_cast %get3A_22 : vector<1x200x64xf32> to vector<200x64xf32>
    %dot_general3A_24 = arith.constant dense<0.000000e+00> : vector<512x64xf32>
    %dot_general3A_25 = tpu.matmul %get3A_18, %get3A_23, %dot_general3A_24 {dimension_numbers = #tpu.dot_dimension_numbers<[1], [0], [0], [1], [0, 0, 1, 1], [], []>, transpose_lhs_hint = false} : vector<512x200xf32>, vector<200x64xf32>, vector<512x64xf32> -> vector<512x64xf32>
    %get3A_26 = arith.constant 0 : index
    %get3A_27 = arith.constant 0 : index
    %get3A_28 = vector.load %arg2[%get3A_26, %get3A_27] : memref<512x200xf32, #tpu.memory_space<vmem>>, vector<512x200xf32>
    %get3A_29 = arith.constant 0 : index
    %get3A_30 = arith.constant 0 : index
    %get3A_31 = arith.constant 0 : index
    %get3A_32 = vector.load %arg6[%get3A_29, %get3A_30, %get3A_31] : memref<8x200x32xf32, #tpu.memory_space<vmem>>, vector<1x200x32xf32>
    %get3A_33 = vector.shape_cast %get3A_32 : vector<1x200x32xf32> to vector<200x32xf32>
    %dot_general3A_34 = arith.constant dense<0.000000e+00> : vector<512x32xf32>
    %dot_general3A_35 = tpu.matmul %get3A_28, %get3A_33, %dot_general3A_34 {dimension_numbers = #tpu.dot_dimension_numbers<[1], [0], [0], [1], [0, 0, 1, 1], [], []>, transpose_lhs_hint = false} : vector<512x200xf32>, vector<200x32xf32>, vector<512x32xf32> -> vector<512x32xf32>
    %concatenate3A = tpu.concatenate %dot_general3A_15, %dot_general3A_25, %dot_general3A_35, %broadcast_in_dim3A in 1 : vector<512x384xf32>, vector<512x64xf32>, vector<512x32xf32>, vector<512x32xf32> -> vector<512x512xf32>
    %swap3A = arith.constant 0 : index
    %swap3A_36 = arith.constant 0 : index
    %swap3A_37 = arith.constant 0 : index
    %swap3A_38 = vector.load %arg7[%swap3A, %swap3A_36, %swap3A_37] : memref<8x512x512xf32, #tpu.memory_space<vmem>>, vector<1x512x512xf32>
    %swap3A_39 = vector.shape_cast %swap3A_38 : vector<1x512x512xf32> to vector<512x512xf32>
    %swap3A_40 = vector.shape_cast %concatenate3A : vector<512x512xf32> to vector<1x512x512xf32>
    tpu.vector_store %arg7[%swap3A, %swap3A_36, %swap3A_37], %swap3A_40 {strides = array<i32>} : memref<8x512x512xf32, #tpu.memory_space<vmem>>, vector<1x512x512xf32>,
    %get3A_41 = arith.constant 0 : index
    %get3A_42 = arith.constant 0 : index
    %get3A_43 = vector.load %arg1[%get3A_41, %get3A_42] : memref<512x50xf32, #tpu.memory_space<vmem>>, vector<512x50xf32>
    %get3A_44 = arith.constant 1 : index
    %get3A_45 = arith.constant 0 : index
    %get3A_46 = arith.constant 0 : index
    %get3A_47 = vector.load %arg4[%get3A_44, %get3A_45, %get3A_46] : memref<8x50x384xf32, #tpu.memory_space<vmem>>, vector<1x50x384xf32>
    %get3A_48 = vector.shape_cast %get3A_47 : vector<1x50x384xf32> to vector<50x384xf32>
    %dot_general3A_49 = arith.constant dense<0.000000e+00> : vector<512x384xf32>
    %dot_general3A_50 = tpu.matmul %get3A_43, %get3A_48, %dot_general3A_49 {dimension_numbers = #tpu.dot_dimension_numbers<[1], [0], [0], [1], [0, 0, 1, 1], [], []>, transpose_lhs_hint = false} : vector<512x50xf32>, vector<50x384xf32>, vector<512x384xf32> -> vector<512x384xf32>
    %get3A_51 = arith.constant 0 : index
    %get3A_52 = arith.constant 0 : index
    %get3A_53 = vector.load %arg2[%get3A_51, %get3A_52] : memref<512x200xf32, #tpu.memory_space<vmem>>, vector<512x200xf32>
    %get3A_54 = arith.constant 1 : index
    %get3A_55 = arith.constant 0 : index
    %get3A_56 = arith.constant 0 : index
    %get3A_57 = vector.load %arg5[%get3A_54, %get3A_55, %get3A_56] : memref<8x200x64xf32, #tpu.memory_space<vmem>>, vector<1x200x64xf32>
    %get3A_58 = vector.shape_cast %get3A_57 : vector<1x200x64xf32> to vector<200x64xf32>
    %dot_general3A_59 = arith.constant dense<0.000000e+00> : vector<512x64xf32>
    %dot_general3A_60 = tpu.matmul %get3A_53, %get3A_58, %dot_general3A_59 {dimension_numbers = #tpu.dot_dimension_numbers<[1], [0], [0], [1], [0, 0, 1, 1], [], []>, transpose_lhs_hint = false} : vector<512x200xf32>, vector<200x64xf32>, vector<512x64xf32> -> vector<512x64xf32>
    %get3A_61 = arith.constant 0 : index
    %get3A_62 = arith.constant 0 : index
    %get3A_63 = vector.load %arg2[%get3A_61, %get3A_62] : memref<512x200xf32, #tpu.memory_space<vmem>>, vector<512x200xf32>
    %get3A_64 = arith.constant 1 : index
    %get3A_65 = arith.constant 0 : index
    %get3A_66 = arith.constant 0 : index
    %get3A_67 = vector.load %arg6[%get3A_64, %get3A_65, %get3A_66] : memref<8x200x32xf32, #tpu.memory_space<vmem>>, vector<1x200x32xf32>
    %get3A_68 = vector.shape_cast %get3A_67 : vector<1x200x32xf32> to vector<200x32xf32>
    %dot_general3A_69 = arith.constant dense<0.000000e+00> : vector<512x32xf32>
    %dot_general3A_70 = tpu.matmul %get3A_63, %get3A_68, %dot_general3A_69 {dimension_numbers = #tpu.dot_dimension_numbers<[1], [0], [0], [1], [0, 0, 1, 1], [], []>, transpose_lhs_hint = false} : vector<512x200xf32>, vector<200x32xf32>, vector<512x32xf32> -> vector<512x32xf32>
    %concatenate3A_71 = tpu.concatenate %dot_general3A_50, %dot_general3A_60, %dot_general3A_70, %broadcast_in_dim3A in 1 : vector<512x384xf32>, vector<512x64xf32>, vector<512x32xf32>, vector<512x32xf32> -> vector<512x512xf32>
    %swap3A_72 = arith.constant 1 : index
    %swap3A_73 = arith.constant 0 : index
    %swap3A_74 = arith.constant 0 : index
    %swap3A_75 = vector.load %arg7[%swap3A_72, %swap3A_73, %swap3A_74] : memref<8x512x512xf32, #tpu.memory_space<vmem>>, vector<1x512x512xf32>
    %swap3A_76 = vector.shape_cast %swap3A_75 : vector<1x512x512xf32> to vector<512x512xf32>
    %swap3A_77 = vector.shape_cast %concatenate3A_71 : vector<512x512xf32> to vector<1x512x512xf32>
    tpu.vector_store %arg7[%swap3A_72, %swap3A_73, %swap3A_74], %swap3A_77 {strides = array<i32>} : memref<8x512x512xf32, #tpu.memory_space<vmem>>, vector<1x512x512xf32>,
    %get3A_78 = arith.constant 0 : index
    %get3A_79 = arith.constant 0 : index
    %get3A_80 = vector.load %arg1[%get3A_78, %get3A_79] : memref<512x50xf32, #tpu.memory_space<vmem>>, vector<512x50xf32>
    %get3A_81 = arith.constant 2 : index
    %get3A_82 = arith.constant 0 : index
    %get3A_83 = arith.constant 0 : index
    %get3A_84 = vector.load %arg4[%get3A_81, %get3A_82, %get3A_83] : memref<8x50x384xf32, #tpu.memory_space<vmem>>, vector<1x50x384xf32>
    %get3A_85 = vector.shape_cast %get3A_84 : vector<1x50x384xf32> to vector<50x384xf32>
    %dot_general3A_86 = arith.constant dense<0.000000e+00> : vector<512x384xf32>
    %dot_general3A_87 = tpu.matmul %get3A_80, %get3A_85, %dot_general3A_86 {dimension_numbers = #tpu.dot_dimension_numbers<[1], [0], [0], [1], [0, 0, 1, 1], [], []>, transpose_lhs_hint = false} : vector<512x50xf32>, vector<50x384xf32>, vector<512x384xf32> -> vector<512x384xf32>
    %get3A_88 = arith.constant 0 : index
    %get3A_89 = arith.constant 0 : index
    %get3A_90 = vector.load %arg2[%get3A_88, %get3A_89] : memref<512x200xf32, #tpu.memory_space<vmem>>, vector<512x200xf32>
    %get3A_91 = arith.constant 2 : index
    %get3A_92 = arith.constant 0 : index
    %get3A_93 = arith.constant 0 : index
    %get3A_94 = vector.load %arg5[%get3A_91, %get3A_92, %get3A_93] : memref<8x200x64xf32, #tpu.memory_space<vmem>>, vector<1x200x64xf32>
    %get3A_95 = vector.shape_cast %get3A_94 : vector<1x200x64xf32> to vector<200x64xf32>
    %dot_general3A_96 = arith.constant dense<0.000000e+00> : vector<512x64xf32>
    %dot_general3A_97 = tpu.matmul %get3A_90, %get3A_95, %dot_general3A_96 {dimension_numbers = #tpu.dot_dimension_numbers<[1], [0], [0], [1], [0, 0, 1, 1], [], []>, transpose_lhs_hint = false} : vector<512x200xf32>, vector<200x64xf32>, vector<512x64xf32> -> vector<512x64xf32>
    %get3A_98 = arith.constant 0 : index
    %get3A_99 = arith.constant 0 : index
    %get3A_100 = vector.load %arg2[%get3A_98, %get3A_99] : memref<512x200xf32, #tpu.memory_space<vmem>>, vector<512x200xf32>
    %get3A_101 = arith.constant 2 : index
    %get3A_102 = arith.constant 0 : index
    %get3A_103 = arith.constant 0 : index
    %get3A_104 = vector.load %arg6[%get3A_101, %get3A_102, %get3A_103] : memref<8x200x32xf32, #tpu.memory_space<vmem>>, vector<1x200x32xf32>
    %get3A_105 = vector.shape_cast %get3A_104 : vector<1x200x32xf32> to vector<200x32xf32>
    %dot_general3A_106 = arith.constant dense<0.000000e+00> : vector<512x32xf32>
    %dot_general3A_107 = tpu.matmul %get3A_100, %get3A_105, %dot_general3A_106 {dimension_numbers = #tpu.dot_dimension_numbers<[1], [0], [0], [1], [0, 0, 1, 1], [], []>, transpose_lhs_hint = false} : vector<512x200xf32>, vector<200x32xf32>, vector<512x32xf32> -> vector<512x32xf32>
    %concatenate3A_108 = tpu.concatenate %dot_general3A_87, %dot_general3A_97, %dot_general3A_107, %broadcast_in_dim3A in 1 : vector<512x384xf32>, vector<512x64xf32>, vector<512x32xf32>, vector<512x32xf32> -> vector<512x512xf32>
    %swap3A_109 = arith.constant 2 : index
    %swap3A_110 = arith.constant 0 : index
    %swap3A_111 = arith.constant 0 : index
    %swap3A_112 = vector.load %arg7[%swap3A_109, %swap3A_110, %swap3A_111] : memref<8x512x512xf32, #tpu.memory_space<vmem>>, vector<1x512x512xf32>
    %swap3A_113 = vector.shape_cast %swap3A_112 : vector<1x512x512xf32> to vector<512x512xf32>
    %swap3A_114 = vector.shape_cast %concatenate3A_108 : vector<512x512xf32> to vector<1x512x512xf32>
    tpu.vector_store %arg7[%swap3A_109, %swap3A_110, %swap3A_111], %swap3A_114 {strides = array<i32>} : memref<8x512x512xf32, #tpu.memory_space<vmem>>, vector<1x512x512xf32>,
    %get3A_115 = arith.constant 0 : index
    %get3A_116 = arith.constant 0 : index
    %get3A_117 = vector.load %arg1[%get3A_115, %get3A_116] : memref<512x50xf32, #tpu.memory_space<vmem>>, vector<512x50xf32>
    %get3A_118 = arith.constant 3 : index
    %get3A_119 = arith.constant 0 : index
    %get3A_120 = arith.constant 0 : index
    %get3A_121 = vector.load %arg4[%get3A_118, %get3A_119, %get3A_120] : memref<8x50x384xf32, #tpu.memory_space<vmem>>, vector<1x50x384xf32>
    %get3A_122 = vector.shape_cast %get3A_121 : vector<1x50x384xf32> to vector<50x384xf32>
    %dot_general3A_123 = arith.constant dense<0.000000e+00> : vector<512x384xf32>
    %dot_general3A_124 = tpu.matmul %get3A_117, %get3A_122, %dot_general3A_123 {dimension_numbers = #tpu.dot_dimension_numbers<[1], [0], [0], [1], [0, 0, 1, 1], [], []>, transpose_lhs_hint = false} : vector<512x50xf32>, vector<50x384xf32>, vector<512x384xf32> -> vector<512x384xf32>
    %get3A_125 = arith.constant 0 : index
    %get3A_126 = arith.constant 0 : index
    %get3A_127 = vector.load %arg2[%get3A_125, %get3A_126] : memref<512x200xf32, #tpu.memory_space<vmem>>, vector<512x200xf32>
    %get3A_128 = arith.constant 3 : index
    %get3A_129 = arith.constant 0 : index
    %get3A_130 = arith.constant 0 : index
    %get3A_131 = vector.load %arg5[%get3A_128, %get3A_129, %get3A_130] : memref<8x200x64xf32, #tpu.memory_space<vmem>>, vector<1x200x64xf32>
    %get3A_132 = vector.shape_cast %get3A_131 : vector<1x200x64xf32> to vector<200x64xf32>
    %dot_general3A_133 = arith.constant dense<0.000000e+00> : vector<512x64xf32>
    %dot_general3A_134 = tpu.matmul %get3A_127, %get3A_132, %dot_general3A_133 {dimension_numbers = #tpu.dot_dimension_numbers<[1], [0], [0], [1], [0, 0, 1, 1], [], []>, transpose_lhs_hint = false} : vector<512x200xf32>, vector<200x64xf32>, vector<512x64xf32> -> vector<512x64xf32>
    %get3A_135 = arith.constant 0 : index
    %get3A_136 = arith.constant 0 : index
    %get3A_137 = vector.load %arg2[%get3A_135, %get3A_136] : memref<512x200xf32, #tpu.memory_space<vmem>>, vector<512x200xf32>
    %get3A_138 = arith.constant 3 : index
    %get3A_139 = arith.constant 0 : index
    %get3A_140 = arith.constant 0 : index
    %get3A_141 = vector.load %arg6[%get3A_138, %get3A_139, %get3A_140] : memref<8x200x32xf32, #tpu.memory_space<vmem>>, vector<1x200x32xf32>
    %get3A_142 = vector.shape_cast %get3A_141 : vector<1x200x32xf32> to vector<200x32xf32>
    %dot_general3A_143 = arith.constant dense<0.000000e+00> : vector<512x32xf32>
    %dot_general3A_144 = tpu.matmul %get3A_137, %get3A_142, %dot_general3A_143 {dimension_numbers = #tpu.dot_dimension_numbers<[1], [0], [0], [1], [0, 0, 1, 1], [], []>, transpose_lhs_hint = false} : vector<512x200xf32>, vector<200x32xf32>, vector<512x32xf32> -> vector<512x32xf32>
    %concatenate3A_145 = tpu.concatenate %dot_general3A_124, %dot_general3A_134, %dot_general3A_144, %broadcast_in_dim3A in 1 : vector<512x384xf32>, vector<512x64xf32>, vector<512x32xf32>, vector<512x32xf32> -> vector<512x512xf32>
    %swap3A_146 = arith.constant 3 : index
    %swap3A_147 = arith.constant 0 : index
    %swap3A_148 = arith.constant 0 : index
    %swap3A_149 = vector.load %arg7[%swap3A_146, %swap3A_147, %swap3A_148] : memref<8x512x512xf32, #tpu.memory_space<vmem>>, vector<1x512x512xf32>
    %swap3A_150 = vector.shape_cast %swap3A_149 : vector<1x512x512xf32> to vector<512x512xf32>
    %swap3A_151 = vector.shape_cast %concatenate3A_145 : vector<512x512xf32> to vector<1x512x512xf32>
    tpu.vector_store %arg7[%swap3A_146, %swap3A_147, %swap3A_148], %swap3A_151 {strides = array<i32>} : memref<8x512x512xf32, #tpu.memory_space<vmem>>, vector<1x512x512xf32>,
    %get3A_152 = arith.constant 0 : index
    %get3A_153 = arith.constant 0 : index
    %get3A_154 = vector.load %arg1[%get3A_152, %get3A_153] : memref<512x50xf32, #tpu.memory_space<vmem>>, vector<512x50xf32>
    %get3A_155 = arith.constant 4 : index
    %get3A_156 = arith.constant 0 : index
    %get3A_157 = arith.constant 0 : index
    %get3A_158 = vector.load %arg4[%get3A_155, %get3A_156, %get3A_157] : memref<8x50x384xf32, #tpu.memory_space<vmem>>, vector<1x50x384xf32>
    %get3A_159 = vector.shape_cast %get3A_158 : vector<1x50x384xf32> to vector<50x384xf32>
    %dot_general3A_160 = arith.constant dense<0.000000e+00> : vector<512x384xf32>
    %dot_general3A_161 = tpu.matmul %get3A_154, %get3A_159, %dot_general3A_160 {dimension_numbers = #tpu.dot_dimension_numbers<[1], [0], [0], [1], [0, 0, 1, 1], [], []>, transpose_lhs_hint = false} : vector<512x50xf32>, vector<50x384xf32>, vector<512x384xf32> -> vector<512x384xf32>
    %get3A_162 = arith.constant 0 : index
    %get3A_163 = arith.constant 0 : index
    %get3A_164 = vector.load %arg2[%get3A_162, %get3A_163] : memref<512x200xf32, #tpu.memory_space<vmem>>, vector<512x200xf32>
    %get3A_165 = arith.constant 4 : index
    %get3A_166 = arith.constant 0 : index
    %get3A_167 = arith.constant 0 : index
    %get3A_168 = vector.load %arg5[%get3A_165, %get3A_166, %get3A_167] : memref<8x200x64xf32, #tpu.memory_space<vmem>>, vector<1x200x64xf32>
    %get3A_169 = vector.shape_cast %get3A_168 : vector<1x200x64xf32> to vector<200x64xf32>
    %dot_general3A_170 = arith.constant dense<0.000000e+00> : vector<512x64xf32>
    %dot_general3A_171 = tpu.matmul %get3A_164, %get3A_169, %dot_general3A_170 {dimension_numbers = #tpu.dot_dimension_numbers<[1], [0], [0], [1], [0, 0, 1, 1], [], []>, transpose_lhs_hint = false} : vector<512x200xf32>, vector<200x64xf32>, vector<512x64xf32> -> vector<512x64xf32>
    %get3A_172 = arith.constant 0 : index
    %get3A_173 = arith.constant 0 : index
    %get3A_174 = vector.load %arg2[%get3A_172, %get3A_173] : memref<512x200xf32, #tpu.memory_space<vmem>>, vector<512x200xf32>
    %get3A_175 = arith.constant 4 : index
    %get3A_176 = arith.constant 0 : index
    %get3A_177 = arith.constant 0 : index
    %get3A_178 = vector.load %arg6[%get3A_175, %get3A_176, %get3A_177] : memref<8x200x32xf32, #tpu.memory_space<vmem>>, vector<1x200x32xf32>
    %get3A_179 = vector.shape_cast %get3A_178 : vector<1x200x32xf32> to vector<200x32xf32>
    %dot_general3A_180 = arith.constant dense<0.000000e+00> : vector<512x32xf32>
    %dot_general3A_181 = tpu.matmul %get3A_174, %get3A_179, %dot_general3A_180 {dimension_numbers = #tpu.dot_dimension_numbers<[1], [0], [0], [1], [0, 0, 1, 1], [], []>, transpose_lhs_hint = false} : vector<512x200xf32>, vector<200x32xf32>, vector<512x32xf32> -> vector<512x32xf32>
    %concatenate3A_182 = tpu.concatenate %dot_general3A_161, %dot_general3A_171, %dot_general3A_181, %broadcast_in_dim3A in 1 : vector<512x384xf32>, vector<512x64xf32>, vector<512x32xf32>, vector<512x32xf32> -> vector<512x512xf32>
    %swap3A_183 = arith.constant 4 : index
    %swap3A_184 = arith.constant 0 : index
    %swap3A_185 = arith.constant 0 : index
    %swap3A_186 = vector.load %arg7[%swap3A_183, %swap3A_184, %swap3A_185] : memref<8x512x512xf32, #tpu.memory_space<vmem>>, vector<1x512x512xf32>
    %swap3A_187 = vector.shape_cast %swap3A_186 : vector<1x512x512xf32> to vector<512x512xf32>
    %swap3A_188 = vector.shape_cast %concatenate3A_182 : vector<512x512xf32> to vector<1x512x512xf32>
    tpu.vector_store %arg7[%swap3A_183, %swap3A_184, %swap3A_185], %swap3A_188 {strides = array<i32>} : memref<8x512x512xf32, #tpu.memory_space<vmem>>, vector<1x512x512xf32>,
    %get3A_189 = arith.constant 0 : index
    %get3A_190 = arith.constant 0 : index
    %get3A_191 = vector.load %arg1[%get3A_189, %get3A_190] : memref<512x50xf32, #tpu.memory_space<vmem>>, vector<512x50xf32>
    %get3A_192 = arith.constant 5 : index
    %get3A_193 = arith.constant 0 : index
    %get3A_194 = arith.constant 0 : index
    %get3A_195 = vector.load %arg4[%get3A_192, %get3A_193, %get3A_194] : memref<8x50x384xf32, #tpu.memory_space<vmem>>, vector<1x50x384xf32>
    %get3A_196 = vector.shape_cast %get3A_195 : vector<1x50x384xf32> to vector<50x384xf32>
    %dot_general3A_197 = arith.constant dense<0.000000e+00> : vector<512x384xf32>
    %dot_general3A_198 = tpu.matmul %get3A_191, %get3A_196, %dot_general3A_197 {dimension_numbers = #tpu.dot_dimension_numbers<[1], [0], [0], [1], [0, 0, 1, 1], [], []>, transpose_lhs_hint = false} : vector<512x50xf32>, vector<50x384xf32>, vector<512x384xf32> -> vector<512x384xf32>
    %get3A_199 = arith.constant 0 : index
    %get3A_200 = arith.constant 0 : index
    %get3A_201 = vector.load %arg2[%get3A_199, %get3A_200] : memref<512x200xf32, #tpu.memory_space<vmem>>, vector<512x200xf32>
    %get3A_202 = arith.constant 5 : index
    %get3A_203 = arith.constant 0 : index
    %get3A_204 = arith.constant 0 : index
    %get3A_205 = vector.load %arg5[%get3A_202, %get3A_203, %get3A_204] : memref<8x200x64xf32, #tpu.memory_space<vmem>>, vector<1x200x64xf32>
    %get3A_206 = vector.shape_cast %get3A_205 : vector<1x200x64xf32> to vector<200x64xf32>
    %dot_general3A_207 = arith.constant dense<0.000000e+00> : vector<512x64xf32>
    %dot_general3A_208 = tpu.matmul %get3A_201, %get3A_206, %dot_general3A_207 {dimension_numbers = #tpu.dot_dimension_numbers<[1], [0], [0], [1], [0, 0, 1, 1], [], []>, transpose_lhs_hint = false} : vector<512x200xf32>, vector<200x64xf32>, vector<512x64xf32> -> vector<512x64xf32>
    %get3A_209 = arith.constant 0 : index
    %get3A_210 = arith.constant 0 : index
    %get3A_211 = vector.load %arg2[%get3A_209, %get3A_210] : memref<512x200xf32, #tpu.memory_space<vmem>>, vector<512x200xf32>
    %get3A_212 = arith.constant 5 : index
    %get3A_213 = arith.constant 0 : index
    %get3A_214 = arith.constant 0 : index
    %get3A_215 = vector.load %arg6[%get3A_212, %get3A_213, %get3A_214] : memref<8x200x32xf32, #tpu.memory_space<vmem>>, vector<1x200x32xf32>
    %get3A_216 = vector.shape_cast %get3A_215 : vector<1x200x32xf32> to vector<200x32xf32>
    %dot_general3A_217 = arith.constant dense<0.000000e+00> : vector<512x32xf32>
    %dot_general3A_218 = tpu.matmul %get3A_211, %get3A_216, %dot_general3A_217 {dimension_numbers = #tpu.dot_dimension_numbers<[1], [0], [0], [1], [0, 0, 1, 1], [], []>, transpose_lhs_hint = false} : vector<512x200xf32>, vector<200x32xf32>, vector<512x32xf32> -> vector<512x32xf32>
    %concatenate3A_219 = tpu.concatenate %dot_general3A_198, %dot_general3A_208, %dot_general3A_218, %broadcast_in_dim3A in 1 : vector<512x384xf32>, vector<512x64xf32>, vector<512x32xf32>, vector<512x32xf32> -> vector<512x512xf32>
    %swap3A_220 = arith.constant 5 : index
    %swap3A_221 = arith.constant 0 : index
    %swap3A_222 = arith.constant 0 : index
    %swap3A_223 = vector.load %arg7[%swap3A_220, %swap3A_221, %swap3A_222] : memref<8x512x512xf32, #tpu.memory_space<vmem>>, vector<1x512x512xf32>
    %swap3A_224 = vector.shape_cast %swap3A_223 : vector<1x512x512xf32> to vector<512x512xf32>
    %swap3A_225 = vector.shape_cast %concatenate3A_219 : vector<512x512xf32> to vector<1x512x512xf32>
    tpu.vector_store %arg7[%swap3A_220, %swap3A_221, %swap3A_222], %swap3A_225 {strides = array<i32>} : memref<8x512x512xf32, #tpu.memory_space<vmem>>, vector<1x512x512xf32>,
    %get3A_226 = arith.constant 0 : index
    %get3A_227 = arith.constant 0 : index
    %get3A_228 = vector.load %arg1[%get3A_226, %get3A_227] : memref<512x50xf32, #tpu.memory_space<vmem>>, vector<512x50xf32>
    %get3A_229 = arith.constant 6 : index
    %get3A_230 = arith.constant 0 : index
    %get3A_231 = arith.constant 0 : index
    %get3A_232 = vector.load %arg4[%get3A_229, %get3A_230, %get3A_231] : memref<8x50x384xf32, #tpu.memory_space<vmem>>, vector<1x50x384xf32>
    %get3A_233 = vector.shape_cast %get3A_232 : vector<1x50x384xf32> to vector<50x384xf32>
    %dot_general3A_234 = arith.constant dense<0.000000e+00> : vector<512x384xf32>
    %dot_general3A_235 = tpu.matmul %get3A_228, %get3A_233, %dot_general3A_234 {dimension_numbers = #tpu.dot_dimension_numbers<[1], [0], [0], [1], [0, 0, 1, 1], [], []>, transpose_lhs_hint = false} : vector<512x50xf32>, vector<50x384xf32>, vector<512x384xf32> -> vector<512x384xf32>
    %get3A_236 = arith.constant 0 : index
    %get3A_237 = arith.constant 0 : index
    %get3A_238 = vector.load %arg2[%get3A_236, %get3A_237] : memref<512x200xf32, #tpu.memory_space<vmem>>, vector<512x200xf32>
    %get3A_239 = arith.constant 6 : index
    %get3A_240 = arith.constant 0 : index
    %get3A_241 = arith.constant 0 : index
    %get3A_242 = vector.load %arg5[%get3A_239, %get3A_240, %get3A_241] : memref<8x200x64xf32, #tpu.memory_space<vmem>>, vector<1x200x64xf32>
    %get3A_243 = vector.shape_cast %get3A_242 : vector<1x200x64xf32> to vector<200x64xf32>
    %dot_general3A_244 = arith.constant dense<0.000000e+00> : vector<512x64xf32>
    %dot_general3A_245 = tpu.matmul %get3A_238, %get3A_243, %dot_general3A_244 {dimension_numbers = #tpu.dot_dimension_numbers<[1], [0], [0], [1], [0, 0, 1, 1], [], []>, transpose_lhs_hint = false} : vector<512x200xf32>, vector<200x64xf32>, vector<512x64xf32> -> vector<512x64xf32>
    %get3A_246 = arith.constant 0 : index
    %get3A_247 = arith.constant 0 : index
    %get3A_248 = vector.load %arg2[%get3A_246, %get3A_247] : memref<512x200xf32, #tpu.memory_space<vmem>>, vector<512x200xf32>
    %get3A_249 = arith.constant 6 : index
    %get3A_250 = arith.constant 0 : index
    %get3A_251 = arith.constant 0 : index
    %get3A_252 = vector.load %arg6[%get3A_249, %get3A_250, %get3A_251] : memref<8x200x32xf32, #tpu.memory_space<vmem>>, vector<1x200x32xf32>
    %get3A_253 = vector.shape_cast %get3A_252 : vector<1x200x32xf32> to vector<200x32xf32>
    %dot_general3A_254 = arith.constant dense<0.000000e+00> : vector<512x32xf32>
    %dot_general3A_255 = tpu.matmul %get3A_248, %get3A_253, %dot_general3A_254 {dimension_numbers = #tpu.dot_dimension_numbers<[1], [0], [0], [1], [0, 0, 1, 1], [], []>, transpose_lhs_hint = false} : vector<512x200xf32>, vector<200x32xf32>, vector<512x32xf32> -> vector<512x32xf32>
    %concatenate3A_256 = tpu.concatenate %dot_general3A_235, %dot_general3A_245, %dot_general3A_255, %broadcast_in_dim3A in 1 : vector<512x384xf32>, vector<512x64xf32>, vector<512x32xf32>, vector<512x32xf32> -> vector<512x512xf32>
    %swap3A_257 = arith.constant 6 : index
    %swap3A_258 = arith.constant 0 : index
    %swap3A_259 = arith.constant 0 : index
    %swap3A_260 = vector.load %arg7[%swap3A_257, %swap3A_258, %swap3A_259] : memref<8x512x512xf32, #tpu.memory_space<vmem>>, vector<1x512x512xf32>
    %swap3A_261 = vector.shape_cast %swap3A_260 : vector<1x512x512xf32> to vector<512x512xf32>
    %swap3A_262 = vector.shape_cast %concatenate3A_256 : vector<512x512xf32> to vector<1x512x512xf32>
    tpu.vector_store %arg7[%swap3A_257, %swap3A_258, %swap3A_259], %swap3A_262 {strides = array<i32>} : memref<8x512x512xf32, #tpu.memory_space<vmem>>, vector<1x512x512xf32>,
    %get3A_263 = arith.constant 0 : index
    %get3A_264 = arith.constant 0 : index
    %get3A_265 = vector.load %arg1[%get3A_263, %get3A_264] : memref<512x50xf32, #tpu.memory_space<vmem>>, vector<512x50xf32>
    %get3A_266 = arith.constant 7 : index
    %get3A_267 = arith.constant 0 : index
    %get3A_268 = arith.constant 0 : index
    %get3A_269 = vector.load %arg4[%get3A_266, %get3A_267, %get3A_268] : memref<8x50x384xf32, #tpu.memory_space<vmem>>, vector<1x50x384xf32>
    %get3A_270 = vector.shape_cast %get3A_269 : vector<1x50x384xf32> to vector<50x384xf32>
    %dot_general3A_271 = arith.constant dense<0.000000e+00> : vector<512x384xf32>
    %dot_general3A_272 = tpu.matmul %get3A_265, %get3A_270, %dot_general3A_271 {dimension_numbers = #tpu.dot_dimension_numbers<[1], [0], [0], [1], [0, 0, 1, 1], [], []>, transpose_lhs_hint = false} : vector<512x50xf32>, vector<50x384xf32>, vector<512x384xf32> -> vector<512x384xf32>
    %get3A_273 = arith.constant 0 : index
    %get3A_274 = arith.constant 0 : index
    %get3A_275 = vector.load %arg2[%get3A_273, %get3A_274] : memref<512x200xf32, #tpu.memory_space<vmem>>, vector<512x200xf32>
    %get3A_276 = arith.constant 7 : index
    %get3A_277 = arith.constant 0 : index
    %get3A_278 = arith.constant 0 : index
    %get3A_279 = vector.load %arg5[%get3A_276, %get3A_277, %get3A_278] : memref<8x200x64xf32, #tpu.memory_space<vmem>>, vector<1x200x64xf32>
    %get3A_280 = vector.shape_cast %get3A_279 : vector<1x200x64xf32> to vector<200x64xf32>
    %dot_general3A_281 = arith.constant dense<0.000000e+00> : vector<512x64xf32>
    %dot_general3A_282 = tpu.matmul %get3A_275, %get3A_280, %dot_general3A_281 {dimension_numbers = #tpu.dot_dimension_numbers<[1], [0], [0], [1], [0, 0, 1, 1], [], []>, transpose_lhs_hint = false} : vector<512x200xf32>, vector<200x64xf32>, vector<512x64xf32> -> vector<512x64xf32>
    %get3A_283 = arith.constant 0 : index
    %get3A_284 = arith.constant 0 : index
    %get3A_285 = vector.load %arg2[%get3A_283, %get3A_284] : memref<512x200xf32, #tpu.memory_space<vmem>>, vector<512x200xf32>
    %get3A_286 = arith.constant 7 : index
    %get3A_287 = arith.constant 0 : index
    %get3A_288 = arith.constant 0 : index
    %get3A_289 = vector.load %arg6[%get3A_286, %get3A_287, %get3A_288] : memref<8x200x32xf32, #tpu.memory_space<vmem>>, vector<1x200x32xf32>
    %get3A_290 = vector.shape_cast %get3A_289 : vector<1x200x32xf32> to vector<200x32xf32>
    %dot_general3A_291 = arith.constant dense<0.000000e+00> : vector<512x32xf32>
    %dot_general3A_292 = tpu.matmul %get3A_285, %get3A_290, %dot_general3A_291 {dimension_numbers = #tpu.dot_dimension_numbers<[1], [0], [0], [1], [0, 0, 1, 1], [], []>, transpose_lhs_hint = false} : vector<512x200xf32>, vector<200x32xf32>, vector<512x32xf32> -> vector<512x32xf32>
    %concatenate3A_293 = tpu.concatenate %dot_general3A_272, %dot_general3A_282, %dot_general3A_292, %broadcast_in_dim3A in 1 : vector<512x384xf32>, vector<512x64xf32>, vector<512x32xf32>, vector<512x32xf32> -> vector<512x512xf32>
    %swap3A_294 = arith.constant 7 : index
    %swap3A_295 = arith.constant 0 : index
    %swap3A_296 = arith.constant 0 : index
    %swap3A_297 = vector.load %arg7[%swap3A_294, %swap3A_295, %swap3A_296] : memref<8x512x512xf32, #tpu.memory_space<vmem>>, vector<1x512x512xf32>
    %swap3A_298 = vector.shape_cast %swap3A_297 : vector<1x512x512xf32> to vector<512x512xf32>
    %swap3A_299 = vector.shape_cast %concatenate3A_293 : vector<512x512xf32> to vector<1x512x512xf32>
    tpu.vector_store %arg7[%swap3A_294, %swap3A_295, %swap3A_296], %swap3A_299 {strides = array<i32>} : memref<8x512x512xf32, #tpu.memory_space<vmem>>, vector<1x512x512xf32>,
    return
  }
  func.func @transform_0(%arg0: i32) -> (i32, i32) {
    %c0_i32 = arith.constant 0 : i32
    %c0_i32_0 = arith.constant 0 : i32
    %c0_i32_1 = arith.constant 0 : i32
    return %c0_i32, %c0_i32_0 : i32, i32
  }
  func.func @transform_1(%arg0: i32) -> (i32, i32) {
    %c0_i32 = arith.constant 0 : i32
    %c0_i32_0 = arith.constant 0 : i32
    %c0_i32_1 = arith.constant 0 : i32
    return %c0_i32, %c0_i32_0 : i32, i32
  }
  func.func @transform_2(%arg0: i32) -> (i32, i32) {
    %c0_i32 = arith.constant 0 : i32
    %c0_i32_0 = arith.constant 0 : i32
    %c0_i32_1 = arith.constant 0 : i32
    return %c0_i32, %c0_i32_0 : i32, i32
  }
  func.func @transform_3(%arg0: i32) -> (i32, i32, i32) {
    %c0_i32 = arith.constant 0 : i32
    %c0_i32_0 = arith.constant 0 : i32
    %c0_i32_1 = arith.constant 0 : i32
    return %arg0, %c0_i32, %c0_i32_0 : i32, i32, i32
  }
  func.func @transform_4(%arg0: i32) -> (i32, i32, i32) {
    %c0_i32 = arith.constant 0 : i32
    %c0_i32_0 = arith.constant 0 : i32
    %c0_i32_1 = arith.constant 0 : i32
    return %arg0, %c0_i32, %c0_i32_0 : i32, i32, i32
  }
  func.func @transform_5(%arg0: i32) -> (i32, i32, i32) {
    %c0_i32 = arith.constant 0 : i32
    %c0_i32_0 = arith.constant 0 : i32
    %c0_i32_1 = arith.constant 0 : i32
    return %arg0, %c0_i32, %c0_i32_0 : i32, i32, i32
  }
  func.func @transform_6(%arg0: i32) -> (i32, i32, i32) {
    %c0_i32 = arith.constant 0 : i32
    %c0_i32_0 = arith.constant 0 : i32
    %c0_i32_1 = arith.constant 0 : i32
    return %arg0, %c0_i32, %c0_i32_0 : i32, i32, i32
  }
}

</mosaic_0001>

<sc_bundles>
// kernel: kernel.4.cloned.1.call-start
scs
__scs_entry_jumppad:
0x0: {  	(pc) =	sbr.rel $0x88, $3  }
0x1: {  	(tag) =	ssettag $0x0;
	lr =	simm.s32 $0x1  }
0x2: {  	[smem:$0x3F9D] =	sst lr;
	_ =	strace $0xD0000000  }
0x3: {  	_ = 	snop  }
0x4: {  	_ = 	snop  }
0x5: {  	_ = 	snop  }
0x6: {  	_ = 	snop  }
0x7: {  	_ = 	snop  }
__scs_overlays_trampoline_lowered:
0x8: {  	[smem:$0x3FAC] =	sst s0  }
0x9: {  	[smem:$0x3FAD] =	sst s1  }
0xa: {  	[smem:$0x3FAE] =	sst s2  }
0xb: {  	[smem:$0x3FAF] =	sst s3  }
0xc: {  	[smem:$0x3FB0] =	sst s4  }
0xd: {  	[smem:$0x3FB1] =	sst s5  }
0xe: {  	[smem:$0x3FB2] =	sst s6  }
0xf: {  	[smem:$0x3FB3] =	sst s7  }
0x10: {  	[smem:$0x3FB4] =	sst s8  }
0x11: {  	[smem:$0x3FB5] =	sst s9;
	s0 =	simm.s32 @!p0 $0x0  }
0x12: {  	s1 =	sld [smem:$0x3F9B];
	s0 =	simm.s32 @p0 $0x1  }
0x13: {  	[smem:$0x3FB6] =	sst s0;
	s0 =	simm.s32 @!p1 $0x0  }
0x14: {  	s2 =	sld [smem:$0x3F9A];
	s0 =	simm.s32 @p1 $0x1  }
0x15: {  	[smem:$0x3FB7] =	sst s0;
	s0 =	simm.s32 @!p2 $0x0  }
0x16: {  	s3 =	sld [smem:$0x3FDB];
	s0 =	simm.s32 @p2 $0x1  }
0x17: {  	s4 =	simm.s32 $0x1BF5;
	[smem:$0x3FB9] =	sst s0  }
0x18: {  	s0 =	sld [smem:$0x3F9C];
	_ =	swait.ge [sflag:s4], $0x0  }
0x19: {  	s7 =	sld [smem:$0x3F9D]  }
0x1a: {  	s8 =	sadd.s32 $0xFFFFE003, lr  }
0x1b: {  	s9 =	sadd.s32 $0xFFFFFEF7, lr;
	s5 =	simm.s32 $0xFFFFFFFF;
	p2 =	slt.u32 s8, $0xFFFFF086  }
0x1c: {  	p1 =	slt.u32 s9, $0xF7A;
	s5 =	simm.s32 @!p2 $0x0  }
0x1d: {  	s5 =	simm.s32 @p1 $0x1;
	p0 =	seq.s32 s7, s2  }
0x1e: {  	s7 =	smul.u32 @!p0 $0xF7A, s2;
	p2 =	seq.s32 @!p0 s5, $0x0  }
0x1f: {  	s9 =	smul.u32 $0xF7A, s1;
	s8 =	simm.s32 @!p0 $0x1BF5;
	p2 =	por !p2, p0  }
0x20: {  	[sflag:s8] =	ssyncset.s32 @!p0 $0xFFFFF086;
	s6 =	sadd.s32 @!p0 s3, s7;
	s7 =	simm.s32 @!p0 $0x108  }
0x21: {  	s3 =	sadd.s32 s3, s9;
	s6 =	sadd.s32 @!p0 $0x88, s6;
	s7 =	simm.s32 @p2 $0x1082  }
0x22: {  	[simem:s7], [sflag:s8] =	dma.local @!p0 [hbm:s6], $0xF7A  }
0x23: {  	s9 =	sor.u32 $0xD0000000, s2;
	s6 =	simm.s32 $0x108;
	_ =	swait.ge @!p0 [sflag:s8], $0x0  }
0x24: {  	s3 =	sadd.s32 $0x88, s3;
	s6 =	simm.s32 @!p1 $0x1082;
	[sflag:s4] =	ssyncset.s32 $0xFFFFF086  }
0x25: {  	[simem:s6], [sflag:s4] =	dma.local [hbm:s3], $0xF7A  }
0x26: {  	[smem:$0x3F9D] =	sst s1;
	(tag) =	ssettag s2;
	_ =	strace s9  }
0x27: {  	s1 =	sld [smem:$0x3FAD]  }
0x28: {  	s2 =	sld [smem:$0x3FAE]  }
0x29: {  	s4 =	sld [smem:$0x3FB0]  }
0x2a: {  	p0 =	seq.s32 s5, $0x0;
	s5 =	sld [smem:$0x3FB1]  }
0x2b: {  	s6 =	sld [smem:$0x3FB2]  }
0x2c: {  	s7 =	sld [smem:$0x3FB3]  }
0x2d: {  	s3 =	simm.s32 $0x108;
	s8 =	sld [smem:$0x3FB4]  }
0x2e: {  	s3 =	simm.s32 @!p0 $0x1082;
	s9 =	sld [smem:$0x3FB5]  }
0x2f: {  	lr =	sadd.s32 s0, s3;
	s0 =	sld [smem:$0x3FAC]  }
0x30: {  	s3 =	sld [smem:$0x3FAF]  }
0x31: {  	[smem:$0x3FB8] =	sst s10  }
0x32: {  	s10 =	sld [smem:$0x3FB6];
	_ =	sdelay $0x3  }
0x33: {  	p0 =	seq.s32 s10, $0x1;
	s10 =	sld [smem:$0x3FB8];
	_ =	sdelay $0x3  }
0x34: {  	[smem:$0x3FB8] =	sst s10  }
0x35: {  	s10 =	sld [smem:$0x3FB7];
	_ =	sdelay $0x3  }
0x36: {  	p1 =	seq.s32 s10, $0x1;
	s10 =	sld [smem:$0x3FB8];
	_ =	sdelay $0x3  }
0x37: {  	[smem:$0x3FB8] =	sst s10  }
0x38: {  	s10 =	sld [smem:$0x3FB9]  }
0x39: {  	_ = 	snop;
	(pc) =	sbr.ind lr, $3  }
0x3a: {  	_ = 	snop  }
0x3b: {  	_ = 	snop  }
0x3c: {  	p2 =	seq.s32 s10, $0x1;
	s10 =	sld [smem:$0x3FB8]  }
0x3d: {  	_ =	shalt  }
0x3e: {  	_ =	shalt  }
0x3f: {  	_ =	shalt  }
0x40: {  	_ =	shalt  }
0x41: {  	_ =	shalt  }
0x42: {  	_ =	shalt  }
0x43: {  	_ =	shalt  }
0x44: {  	_ =	shalt  }
0x45: {  	_ =	shalt  }
0x46: {  	_ =	shalt  }
0x47: {  	_ =	shalt  }
0x48: {  	_ =	shalt  }
0x49: {  	_ =	shalt  }
0x4a: {  	_ =	shalt  }
0x4b: {  	_ =	shalt  }
0x4c: {  	_ =	shalt  }
0x4d: {  	_ =	shalt  }
0x4e: {  	_ =	shalt  }
0x4f: {  	_ =	shalt  }
0x50: {  	_ =	shalt  }
0x51: {  	_ =	shalt  }
0x52: {  	_ =	shalt  }
0x53: {  	_ =	shalt  }
0x54: {  	_ =	shalt  }
0x55: {  	_ =	shalt  }
0x56: {  	_ =	shalt  }
0x57: {  	_ =	shalt  }
0x58: {  	_ =	shalt  }
0x59: {  	_ =	shalt  }
0x5a: {  	_ =	shalt  }
0x5b: {  	_ =	shalt  }
0x5c: {  	_ =	shalt  }
0x5d: {  	_ =	shalt  }
0x5e: {  	_ =	shalt  }
0x5f: {  	_ =	shalt  }
0x60: {  	_ =	shalt  }
0x61: {  	_ =	shalt  }
0x62: {  	_ =	shalt  }
0x63: {  	_ =	shalt  }
0x64: {  	_ =	shalt  }
0x65: {  	_ =	shalt  }
0x66: {  	_ =	shalt  }
0x67: {  	_ =	shalt  }
0x68: {  	_ =	shalt  }
0x69: {  	_ =	shalt  }
0x6a: {  	_ =	shalt  }
0x6b: {  	_ =	shalt  }
0x6c: {  	_ =	shalt  }
0x6d: {  	_ =	shalt  }
0x6e: {  	_ =	shalt  }
0x6f: {  	_ =	shalt  }
0x70: {  	_ =	shalt  }
0x71: {  	_ =	shalt  }
0x72: {  	_ =	shalt  }
0x73: {  	_ =	shalt  }
0x74: {  	_ =	shalt  }
0x75: {  	_ =	shalt  }
0x76: {  	_ =	shalt  }
0x77: {  	_ =	shalt  }
0x78: {  	_ =	shalt  }
0x79: {  	_ =	shalt  }
0x7a: {  	_ =	shalt  }
0x7b: {  	_ =	shalt  }
0x7c: {  	_ =	shalt  }
0x7d: {  	_ =	shalt  }
0x7e: {  	_ =	shalt  }
0x7f: {  	_ =	shalt  }
0x80: {  	_ =	shalt  }
0x81: {  	_ =	shalt  }
0x82: {  	_ =	shalt  }
0x83: {  	_ =	shalt  }
0x84: {  	_ =	shalt  }
0x85: {  	_ =	shalt  }
0x86: {  	_ =	shalt  }
0x87: {  	_ =	shalt  }
.Lfunc_end0:
.L_simem_size_0:
called_computation_lowered:
.L_overlay_start_0:
0x88: {  	s2 =	sld [smem:$0x3FD9]  }
0x89: {  	s3 =	sld [smem:$0x3FFE];
	_ =	sdelay $0x1  }
0x8a: {  	s1 =	srdreg.scid  }
0x8b: {  	s0 =	sand.u32 $0x1, s1  }
0x8c: {  	s17 =	sshll.u32 s0, $0xA;
	s2 =	sadd.s32 s3, s2  }
0x8d: {  	s2 =	sadd.s32 s2, s17  }
0x8e: {  	[smem:$0x3FC4] =	sst s2  }
0x8f: {  	_ = 	snop  }
0x90: {  	s2 =	sld [smem:$0x3FD0];
	(tm) =	ssettm $0x1  }
0x91: {  	s18 =	sld [smem:$0x3FFB];
	_ =	sdelay $0x3  }
0x92: {  	_ =	strace s18  }
0x93: {  	s3 =	sld [smem:$0x3FFC];
	_ =	sdelay $0x3  }
0x94: {  	_ =	strace s3  }
0x95: {  	s3 =	sld [smem:$0x3FFD];
	_ =	sdelay $0x3  }
0x96: {  	_ =	strace s3  }
0x97: {  	_ =	strace $0x8FFFFFFF  }
0x98: {  	s19 =	sld [smem:$0x3FDB];
	_ =	sdelay $0x1  }
0x99: {  	s4 =	simm.s32 $_scs_section_size  }
0x9a: {  	s5 =	simm.s32 $_size__tile_overlayer_lowered;
	s6 =	simm.s32 $_tile_overlayer_lowered  }
0x9b: {  	s22 =	simm.s32 $0x1BFF;
	s21 =	sshll.u32 s6, $0x1;
	s3 =	sadd.s32 s4, s19  }
0x9c: {  	s7 =	simm.s32 $0x0;
	s20 =	sshll.u32 s5, $0x1;
	s5 =	sadd.s32 s21, s3  }
0x9d: {  	[timem:s7], [sflag:s22] =	dma.local [hbm:s5], s20  }
0x9e: {  	_ =	swait.ge [sflag:s22], s20  }
0x9f: {  	s4 =	ssub.s32 $0x0, s20;
	[sflag:s22] =	ssyncset.done $0x0  }
0xa0: {  	[sflag:s22] =	ssyncadd.s32 s4;
	_ =	sdelay $0x1  }
0xa1: {  	s23 =	simm.s32 $0x1B8B  }
0xa2: {  	_ =	swait.ge [sflag:s23], $0x1  }
0xa3: {  	[sflag:s23] =	ssyncset.done $0x0  }
0xa4: {  	s25 =	simm.s32 $0x1B8E;
	s24 =	sld [smem:$0x3FFE];
	[sflag:s23] =	ssyncadd.s32 $0xFFFFFFFF  }
0xa5: {  	s26 =	simm.s32 $execute0_lowered;
	[smem:$0x3FD2] =	sst s25  }
0xa6: {  	s5 =	sshll.u32 s26, $0x1;
	_ =	strace $0x80000046;
	[dreg:$0x1] =	wrdreg $0xFFFFFFFF  }
0xa7: {  	s28 =	simm.s32 $_size_execute0_lowered;
	s3 =	sadd.s32 s3, s5;
	[dreg:$0x0] =	wrdreg $0x0  }
0xa8: {  	s5 =	sshll.u32 s28, $0x1;
	[dreg:$0x2] =	wrdreg s3  }
0xa9: {  	[dreg:$0x3] =	wrdreg s5  }
0xaa: {  	[dreg:$0x4] =	wrdreg $0xC0  }
0xab: {  	_ =	task [dreg:s7], $0x5FFFF  }
0xac: {  	[dreg:$0x1] =	wrdreg $0xFFFFFFFF  }
0xad: {  	[dreg:$0x0] =	wrdreg $0x60  }
0xae: {  	[dreg:$0x2] =	wrdreg s24  }
0xaf: {  	[dreg:$0x3] =	wrdreg s2  }
0xb0: {  	[dreg:$0x4] =	wrdreg $0x30000  }
0xb1: {  	[dreg:$0x5] =	wrdreg $0x9  }
0xb2: {  	_ =	task.clear_ibuf [dreg:s7], $0x6FFFF;
	_ =	strace $0x90000046  }
0xb3: {  	s29 =	simm.s32 $0x9;
	_ =	strace $0x80000048  }
0xb4: {  	_ =	swait.ge [sflag:s29], $0x1  }
0xb5: {  	[sflag:s29] =	ssyncadd.s32 $0xFFFFFFFF  }
0xb6: {  	_ =	strace $0x90000048  }
0xb7: {  	_ =	sfence  }
0xb8: {  	s30 =	sld [smem:$0x0];
	_ =	sdelay $0x2  }
0xb9: {  	s31 =	sshll.u32 s1, $0xD;
	s1 =	sshrl.u32 s1, $0x2  }
0xba: {  	s3 =	sand.u32 $0x4000, s31;
	s1 =	sadd.s32 s1, s30  }
0xbb: {  	s0 =	sor.u32 s3, s0;
	s1 =	sshll.u32 s1, $0x11  }
0xbc: {  	s0 =	sor.u32 s1, s0  }
0xbd: {  	s0 =	sadd.s32 $0x8F2B, s0  }
0xbe: {  	[sflag:s0] =	ssyncadd.remote.s32 $0x1  }
0xbf: {  	_ =	sfence.sel $0xFFFF  }
0xc0: {  	[dreg:$0x0] =	wrdreg $0xFFFFFFFF;
	(pc) =	sbr.abs _section_cstart, $3  }
0xc1: {  	[dreg:$0x1] =	wrdreg $0xFFFFFFFF  }
0xc2: {  	_ =	task.clear_ibuf [dreg:s7], $0x2FFFF;
	_ =	strace $0x9FFFFFFF  }
0xc3: {  	(tm) =	ssettm $0x7FFFFFFF  }
tec
execute0_lowered:
.L_overlay_start_1:
0x0: {  	(tag) =	ssettag $0x1  }
0x1: {  	s0 =	stileid.u32;
	v2 =	vlaneseq.u32  }
0x2: {  	s4 =	smul.u32 $0x280, s0;
	v2 =	vmul.u32 $0xFFFFFFFF, v2  }
0x3: {  	v0 =	vimm.f32 $0.0e+00  }
0x4: {  	v1 =	vmov s4;
	v4 =	vadd.s32 $0x26F0, v2;
	v5 =	vadd.s32 $0x26E0, v2  }
0x5: {  	v41 =	vadd.s32 $0x26C0, v2;
	v42 =	vadd.s32 $0x26B0, v2;
	v43 =	vadd.s32 $0x2690, v2  }
0x6: {  	v44 =	vadd.s32 $0x2680, v2;
	v45 =	vadd.s32 $0x2660, v2;
	v46 =	vadd.s32 $0x2650, v2  }
0x7: {  	v47 =	vadd.s32 $0x2630, v2;
	v48 =	vadd.s32 $0x2620, v2;
	v49 =	vadd.s32 $0x2600, v2  }
0x8: {  	v50 =	vadd.s32 $0x25F0, v2;
	v51 =	vadd.s32 $0x25D0, v2;
	vm0 =	vlt.u32 v1, $0x2710  }
0x9: {  	v52 =	vadd.s32 $0x25C0, v2;
	v53 =	vadd.s32 $0x25A0, v2;
	v3 =	vsel vm0, $0x3F800000, v0  }
0xa: {  	v54 =	vadd.s32 $0x2590, v2;
	v55 =	vadd.s32 $0x2570, v2;
	[tilespmem:$0x1FF10] =	vst v3;
	v3 =	vadd.s32 $0x2700, v2  }
0xb: {  	v56 =	vadd.s32 $0x2560, v2;
	v57 =	vadd.s32 $0x2540, v2;
	vm15 =	vlt.u32 v1, v3  }
0xc: {  	v58 =	vadd.s32 $0x2530, v2;
	vm1 =	vlt.u32 v1, v4;
	v3 =	vsel vm15, $0x3F800000, v0  }
0xd: {  	v59 =	vadd.s32 $0x2510, v2;
	vm2 =	vlt.u32 v1, v5;
	[tilespmem:$0x1FF20] =	vst v3;
	v3 =	vsel vm1, $0x3F800000, v0  }
0xe: {  	v60 =	vadd.s32 $0x2500, v2;
	v61 =	vadd.s32 $0x24E0, v2;
	[tilespmem:$0x1FF30] =	vst v3;
	v3 =	vsel vm2, $0x3F800000, v0  }
0xf: {  	v62 =	vadd.s32 $0x24D0, v2;
	v63 =	vadd.s32 $0x24B0, v2;
	[tilespmem:$0x1FF40] =	vst v3;
	v3 =	vadd.s32 $0x26D0, v2  }
0x10: {  	vm5 =	vlt.u32 v1, v41;
	vm6 =	vlt.u32 v1, v42;
	vm4 =	vlt.u32 v1, v3  }
0x11: {  	vm8 =	vlt.u32 v1, v43;
	vm9 =	vlt.u32 v1, v44;
	v3 =	vsel vm4, $0x3F800000, v0  }
0x12: {  	vm11 =	vlt.u32 v1, v45;
	vm12 =	vlt.u32 v1, v46;
	[tilespmem:$0x1FF50] =	vst v3;
	v3 =	vsel vm5, $0x3F800000, v0  }
0x13: {  	vm14 =	vlt.u32 v1, v47;
	vm15 =	vlt.u32 v1, v48;
	[tilespmem:$0x1FF60] =	vst v3;
	v3 =	vsel vm6, $0x3F800000, v0  }
0x14: {  	v16 =	vsel vm15, $0x3F800000, v0;
	vm15 =	vlt.u32 v1, v56;
	[tilespmem:$0x1FF70] =	vst v3;
	v3 =	vadd.s32 $0x26A0, v2  }
0x15: {  	v28 =	vsel vm15, $0x3F800000, v0;
	vm5 =	vlt.u32 v1, v49;
	vm7 =	vlt.u32 v1, v3  }
0x16: {  	vm6 =	vlt.u32 v1, v50;
	v18 =	vsel vm5, $0x3F800000, v0;
	v3 =	vsel vm7, $0x3F800000, v0  }
0x17: {  	vm5 =	vlt.u32 v1, v57;
	v19 =	vsel vm6, $0x3F800000, v0;
	[tilespmem:$0x1FF80] =	vst v3;
	v3 =	vsel vm8, $0x3F800000, v0  }
0x18: {  	vm6 =	vlt.u32 v1, v58;
	v30 =	vsel vm5, $0x3F800000, v0;
	[tilespmem:$0x1FF90] =	vst v3;
	v3 =	vsel vm9, $0x3F800000, v0  }
0x19: {  	v31 =	vsel vm6, $0x3F800000, v0;
	vm8 =	vlt.u32 v1, v51;
	[tilespmem:$0x1FFA0] =	vst v3;
	v3 =	vadd.s32 $0x2670, v2  }
0x1a: {  	s1 =	rddreg [dreg:$0x0];
	vm9 =	vlt.u32 v1, v52;
	v21 =	vsel vm8, $0x3F800000, v0;
	vm10 =	vlt.u32 v1, v3  }
0x1b: {  	s9 =	rddreg [dreg:$0x1];
	vm8 =	vlt.u32 v1, v59;
	v22 =	vsel vm9, $0x3F800000, v0;
	v3 =	vsel vm10, $0x3F800000, v0  }
0x1c: {  	s2 =	rddreg [dreg:$0x2];
	s3 =	simm.s32 $0x0;
	vm9 =	vlt.u32 v1, v60;
	v33 =	vsel vm8, $0x3F800000, v0;
	[tilespmem:$0x1FFB0] =	vst v3;
	v3 =	vsel vm11, $0x3F800000, v0  }
0x1d: {  	s25 =	srdreg.scid;
	s13 =	simm.s32 $0x1;
	s14 =	simm.s32 $0x280;
	v34 =	vsel vm9, $0x3F800000, v0;
	vm11 =	vlt.u32 v1, v53;
	[tilespmem:$0x1FFC0] =	vst v3;
	v3 =	vsel vm12, $0x3F800000, v0  }
0x1e: {  	s15 =	simm.s32 $0x500;
	s16 =	simm.s32 $0x80;
	s17 =	simm.s32 $0x780;
	vm12 =	vlt.u32 v1, v54;
	v24 =	vsel vm11, $0x3F800000, v0;
	[tilespmem:$0x1FFD0] =	vst v3;
	v3 =	vadd.s32 $0x2640, v2  }
0x1f: {  	s18 =	simm.s32 $0xB80;
	s19 =	simm.s32 $0x800;
	s20 =	simm.s32 $0xC00;
	vm11 =	vlt.u32 v1, v61;
	v25 =	vsel vm12, $0x3F800000, v0;
	vm13 =	vlt.u32 v1, v3  }
0x20: {  	s21 =	simm.s32 $0x880;
	s22 =	simm.s32 $0xC80;
	s23 =	simm.s32 $0x900;
	vm12 =	vlt.u32 v1, v62;
	v36 =	vsel vm11, $0x3F800000, v0;
	v3 =	vsel vm13, $0x3F800000, v0  }
0x21: {  	s24 =	simm.s32 $0xD00;
	s28 =	simm.s32 $0xF80;
	s29 =	simm.s32 $0x2F80;
	v37 =	vsel vm12, $0x3F800000, v0;
	[tilespmem:$0x1FFE0] =	vst v3;
	v3 =	vsel vm14, $0x3F800000, v0;
	vm14 =	vlt.u32 v1, v55  }
0x22: {  	s30 =	simm.s32 $0x0;
	[smem:$0x7FF] =	sst s3;
	s5 =	sand.u32 $0x1, s25;
	[tilespmem:$0x1FFF0] =	vst v3;
	v3 =	vadd.s32 $0x2610, v2;
	v27 =	vsel vm14, $0x3F800000, v0;
	vm14 =	vlt.u32 v1, v63  }
0x23: {  	s6 =	sshll.u32 s0, $0x4;
	s31 =	sshll.u32 s0, $0x6;
	s25 =	simm.s32 $0x980;
	vm4 =	vlt.u32 v1, v3;
	v3 =	vadd.s32 $0x25E0, v2;
	v39 =	vsel vm14, $0x3F800000, v0  }
0x24: {  	s7 =	ssub.s32 $0x2, s5;
	s6 =	sand.u32 $0x70, s6;
	s5 =	sshll.u32 s5, $0x4;
	v17 =	vsel vm4, $0x3F800000, v0;
	vm7 =	vlt.u32 v1, v3;
	v3 =	vadd.s32 $0x25B0, v2  }
0x25: {  	s10 =	sshrl.u32 s4, $0x3;
	s4 =	sadd.s32 $0x1C00, s1;
	s11 =	sshrl.u32 s7, $0x1;
	v20 =	vsel vm7, $0x3F800000, v0;
	vm10 =	vlt.u32 v1, v3;
	v3 =	vadd.s32 $0x2580, v2  }
0x26: {  	s5 =	sor.u32 s0, s5;
	s8 =	sadd.s32 s10, s1;
	s1 =	sadd.s32 s6, s1;
	v23 =	vsel vm10, $0x3F800000, v0;
	vm13 =	vlt.u32 v1, v3;
	v3 =	vadd.s32 $0x2550, v2  }
0x27: {  	s11 =	ssub.s32 s7, s11;
	s26 =	sshll.u32 s5, $0xD;
	s12 =	sshll.u32 s5, $0x4;
	v26 =	vsel vm13, $0x3F800000, v0;
	vm4 =	vlt.u32 v1, v3;
	v3 =	vadd.s32 $0x2520, v2  }
0x28: {  	s6 =	sor.u32 $0x1C01, s31;
	s9 =	sadd.s32 s9, s10;
	s5 =	sadd.s32 s26, s2;
	v29 =	vsel vm4, $0x3F800000, v0;
	vm7 =	vlt.u32 v1, v3;
	v3 =	vadd.s32 $0x24F0, v2  }
0x29: {  	s12 =	sand.u32 $0x180, s12;
	s7 =	sadd.s32 $0x1600, s8;
	s8 =	sadd.s32 $0x1000, s8;
	vm10 =	vlt.u32 v1, v3;
	v3 =	vadd.s32 $0x24C0, v2;
	v2 =	vadd.s32 $0x24A0, v2  }
0x2a: {  	s11 =	smax.u32 s11, $0x1;
	s26 =	simm.s32 $0xD80;
	s1 =	sadd.s32 s12, s1;
	v32 =	vsel vm7, $0x3F800000, v0;
	vm13 =	vlt.u32 v1, v3;
	vm15 =	vlt.u32 v1, v2  }
0x2b: {  	s12 =	sshrl.u32 s5, $0x3;
	s10 =	sadd.s32 $0x2000, s1;
	_ =	strace $0x80000047;
	v35 =	vsel vm10, $0x3F800000, v0;
	v38 =	vsel vm13, $0x3F800000, v0;
	v40 =	vsel vm15, $0x3F800000, v0  }
.LBB2_1:
0x2c: {  	[spmem:s12], [sflag:s6] =	dma.local [hbm:s4], $0x400  }
0x2d: {  	_ =	swait.ge [sflag:s13], $0x400  }
0x2e: {  	[sflag:s13] =	ssyncset.done $0x0  }
0x2f: {  	[sflag:s13] =	ssyncadd.s32 $0xFFFFFC00  }
0x30: {  	[bflag:$0x0] =	sbarrier.arrive $0xFFFF  }
0x31: {  	[tilespmem:s3], [sflag:$0x1] =	stream.linear.gather [hbm4b:s7+s3], $0x280, $0x38;
	[tilespmem:$0x7000] =	vst v63  }
0x32: {  	_ =	swait.ge [sflag:s13], $0x280  }
0x33: {  	[sflag:s13] =	ssyncset.done $0x0  }
0x34: {  	[sflag:s13] =	ssyncadd.s32 $0xFFFFFD80  }
0x35: {  	[tilespmem:s14], [sflag:$0x1] =	stream.linear.gather [hbm4b:s8+s3], $0x280, $0x38;
	[tilespmem:$0x7000] =	vst v63  }
0x36: {  	_ =	swait.ge [sflag:s13], $0x280  }
0x37: {  	[sflag:s13] =	ssyncset.done $0x0  }
0x38: {  	[sflag:s13] =	ssyncadd.s32 $0xFFFFFD80  }
0x39: {  	[tilespmem:s15], [sflag:$0x1] =	stream.linear.gather [hbm4b:s9+s3], $0x280, $0x38;
	[tilespmem:$0x7000] =	vst v63  }
0x3a: {  	_ =	swait.ge [sflag:s13], $0x280  }
0x3b: {  	[sflag:s13] =	ssyncset.done $0x0  }
0x3c: {  	[sflag:s13] =	ssyncadd.s32 $0xFFFFFD80  }
0x3d: {  	v1 =	vld [tilespmem:$0x0]  }
0x3e: {  	v2 =	vld [tilespmem:$0x280]  }
0x3f: {  	v3 =	vld [tilespmem:$0x500]  }
0x40: {  	v4 =	vld [tilespmem:$0x10]  }
0x41: {  	v5 =	vld [tilespmem:$0x290]  }
0x42: {  	v6 =	vld [tilespmem:$0x510];
	_ =	sdelay $0x1  }
0x43: {  	v1 =	vadd.f32 $2.000000000e+00, v1  }
0x44: {  	v2 =	vadd.f32 $2.000000000e+00, v2;
	v3 =	vadd.f32 $2.000000000e+00, v3  }
0x45: {  	v44 =	vld [tilespmem:$0x540];
	v4 =	vadd.f32 $2.000000000e+00, v4;
	v5 =	vadd.f32 $2.000000000e+00, v5  }
0x46: {  	v47 =	vld [tilespmem:$0x570];
	v6 =	vadd.f32 $2.000000000e+00, v6;
	v1 =	vmul.f32 $1.600000000e+01, v1;
	v2 =	vmul.f32 $1.600000000e+01, v2  }
0x47: {  	v3 =	vmul.f32 $1.600000000e+01, v3;
	v4 =	vmul.f32 $1.600000000e+01, v4  }
0x48: {  	v5 =	vmul.f32 $1.600000000e+01, v5;
	v6 =	vmul.f32 $1.600000000e+01, v6  }
0x49: {  	v1 =	vtrunc.f32 v1;
	v2 =	vtrunc.f32 v2  }
0x4a: {  	v50 =	vadd.f32 $2.000000000e+00, v44;
	v3 =	vtrunc.f32 v3;
	v1 =	vcvt.f32.s32 v1  }
0x4b: {  	v53 =	vadd.f32 $2.000000000e+00, v47;
	v4 =	vtrunc.f32 v4;
	v2 =	vcvt.f32.s32 v2  }
0x4c: {  	v5 =	vtrunc.f32 v5;
	v3 =	vcvt.f32.s32 v3;
	vm0 =	vgt.s32 v1, $0x0  }
0x4d: {  	v7 =	vld [tilespmem:$0x20];
	v4 =	vcvt.f32.s32 v4;
	v1 =	vnsel vm0, $0x0, v1;
	vm0 =	vgt.s32 v2, $0x0  }
0x4e: {  	v42 =	vld [tilespmem:$0x2A0];
	v1 =	vmin.u32 v1, $0x3F;
	v2 =	vnsel vm0, $0x0, v2;
	vm0 =	vgt.s32 v3, $0x0  }
0x4f: {  	v3 =	vnsel vm0, $0x0, v3;
	v2 =	vmin.u32 v2, $0x3F;
	v1 =	vshll.u32 v1, $0xC  }
0x50: {  	vm0 =	vgt.s32 v4, $0x0;
	v3 =	vmin.u32 v3, $0x3F;
	v2 =	vshll.u32 v2, $0x6  }
0x51: {  	v1 =	vor.u32 v1, v2;
	v2 =	vcvt.f32.s32 v5;
	v5 =	vtrunc.f32 v6  }
0x52: {  	v4 =	vnsel vm0, $0x0, v4;
	v41 =	vor.u32 v3, v1;
	v1 =	vcvt.f32.s32 v5;
	v3 =	vld [tilespmem:$0x520]  }
0x53: {  	v6 =	vadd.f32 $2.000000000e+00, v42;
	v4 =	vmin.u32 v4, $0x3F;
	v5 =	vadd.f32 $2.000000000e+00, v7  }
0x54: {  	v7 =	vld [tilespmem:$0x30];
	v4 =	vshll.u32 v4, $0xC;
	vm1 =	vgt.s32 v2, $0x0;
	vm0 =	vgt.s32 v1, $0x0  }
0x55: {  	v15 =	vld [tilespmem:$0x470];
	v2 =	vnsel vm1, $0x0, v2;
	v5 =	vmul.f32 $1.600000000e+01, v5;
	v1 =	vnsel vm0, $0x0, v1  }
0x56: {  	v6 =	vmul.f32 $1.600000000e+01, v6;
	v2 =	vmin.u32 v2, $0x3F;
	v1 =	vmin.u32 v1, $0x3F  }
0x57: {  	v43 =	vld [tilespmem:$0x2B0];
	v5 =	vtrunc.f32 v5;
	v2 =	vshll.u32 v2, $0x6;
	v3 =	vadd.f32 $2.000000000e+00, v3  }
0x58: {  	v5 =	vcvt.f32.s32 v5;
	v2 =	vor.u32 v4, v2;
	v4 =	vtrunc.f32 v6  }
0x59: {  	v6 =	vld [tilespmem:$0x530];
	v42 =	vor.u32 v1, v2;
	v1 =	vcvt.f32.s32 v4;
	v4 =	vadd.f32 $2.000000000e+00, v7  }
0x5a: {  	[tilespmem:$0x780] =	vst v41;
	v41 =	vadd.f32 $2.000000000e+00, v15;
	v3 =	vmul.f32 $1.600000000e+01, v3;
	vm0 =	vgt.s32 v5, $0x0  }
0x5b: {  	v2 =	vnsel vm0, $0x0, v5;
	vm0 =	vgt.s32 v1, $0x0;
	v4 =	vmul.f32 $1.600000000e+01, v4  }
0x5c: {  	v5 =	vadd.f32 $2.000000000e+00, v43;
	v43 =	vmul.f32 $1.600000000e+01, v50;
	v3 =	vtrunc.f32 v3  }
0x5d: {  	v50 =	vld [tilespmem:$0x5A0];
	v2 =	vmin.u32 v2, $0x3F;
	v1 =	vnsel vm0, $0x0, v1;
	v3 =	vcvt.f32.s32 v3  }
0x5e: {  	v1 =	vmin.u32 v1, $0x3F;
	v6 =	vadd.f32 $2.000000000e+00, v6;
	v4 =	vtrunc.f32 v4  }
0x5f: {  	v49 =	vld [tilespmem:$0x2C0];
	v5 =	vmul.f32 $1.600000000e+01, v5;
	v2 =	vshll.u32 v2, $0xC;
	v4 =	vcvt.f32.s32 v4  }
0x60: {  	v7 =	vld [tilespmem:$0x40];
	v1 =	vshll.u32 v1, $0x6;
	vm0 =	vgt.s32 v3, $0x0;
	v6 =	vmul.f32 $1.600000000e+01, v6  }
0x61: {  	v45 =	vld [tilespmem:$0x50];
	v5 =	vtrunc.f32 v5;
	v1 =	vor.u32 v2, v1;
	v3 =	vnsel vm0, $0x0, v3  }
0x62: {  	vm0 =	vgt.s32 v4, $0x0;
	v5 =	vcvt.f32.s32 v5;
	v56 =	vadd.f32 $2.000000000e+00, v50  }
0x63: {  	v3 =	vmin.u32 v3, $0x3F;
	v6 =	vtrunc.f32 v6;
	v2 =	vnsel vm0, $0x0, v4  }
0x64: {  	v4 =	vcvt.f32.s32 v6;
	v2 =	vmin.u32 v2, $0x3F;
	vm0 =	vgt.s32 v5, $0x0  }
0x65: {  	v6 =	vadd.f32 $2.000000000e+00, v7;
	v7 =	vadd.f32 $2.000000000e+00, v49;
	v44 =	vor.u32 v3, v1  }
0x66: {  	v3 =	vadd.f32 $2.000000000e+00, v45;
	v5 =	vnsel vm0, $0x0, v5;
	v2 =	vshll.u32 v2, $0xC  }
0x67: {  	vm0 =	vgt.s32 v4, $0x0;
	v6 =	vmul.f32 $1.600000000e+01, v6;
	v7 =	vmul.f32 $1.600000000e+01, v7  }
0x68: {  	v5 =	vmin.u32 v5, $0x3F;
	v3 =	vmul.f32 $1.600000000e+01, v3;
	v4 =	vnsel vm0, $0x0, v4  }
0x69: {  	v46 =	vld [tilespmem:$0x2D0];
	v5 =	vshll.u32 v5, $0x6;
	v6 =	vtrunc.f32 v6;
	v7 =	vtrunc.f32 v7  }
0x6a: {  	v4 =	vmin.u32 v4, $0x3F;
	v3 =	vtrunc.f32 v3;
	v6 =	vcvt.f32.s32 v6  }
0x6b: {  	v2 =	vor.u32 v2, v5;
	v5 =	vcvt.f32.s32 v7;
	v7 =	vtrunc.f32 v43  }
0x6c: {  	v43 =	vor.u32 v4, v2;
	v2 =	vld [tilespmem:$0x550];
	v1 =	vcvt.f32.s32 v7;
	vm0 =	vgt.s32 v6, $0x0  }
0x6d: {  	v3 =	vcvt.f32.s32 v3;
	vm1 =	vgt.s32 v5, $0x0;
	v4 =	vnsel vm0, $0x0, v6  }
0x6e: {  	v7 =	vld [tilespmem:$0x60];
	v5 =	vnsel vm1, $0x0, v5;
	vm0 =	vgt.s32 v1, $0x0;
	v6 =	vadd.f32 $2.000000000e+00, v46  }
0x6f: {  	v1 =	vnsel vm0, $0x0, v1;
	v4 =	vmin.u32 v4, $0x3F;
	v5 =	vmin.u32 v5, $0x3F  }
0x70: {  	v51 =	vld [tilespmem:$0x2E0];
	vm0 =	vgt.s32 v3, $0x0;
	v1 =	vmin.u32 v1, $0x3F;
	v6 =	vmul.f32 $1.600000000e+01, v6  }
0x71: {  	v2 =	vadd.f32 $2.000000000e+00, v2;
	v4 =	vshll.u32 v4, $0xC;
	v5 =	vshll.u32 v5, $0x6  }
0x72: {  	v3 =	vnsel vm0, $0x0, v3;
	v4 =	vor.u32 v4, v5;
	v5 =	vtrunc.f32 v6  }
0x73: {  	v2 =	vmul.f32 $1.600000000e+01, v2;
	v6 =	vld [tilespmem:$0x560];
	v45 =	vor.u32 v1, v4;
	v4 =	vadd.f32 $2.000000000e+00, v7  }
0x74: {  	v46 =	vmul.f32 $1.600000000e+01, v53;
	v3 =	vmin.u32 v3, $0x3F;
	v1 =	vcvt.f32.s32 v5  }
0x75: {  	v5 =	vadd.f32 $2.000000000e+00, v51;
	v2 =	vtrunc.f32 v2;
	v4 =	vmul.f32 $1.600000000e+01, v4  }
0x76: {  	v3 =	vshll.u32 v3, $0xC;
	vm0 =	vgt.s32 v1, $0x0;
	v2 =	vcvt.f32.s32 v2  }
0x77: {  	v5 =	vmul.f32 $1.600000000e+01, v5;
	v1 =	vnsel vm0, $0x0, v1;
	v4 =	vtrunc.f32 v4  }
0x78: {  	v7 =	vld [tilespmem:$0x70];
	v1 =	vmin.u32 v1, $0x3F;
	vm0 =	vgt.s32 v2, $0x0;
	v6 =	vadd.f32 $2.000000000e+00, v6  }
0x79: {  	v52 =	vld [tilespmem:$0x2F0];
	v4 =	vcvt.f32.s32 v4;
	v5 =	vtrunc.f32 v5;
	v2 =	vnsel vm0, $0x0, v2  }
0x7a: {  	v1 =	vshll.u32 v1, $0x6;
	v5 =	vcvt.f32.s32 v5;
	v6 =	vmul.f32 $1.600000000e+01, v6  }
0x7b: {  	v2 =	vmin.u32 v2, $0x3F;
	vm0 =	vgt.s32 v4, $0x0;
	v1 =	vor.u32 v3, v1  }
0x7c: {  	v3 =	vnsel vm0, $0x0, v4;
	vm0 =	vgt.s32 v5, $0x0;
	v6 =	vtrunc.f32 v6  }
0x7d: {  	v47 =	vor.u32 v2, v1;
	v2 =	vld [tilespmem:$0x580];
	v4 =	vcvt.f32.s32 v6;
	v6 =	vadd.f32 $2.000000000e+00, v7  }
0x7e: {  	v3 =	vmin.u32 v3, $0x3F;
	v5 =	vnsel vm0, $0x0, v5;
	v7 =	vadd.f32 $2.000000000e+00, v52  }
0x7f: {  	v48 =	vld [tilespmem:$0x80];
	v5 =	vmin.u32 v5, $0x3F;
	v3 =	vshll.u32 v3, $0xC;
	v6 =	vmul.f32 $1.600000000e+01, v6  }
0x80: {  	v53 =	vld [tilespmem:$0x5D0];
	v5 =	vshll.u32 v5, $0x6;
	vm0 =	vgt.s32 v4, $0x0;
	v7 =	vmul.f32 $1.600000000e+01, v7  }
0x81: {  	v3 =	vor.u32 v3, v5;
	v4 =	vnsel vm0, $0x0, v4;
	v6 =	vtrunc.f32 v6  }
0x82: {  	v49 =	vld [tilespmem:$0x300];
	v2 =	vadd.f32 $2.000000000e+00, v2;
	v7 =	vtrunc.f32 v7;
	v6 =	vcvt.f32.s32 v6  }
0x83: {  	v4 =	vmin.u32 v4, $0x3F;
	v5 =	vcvt.f32.s32 v7;
	v7 =	vtrunc.f32 v46  }
0x84: {  	v46 =	vor.u32 v4, v3;
	v3 =	vadd.f32 $2.000000000e+00, v48;
	v2 =	vmul.f32 $1.600000000e+01, v2  }
0x85: {  	v59 =	vadd.f32 $2.000000000e+00, v53;
	v1 =	vcvt.f32.s32 v7;
	vm0 =	vgt.s32 v6, $0x0  }
0x86: {  	vm1 =	vgt.s32 v5, $0x0;
	v3 =	vmul.f32 $1.600000000e+01, v3;
	v2 =	vtrunc.f32 v2  }
0x87: {  	v7 =	vld [tilespmem:$0x90];
	v4 =	vnsel vm0, $0x0, v6;
	vm0 =	vgt.s32 v1, $0x0;
	v6 =	vadd.f32 $2.000000000e+00, v49  }
0x88: {  	v54 =	vld [tilespmem:$0x310];
	v5 =	vnsel vm1, $0x0, v5;
	v1 =	vnsel vm0, $0x0, v1;
	v4 =	vmin.u32 v4, $0x3F  }
0x89: {  	v5 =	vmin.u32 v5, $0x3F;
	v3 =	vtrunc.f32 v3;
	v6 =	vmul.f32 $1.600000000e+01, v6  }
0x8a: {  	v4 =	vshll.u32 v4, $0xC;
	v5 =	vshll.u32 v5, $0x6;
	v3 =	vcvt.f32.s32 v3  }
0x8b: {  	v1 =	vmin.u32 v1, $0x3F;
	v4 =	vor.u32 v4, v5;
	v5 =	vtrunc.f32 v6  }
0x8c: {  	v6 =	vld [tilespmem:$0x590];
	v48 =	vor.u32 v1, v4;
	vm0 =	vgt.s32 v3, $0x0;
	v4 =	vadd.f32 $2.000000000e+00, v7  }
0x8d: {  	v1 =	vcvt.f32.s32 v5;
	v3 =	vnsel vm0, $0x0, v3;
	v5 =	vadd.f32 $2.000000000e+00, v54  }
0x8e: {  	v2 =	vcvt.f32.s32 v2;
	v49 =	vmul.f32 $1.600000000e+01, v56;
	v3 =	vmin.u32 v3, $0x3F  }
0x8f: {  	v4 =	vmul.f32 $1.600000000e+01, v4;
	vm0 =	vgt.s32 v1, $0x0;
	v5 =	vmul.f32 $1.600000000e+01, v5  }
0x90: {  	v3 =	vshll.u32 v3, $0xC;
	v1 =	vnsel vm0, $0x0, v1;
	vm0 =	vgt.s32 v2, $0x0  }
0x91: {  	v7 =	vld [tilespmem:$0xA0];
	v4 =	vtrunc.f32 v4;
	v1 =	vmin.u32 v1, $0x3F;
	v6 =	vadd.f32 $2.000000000e+00, v6  }
0x92: {  	v55 =	vld [tilespmem:$0x320];
	v2 =	vnsel vm0, $0x0, v2;
	v4 =	vcvt.f32.s32 v4;
	v5 =	vtrunc.f32 v5  }
0x93: {  	v1 =	vshll.u32 v1, $0x6;
	v5 =	vcvt.f32.s32 v5;
	v6 =	vmul.f32 $1.600000000e+01, v6  }
0x94: {  	v2 =	vmin.u32 v2, $0x3F;
	vm0 =	vgt.s32 v4, $0x0;
	v1 =	vor.u32 v3, v1  }
0x95: {  	v3 =	vnsel vm0, $0x0, v4;
	vm0 =	vgt.s32 v5, $0x0;
	v6 =	vtrunc.f32 v6  }
0x96: {  	v50 =	vor.u32 v2, v1;
	v2 =	vld [tilespmem:$0x5B0];
	v4 =	vcvt.f32.s32 v6;
	v6 =	vadd.f32 $2.000000000e+00, v7  }
0x97: {  	v3 =	vmin.u32 v3, $0x3F;
	v5 =	vnsel vm0, $0x0, v5;
	v7 =	vadd.f32 $2.000000000e+00, v55  }
0x98: {  	v51 =	vld [tilespmem:$0xB0];
	v5 =	vmin.u32 v5, $0x3F;
	v3 =	vshll.u32 v3, $0xC;
	v6 =	vmul.f32 $1.600000000e+01, v6  }
0x99: {  	v56 =	vld [tilespmem:$0x600];
	v5 =	vshll.u32 v5, $0x6;
	vm0 =	vgt.s32 v4, $0x0;
	v7 =	vmul.f32 $1.600000000e+01, v7  }
0x9a: {  	v3 =	vor.u32 v3, v5;
	v4 =	vnsel vm0, $0x0, v4;
	v6 =	vtrunc.f32 v6  }
0x9b: {  	v52 =	vld [tilespmem:$0x330];
	v2 =	vadd.f32 $2.000000000e+00, v2;
	v7 =	vtrunc.f32 v7;
	v6 =	vcvt.f32.s32 v6  }
0x9c: {  	v4 =	vmin.u32 v4, $0x3F;
	v5 =	vcvt.f32.s32 v7;
	v7 =	vtrunc.f32 v49  }
0x9d: {  	v49 =	vor.u32 v4, v3;
	v3 =	vadd.f32 $2.000000000e+00, v51;
	v2 =	vmul.f32 $1.600000000e+01, v2  }
0x9e: {  	v62 =	vadd.f32 $2.000000000e+00, v56;
	v1 =	vcvt.f32.s32 v7;
	vm0 =	vgt.s32 v6, $0x0  }
0x9f: {  	vm1 =	vgt.s32 v5, $0x0;
	v3 =	vmul.f32 $1.600000000e+01, v3;
	v2 =	vtrunc.f32 v2  }
0xa0: {  	v7 =	vld [tilespmem:$0xC0];
	v4 =	vnsel vm0, $0x0, v6;
	vm0 =	vgt.s32 v1, $0x0;
	v6 =	vadd.f32 $2.000000000e+00, v52  }
0xa1: {  	v57 =	vld [tilespmem:$0x340];
	v5 =	vnsel vm1, $0x0, v5;
	v1 =	vnsel vm0, $0x0, v1;
	v4 =	vmin.u32 v4, $0x3F  }
0xa2: {  	v5 =	vmin.u32 v5, $0x3F;
	v3 =	vtrunc.f32 v3;
	v6 =	vmul.f32 $1.600000000e+01, v6  }
0xa3: {  	v4 =	vshll.u32 v4, $0xC;
	v5 =	vshll.u32 v5, $0x6;
	v3 =	vcvt.f32.s32 v3  }
0xa4: {  	v1 =	vmin.u32 v1, $0x3F;
	v4 =	vor.u32 v4, v5;
	v5 =	vtrunc.f32 v6  }
0xa5: {  	v6 =	vld [tilespmem:$0x5C0];
	v51 =	vor.u32 v1, v4;
	vm0 =	vgt.s32 v3, $0x0;
	v4 =	vadd.f32 $2.000000000e+00, v7  }
0xa6: {  	v1 =	vcvt.f32.s32 v5;
	v3 =	vnsel vm0, $0x0, v3;
	v5 =	vadd.f32 $2.000000000e+00, v57  }
0xa7: {  	v2 =	vcvt.f32.s32 v2;
	v52 =	vmul.f32 $1.600000000e+01, v59;
	v3 =	vmin.u32 v3, $0x3F  }
0xa8: {  	v4 =	vmul.f32 $1.600000000e+01, v4;
	vm0 =	vgt.s32 v1, $0x0;
	v5 =	vmul.f32 $1.600000000e+01, v5  }
0xa9: {  	v3 =	vshll.u32 v3, $0xC;
	v1 =	vnsel vm0, $0x0, v1;
	vm0 =	vgt.s32 v2, $0x0  }
0xaa: {  	v7 =	vld [tilespmem:$0xD0];
	v4 =	vtrunc.f32 v4;
	v1 =	vmin.u32 v1, $0x3F;
	v6 =	vadd.f32 $2.000000000e+00, v6  }
0xab: {  	v58 =	vld [tilespmem:$0x350];
	v2 =	vnsel vm0, $0x0, v2;
	v4 =	vcvt.f32.s32 v4;
	v5 =	vtrunc.f32 v5  }
0xac: {  	v1 =	vshll.u32 v1, $0x6;
	v5 =	vcvt.f32.s32 v5;
	v6 =	vmul.f32 $1.600000000e+01, v6  }
0xad: {  	v2 =	vmin.u32 v2, $0x3F;
	vm0 =	vgt.s32 v4, $0x0;
	v1 =	vor.u32 v3, v1  }
0xae: {  	v3 =	vnsel vm0, $0x0, v4;
	vm0 =	vgt.s32 v5, $0x0;
	v6 =	vtrunc.f32 v6  }
0xaf: {  	v53 =	vor.u32 v2, v1;
	v2 =	vld [tilespmem:$0x5E0];
	v4 =	vcvt.f32.s32 v6;
	v6 =	vadd.f32 $2.000000000e+00, v7  }
0xb0: {  	v3 =	vmin.u32 v3, $0x3F;
	v5 =	vnsel vm0, $0x0, v5;
	v7 =	vadd.f32 $2.000000000e+00, v58  }
0xb1: {  	v54 =	vld [tilespmem:$0xE0];
	v5 =	vmin.u32 v5, $0x3F;
	v3 =	vshll.u32 v3, $0xC;
	v6 =	vmul.f32 $1.600000000e+01, v6  }
0xb2: {  	v15 =	vld [tilespmem:$0x480];
	v5 =	vshll.u32 v5, $0x6;
	vm0 =	vgt.s32 v4, $0x0;
	v7 =	vmul.f32 $1.600000000e+01, v7  }
0xb3: {  	v3 =	vor.u32 v3, v5;
	v4 =	vnsel vm0, $0x0, v4;
	v6 =	vtrunc.f32 v6  }
0xb4: {  	v55 =	vld [tilespmem:$0x360];
	v2 =	vadd.f32 $2.000000000e+00, v2;
	v7 =	vtrunc.f32 v7;
	v6 =	vcvt.f32.s32 v6  }
0xb5: {  	v4 =	vmin.u32 v4, $0x3F;
	v5 =	vcvt.f32.s32 v7;
	v7 =	vtrunc.f32 v52  }
0xb6: {  	v52 =	vor.u32 v4, v3;
	v3 =	vadd.f32 $2.000000000e+00, v54;
	v2 =	vmul.f32 $1.600000000e+01, v2  }
0xb7: {  	[tilespmem:$0x7F0] =	vst v48;
	v48 =	vadd.f32 $2.000000000e+00, v15;
	v1 =	vcvt.f32.s32 v7;
	vm0 =	vgt.s32 v6, $0x0  }
0xb8: {  	vm1 =	vgt.s32 v5, $0x0;
	v3 =	vmul.f32 $1.600000000e+01, v3;
	v2 =	vtrunc.f32 v2  }
0xb9: {  	v7 =	vld [tilespmem:$0xF0];
	v4 =	vnsel vm0, $0x0, v6;
	vm0 =	vgt.s32 v1, $0x0;
	v6 =	vadd.f32 $2.000000000e+00, v55  }
0xba: {  	v60 =	vld [tilespmem:$0x370];
	v5 =	vnsel vm1, $0x0, v5;
	v1 =	vnsel vm0, $0x0, v1;
	v4 =	vmin.u32 v4, $0x3F  }
0xbb: {  	v5 =	vmin.u32 v5, $0x3F;
	v3 =	vtrunc.f32 v3;
	v6 =	vmul.f32 $1.600000000e+01, v6  }
0xbc: {  	v4 =	vshll.u32 v4, $0xC;
	v5 =	vshll.u32 v5, $0x6;
	v3 =	vcvt.f32.s32 v3  }
0xbd: {  	v1 =	vmin.u32 v1, $0x3F;
	v4 =	vor.u32 v4, v5;
	v5 =	vtrunc.f32 v6  }
0xbe: {  	v6 =	vld [tilespmem:$0x5F0];
	v54 =	vor.u32 v1, v4;
	vm0 =	vgt.s32 v3, $0x0;
	v4 =	vadd.f32 $2.000000000e+00, v7  }
0xbf: {  	v1 =	vcvt.f32.s32 v5;
	v3 =	vnsel vm0, $0x0, v3;
	v5 =	vadd.f32 $2.000000000e+00, v60  }
0xc0: {  	v2 =	vcvt.f32.s32 v2;
	v55 =	vmul.f32 $1.600000000e+01, v62;
	v3 =	vmin.u32 v3, $0x3F  }
0xc1: {  	v4 =	vmul.f32 $1.600000000e+01, v4;
	vm0 =	vgt.s32 v1, $0x0;
	v5 =	vmul.f32 $1.600000000e+01, v5  }
0xc2: {  	v3 =	vshll.u32 v3, $0xC;
	v1 =	vnsel vm0, $0x0, v1;
	vm0 =	vgt.s32 v2, $0x0  }
0xc3: {  	v7 =	vld [tilespmem:$0x100];
	v4 =	vtrunc.f32 v4;
	v1 =	vmin.u32 v1, $0x3F;
	v6 =	vadd.f32 $2.000000000e+00, v6  }
0xc4: {  	v61 =	vld [tilespmem:$0x380];
	v2 =	vnsel vm0, $0x0, v2;
	v4 =	vcvt.f32.s32 v4;
	v5 =	vtrunc.f32 v5  }
0xc5: {  	v1 =	vshll.u32 v1, $0x6;
	v5 =	vcvt.f32.s32 v5;
	v6 =	vmul.f32 $1.600000000e+01, v6  }
0xc6: {  	v2 =	vmin.u32 v2, $0x3F;
	vm0 =	vgt.s32 v4, $0x0;
	v1 =	vor.u32 v3, v1  }
0xc7: {  	v3 =	vnsel vm0, $0x0, v4;
	vm0 =	vgt.s32 v5, $0x0;
	v6 =	vtrunc.f32 v6  }
0xc8: {  	v56 =	vor.u32 v2, v1;
	v2 =	vld [tilespmem:$0x610];
	v4 =	vcvt.f32.s32 v6;
	v6 =	vadd.f32 $2.000000000e+00, v7  }
0xc9: {  	v3 =	vmin.u32 v3, $0x3F;
	v5 =	vnsel vm0, $0x0, v5;
	v7 =	vadd.f32 $2.000000000e+00, v61  }
0xca: {  	v57 =	vld [tilespmem:$0x110];
	v5 =	vmin.u32 v5, $0x3F;
	v3 =	vshll.u32 v3, $0xC;
	v6 =	vmul.f32 $1.600000000e+01, v6  }
0xcb: {  	v59 =	vld [tilespmem:$0x630];
	v5 =	vshll.u32 v5, $0x6;
	vm0 =	vgt.s32 v4, $0x0;
	v7 =	vmul.f32 $1.600000000e+01, v7  }
0xcc: {  	v3 =	vor.u32 v3, v5;
	v4 =	vnsel vm0, $0x0, v4;
	v6 =	vtrunc.f32 v6  }
0xcd: {  	v58 =	vld [tilespmem:$0x390];
	v2 =	vadd.f32 $2.000000000e+00, v2;
	v7 =	vtrunc.f32 v7;
	v6 =	vcvt.f32.s32 v6  }
0xce: {  	v4 =	vmin.u32 v4, $0x3F;
	v5 =	vcvt.f32.s32 v7;
	v7 =	vtrunc.f32 v55  }
0xcf: {  	v55 =	vor.u32 v4, v3;
	v3 =	vadd.f32 $2.000000000e+00, v57;
	v2 =	vmul.f32 $1.600000000e+01, v2  }
0xd0: {  	v10 =	vadd.f32 $2.000000000e+00, v59;
	v1 =	vcvt.f32.s32 v7;
	vm0 =	vgt.s32 v6, $0x0  }
0xd1: {  	vm1 =	vgt.s32 v5, $0x0;
	v3 =	vmul.f32 $1.600000000e+01, v3;
	v2 =	vtrunc.f32 v2  }
0xd2: {  	v7 =	vld [tilespmem:$0x120];
	v4 =	vnsel vm0, $0x0, v6;
	vm0 =	vgt.s32 v1, $0x0;
	v6 =	vadd.f32 $2.000000000e+00, v58  }
0xd3: {  	v63 =	vld [tilespmem:$0x3A0];
	v5 =	vnsel vm1, $0x0, v5;
	v1 =	vnsel vm0, $0x0, v1;
	v4 =	vmin.u32 v4, $0x3F  }
0xd4: {  	v5 =	vmin.u32 v5, $0x3F;
	v3 =	vtrunc.f32 v3;
	v6 =	vmul.f32 $1.600000000e+01, v6  }
0xd5: {  	v4 =	vshll.u32 v4, $0xC;
	v5 =	vshll.u32 v5, $0x6;
	v3 =	vcvt.f32.s32 v3  }
0xd6: {  	v1 =	vmin.u32 v1, $0x3F;
	v4 =	vor.u32 v4, v5;
	v5 =	vtrunc.f32 v6  }
0xd7: {  	v6 =	vld [tilespmem:$0x620];
	v57 =	vor.u32 v1, v4;
	vm0 =	vgt.s32 v3, $0x0;
	v4 =	vadd.f32 $2.000000000e+00, v7  }
0xd8: {  	v1 =	vcvt.f32.s32 v5;
	v3 =	vnsel vm0, $0x0, v3;
	v5 =	vadd.f32 $2.000000000e+00, v63  }
0xd9: {  	v2 =	vcvt.f32.s32 v2;
	v58 =	vmul.f32 $1.600000000e+01, v10;
	v3 =	vmin.u32 v3, $0x3F  }
0xda: {  	v4 =	vmul.f32 $1.600000000e+01, v4;
	vm0 =	vgt.s32 v1, $0x0;
	v5 =	vmul.f32 $1.600000000e+01, v5  }
0xdb: {  	v3 =	vshll.u32 v3, $0xC;
	v1 =	vnsel vm0, $0x0, v1;
	vm0 =	vgt.s32 v2, $0x0  }
0xdc: {  	v7 =	vld [tilespmem:$0x130];
	v4 =	vtrunc.f32 v4;
	v1 =	vmin.u32 v1, $0x3F;
	v6 =	vadd.f32 $2.000000000e+00, v6  }
0xdd: {  	v9 =	vld [tilespmem:$0x3B0];
	v2 =	vnsel vm0, $0x0, v2;
	v4 =	vcvt.f32.s32 v4;
	v5 =	vtrunc.f32 v5  }
0xde: {  	v1 =	vshll.u32 v1, $0x6;
	v5 =	vcvt.f32.s32 v5;
	v6 =	vmul.f32 $1.600000000e+01, v6  }
0xdf: {  	v2 =	vmin.u32 v2, $0x3F;
	vm0 =	vgt.s32 v4, $0x0;
	v1 =	vor.u32 v3, v1  }
0xe0: {  	v3 =	vnsel vm0, $0x0, v4;
	vm0 =	vgt.s32 v5, $0x0;
	v6 =	vtrunc.f32 v6  }
0xe1: {  	v59 =	vor.u32 v2, v1;
	v2 =	vld [tilespmem:$0x640];
	v4 =	vcvt.f32.s32 v6;
	v6 =	vadd.f32 $2.000000000e+00, v7  }
0xe2: {  	v3 =	vmin.u32 v3, $0x3F;
	v5 =	vnsel vm0, $0x0, v5;
	v7 =	vadd.f32 $2.000000000e+00, v9  }
0xe3: {  	v60 =	vld [tilespmem:$0x140];
	v5 =	vmin.u32 v5, $0x3F;
	v3 =	vshll.u32 v3, $0xC;
	v6 =	vmul.f32 $1.600000000e+01, v6  }
0xe4: {  	v62 =	vld [tilespmem:$0x660];
	v5 =	vshll.u32 v5, $0x6;
	vm0 =	vgt.s32 v4, $0x0;
	v7 =	vmul.f32 $1.600000000e+01, v7  }
0xe5: {  	v3 =	vor.u32 v3, v5;
	v4 =	vnsel vm0, $0x0, v4;
	v6 =	vtrunc.f32 v6  }
0xe6: {  	v61 =	vld [tilespmem:$0x3C0];
	v2 =	vadd.f32 $2.000000000e+00, v2;
	v7 =	vtrunc.f32 v7;
	v6 =	vcvt.f32.s32 v6  }
0xe7: {  	v4 =	vmin.u32 v4, $0x3F;
	v5 =	vcvt.f32.s32 v7;
	v7 =	vtrunc.f32 v58  }
0xe8: {  	v58 =	vor.u32 v4, v3;
	v3 =	vadd.f32 $2.000000000e+00, v60;
	v2 =	vmul.f32 $1.600000000e+01, v2  }
0xe9: {  	v13 =	vadd.f32 $2.000000000e+00, v62;
	v1 =	vcvt.f32.s32 v7;
	vm0 =	vgt.s32 v6, $0x0  }
0xea: {  	vm1 =	vgt.s32 v5, $0x0;
	v3 =	vmul.f32 $1.600000000e+01, v3;
	v2 =	vtrunc.f32 v2  }
0xeb: {  	v7 =	vld [tilespmem:$0x150];
	v4 =	vnsel vm0, $0x0, v6;
	vm0 =	vgt.s32 v1, $0x0;
	v6 =	vadd.f32 $2.000000000e+00, v61  }
0xec: {  	v11 =	vld [tilespmem:$0x3D0];
	v5 =	vnsel vm1, $0x0, v5;
	v1 =	vnsel vm0, $0x0, v1;
	v4 =	vmin.u32 v4, $0x3F  }
0xed: {  	v5 =	vmin.u32 v5, $0x3F;
	v3 =	vtrunc.f32 v3;
	v6 =	vmul.f32 $1.600000000e+01, v6  }
0xee: {  	v4 =	vshll.u32 v4, $0xC;
	v5 =	vshll.u32 v5, $0x6;
	v3 =	vcvt.f32.s32 v3  }
0xef: {  	v1 =	vmin.u32 v1, $0x3F;
	v4 =	vor.u32 v4, v5;
	v5 =	vtrunc.f32 v6  }
0xf0: {  	v6 =	vld [tilespmem:$0x650];
	v60 =	vor.u32 v1, v4;
	vm0 =	vgt.s32 v3, $0x0;
	v4 =	vadd.f32 $2.000000000e+00, v7  }
0xf1: {  	v1 =	vcvt.f32.s32 v5;
	v3 =	vnsel vm0, $0x0, v3;
	v5 =	vadd.f32 $2.000000000e+00, v11  }
0xf2: {  	v2 =	vcvt.f32.s32 v2;
	v61 =	vmul.f32 $1.600000000e+01, v13;
	v3 =	vmin.u32 v3, $0x3F  }
0xf3: {  	v4 =	vmul.f32 $1.600000000e+01, v4;
	vm0 =	vgt.s32 v1, $0x0;
	v5 =	vmul.f32 $1.600000000e+01, v5  }
0xf4: {  	v3 =	vshll.u32 v3, $0xC;
	v1 =	vnsel vm0, $0x0, v1;
	vm0 =	vgt.s32 v2, $0x0  }
0xf5: {  	v7 =	vld [tilespmem:$0x160];
	v4 =	vtrunc.f32 v4;
	v1 =	vmin.u32 v1, $0x3F;
	v6 =	vadd.f32 $2.000000000e+00, v6  }
0xf6: {  	v12 =	vld [tilespmem:$0x3E0];
	v2 =	vnsel vm0, $0x0, v2;
	v4 =	vcvt.f32.s32 v4;
	v5 =	vtrunc.f32 v5  }
0xf7: {  	v1 =	vshll.u32 v1, $0x6;
	v5 =	vcvt.f32.s32 v5;
	v6 =	vmul.f32 $1.600000000e+01, v6  }
0xf8: {  	v2 =	vmin.u32 v2, $0x3F;
	vm0 =	vgt.s32 v4, $0x0;
	v1 =	vor.u32 v3, v1  }
0xf9: {  	v3 =	vnsel vm0, $0x0, v4;
	vm0 =	vgt.s32 v5, $0x0;
	v6 =	vtrunc.f32 v6  }
0xfa: {  	v62 =	vor.u32 v2, v1;
	v2 =	vld [tilespmem:$0x670];
	v4 =	vcvt.f32.s32 v6;
	v6 =	vadd.f32 $2.000000000e+00, v7  }
0xfb: {  	v3 =	vmin.u32 v3, $0x3F;
	v5 =	vnsel vm0, $0x0, v5;
	v7 =	vadd.f32 $2.000000000e+00, v12  }
0xfc: {  	v63 =	vld [tilespmem:$0x170];
	v5 =	vmin.u32 v5, $0x3F;
	v3 =	vshll.u32 v3, $0xC;
	v6 =	vmul.f32 $1.600000000e+01, v6  }
0xfd: {  	v9 =	vld [tilespmem:$0x690];
	v5 =	vshll.u32 v5, $0x6;
	vm0 =	vgt.s32 v4, $0x0;
	v7 =	vmul.f32 $1.600000000e+01, v7  }
0xfe: {  	v3 =	vor.u32 v3, v5;
	v4 =	vnsel vm0, $0x0, v4;
	v6 =	vtrunc.f32 v6  }
0xff: {  	v8 =	vld [tilespmem:$0x3F0];
	v2 =	vadd.f32 $2.000000000e+00, v2;
	v7 =	vtrunc.f32 v7;
	v6 =	vcvt.f32.s32 v6  }
0x100: {  	v4 =	vmin.u32 v4, $0x3F;
	v5 =	vcvt.f32.s32 v7;
	v7 =	vtrunc.f32 v61  }
0x101: {  	v61 =	vor.u32 v4, v3;
	v3 =	vadd.f32 $2.000000000e+00, v63;
	v2 =	vmul.f32 $1.600000000e+01, v2  }
0x102: {  	v9 =	vadd.f32 $2.000000000e+00, v9;
	v1 =	vcvt.f32.s32 v7;
	vm0 =	vgt.s32 v6, $0x0  }
0x103: {  	vm1 =	vgt.s32 v5, $0x0;
	v3 =	vmul.f32 $1.600000000e+01, v3;
	v2 =	vtrunc.f32 v2  }
0x104: {  	v7 =	vld [tilespmem:$0x180];
	v4 =	vnsel vm0, $0x0, v6;
	vm0 =	vgt.s32 v1, $0x0;
	v6 =	vadd.f32 $2.000000000e+00, v8  }
0x105: {  	v5 =	vnsel vm1, $0x0, v5;
	v8 =	vld [tilespmem:$0x400];
	v1 =	vnsel vm0, $0x0, v1;
	v4 =	vmin.u32 v4, $0x3F  }
0x106: {  	v5 =	vmin.u32 v5, $0x3F;
	v3 =	vtrunc.f32 v3;
	v6 =	vmul.f32 $1.600000000e+01, v6  }
0x107: {  	v4 =	vshll.u32 v4, $0xC;
	v5 =	vshll.u32 v5, $0x6;
	v3 =	vcvt.f32.s32 v3  }
0x108: {  	v1 =	vmin.u32 v1, $0x3F;
	v4 =	vor.u32 v4, v5;
	v5 =	vtrunc.f32 v6  }
0x109: {  	v6 =	vld [tilespmem:$0x680];
	v63 =	vor.u32 v1, v4;
	vm0 =	vgt.s32 v3, $0x0;
	v4 =	vadd.f32 $2.000000000e+00, v7  }
0x10a: {  	v7 =	vld [tilespmem:$0x190];
	v1 =	vcvt.f32.s32 v5;
	v3 =	vnsel vm0, $0x0, v3;
	v5 =	vadd.f32 $2.000000000e+00, v8  }
0x10b: {  	v2 =	vcvt.f32.s32 v2;
	v3 =	vmin.u32 v3, $0x3F;
	v4 =	vmul.f32 $1.600000000e+01, v4  }
0x10c: {  	vm0 =	vgt.s32 v1, $0x0;
	v5 =	vmul.f32 $1.600000000e+01, v5;
	v3 =	vshll.u32 v3, $0xC  }
0x10d: {  	v1 =	vnsel vm0, $0x0, v1;
	vm0 =	vgt.s32 v2, $0x0;
	v4 =	vtrunc.f32 v4  }
0x10e: {  	v1 =	vmin.u32 v1, $0x3F;
	v6 =	vadd.f32 $2.000000000e+00, v6;
	v2 =	vnsel vm0, $0x0, v2  }
0x10f: {  	v8 =	vld [tilespmem:$0x410];
	v4 =	vcvt.f32.s32 v4;
	v5 =	vtrunc.f32 v5;
	v7 =	vadd.f32 $2.000000000e+00, v7  }
0x110: {  	v1 =	vshll.u32 v1, $0x6;
	v5 =	vcvt.f32.s32 v5;
	v6 =	vmul.f32 $1.600000000e+01, v6  }
0x111: {  	v2 =	vmin.u32 v2, $0x3F;
	vm0 =	vgt.s32 v4, $0x0;
	v1 =	vor.u32 v3, v1  }
0x112: {  	v4 =	vnsel vm0, $0x0, v4;
	vm0 =	vgt.s32 v5, $0x0;
	v6 =	vtrunc.f32 v6  }
0x113: {  	v3 =	vmin.u32 v4, $0x3F;
	v4 =	vnsel vm0, $0x0, v5;
	v5 =	vmul.f32 $1.600000000e+01, v7  }
0x114: {  	v14 =	vld [tilespmem:$0x1B0];
	v7 =	vadd.f32 $2.000000000e+00, v8;
	v6 =	vcvt.f32.s32 v6;
	v4 =	vmin.u32 v4, $0x3F  }
0x115: {  	v10 =	vld [tilespmem:$0x420];
	v3 =	vshll.u32 v3, $0xC;
	v4 =	vshll.u32 v4, $0x6;
	v5 =	vtrunc.f32 v5  }
0x116: {  	v8 =	vld [tilespmem:$0x1A0];
	v7 =	vmul.f32 $1.600000000e+01, v7;
	vm0 =	vgt.s32 v6, $0x0;
	v5 =	vcvt.f32.s32 v5  }
0x117: {  	v12 =	vld [tilespmem:$0x430];
	v1 =	vor.u32 v2, v1;
	v3 =	vor.u32 v3, v4;
	v6 =	vnsel vm0, $0x0, v6  }
0x118: {  	v4 =	vld [tilespmem:$0x6A0];
	v2 =	vmin.u32 v6, $0x3F;
	vm0 =	vgt.s32 v5, $0x0;
	v6 =	vtrunc.f32 v7  }
0x119: {  	v7 =	vmul.f32 $1.600000000e+01, v9;
	v2 =	vor.u32 v2, v3;
	v3 =	vnsel vm0, $0x0, v5  }
0x11a: {  	v9 =	vadd.f32 $2.000000000e+00, v14;
	v5 =	vcvt.f32.s32 v6;
	v3 =	vmin.u32 v3, $0x3F  }
0x11b: {  	v6 =	vtrunc.f32 v7;
	v7 =	vadd.f32 $2.000000000e+00, v8;
	v8 =	vadd.f32 $2.000000000e+00, v10  }
0x11c: {  	v9 =	vmul.f32 $1.600000000e+01, v9;
	v10 =	vadd.f32 $2.000000000e+00, v12;
	vm0 =	vgt.s32 v5, $0x0  }
0x11d: {  	v6 =	vcvt.f32.s32 v6;
	v4 =	vadd.f32 $2.000000000e+00, v4;
	v3 =	vshll.u32 v3, $0xC  }
0x11e: {  	v5 =	vnsel vm0, $0x0, v5;
	v7 =	vmul.f32 $1.600000000e+01, v7;
	v8 =	vmul.f32 $1.600000000e+01, v8  }
0x11f: {  	v5 =	vmin.u32 v5, $0x3F;
	vm0 =	vgt.s32 v6, $0x0;
	v4 =	vmul.f32 $1.600000000e+01, v4  }
0x120: {  	v6 =	vnsel vm0, $0x0, v6;
	v7 =	vtrunc.f32 v7;
	v8 =	vtrunc.f32 v8  }
0x121: {  	v5 =	vshll.u32 v5, $0x6;
	v7 =	vcvt.f32.s32 v7;
	v4 =	vtrunc.f32 v4  }
0x122: {  	v8 =	vcvt.f32.s32 v8;
	v3 =	vor.u32 v3, v5;
	v5 =	vld [tilespmem:$0x6B0];
	v4 =	vcvt.f32.s32 v4  }
0x123: {  	v13 =	vmul.f32 $1.600000000e+01, v10;
	v6 =	vmin.u32 v6, $0x3F;
	vm0 =	vgt.s32 v7, $0x0  }
0x124: {  	vm1 =	vgt.s32 v8, $0x0;
	v7 =	vnsel vm0, $0x0, v7;
	vm0 =	vgt.s32 v4, $0x0  }
0x125: {  	v12 =	vld [tilespmem:$0x1C0];
	v8 =	vnsel vm1, $0x0, v8;
	v4 =	vnsel vm0, $0x0, v4;
	v7 =	vmin.u32 v7, $0x3F  }
0x126: {  	v15 =	vld [tilespmem:$0x490];
	v8 =	vmin.u32 v8, $0x3F;
	v11 =	vmin.u32 v4, $0x3F;
	v4 =	vtrunc.f32 v9  }
0x127: {  	v5 =	vadd.f32 $2.000000000e+00, v5;
	v7 =	vshll.u32 v7, $0xC;
	v8 =	vshll.u32 v8, $0x6  }
0x128: {  	v14 =	vcvt.f32.s32 v4;
	v7 =	vor.u32 v7, v8;
	v8 =	vtrunc.f32 v13;
	v13 =	vld [tilespmem:$0x440]  }
0x129: {  	v4 =	vor.u32 v6, v3;
	v3 =	vor.u32 v11, v7;
	v6 =	vcvt.f32.s32 v8;
	v7 =	vld [tilespmem:$0x6C0]  }
0x12a: {  	v5 =	vmul.f32 $1.600000000e+01, v5;
	v8 =	vadd.f32 $2.000000000e+00, v12;
	v11 =	vld [tilespmem:$0x1D0];
	vm0 =	vgt.s32 v14, $0x0  }
0x12b: {  	[tilespmem:$0x860] =	vst v56;
	v56 =	vadd.f32 $2.000000000e+00, v15;
	v12 =	vld [tilespmem:$0x450];
	v10 =	vnsel vm0, $0x0, v14;
	vm0 =	vgt.s32 v6, $0x0  }
0x12c: {  	v5 =	vtrunc.f32 v5;
	v8 =	vmul.f32 $1.600000000e+01, v8;
	v6 =	vnsel vm0, $0x0, v6  }
0x12d: {  	v5 =	vcvt.f32.s32 v5;
	v10 =	vmin.u32 v10, $0x3F;
	v6 =	vmin.u32 v6, $0x3F  }
0x12e: {  	v14 =	vld [tilespmem:$0x6D0];
	v9 =	vadd.f32 $2.000000000e+00, v13;
	v8 =	vtrunc.f32 v8;
	v10 =	vshll.u32 v10, $0xC  }
0x12f: {  	vm0 =	vgt.s32 v5, $0x0;
	v7 =	vadd.f32 $2.000000000e+00, v7;
	v8 =	vcvt.f32.s32 v8  }
0x130: {  	v15 =	vld [tilespmem:$0x4A0];
	v6 =	vshll.u32 v6, $0x6;
	v11 =	vadd.f32 $2.000000000e+00, v11;
	v13 =	vadd.f32 $2.000000000e+00, v12  }
0x131: {  	v5 =	vnsel vm0, $0x0, v5;
	v9 =	vmul.f32 $1.600000000e+01, v9;
	v6 =	vor.u32 v10, v6  }
0x132: {  	v5 =	vmin.u32 v5, $0x3F;
	v7 =	vmul.f32 $1.600000000e+01, v7;
	vm0 =	vgt.s32 v8, $0x0  }
0x133: {  	v12 =	vld [tilespmem:$0x1E0];
	v10 =	vadd.f32 $2.000000000e+00, v14;
	v9 =	vtrunc.f32 v9;
	v6 =	vor.u32 v5, v6  }
0x134: {  	v5 =	vnsel vm0, $0x0, v8;
	v8 =	vmul.f32 $1.600000000e+01, v11;
	v11 =	vmul.f32 $1.600000000e+01, v13  }
0x135: {  	v15 =	vadd.f32 $2.000000000e+00, v15;
	v9 =	vcvt.f32.s32 v9;
	v7 =	vtrunc.f32 v7  }
0x136: {  	v13 =	vld [tilespmem:$0x460];
	v5 =	vmin.u32 v5, $0x3F;
	v10 =	vmul.f32 $1.600000000e+01, v10;
	v7 =	vcvt.f32.s32 v7  }
0x137: {  	v8 =	vtrunc.f32 v8;
	v11 =	vtrunc.f32 v11;
	v5 =	vshll.u32 v5, $0xC  }
0x138: {  	v12 =	vadd.f32 $2.000000000e+00, v12;
	vm0 =	vgt.s32 v9, $0x0;
	v8 =	vcvt.f32.s32 v8  }
0x139: {  	v11 =	vcvt.f32.s32 v11;
	v14 =	vtrunc.f32 v10;
	v9 =	vnsel vm0, $0x0, v9  }
0x13a: {  	vm0 =	vgt.s32 v7, $0x0;
	v12 =	vmul.f32 $1.600000000e+01, v12;
	v9 =	vmin.u32 v9, $0x3F  }
0x13b: {  	v10 =	vld [tilespmem:$0x6E0];
	v7 =	vnsel vm0, $0x0, v7;
	vm0 =	vgt.s32 v8, $0x0;
	v13 =	vadd.f32 $2.000000000e+00, v13  }
0x13c: {  	v7 =	vmin.u32 v7, $0x3F;
	v9 =	vshll.u32 v9, $0x6;
	v8 =	vnsel vm0, $0x0, v8  }
0x13d: {  	vm0 =	vgt.s32 v11, $0x0;
	v12 =	vtrunc.f32 v12;
	v5 =	vor.u32 v5, v9  }
0x13e: {  	v9 =	vcvt.f32.s32 v14;
	v11 =	vnsel vm0, $0x0, v11;
	v8 =	vmin.u32 v8, $0x3F  }
0x13f: {  	v13 =	vmul.f32 $1.600000000e+01, v13;
	v11 =	vmin.u32 v11, $0x3F;
	v8 =	vshll.u32 v8, $0xC  }
0x140: {  	v14 =	vld [tilespmem:$0x1F0];
	v10 =	vadd.f32 $2.000000000e+00, v10;
	vm0 =	vgt.s32 v9, $0x0;
	v11 =	vshll.u32 v11, $0x6  }
0x141: {  	v13 =	vtrunc.f32 v13;
	v9 =	vnsel vm0, $0x0, v9;
	v8 =	vor.u32 v8, v11  }
0x142: {  	v11 =	vcvt.f32.s32 v12;
	v12 =	vcvt.f32.s32 v13;
	v9 =	vmin.u32 v9, $0x3F  }
0x143: {  	v15 =	vmul.f32 $1.600000000e+01, v15;
	v7 =	vor.u32 v7, v5;
	v13 =	vld [tilespmem:$0x6F0];
	v5 =	vor.u32 v9, v8  }
0x144: {  	v8 =	vmul.f32 $1.600000000e+01, v10;
	vm0 =	vgt.s32 v11, $0x0;
	vm1 =	vgt.s32 v12, $0x0  }
0x145: {  	v9 =	vadd.f32 $2.000000000e+00, v14;
	v10 =	vnsel vm0, $0x0, v11;
	v14 =	vnsel vm1, $0x0, v12  }
0x146: {  	v12 =	vmul.f32 $1.600000000e+01, v41;
	v8 =	vtrunc.f32 v8;
	v10 =	vmin.u32 v10, $0x3F  }
0x147: {  	v9 =	vmul.f32 $1.600000000e+01, v9;
	v11 =	vmin.u32 v14, $0x3F;
	v14 =	vld [tilespmem:$0x200];
	v8 =	vcvt.f32.s32 v8  }
0x148: {  	[tilespmem:$0x880] =	vst v57;
	v57 =	vld [tilespmem:$0x220];
	v13 =	vadd.f32 $2.000000000e+00, v13;
	v10 =	vshll.u32 v10, $0xC;
	v11 =	vshll.u32 v11, $0x6  }
0x149: {  	[tilespmem:$0x7A0] =	vst v44;
	v44 =	vtrunc.f32 v12;
	v9 =	vtrunc.f32 v9;
	vm0 =	vgt.s32 v8, $0x0  }
0x14a: {  	[tilespmem:$0x7D0] =	vst v47;
	v47 =	vld [tilespmem:$0x700];
	v13 =	vmul.f32 $1.600000000e+01, v13;
	v9 =	vcvt.f32.s32 v9;
	v8 =	vnsel vm0, $0x0, v8  }
0x14b: {  	[tilespmem:$0x7C0] =	vst v45;
	v10 =	vor.u32 v10, v11;
	v11 =	vcvt.f32.s32 v44;
	v8 =	vmin.u32 v8, $0x3F  }
0x14c: {  	[tilespmem:$0x7E0] =	vst v46;
	v45 =	vtrunc.f32 v13;
	vm0 =	vgt.s32 v9, $0x0;
	v46 =	vadd.f32 $2.000000000e+00, v14  }
0x14d: {  	[tilespmem:$0x830] =	vst v53;
	v53 =	vld [tilespmem:$0x710];
	v13 =	vmul.f32 $1.600000000e+01, v48;
	v14 =	vadd.f32 $2.000000000e+00, v57;
	v12 =	vcvt.f32.s32 v45  }
0x14e: {  	[tilespmem:$0xC70] =	vst v16;
	v41 =	vor.u32 v8, v10;
	v8 =	vnsel vm0, $0x0, v9;
	vm0 =	vgt.s32 v11, $0x0  }
0x14f: {  	[tilespmem:$0xC80] =	vst v17;
	v10 =	vadd.f32 $2.000000000e+00, v47;
	v11 =	vnsel vm0, $0x0, v11;
	v9 =	vmul.f32 $1.600000000e+01, v46  }
0x150: {  	[tilespmem:$0xC90] =	vst v18;
	v8 =	vmin.u32 v8, $0x3F;
	v13 =	vtrunc.f32 v13;
	v14 =	vmul.f32 $1.600000000e+01, v14  }
0x151: {  	[tilespmem:$0x800] =	vst v50;
	vm1 =	vgt.s32 v12, $0x0;
	v11 =	vmin.u32 v11, $0x3F;
	v8 =	vshll.u32 v8, $0xC  }
0x152: {  	v50 =	vld [tilespmem:$0x210];
	[tilespmem:$0x840] =	vst v52;
	v52 =	vcvt.f32.s32 v13;
	v10 =	vmul.f32 $1.600000000e+01, v10;
	v13 =	vadd.f32 $2.000000000e+00, v53  }
0x153: {  	[tilespmem:$0x8C0] =	vst v62;
	v62 =	vld [tilespmem:$0x720];
	v53 =	vtrunc.f32 v15;
	v12 =	vnsel vm1, $0x0, v12;
	v9 =	vtrunc.f32 v9  }
0x154: {  	[tilespmem:$0xCA0] =	vst v19;
	v11 =	vshll.u32 v11, $0x6;
	v14 =	vtrunc.f32 v14;
	v12 =	vmin.u32 v12, $0x3F  }
0x155: {  	[tilespmem:$0xCB0] =	vst v20;
	v15 =	vld [tilespmem:$0x4B0];
	v9 =	vcvt.f32.s32 v9;
	v8 =	vor.u32 v8, v11;
	v10 =	vtrunc.f32 v10  }
0x156: {  	[tilespmem:$0x790] =	vst v42;
	v13 =	vmul.f32 $1.600000000e+01, v13;
	v14 =	vcvt.f32.s32 v14;
	v42 =	vor.u32 v12, v8  }
0x157: {  	[tilespmem:$0xCC0] =	vst v21;
	v8 =	vadd.f32 $2.000000000e+00, v50;
	v12 =	vmul.f32 $1.600000000e+01, v56;
	v10 =	vcvt.f32.s32 v10  }
0x158: {  	[tilespmem:$0x8B0] =	vst v60;
	vm0 =	vgt.s32 v9, $0x0;
	v60 =	vtrunc.f32 v13;
	v13 =	vadd.f32 $2.000000000e+00, v62  }
0x159: {  	[tilespmem:$0xCD0] =	vst v22;
	v9 =	vnsel vm0, $0x0, v9;
	vm0 =	vgt.s32 v52, $0x0;
	v8 =	vmul.f32 $1.600000000e+01, v8  }
0x15a: {  	[tilespmem:$0xCE0] =	vst v23;
	v12 =	vtrunc.f32 v12;
	v62 =	vadd.f32 $2.000000000e+00, v15;
	v11 =	vnsel vm0, $0x0, v52  }
0x15b: {  	[tilespmem:$0x8A0] =	vst v58;
	v9 =	vmin.u32 v9, $0x3F;
	v58 =	vcvt.f32.s32 v12;
	v8 =	vtrunc.f32 v8  }
0x15c: {  	[tilespmem:$0x850] =	vst v54;
	v54 =	vld [tilespmem:$0x1FF70];
	vm0 =	vgt.s32 v10, $0x0;
	v12 =	vcvt.f32.s32 v60;
	v8 =	vcvt.f32.s32 v8  }
0x15d: {  	[tilespmem:$0x890] =	vst v59;
	v59 =	vld [tilespmem:$0x1FF10];
	v11 =	vmin.u32 v11, $0x3F;
	v9 =	vshll.u32 v9, $0xC;
	v10 =	vnsel vm0, $0x0, v10  }
0x15e: {  	[tilespmem:$0x8D0] =	vst v61;
	v61 =	vld [tilespmem:$0x1FFB0];
	v11 =	vshll.u32 v11, $0x6;
	vm1 =	vgt.s32 v58, $0x0;
	vm0 =	vgt.s32 v8, $0x0  }
0x15f: {  	[tilespmem:$0x8E0] =	vst v63;
	v63 =	vld [tilespmem:$0x240];
	v9 =	vor.u32 v9, v11;
	v11 =	vnsel vm1, $0x0, v58;
	v8 =	vnsel vm0, $0x0, v8  }
0x160: {  	[tilespmem:$0xCF0] =	vst v24;
	v57 =	vld [tilespmem:$0x1FF90];
	v13 =	vmul.f32 $1.600000000e+01, v13;
	v11 =	vmin.u32 v11, $0x3F;
	v8 =	vmin.u32 v8, $0x3F  }
0x161: {  	[tilespmem:$0xD00] =	vst v25;
	v56 =	vld [tilespmem:$0x730];
	vm0 =	vgt.s32 v12, $0x0;
	v11 =	vshll.u32 v11, $0x6;
	v8 =	vshll.u32 v8, $0xC  }
0x162: {  	[tilespmem:$0x7B0] =	vst v43;
	v50 =	vld [tilespmem:$0x230];
	v12 =	vnsel vm0, $0x0, v12;
	v8 =	vor.u32 v8, v11;
	v11 =	vcvt.f32.s32 v53  }
0x163: {  	[tilespmem:$0xBE0] =	vst v54;
	v48 =	vld [tilespmem:$0x1FF30];
	v10 =	vmin.u32 v10, $0x3F;
	vm0 =	vgt.s32 v14, $0x0;
	v12 =	vmin.u32 v12, $0x3F  }
0x164: {  	[tilespmem:$0x870] =	vst v55;
	v46 =	vld [tilespmem:$0x4C0];
	v43 =	vor.u32 v12, v8;
	v8 =	vnsel vm0, $0x0, v14;
	vm0 =	vgt.s32 v11, $0x0  }
0x165: {  	[tilespmem:$0xC00] =	vst v57;
	v57 =	vld [tilespmem:$0x260];
	v45 =	vmul.f32 $1.600000000e+01, v62;
	v44 =	vor.u32 v10, v9;
	v11 =	vnsel vm0, $0x0, v11  }
0x166: {  	[tilespmem:$0xB80] =	vst v59;
	v52 =	vld [tilespmem:$0x1FF60];
	v9 =	vadd.f32 $2.000000000e+00, v56;
	v8 =	vmin.u32 v8, $0x3F;
	v11 =	vmin.u32 v11, $0x3F  }
0x167: {  	[tilespmem:$0x8F0] =	vst v1;
	v59 =	vadd.f32 $2.000000000e+00, v50;
	v53 =	vld [tilespmem:$0x250];
	v1 =	vshll.u32 v8, $0xC;
	v8 =	vshll.u32 v11, $0x6  }
0x168: {  	[tilespmem:$0xC20] =	vst v61;
	v58 =	vtrunc.f32 v13;
	v9 =	vmul.f32 $1.600000000e+01, v9;
	v1 =	vor.u32 v1, v8;
	v8 =	vld [tilespmem:$0x1FFC0]  }
0x169: {  	[tilespmem:$0xBA0] =	vst v48;
	v48 =	vtrunc.f32 v45;
	v10 =	vcvt.f32.s32 v58  }
0x16a: {  	v61 =	vld [tilespmem:$0x4F0];
	[tilespmem:$0x900] =	vst v2;
	v9 =	vtrunc.f32 v9;
	v12 =	vmul.f32 $1.600000000e+01, v59;
	v59 =	vadd.f32 $2.000000000e+00, v57  }
0x16b: {  	[tilespmem:$0xBD0] =	vst v52;
	v52 =	vadd.f32 $2.000000000e+00, v46;
	v9 =	vcvt.f32.s32 v9;
	vm0 =	vgt.s32 v10, $0x0  }
0x16c: {  	v54 =	vld [tilespmem:$0x4D0];
	[tilespmem:$0x950] =	vst v5;
	v2 =	vtrunc.f32 v12;
	v5 =	vmul.f32 $1.600000000e+01, v59;
	v11 =	vadd.f32 $2.000000000e+00, v63  }
0x16d: {  	v55 =	vld [tilespmem:$0x1FF80];
	v2 =	vcvt.f32.s32 v2;
	v56 =	vadd.f32 $2.000000000e+00, v53;
	[tilespmem:$0xC30] =	vst v8;
	v8 =	vnsel vm0, $0x0, v10  }
0x16e: {  	[tilespmem:$0xD10] =	vst v26;
	v5 =	vtrunc.f32 v5;
	v11 =	vmul.f32 $1.600000000e+01, v11;
	v8 =	vmin.u32 v8, $0x3F  }
0x16f: {  	[tilespmem:$0xD20] =	vst v27;
	v50 =	vld [tilespmem:$0x740];
	v63 =	vadd.f32 $2.000000000e+00, v61;
	v1 =	vor.u32 v8, v1;
	v8 =	vcvt.f32.s32 v48  }
0x170: {  	[tilespmem:$0xD30] =	vst v28;
	v5 =	vcvt.f32.s32 v5;
	v11 =	vtrunc.f32 v11;
	vm0 =	vgt.s32 v2, $0x0  }
0x171: {  	[tilespmem:$0x920] =	vst v3;
	v3 =	vcvt.f32.s32 v11;
	v2 =	vnsel vm0, $0x0, v2;
	vm0 =	vgt.s32 v8, $0x0  }
0x172: {  	[tilespmem:$0xBF0] =	vst v55;
	v55 =	vld [tilespmem:$0x750];
	v11 =	vadd.f32 $2.000000000e+00, v54;
	v2 =	vmin.u32 v2, $0x3F;
	v8 =	vnsel vm0, $0x0, v8  }
0x173: {  	[tilespmem:$0x910] =	vst v4;
	vm0 =	vgt.s32 v9, $0x0;
	v4 =	vmin.u32 v8, $0x3F;
	v8 =	vmul.f32 $1.600000000e+01, v52  }
0x174: {  	[tilespmem:$0xD40] =	vst v29;
	v10 =	vadd.f32 $2.000000000e+00, v50;
	v2 =	vshll.u32 v2, $0xC;
	v9 =	vnsel vm0, $0x0, v9  }
0x175: {  	[tilespmem:$0xD50] =	vst v30;
	vm0 =	vgt.s32 v3, $0x0;
	v4 =	vshll.u32 v4, $0x6;
	v8 =	vtrunc.f32 v8  }
0x176: {  	[tilespmem:$0x930] =	vst v6;
	v3 =	vnsel vm0, $0x0, v3;
	v6 =	vcvt.f32.s32 v8;
	v8 =	vmul.f32 $1.600000000e+01, v10  }
0x177: {  	[tilespmem:$0xD60] =	vst v31;
	v2 =	vor.u32 v2, v4;
	v4 =	vmin.u32 v9, $0x3F;
	v10 =	vadd.f32 $2.000000000e+00, v55  }
0x178: {  	[tilespmem:$0xD70] =	vst v32;
	v3 =	vmin.u32 v3, $0x3F;
	v9 =	vmul.f32 $1.600000000e+01, v56;
	v8 =	vtrunc.f32 v8  }
0x179: {  	[tilespmem:$0xD80] =	vst v33;
	v58 =	vld [tilespmem:$0x4E0];
	vm0 =	vgt.s32 v6, $0x0;
	v10 =	vmul.f32 $1.600000000e+01, v10;
	v8 =	vcvt.f32.s32 v8  }
0x17a: {  	[tilespmem:$0x810] =	vst v49;
	v3 =	vshll.u32 v3, $0xC;
	v9 =	vtrunc.f32 v9;
	v6 =	vnsel vm0, $0x0, v6  }
0x17b: {  	v49 =	vld [tilespmem:$0x1FF40];
	[tilespmem:$0x820] =	vst v51;
	v6 =	vmin.u32 v6, $0x3F;
	v10 =	vtrunc.f32 v10;
	vm0 =	vgt.s32 v8, $0x0  }
0x17c: {  	v51 =	vld [tilespmem:$0x1FF50];
	[tilespmem:$0x940] =	vst v7;
	v6 =	vshll.u32 v6, $0x6;
	v7 =	vnsel vm0, $0x0, v8;
	v8 =	vmul.f32 $1.600000000e+01, v11  }
0x17d: {  	[tilespmem:$0xD90] =	vst v34;
	v60 =	vld [tilespmem:$0x1FFA0];
	v3 =	vor.u32 v3, v6;
	v6 =	vcvt.f32.s32 v9;
	v7 =	vmin.u32 v7, $0x3F  }
0x17e: {  	[tilespmem:$0xDA0] =	vst v35;
	v9 =	vadd.f32 $2.000000000e+00, v58;
	v8 =	vtrunc.f32 v8;
	v3 =	vor.u32 v7, v3;
	v7 =	vld [tilespmem:$0x760]  }
0x17f: {  	[tilespmem:$0xDB0] =	vst v36;
	v2 =	vor.u32 v4, v2;
	v4 =	vcvt.f32.s32 v10;
	v8 =	vcvt.f32.s32 v8  }
0x180: {  	[tilespmem:$0xBB0] =	vst v49;
	v49 =	vld [tilespmem:$0x1FFE0];
	v10 =	vmul.f32 $1.600000000e+01, v63;
	vm0 =	vgt.s32 v6, $0x0;
	v9 =	vmul.f32 $1.600000000e+01, v9  }
0x181: {  	[tilespmem:$0xBC0] =	vst v51;
	v51 =	vld [tilespmem:$0x1FFF0];
	v6 =	vnsel vm0, $0x0, v6;
	vm0 =	vgt.s32 v4, $0x0;
	vm1 =	vgt.s32 v8, $0x0  }
0x182: {  	[tilespmem:$0xC10] =	vst v60;
	v60 =	vld [tilespmem:$0x270];
	v4 =	vnsel vm0, $0x0, v4;
	v6 =	vmin.u32 v6, $0x3F;
	v8 =	vnsel vm1, $0x0, v8  }
0x183: {  	[tilespmem:$0xDC0] =	vst v37;
	v62 =	vld [tilespmem:$0x770];
	vm0 =	vgt.s32 v5, $0x0;
	v8 =	vmin.u32 v8, $0x3F;
	v7 =	vadd.f32 $2.000000000e+00, v7  }
0x184: {  	[tilespmem:$0xDD0] =	vst v38;
	v47 =	vld [tilespmem:$0x1FF20];
	v4 =	vmin.u32 v4, $0x3F;
	v6 =	vshll.u32 v6, $0xC;
	v8 =	vshll.u32 v8, $0x6  }
0x185: {  	[tilespmem:$0xDE0] =	vst v39;
	v6 =	vor.u32 v6, v8;
	v8 =	vtrunc.f32 v9;
	v7 =	vmul.f32 $1.600000000e+01, v7  }
0x186: {  	[tilespmem:$0xDF0] =	vst v40;
	v5 =	vnsel vm0, $0x0, v5;
	v4 =	vor.u32 v4, v6;
	v6 =	vcvt.f32.s32 v8  }
0x187: {  	[tilespmem:$0xC50] =	vst v49;
	v5 =	vmin.u32 v5, $0x3F;
	v8 =	vadd.f32 $2.000000000e+00, v60;
	v7 =	vtrunc.f32 v7  }
0x188: {  	[tilespmem:$0xC60] =	vst v51;
	v9 =	vadd.f32 $2.000000000e+00, v62;
	vm0 =	vgt.s32 v6, $0x0;
	v7 =	vcvt.f32.s32 v7  }
0x189: {  	[tilespmem:$0xB90] =	vst v47;
	v5 =	vshll.u32 v5, $0xC;
	v8 =	vmul.f32 $1.600000000e+01, v8;
	v6 =	vnsel vm0, $0x0, v6  }
0x18a: {  	v47 =	vld [tilespmem:$0x1FFD0];
	[tilespmem:$0x9A0] =	vst v1;
	v9 =	vmul.f32 $1.600000000e+01, v9;
	vm0 =	vgt.s32 v7, $0x0;
	v1 =	vmin.u32 v6, $0x3F  }
0x18b: {  	[tilespmem:$0x960] =	vst v41;
	v6 =	vnsel vm0, $0x0, v7;
	v7 =	vtrunc.f32 v8;
	v8 =	vtrunc.f32 v10  }
0x18c: {  	[tilespmem:$0x9B0] =	vst v2;
	v1 =	vshll.u32 v1, $0x6;
	v2 =	vcvt.f32.s32 v7;
	v7 =	vcvt.f32.s32 v8  }
0x18d: {  	[tilespmem:$0x970] =	vst v42;
	v6 =	vmin.u32 v6, $0x3F;
	v1 =	vor.u32 v5, v1;
	v5 =	vtrunc.f32 v9  }
0x18e: {  	[tilespmem:$0x9C0] =	vst v3;
	v3 =	vcvt.f32.s32 v5;
	vm0 =	vgt.s32 v2, $0x0;
	vm1 =	vgt.s32 v7, $0x0  }
0x18f: {  	[tilespmem:$0xC40] =	vst v47;
	v1 =	vor.u32 v6, v1;
	v2 =	vnsel vm0, $0x0, v2;
	v5 =	vnsel vm1, $0x0, v7  }
0x190: {  	[tilespmem:$0x9D0] =	vst v4;
	vm0 =	vgt.s32 v3, $0x0;
	v2 =	vmin.u32 v2, $0x3F;
	v4 =	vmin.u32 v5, $0x3F  }
0x191: {  	[tilespmem:$0x980] =	vst v44;
	v3 =	vnsel vm0, $0x0, v3;
	v2 =	vshll.u32 v2, $0xC;
	v4 =	vshll.u32 v4, $0x6  }
0x192: {  	[tilespmem:$0x9E0] =	vst v1;
	v1 =	vmin.u32 v3, $0x3F;
	v2 =	vor.u32 v2, v4  }
0x193: {  	[tilespmem:$0x990] =	vst v43;
	v1 =	vor.u32 v1, v2  }
0x194: {  	[tilespmem:$0x9F0] =	vst v1  }
0x195: {  	[spmem:s2] =	stream.indirect.scatter.add.f32 [tilespmem:s18], [sflag:$0x1], $0x1, s17, s16, $0xb8;
	[tilespmem:$0x7000] =	vst v63  }
0x196: {  	_ =	swait.ge [sflag:s13], $0x80  }
0x197: {  	[sflag:s13] =	ssyncset.done $0x0  }
0x198: {  	[sflag:s13] =	ssyncadd.s32 $0xFFFFFF80  }
0x199: {  	[spmem:s2] =	stream.indirect.scatter.add.f32 [tilespmem:s20], [sflag:$0x1], $0x1, s19, s16, $0xb8;
	[tilespmem:$0x7000] =	vst v63  }
0x19a: {  	_ =	swait.ge [sflag:s13], $0x80  }
0x19b: {  	[sflag:s13] =	ssyncset.done $0x0  }
0x19c: {  	[sflag:s13] =	ssyncadd.s32 $0xFFFFFF80  }
0x19d: {  	[spmem:s2] =	stream.indirect.scatter.add.f32 [tilespmem:s22], [sflag:$0x1], $0x1, s21, s16, $0xb8;
	[tilespmem:$0x7000] =	vst v63  }
0x19e: {  	_ =	swait.ge [sflag:s13], $0x80  }
0x19f: {  	[sflag:s13] =	ssyncset.done $0x0  }
0x1a0: {  	[sflag:s13] =	ssyncadd.s32 $0xFFFFFF80  }
0x1a1: {  	[spmem:s2] =	stream.indirect.scatter.add.f32 [tilespmem:s24], [sflag:$0x1], $0x1, s23, s16, $0xb8;
	[tilespmem:$0x7000] =	vst v63  }
0x1a2: {  	_ =	swait.ge [sflag:s13], $0x80  }
0x1a3: {  	[sflag:s13] =	ssyncset.done $0x0  }
0x1a4: {  	[sflag:s13] =	ssyncadd.s32 $0xFFFFFF80  }
0x1a5: {  	[spmem:s2] =	stream.indirect.scatter.add.f32 [tilespmem:s26], [sflag:$0x1], $0x1, s25, s16, $0xb8;
	[tilespmem:$0x7000] =	vst v63  }
0x1a6: {  	_ =	swait.ge [sflag:s13], $0x80  }
0x1a7: {  	[sflag:s13] =	ssyncset.done $0x0  }
0x1a8: {  	[sflag:s13] =	ssyncadd.s32 $0xFFFFFF80  }
0x1a9: {  	[bflag:$0x0] =	sbarrier.arrive $0xFFFF  }
0x1aa: {  	[tilespmem:s28], [sflag:$0x1] =	stream.linear.gather [spmem:s5], $0x2000, $0x38;
	[tilespmem:$0x7000] =	vst v63  }
0x1ab: {  	_ =	swait.ge [sflag:s13], $0x2000  }
0x1ac: {  	[sflag:s13] =	ssyncset.done $0x0  }
0x1ad: {  	s1 =	simm.s32 $0x0;
	[sflag:s13] =	ssyncadd.s32 $0xFFFFE000  }
0x1ae: {  	v1 =	vld [tilespmem:s1+$0xFF0]  }
0x1af: {  	v2 =	vld [tilespmem:s1+$0xF80];
	_ =	sdelay $0x1  }
0x1b0: {  	v3 =	vld [tilespmem:s1+$0xF90]  }
0x1b1: {  	v41 =	vimm.f32 $0.0e+00;
	v45 =	vld [tilespmem:s1+$0xFA0]  }
0x1b2: {  	v42 =	vimm.f32 $0.0e+00;
	v44 =	vimm.f32 $0.0e+00;
	v5 =	vimm.f32 $0.0e+00;
	v46 =	vld [tilespmem:s1+$0xFB0]  }
0x1b3: {  	v4 =	vimm.f32 $0.0e+00;
	v43 =	vld [tilespmem:s1+$0xFC0];
	vm0 =	vgt.f32 v1, $0.0e+00;
	vm1 =	vgt.f32 v2, $0.0e+00  }
0x1b4: {  	v7 =	vld [tilespmem:s1+$0xFD0];
	v2 =	vimm.f32 $0.0e+00;
	v1 =	vsel vm0, $0x3F800000, v0;
	v47 =	vsel vm1, $0x3F800000, v0  }
0x1b5: {  	s31 =	simm.s32 $0x80;
	v6 =	vld [tilespmem:s1+$0xFE0];
	s1 =	simm.s32 $0x400;
	vm0 =	vgt.f32 v3, $0.0e+00;
	v3 =	vimm.f32 $0.0e+00;
	v1 =	vadd.f32 v1, v0  }
.LBB2_2:
0x1b6: {  	p0 =	sne.s32 s1, $0x7E00;
	v8 =	vld [tilespmem:s31+$0xFF0];
	v44 =	vadd.f32 v47, v44;
	v9 =	vsel vm0, $0x3F800000, v0;
	vm0 =	vgt.f32 v45, $0.0e+00  }
0x1b7: {  	v10 =	vld [tilespmem:s31+$0xF80];
	v42 =	vadd.f32 v9, v42;
	v9 =	vsel vm0, $0x3F800000, v0;
	vm0 =	vgt.f32 v46, $0.0e+00  }
0x1b8: {  	v11 =	vld [tilespmem:s31+$0xF90];
	v41 =	vadd.f32 v9, v41;
	v9 =	vsel vm0, $0x3F800000, v0;
	vm0 =	vgt.f32 v43, $0.0e+00  }
.Ltmp0:
0x1b9: {  	v45 =	vld [tilespmem:s31+$0xFA0];
	v5 =	vadd.f32 v9, v5;
	v9 =	vsel vm0, $0x3F800000, v0;
	vm0 =	vgt.f32 v7, $0.0e+00;
	(pc) =	sbr.rel @p0 .LBB2_2-.Ltmp0, $4  }
0x1ba: {  	v46 =	vld [tilespmem:s31+$0xFB0];
	v4 =	vadd.f32 v9, v4;
	v7 =	vsel vm0, $0x3F800000, v0;
	vm0 =	vgt.f32 v6, $0.0e+00  }
0x1bb: {  	v43 =	vld [tilespmem:s31+$0xFC0];
	vm1 =	vgt.f32 v8, $0.0e+00;
	v3 =	vadd.f32 v7, v3;
	v6 =	vsel vm0, $0x3F800000, v0  }
0x1bc: {  	vm0 =	vgt.f32 v10, $0.0e+00;
	v7 =	vld [tilespmem:s31+$0xFD0];
	v8 =	vsel vm1, $0x3F800000, v0;
	v2 =	vadd.f32 v6, v2  }
0x1bd: {  	v47 =	vsel vm0, $0x3F800000, v0;
	vm0 =	vgt.f32 v11, $0.0e+00;
	v6 =	vld [tilespmem:s31+$0xFE0];
	s31 =	sshra.s32 s1, $0x2;
	s1 =	sadd.s32 $0x200, s1;
	v1 =	vadd.f32 v8, v1  }
0x1be: {  	v8 =	vld [tilespmem:s31+$0xF80]  }
0x1bf: {  	v9 =	vld [tilespmem:s31+$0xF90];
	_ =	sdelay $0x1  }
0x1c0: {  	v10 =	vadd.f32 v47, v44;
	v11 =	vsel vm0, $0x3F800000, v0;
	vm4 =	vgt.f32 v45, $0.0e+00;
	v12 =	vld [tilespmem:s31+$0xFA0]  }
0x1c1: {  	v51 =	vld [tilespmem:s31+$0xFB0];
	v11 =	vadd.f32 v11, v42;
	vm1 =	vgt.f32 v46, $0.0e+00;
	v13 =	vsel vm4, $0x3F800000, v0  }
0x1c2: {  	v13 =	vadd.f32 v13, v41;
	v14 =	vsel vm1, $0x3F800000, v0;
	vm6 =	vgt.f32 v43, $0.0e+00  }
0x1c3: {  	v5 =	vadd.f32 v14, v5;
	vm5 =	vgt.f32 v8, $0.0e+00;
	vm7 =	vgt.f32 v9, $0.0e+00  }
0x1c4: {  	v52 =	vld [tilespmem:s31+$0xFC0];
	vm9 =	vgt.f32 v7, $0.0e+00;
	v15 =	vsel vm5, $0x3F800000, v0;
	v53 =	vsel vm7, $0x3F800000, v0  }
0x1c5: {  	vm8 =	vgt.f32 v12, $0.0e+00;
	v10 =	vadd.f32 v15, v10;
	v11 =	vadd.f32 v53, v11  }
0x1c6: {  	v54 =	vld [tilespmem:s31+$0xFD0];
	v56 =	vsel vm9, $0x3F800000, v0;
	vm10 =	vgt.f32 v51, $0.0e+00;
	v12 =	vsel vm8, $0x3F800000, v0  }
0x1c7: {  	v58 =	vsel vm10, $0x3F800000, v0;
	v55 =	vadd.f32 v12, v13;
	v10 =	vadd.f32 v11, v10  }
0x1c8: {  	v57 =	vld [tilespmem:s31+$0xFE0];
	vm11 =	vgt.f32 v6, $0.0e+00;
	v15 =	vsel vm6, $0x3F800000, v0;
	v5 =	vadd.f32 v58, v5  }
0x1c9: {  	vm12 =	vgt.f32 v52, $0.0e+00;
	v4 =	vadd.f32 v15, v4;
	v8 =	vadd.f32 v55, v10  }
0x1ca: {  	v59 =	vld [tilespmem:s31+$0xFF0];
	v3 =	vadd.f32 v56, v3;
	v60 =	vsel vm11, $0x3F800000, v0;
	v61 =	vsel vm12, $0x3F800000, v0  }
0x1cb: {  	vm13 =	vgt.f32 v54, $0.0e+00;
	v4 =	vadd.f32 v61, v4;
	v5 =	vadd.f32 v5, v8  }
0x1cc: {  	v2 =	vadd.f32 v60, v2;
	v7 =	vsel vm13, $0x3F800000, v0  }
0x1cd: {  	vm14 =	vgt.f32 v57, $0.0e+00;
	v3 =	vadd.f32 v7, v3;
	v4 =	vadd.f32 v4, v5  }
0x1ce: {  	v62 =	vsel vm14, $0x3F800000, v0  }
0x1cf: {  	vm15 =	vgt.f32 v59, $0.0e+00;
	v2 =	vadd.f32 v62, v2;
	v3 =	vadd.f32 v3, v4  }
0x1d0: {  	v63 =	vsel vm15, $0x3F800000, v0  }
0x1d1: {  	v1 =	vadd.f32 v63, v1;
	v2 =	vadd.f32 v2, v3;
	_ =	sdelay $0x1  }
0x1d2: {  	s30 =	sadd.s32 $0x1, s30;
	v1 =	vadd.f32 v1, v2  }
0x1d3: {  	p0 =	sne.s32 s30, s11  }
.Ltmp1:
0x1d4: {  	[tilespmem:$0x2F80] =	vst v1;
	(pc) =	sbr.rel @p0 .LBB2_1-.Ltmp1, $4  }
0x1d5: {  	[hbm4b:s10+s3] =	stream.linear.scatter [tilespmem:s29], [sflag:$0x1], $0x80, $0x38;
	[tilespmem:$0x7000] =	vst v63  }
0x1d6: {  	_ =	swait.ge [sflag:s13], $0x80  }
0x1d7: {  	[sflag:s13] =	ssyncset.done $0x0  }
0x1d8: {  	[sflag:s13] =	ssyncadd.s32 $0xFFFFFF80  }
0x1d9: {  	_ =	sfence.sel $0x180000  }
0x1da: {  	[bflag:$0x0] =	sbarrier.arrive $0xFFFF  }
0x1db: {  	_ =	strace $0x90000047  }
0x1dc: {  	[bflag:$0x2] =	sbarrier.arrive $0xFFFF  }
0x1dd: {  	p0 =	sne.s32 s0, $0x0;
	s0 =	rddreg [dreg:$0x3]  }
0x1de: {  	s0 =	sadd.s32 @!p0 $0x100000, s0  }
0x1df: {  	[sflag:s0] =	ssyncadd.tile.s32 @!p0 $0x1;
	_ =	shalt  }
.Lfunc_end2:
_tile_overlayer_lowered:
.L_overlay_start_2:
0x1e0: {  	(tag) =	ssettag $0x2  }
0x1e1: {  	s0 =	rddreg [dreg:$0x0];
	s2 =	stileid.u32  }
0x1e2: {  	s1 =	rddreg [dreg:$0x1];
	p0 =	sne.s32 s2, $0x0  }
0x1e3: {  	s3 =	rddreg [dreg:$0x2];
	[bflag:$0x3] =	sbarrier.arrive $0xFFFF;
	s2 =	simm.s32 @!p0 $0x1C01  }
0x1e4: {  	[timem:s3], [sflag:s2] =	dma.local @!p0 [hbm:s0], s1  }
0x1e5: {  	s0 =	simm.s32 @!p0 $0x1  }
0x1e6: {  	_ =	swait.ge @!p0 [sflag:s0], s1  }
0x1e7: {  	s1 =	ssub.s32 @!p0 $0x0, s1;
	[sflag:s0] =	ssyncset.done @!p0 $0x0  }
0x1e8: {  	[sflag:s0] =	ssyncadd.s32 @!p0 s1  }
0x1e9: {  	[bflag:$0x3] =	sbarrier.arrive $0xFFFF  }
0x1ea: {  	_ =	shalt  }

</sc_bundles>
